<compile_context>
chip_gen: v7x
topology: tpu7x:2x2x1
jax: 0.10.2.dev20260603
libtpu: 0.0.44.dev20260713+nightly
codegen_flags: <defaults>
</compile_context>

<pallas_src>
import functools

import jax
import jax.numpy as jnp
from jax import lax
from jax.experimental import pallas as pl
from jax.experimental.pallas import tpu as pltpu
from jax.experimental.pallas import tpu_sc as plsc

VOCAB = 30522
EMBED_DIM = 128
SEQ_LEN = 512
BATCH = 1024
FC_OUT = 64

QUARTER = 7680
PVIEW = 4 * QUARTER

NUM_CORES = 2
NUM_SUBCORES = 16
NW = NUM_CORES * NUM_SUBCORES
BPW = BATCH // NW
CHUNK = 128
CPB = SEQ_LEN // CHUNK
NCH = BPW * CPB
LANES = 16
NVR = FC_OUT // LANES

ROW_BLK = 2560


def _bf16_bits(u):
    return ((u + 0x7FFF + ((u >> 16) & 1)) >> 16) & 0xFFFF


def _project_kernel(q0_ref, q1_ref, q2_ref, q3_ref, w_ref, p2_ref):
    for q, ref in enumerate((q0_ref, q1_ref, q2_ref, q3_ref)):
        d = jnp.dot(ref[...], w_ref[...],
                    preferred_element_type=jnp.float32)
        u = jax.lax.bitcast_convert_type(d, jnp.int32)
        lo = _bf16_bits(u[:, 0:FC_OUT // 2])
        hi = _bf16_bits(u[:, FC_OUT // 2:FC_OUT])
        p2_ref[:, (FC_OUT // 2) * q:(FC_OUT // 2) * (q + 1)] = (
            lo | (hi << 16))


def _project(table, w):
    grid = (QUARTER // ROW_BLK,)
    qspec = lambda q: pl.BlockSpec(
        (ROW_BLK, EMBED_DIM),
        lambda i, q=q: (i + q * (QUARTER // ROW_BLK), 0))
    return pl.pallas_call(
        _project_kernel,
        grid=grid,
        in_specs=[qspec(0), qspec(1), qspec(2), qspec(3),
                  pl.BlockSpec((EMBED_DIM, FC_OUT), lambda i: (0, 0))],
        out_specs=pl.BlockSpec((ROW_BLK, 2 * FC_OUT), lambda i: (i, 0)),
        out_shape=jax.ShapeDtypeStruct((QUARTER, 2 * FC_OUT), jnp.int32),
    )(table, table, table, table, w)


_MESH = plsc.VectorSubcoreMesh(core_axis_name="c", subcore_axis_name="s",
                               num_cores=NUM_CORES, num_subcores=NUM_SUBCORES)


@functools.partial(
    pl.kernel,
    out_type=jax.ShapeDtypeStruct((BATCH, FC_OUT), jnp.float32),
    mesh=_MESH,
    scratch_types=[
        pltpu.VMEM((NCH, CHUNK), jnp.int32),
        pltpu.VMEM((2 * CPB, CHUNK, FC_OUT // 2), jnp.int32),
        pltpu.VMEM((BPW, FC_OUT), jnp.float32),
        pltpu.VMEM((FC_OUT,), jnp.float32),
        pltpu.SemaphoreType.DMA,
        pltpu.SemaphoreType.DMA,
        pltpu.SemaphoreType.DMA,
        pltpu.SemaphoreType.DMA,
        pltpu.SemaphoreType.DMA,
        pltpu.SemaphoreType.DMA,
        pltpu.SemaphoreType.DMA,
        pltpu.SemaphoreType.DMA,
    ],
    compiler_params=pltpu.CompilerParams(use_tc_tiling_on_sc=False,
                                         needs_layout_passes=False),
)
def _gather_mean(ids_hbm, p_hbm, b_hbm, out_hbm,
                 idx_v, rows_v, out_v, bias_v,
                 s0, s1, s2, s3, s4, s5, s6, s7):
    sems = (s0, s1, s2, s3, s4, s5, s6, s7)
    nbuf = 2 * CPB
    wid = lax.axis_index("s") * NUM_CORES + lax.axis_index("c")

    pltpu.sync_copy(b_hbm, bias_v)
    pltpu.sync_copy(ids_hbm.at[pl.ds(wid * NCH, NCH)], idx_v)

    def _copy(j, b):
        return pltpu.make_async_copy(
            p_hbm.at[idx_v.at[j]], rows_v.at[b], sems[b])

    for b in range(nbuf):
        _copy(b, b).start()

    inv = jnp.float32(1.0 / SEQ_LEN)
    off = [[16 * h, 32 + 16 * h] for h in range(2)]
    biases = [[bias_v[pl.ds(off[h][g], LANES)] for g in range(2)]
              for h in range(2)]

    def pair_body(bi2, _):
        for half in range(2):
            bi = bi2 * 2 + half
            accs = [jnp.zeros((LANES,), jnp.float32) for _ in range(NVR)]
            for c in range(CPB):
                b = half * CPB + c
                j = bi * CPB + c
                _copy(j, b).wait()

                def row_body(r4, a):
                    out = list(a)
                    r = r4 * 4
                    for h in range(2):
                        s = plsc.bitcast(
                            rows_v[b, r, pl.ds(LANES * h, LANES)],
                            jnp.bfloat16)
                        for d in range(1, 4):
                            s = s + plsc.bitcast(
                                rows_v[b, r + d, pl.ds(LANES * h, LANES)],
                                jnp.bfloat16)
                        e0, e1 = plsc.unpack(
                            s, format=plsc.PackFormat.INTERLEAVED)
                        out[2 * h] = out[2 * h] + e0
                        out[2 * h + 1] = out[2 * h + 1] + e1
                    return tuple(out)

                accs = list(lax.fori_loop(0, CHUNK // 4, row_body,
                                          tuple(accs), unroll=4))

                @pl.when(bi2 + 1 < BPW // 2)
                def _():
                    _copy(j + nbuf, b).start()

            for h in range(2):
                for g in range(2):
                    v = accs[2 * h + g] * inv + biases[h][g]
                    out_v[bi, pl.ds(off[h][g], LANES)] = jnp.maximum(v, 0.0)
        return 0

    lax.fori_loop(0, BPW // 2, pair_body, 0)
    pltpu.sync_copy(out_v, out_hbm.at[pl.ds(wid * BPW, BPW)])


def kernel(input_ids, attention_mask, emb_table, W, b):
    del attention_mask
    p2 = _project(emb_table, W)
    pview = p2.reshape(PVIEW, FC_OUT // 2)
    ids = input_ids.astype(jnp.int32)
    idsv = ids * 4 - (4 * QUARTER - 1) * (ids // QUARTER)
    return _gather_mean(idsv.reshape(-1, CHUNK), pview, b)

# --- scband reference (transcript-rebuilt; emitter-appended) ---
"""Pipeline reference for scband-model-84928683311810 (READ-ONLY COPY).

The authoritative reference and input builder live on the scoring server;
editing this copy changes nothing except your own understanding.
"""

import jax, jax.numpy as jnp
import numpy as np

VOCAB = 30522
EMBED_DIM = 128
SEQ_LEN = 512
BATCH = 1024
FC_OUT = 64


def setup_inputs(seed: int = 0) -> dict:
    key = jax.random.key(seed)
    k1, k2, k3, k4 = jax.random.split(key, 4)
    input_ids = jax.random.randint(k1, (BATCH, SEQ_LEN), 0, VOCAB, dtype=jnp.int64 if jax.config.jax_enable_x64 else jnp.int32)
    attention_mask = jnp.ones((BATCH, SEQ_LEN), dtype=jnp.int32)
    emb_table = jax.random.normal(k2, (VOCAB, EMBED_DIM), dtype=jnp.float32) * 0.02
    W = jax.random.normal(k3, (EMBED_DIM, FC_OUT), dtype=jnp.float32) * (1.0 / np.sqrt(EMBED_DIM))
    b = jnp.zeros((FC_OUT,), dtype=jnp.float32)
    return {"input_ids": input_ids, "attention_mask": attention_mask, "emb_table": emb_table, "W": W, "b": b}


def reference(input_ids, attention_mask, emb_table, W, b):
    # Embedding lookup (gather)
    x = jnp.take(emb_table, input_ids, axis=0)  # [B, S, D]
    # Dropout is identity at inference
    x = jnp.mean(x, axis=1)  # [B, D]
    out = jax.nn.relu(x @ W + b)  # [B, 64]
    return out

if __name__ == "__main__":
    import jax
    _d = setup_inputs()
    print(jax.jit(kernel)(*tuple(_d.values())))

</pallas_src>

<mosaic_0001>
#map = affine_map<(d0, d1) -> (0, 0)>
#map1 = affine_map<(d0, d1) -> (0)>
module attributes {stable_mosaic.version = 14 : i64} {
  func.func @_gather_mean(%arg0: i32, %arg1: i32, %arg2: memref<4096x128xi32, #tpu.memory_space<hbm>>, %arg3: memref<30720x32xi32, #tpu.memory_space<hbm>>, %arg4: memref<64xf32, #tpu.memory_space<hbm>>, %arg5: memref<1024x64xf32, #tpu.memory_space<hbm>>, %arg6: memref<128x128xi32, #tpu.memory_space<vmem>>, %arg7: memref<8x128x32xi32, #tpu.memory_space<vmem>>, %arg8: memref<32x64xf32, #tpu.memory_space<vmem>>, %arg9: memref<64xf32, #tpu.memory_space<vmem>>, %arg10: memref<!tpu.dma_semaphore, #tpu.memory_space<semaphore_mem>>, %arg11: memref<!tpu.dma_semaphore, #tpu.memory_space<semaphore_mem>>, %arg12: memref<!tpu.dma_semaphore, #tpu.memory_space<semaphore_mem>>, %arg13: memref<!tpu.dma_semaphore, #tpu.memory_space<semaphore_mem>>, %arg14: memref<!tpu.dma_semaphore, #tpu.memory_space<semaphore_mem>>, %arg15: memref<!tpu.dma_semaphore, #tpu.memory_space<semaphore_mem>>, %arg16: memref<!tpu.dma_semaphore, #tpu.memory_space<semaphore_mem>>, %arg17: memref<!tpu.dma_semaphore, #tpu.memory_space<semaphore_mem>>) attributes {dimension_semantics = [#tpu.dimension_semantics<core_parallel>, #tpu.dimension_semantics<subcore_parallel>], iteration_bounds = array<i64: 2, 16>, scalar_prefetch = 0 : i64, scratch_operands = 12 : i64, tpu.core_type = #tpu.core_type<sc_vector_subcore>, window_params = [{transform_indices = #map}, {transform_indices = #map}, {transform_indices = #map1}, {transform_indices = #map}]} {
    %mul3A = arith.constant 2 : i32
    %mul3A_0 = arith.muli %arg1, %mul3A : i32
    %add3A = arith.addi %mul3A_0, %arg0 : i32
    "tpu.region"() ({
      %run_scoped3A = tpu.sem_alloc : memref<!tpu.dma_semaphore, #tpu.memory_space<semaphore_mem>>
      tpu.enqueue_dma source(%arg4 : memref<64xf32, #tpu.memory_space<hbm>>) target(%arg9 : memref<64xf32, #tpu.memory_space<vmem>>) target_semaphore(%run_scoped3A : memref<!tpu.dma_semaphore, #tpu.memory_space<semaphore_mem>>)
      tpu.wait_dma2 semaphore(%run_scoped3A : memref<!tpu.dma_semaphore, #tpu.memory_space<semaphore_mem>>) src(%arg4 : memref<64xf32, #tpu.memory_space<hbm>>) dst(%arg9 : memref<64xf32, #tpu.memory_space<vmem>>)
      tpu.yield
    }) : () -> ()
    %mul3A_1 = arith.constant 128 : i32
    %mul3A_2 = arith.muli %add3A, %mul3A_1 : i32
    "tpu.region"() ({
      %run_scoped3A = tpu.sem_alloc : memref<!tpu.dma_semaphore, #tpu.memory_space<semaphore_mem>>
      %dma_start3A_114 = arith.constant 0 : i32
      %dma_start3A_115 = tpu.memref_slice %arg2[%mul3A_2, %dma_start3A_114] : memref<4096x128xi32, #tpu.memory_space<hbm>> -> memref<128x128xi32, #tpu.memory_space<hbm>>
      %dma_start3A_116 = arith.constant 0 : i32
      %dma_start3A_117 = tpu.memref_slice %arg2[%mul3A_2, %dma_start3A_116] : memref<4096x128xi32, #tpu.memory_space<hbm>> -> memref<128x128xi32, #tpu.memory_space<hbm>>
      tpu.enqueue_dma source(%dma_start3A_117 : memref<128x128xi32, #tpu.memory_space<hbm>>) target(%arg6 : memref<128x128xi32, #tpu.memory_space<vmem>>) target_semaphore(%run_scoped3A : memref<!tpu.dma_semaphore, #tpu.memory_space<semaphore_mem>>)
      %dma_wait3A = arith.constant 0 : i32
      %dma_wait3A_118 = tpu.memref_slice %arg2[%mul3A_2, %dma_wait3A] : memref<4096x128xi32, #tpu.memory_space<hbm>> -> memref<128x128xi32, #tpu.memory_space<hbm>>
      %dma_wait3A_119 = arith.constant 0 : i32
      %dma_wait3A_120 = tpu.memref_slice %arg2[%mul3A_2, %dma_wait3A_119] : memref<4096x128xi32, #tpu.memory_space<hbm>> -> memref<128x128xi32, #tpu.memory_space<hbm>>
      tpu.wait_dma2 semaphore(%run_scoped3A : memref<!tpu.dma_semaphore, #tpu.memory_space<semaphore_mem>>) src(%dma_wait3A_120 : memref<128x128xi32, #tpu.memory_space<hbm>>) dst(%arg6 : memref<128x128xi32, #tpu.memory_space<vmem>>)
      tpu.yield
    }) : () -> ()
    %dma_start3A = arith.constant 0 : i32
    %dma_start3A_3 = arith.constant 0 : i32
    %dma_start3A_4 = arith.constant 0 : i32
    %dma_start3A_5 = arith.constant 0 : i32
    %dma_start3A_6 = tpu.memref_slice %arg7[%dma_start3A_3, %dma_start3A_4, %dma_start3A_5] : memref<8x128x32xi32, #tpu.memory_space<vmem>> -> memref<1x128x32xi32, #tpu.memory_space<vmem>>
    %dma_start3A_7 = tpu.memref_squeeze %dma_start3A_6 : memref<1x128x32xi32, #tpu.memory_space<vmem>> -> memref<128x32xi32, #tpu.memory_space<vmem>>
    %dma_start3A_8 = arith.constant 0 : i32
    %dma_start3A_9 = tpu.memref_slice %arg6[%dma_start3A, %dma_start3A_8] : memref<128x128xi32, #tpu.memory_space<vmem>> -> memref<1x128xi32, #tpu.memory_space<vmem>>
    %dma_start3A_10 = tpu.memref_squeeze %dma_start3A_9 : memref<1x128xi32, #tpu.memory_space<vmem>> -> memref<128xi32, #tpu.memory_space<vmem>>
    %dma_start3A_11 = arith.constant 0 : i32
    %dma_start3A_12 = arith.constant 0 : i32
    %dma_start3A_13 = tpu.memref_slice %arg3[%dma_start3A_11, %dma_start3A_12] : memref<30720x32xi32, #tpu.memory_space<hbm>> -> memref<30720x32xi32, #tpu.memory_space<hbm>>
    tpu.enqueue_indirect_dma source(%dma_start3A_13 : memref<30720x32xi32, #tpu.memory_space<hbm>>) target(%dma_start3A_7 : memref<128x32xi32, #tpu.memory_space<vmem>>) offsets(%dma_start3A_10 : memref<128xi32, #tpu.memory_space<vmem>>) semaphore(%arg10 : memref<!tpu.dma_semaphore, #tpu.memory_space<semaphore_mem>>)
    %dma_start3A_14 = arith.constant 1 : i32
    %dma_start3A_15 = arith.constant 1 : i32
    %dma_start3A_16 = arith.constant 0 : i32
    %dma_start3A_17 = arith.constant 0 : i32
    %dma_start3A_18 = tpu.memref_slice %arg7[%dma_start3A_15, %dma_start3A_16, %dma_start3A_17] : memref<8x128x32xi32, #tpu.memory_space<vmem>> -> memref<1x128x32xi32, #tpu.memory_space<vmem>>
    %dma_start3A_19 = tpu.memref_squeeze %dma_start3A_18 : memref<1x128x32xi32, #tpu.memory_space<vmem>> -> memref<128x32xi32, #tpu.memory_space<vmem>>
    %dma_start3A_20 = arith.constant 0 : i32
    %dma_start3A_21 = tpu.memref_slice %arg6[%dma_start3A_14, %dma_start3A_20] : memref<128x128xi32, #tpu.memory_space<vmem>> -> memref<1x128xi32, #tpu.memory_space<vmem>>
    %dma_start3A_22 = tpu.memref_squeeze %dma_start3A_21 : memref<1x128xi32, #tpu.memory_space<vmem>> -> memref<128xi32, #tpu.memory_space<vmem>>
    %dma_start3A_23 = arith.constant 0 : i32
    %dma_start3A_24 = arith.constant 0 : i32
    %dma_start3A_25 = tpu.memref_slice %arg3[%dma_start3A_23, %dma_start3A_24] : memref<30720x32xi32, #tpu.memory_space<hbm>> -> memref<30720x32xi32, #tpu.memory_space<hbm>>
    tpu.enqueue_indirect_dma source(%dma_start3A_25 : memref<30720x32xi32, #tpu.memory_space<hbm>>) target(%dma_start3A_19 : memref<128x32xi32, #tpu.memory_space<vmem>>) offsets(%dma_start3A_22 : memref<128xi32, #tpu.memory_space<vmem>>) semaphore(%arg11 : memref<!tpu.dma_semaphore, #tpu.memory_space<semaphore_mem>>)
    %dma_start3A_26 = arith.constant 2 : i32
    %dma_start3A_27 = arith.constant 2 : i32
    %dma_start3A_28 = arith.constant 0 : i32
    %dma_start3A_29 = arith.constant 0 : i32
    %dma_start3A_30 = tpu.memref_slice %arg7[%dma_start3A_27, %dma_start3A_28, %dma_start3A_29] : memref<8x128x32xi32, #tpu.memory_space<vmem>> -> memref<1x128x32xi32, #tpu.memory_space<vmem>>
    %dma_start3A_31 = tpu.memref_squeeze %dma_start3A_30 : memref<1x128x32xi32, #tpu.memory_space<vmem>> -> memref<128x32xi32, #tpu.memory_space<vmem>>
    %dma_start3A_32 = arith.constant 0 : i32
    %dma_start3A_33 = tpu.memref_slice %arg6[%dma_start3A_26, %dma_start3A_32] : memref<128x128xi32, #tpu.memory_space<vmem>> -> memref<1x128xi32, #tpu.memory_space<vmem>>
    %dma_start3A_34 = tpu.memref_squeeze %dma_start3A_33 : memref<1x128xi32, #tpu.memory_space<vmem>> -> memref<128xi32, #tpu.memory_space<vmem>>
    %dma_start3A_35 = arith.constant 0 : i32
    %dma_start3A_36 = arith.constant 0 : i32
    %dma_start3A_37 = tpu.memref_slice %arg3[%dma_start3A_35, %dma_start3A_36] : memref<30720x32xi32, #tpu.memory_space<hbm>> -> memref<30720x32xi32, #tpu.memory_space<hbm>>
    tpu.enqueue_indirect_dma source(%dma_start3A_37 : memref<30720x32xi32, #tpu.memory_space<hbm>>) target(%dma_start3A_31 : memref<128x32xi32, #tpu.memory_space<vmem>>) offsets(%dma_start3A_34 : memref<128xi32, #tpu.memory_space<vmem>>) semaphore(%arg12 : memref<!tpu.dma_semaphore, #tpu.memory_space<semaphore_mem>>)
    %dma_start3A_38 = arith.constant 3 : i32
    %dma_start3A_39 = arith.constant 3 : i32
    %dma_start3A_40 = arith.constant 0 : i32
    %dma_start3A_41 = arith.constant 0 : i32
    %dma_start3A_42 = tpu.memref_slice %arg7[%dma_start3A_39, %dma_start3A_40, %dma_start3A_41] : memref<8x128x32xi32, #tpu.memory_space<vmem>> -> memref<1x128x32xi32, #tpu.memory_space<vmem>>
    %dma_start3A_43 = tpu.memref_squeeze %dma_start3A_42 : memref<1x128x32xi32, #tpu.memory_space<vmem>> -> memref<128x32xi32, #tpu.memory_space<vmem>>
    %dma_start3A_44 = arith.constant 0 : i32
    %dma_start3A_45 = tpu.memref_slice %arg6[%dma_start3A_38, %dma_start3A_44] : memref<128x128xi32, #tpu.memory_space<vmem>> -> memref<1x128xi32, #tpu.memory_space<vmem>>
    %dma_start3A_46 = tpu.memref_squeeze %dma_start3A_45 : memref<1x128xi32, #tpu.memory_space<vmem>> -> memref<128xi32, #tpu.memory_space<vmem>>
    %dma_start3A_47 = arith.constant 0 : i32
    %dma_start3A_48 = arith.constant 0 : i32
    %dma_start3A_49 = tpu.memref_slice %arg3[%dma_start3A_47, %dma_start3A_48] : memref<30720x32xi32, #tpu.memory_space<hbm>> -> memref<30720x32xi32, #tpu.memory_space<hbm>>
    tpu.enqueue_indirect_dma source(%dma_start3A_49 : memref<30720x32xi32, #tpu.memory_space<hbm>>) target(%dma_start3A_43 : memref<128x32xi32, #tpu.memory_space<vmem>>) offsets(%dma_start3A_46 : memref<128xi32, #tpu.memory_space<vmem>>) semaphore(%arg13 : memref<!tpu.dma_semaphore, #tpu.memory_space<semaphore_mem>>)
    %dma_start3A_50 = arith.constant 4 : i32
    %dma_start3A_51 = arith.constant 4 : i32
    %dma_start3A_52 = arith.constant 0 : i32
    %dma_start3A_53 = arith.constant 0 : i32
    %dma_start3A_54 = tpu.memref_slice %arg7[%dma_start3A_51, %dma_start3A_52, %dma_start3A_53] : memref<8x128x32xi32, #tpu.memory_space<vmem>> -> memref<1x128x32xi32, #tpu.memory_space<vmem>>
    %dma_start3A_55 = tpu.memref_squeeze %dma_start3A_54 : memref<1x128x32xi32, #tpu.memory_space<vmem>> -> memref<128x32xi32, #tpu.memory_space<vmem>>
    %dma_start3A_56 = arith.constant 0 : i32
    %dma_start3A_57 = tpu.memref_slice %arg6[%dma_start3A_50, %dma_start3A_56] : memref<128x128xi32, #tpu.memory_space<vmem>> -> memref<1x128xi32, #tpu.memory_space<vmem>>
    %dma_start3A_58 = tpu.memref_squeeze %dma_start3A_57 : memref<1x128xi32, #tpu.memory_space<vmem>> -> memref<128xi32, #tpu.memory_space<vmem>>
    %dma_start3A_59 = arith.constant 0 : i32
    %dma_start3A_60 = arith.constant 0 : i32
    %dma_start3A_61 = tpu.memref_slice %arg3[%dma_start3A_59, %dma_start3A_60] : memref<30720x32xi32, #tpu.memory_space<hbm>> -> memref<30720x32xi32, #tpu.memory_space<hbm>>
    tpu.enqueue_indirect_dma source(%dma_start3A_61 : memref<30720x32xi32, #tpu.memory_space<hbm>>) target(%dma_start3A_55 : memref<128x32xi32, #tpu.memory_space<vmem>>) offsets(%dma_start3A_58 : memref<128xi32, #tpu.memory_space<vmem>>) semaphore(%arg14 : memref<!tpu.dma_semaphore, #tpu.memory_space<semaphore_mem>>)
    %dma_start3A_62 = arith.constant 5 : i32
    %dma_start3A_63 = arith.constant 5 : i32
    %dma_start3A_64 = arith.constant 0 : i32
    %dma_start3A_65 = arith.constant 0 : i32
    %dma_start3A_66 = tpu.memref_slice %arg7[%dma_start3A_63, %dma_start3A_64, %dma_start3A_65] : memref<8x128x32xi32, #tpu.memory_space<vmem>> -> memref<1x128x32xi32, #tpu.memory_space<vmem>>
    %dma_start3A_67 = tpu.memref_squeeze %dma_start3A_66 : memref<1x128x32xi32, #tpu.memory_space<vmem>> -> memref<128x32xi32, #tpu.memory_space<vmem>>
    %dma_start3A_68 = arith.constant 0 : i32
    %dma_start3A_69 = tpu.memref_slice %arg6[%dma_start3A_62, %dma_start3A_68] : memref<128x128xi32, #tpu.memory_space<vmem>> -> memref<1x128xi32, #tpu.memory_space<vmem>>
    %dma_start3A_70 = tpu.memref_squeeze %dma_start3A_69 : memref<1x128xi32, #tpu.memory_space<vmem>> -> memref<128xi32, #tpu.memory_space<vmem>>
    %dma_start3A_71 = arith.constant 0 : i32
    %dma_start3A_72 = arith.constant 0 : i32
    %dma_start3A_73 = tpu.memref_slice %arg3[%dma_start3A_71, %dma_start3A_72] : memref<30720x32xi32, #tpu.memory_space<hbm>> -> memref<30720x32xi32, #tpu.memory_space<hbm>>
    tpu.enqueue_indirect_dma source(%dma_start3A_73 : memref<30720x32xi32, #tpu.memory_space<hbm>>) target(%dma_start3A_67 : memref<128x32xi32, #tpu.memory_space<vmem>>) offsets(%dma_start3A_70 : memref<128xi32, #tpu.memory_space<vmem>>) semaphore(%arg15 : memref<!tpu.dma_semaphore, #tpu.memory_space<semaphore_mem>>)
    %dma_start3A_74 = arith.constant 6 : i32
    %dma_start3A_75 = arith.constant 6 : i32
    %dma_start3A_76 = arith.constant 0 : i32
    %dma_start3A_77 = arith.constant 0 : i32
    %dma_start3A_78 = tpu.memref_slice %arg7[%dma_start3A_75, %dma_start3A_76, %dma_start3A_77] : memref<8x128x32xi32, #tpu.memory_space<vmem>> -> memref<1x128x32xi32, #tpu.memory_space<vmem>>
    %dma_start3A_79 = tpu.memref_squeeze %dma_start3A_78 : memref<1x128x32xi32, #tpu.memory_space<vmem>> -> memref<128x32xi32, #tpu.memory_space<vmem>>
    %dma_start3A_80 = arith.constant 0 : i32
    %dma_start3A_81 = tpu.memref_slice %arg6[%dma_start3A_74, %dma_start3A_80] : memref<128x128xi32, #tpu.memory_space<vmem>> -> memref<1x128xi32, #tpu.memory_space<vmem>>
    %dma_start3A_82 = tpu.memref_squeeze %dma_start3A_81 : memref<1x128xi32, #tpu.memory_space<vmem>> -> memref<128xi32, #tpu.memory_space<vmem>>
    %dma_start3A_83 = arith.constant 0 : i32
    %dma_start3A_84 = arith.constant 0 : i32
    %dma_start3A_85 = tpu.memref_slice %arg3[%dma_start3A_83, %dma_start3A_84] : memref<30720x32xi32, #tpu.memory_space<hbm>> -> memref<30720x32xi32, #tpu.memory_space<hbm>>
    tpu.enqueue_indirect_dma source(%dma_start3A_85 : memref<30720x32xi32, #tpu.memory_space<hbm>>) target(%dma_start3A_79 : memref<128x32xi32, #tpu.memory_space<vmem>>) offsets(%dma_start3A_82 : memref<128xi32, #tpu.memory_space<vmem>>) semaphore(%arg16 : memref<!tpu.dma_semaphore, #tpu.memory_space<semaphore_mem>>)
    %dma_start3A_86 = arith.constant 7 : i32
    %dma_start3A_87 = arith.constant 7 : i32
    %dma_start3A_88 = arith.constant 0 : i32
    %dma_start3A_89 = arith.constant 0 : i32
    %dma_start3A_90 = tpu.memref_slice %arg7[%dma_start3A_87, %dma_start3A_88, %dma_start3A_89] : memref<8x128x32xi32, #tpu.memory_space<vmem>> -> memref<1x128x32xi32, #tpu.memory_space<vmem>>
    %dma_start3A_91 = tpu.memref_squeeze %dma_start3A_90 : memref<1x128x32xi32, #tpu.memory_space<vmem>> -> memref<128x32xi32, #tpu.memory_space<vmem>>
    %dma_start3A_92 = arith.constant 0 : i32
    %dma_start3A_93 = tpu.memref_slice %arg6[%dma_start3A_86, %dma_start3A_92] : memref<128x128xi32, #tpu.memory_space<vmem>> -> memref<1x128xi32, #tpu.memory_space<vmem>>
    %dma_start3A_94 = tpu.memref_squeeze %dma_start3A_93 : memref<1x128xi32, #tpu.memory_space<vmem>> -> memref<128xi32, #tpu.memory_space<vmem>>
    %dma_start3A_95 = arith.constant 0 : i32
    %dma_start3A_96 = arith.constant 0 : i32
    %dma_start3A_97 = tpu.memref_slice %arg3[%dma_start3A_95, %dma_start3A_96] : memref<30720x32xi32, #tpu.memory_space<hbm>> -> memref<30720x32xi32, #tpu.memory_space<hbm>>
    tpu.enqueue_indirect_dma source(%dma_start3A_97 : memref<30720x32xi32, #tpu.memory_space<hbm>>) target(%dma_start3A_91 : memref<128x32xi32, #tpu.memory_space<vmem>>) offsets(%dma_start3A_94 : memref<128xi32, #tpu.memory_space<vmem>>) semaphore(%arg17 : memref<!tpu.dma_semaphore, #tpu.memory_space<semaphore_mem>>)
    %get3A = arith.constant 0 : index
    %get3A_98 = tpu.vector_load %arg9[%get3A] {strides = array<i32>} : memref<64xf32, #tpu.memory_space<vmem>>, vector<16xf32>,
    %get3A_99 = arith.constant 32 : index
    %get3A_100 = tpu.vector_load %arg9[%get3A_99] {strides = array<i32>} : memref<64xf32, #tpu.memory_space<vmem>>, vector<16xf32>,
    %get3A_101 = arith.constant 16 : index
    %get3A_102 = tpu.vector_load %arg9[%get3A_101] {strides = array<i32>} : memref<64xf32, #tpu.memory_space<vmem>>, vector<16xf32>,
    %get3A_103 = arith.constant 48 : index
    %get3A_104 = tpu.vector_load %arg9[%get3A_103] {strides = array<i32>} : memref<64xf32, #tpu.memory_space<vmem>>, vector<16xf32>,
    %scan3A = arith.constant 0.001953125 : f32
    %scan3A_105 = arith.constant 0 : i32
    %scan3A_106 = arith.constant 0 : i32
    %scan3A_107 = arith.constant 16 : i32
    %scan3A_108 = arith.addi %scan3A_106, %scan3A_107 : i32
    %scan3A_109 = arith.constant 1 : i32
    %scan3A_110 = scf.for %scan3A_114 = %scan3A_106 to %scan3A_108 step %scan3A_109 iter_args(%scan3A_115 = %scan3A_105) -> (i32)  : i32 {
      %mul3A_116 = arith.constant 2 : i32
      %mul3A_117 = arith.muli %scan3A_114, %mul3A_116 : i32
      %add3A_118 = arith.constant 0 : i32
      %add3A_119 = arith.addi %mul3A_117, %add3A_118 : i32
      %broadcast_in_dim3A = arith.constant 0.000000e+00 : f32
      %broadcast_in_dim3A_120 = vector.broadcast %broadcast_in_dim3A : f32 to vector<16xf32>
      %broadcast_in_dim3A_121 = arith.constant 0.000000e+00 : f32
      %broadcast_in_dim3A_122 = vector.broadcast %broadcast_in_dim3A_121 : f32 to vector<16xf32>
      %broadcast_in_dim3A_123 = arith.constant 0.000000e+00 : f32
      %broadcast_in_dim3A_124 = vector.broadcast %broadcast_in_dim3A_123 : f32 to vector<16xf32>
      %broadcast_in_dim3A_125 = arith.constant 0.000000e+00 : f32
      %broadcast_in_dim3A_126 = vector.broadcast %broadcast_in_dim3A_125 : f32 to vector<16xf32>
      %mul3A_127 = arith.constant 4 : i32
      %mul3A_128 = arith.muli %add3A_119, %mul3A_127 : i32
      %add3A_129 = arith.constant 0 : i32
      %add3A_130 = arith.addi %mul3A_128, %add3A_129 : i32
      %dma_wait3A = arith.constant 0 : i32
      %dma_wait3A_131 = arith.constant 0 : i32
      %dma_wait3A_132 = arith.constant 0 : i32
      %dma_wait3A_133 = tpu.memref_slice %arg7[%dma_wait3A, %dma_wait3A_131, %dma_wait3A_132] : memref<8x128x32xi32, #tpu.memory_space<vmem>> -> memref<1x128x32xi32, #tpu.memory_space<vmem>>
      %dma_wait3A_134 = tpu.memref_squeeze %dma_wait3A_133 : memref<1x128x32xi32, #tpu.memory_space<vmem>> -> memref<128x32xi32, #tpu.memory_space<vmem>>
      %dma_wait3A_135 = arith.constant 0 : i32
      %dma_wait3A_136 = tpu.memref_slice %arg6[%add3A_130, %dma_wait3A_135] : memref<128x128xi32, #tpu.memory_space<vmem>> -> memref<1x128xi32, #tpu.memory_space<vmem>>
      %dma_wait3A_137 = tpu.memref_squeeze %dma_wait3A_136 : memref<1x128xi32, #tpu.memory_space<vmem>> -> memref<128xi32, #tpu.memory_space<vmem>>
      %dma_wait3A_138 = arith.constant 0 : i32
      %dma_wait3A_139 = arith.constant 0 : i32
      %dma_wait3A_140 = tpu.memref_slice %arg3[%dma_wait3A_138, %dma_wait3A_139] : memref<30720x32xi32, #tpu.memory_space<hbm>> -> memref<30720x32xi32, #tpu.memory_space<hbm>>
      tpu.wait_indirect_dma semaphore(%arg10 : memref<!tpu.dma_semaphore, #tpu.memory_space<semaphore_mem>>) src(%dma_wait3A_140 : memref<30720x32xi32, #tpu.memory_space<hbm>>) dst(%dma_wait3A_134 : memref<128x32xi32, #tpu.memory_space<vmem>>)
      %scan3A_141 = arith.constant 0 : i32
      %scan3A_142 = arith.constant 32 : i32
      %scan3A_143 = arith.addi %scan3A_141, %scan3A_142 : i32
      %scan3A_144 = arith.constant 4 : i32
      %scan3A_145:4 = scf.for %scan3A_430 = %scan3A_141 to %scan3A_143 step %scan3A_144 iter_args(%scan3A_431 = %broadcast_in_dim3A_120, %scan3A_432 = %broadcast_in_dim3A_122, %scan3A_433 = %broadcast_in_dim3A_124, %scan3A_434 = %broadcast_in_dim3A_126) -> (vector<16xf32>, vector<16xf32>, vector<16xf32>, vector<16xf32>)  : i32 {
        %mul3A_435 = arith.constant 4 : i32
        %mul3A_436 = arith.muli %scan3A_430, %mul3A_435 : i32
        %get3A_437 = arith.constant 0 : i32
        %get3A_438 = arith.index_cast %get3A_437 : i32 to index
        %get3A_439 = arith.index_cast %mul3A_436 : i32 to index
        %get3A_440 = arith.constant 0 : index
        %get3A_441 = tpu.vector_load %arg7[%get3A_438, %get3A_439, %get3A_440] {strides = array<i32>} : memref<8x128x32xi32, #tpu.memory_space<vmem>>, vector<16xi32>,
        %bitcast3A = vector.bitcast %get3A_441 : vector<16xi32> to vector<32xbf16>
        %add3A_442 = arith.constant 1 : i32
        %add3A_443 = arith.addi %mul3A_436, %add3A_442 : i32
        %get3A_444 = arith.constant 0 : i32
        %get3A_445 = arith.index_cast %get3A_444 : i32 to index
        %get3A_446 = arith.index_cast %add3A_443 : i32 to index
        %get3A_447 = arith.constant 0 : index
        %get3A_448 = tpu.vector_load %arg7[%get3A_445, %get3A_446, %get3A_447] {strides = array<i32>} : memref<8x128x32xi32, #tpu.memory_space<vmem>>, vector<16xi32>,
        %bitcast3A_449 = vector.bitcast %get3A_448 : vector<16xi32> to vector<32xbf16>
        %add3A_450 = arith.addf %bitcast3A, %bitcast3A_449 : vector<32xbf16>
        %add3A_451 = arith.constant 2 : i32
        %add3A_452 = arith.addi %mul3A_436, %add3A_451 : i32
        %get3A_453 = arith.constant 0 : i32
        %get3A_454 = arith.index_cast %get3A_453 : i32 to index
        %get3A_455 = arith.index_cast %add3A_452 : i32 to index
        %get3A_456 = arith.constant 0 : index
        %get3A_457 = tpu.vector_load %arg7[%get3A_454, %get3A_455, %get3A_456] {strides = array<i32>} : memref<8x128x32xi32, #tpu.memory_space<vmem>>, vector<16xi32>,
        %bitcast3A_458 = vector.bitcast %get3A_457 : vector<16xi32> to vector<32xbf16>
        %add3A_459 = arith.addf %add3A_450, %bitcast3A_458 : vector<32xbf16>
        %add3A_460 = arith.constant 3 : i32
        %add3A_461 = arith.addi %mul3A_436, %add3A_460 : i32
        %get3A_462 = arith.constant 0 : i32
        %get3A_463 = arith.index_cast %get3A_462 : i32 to index
        %get3A_464 = arith.index_cast %add3A_461 : i32 to index
        %get3A_465 = arith.constant 0 : index
        %get3A_466 = tpu.vector_load %arg7[%get3A_463, %get3A_464, %get3A_465] {strides = array<i32>} : memref<8x128x32xi32, #tpu.memory_space<vmem>>, vector<16xi32>,
        %bitcast3A_467 = vector.bitcast %get3A_466 : vector<16xi32> to vector<32xbf16>
        %add3A_468 = arith.addf %add3A_459, %bitcast3A_467 : vector<32xbf16>
        %unpack3A = tpu.unpack_subelements %add3A_468, 0 {pack_format = #tpu.pack_format<interleaved>} : vector<32xbf16> -> vector<16xf32>
        %unpack3A_469 = tpu.unpack_subelements %add3A_468, 1 {pack_format = #tpu.pack_format<interleaved>} : vector<32xbf16> -> vector<16xf32>
        %add3A_470 = arith.addf %scan3A_431, %unpack3A : vector<16xf32>
        %add3A_471 = arith.addf %scan3A_432, %unpack3A_469 : vector<16xf32>
        %get3A_472 = arith.constant 0 : i32
        %get3A_473 = arith.index_cast %get3A_472 : i32 to index
        %get3A_474 = arith.index_cast %mul3A_436 : i32 to index
        %get3A_475 = arith.constant 16 : index
        %get3A_476 = tpu.vector_load %arg7[%get3A_473, %get3A_474, %get3A_475] {strides = array<i32>} : memref<8x128x32xi32, #tpu.memory_space<vmem>>, vector<16xi32>,
        %bitcast3A_477 = vector.bitcast %get3A_476 : vector<16xi32> to vector<32xbf16>
        %add3A_478 = arith.constant 1 : i32
        %add3A_479 = arith.addi %mul3A_436, %add3A_478 : i32
        %get3A_480 = arith.constant 0 : i32
        %get3A_481 = arith.index_cast %get3A_480 : i32 to index
        %get3A_482 = arith.index_cast %add3A_479 : i32 to index
        %get3A_483 = arith.constant 16 : index
        %get3A_484 = tpu.vector_load %arg7[%get3A_481, %get3A_482, %get3A_483] {strides = array<i32>} : memref<8x128x32xi32, #tpu.memory_space<vmem>>, vector<16xi32>,
        %bitcast3A_485 = vector.bitcast %get3A_484 : vector<16xi32> to vector<32xbf16>
        %add3A_486 = arith.addf %bitcast3A_477, %bitcast3A_485 : vector<32xbf16>
        %add3A_487 = arith.constant 2 : i32
        %add3A_488 = arith.addi %mul3A_436, %add3A_487 : i32
        %get3A_489 = arith.constant 0 : i32
        %get3A_490 = arith.index_cast %get3A_489 : i32 to index
        %get3A_491 = arith.index_cast %add3A_488 : i32 to index
        %get3A_492 = arith.constant 16 : index
        %get3A_493 = tpu.vector_load %arg7[%get3A_490, %get3A_491, %get3A_492] {strides = array<i32>} : memref<8x128x32xi32, #tpu.memory_space<vmem>>, vector<16xi32>,
        %bitcast3A_494 = vector.bitcast %get3A_493 : vector<16xi32> to vector<32xbf16>
        %add3A_495 = arith.addf %add3A_486, %bitcast3A_494 : vector<32xbf16>
        %add3A_496 = arith.constant 3 : i32
        %add3A_497 = arith.addi %mul3A_436, %add3A_496 : i32
        %get3A_498 = arith.constant 0 : i32
        %get3A_499 = arith.index_cast %get3A_498 : i32 to index
        %get3A_500 = arith.index_cast %add3A_497 : i32 to index
        %get3A_501 = arith.constant 16 : index
        %get3A_502 = tpu.vector_load %arg7[%get3A_499, %get3A_500, %get3A_501] {strides = array<i32>} : memref<8x128x32xi32, #tpu.memory_space<vmem>>, vector<16xi32>,
        %bitcast3A_503 = vector.bitcast %get3A_502 : vector<16xi32> to vector<32xbf16>
        %add3A_504 = arith.addf %add3A_495, %bitcast3A_503 : vector<32xbf16>
        %unpack3A_505 = tpu.unpack_subelements %add3A_504, 0 {pack_format = #tpu.pack_format<interleaved>} : vector<32xbf16> -> vector<16xf32>
        %unpack3A_506 = tpu.unpack_subelements %add3A_504, 1 {pack_format = #tpu.pack_format<interleaved>} : vector<32xbf16> -> vector<16xf32>
        %add3A_507 = arith.addf %scan3A_433, %unpack3A_505 : vector<16xf32>
        %add3A_508 = arith.addf %scan3A_434, %unpack3A_506 : vector<16xf32>
        %scan3A_509 = arith.constant 1 : i32
        %scan3A_510 = arith.addi %scan3A_430, %scan3A_509 : i32
        %mul3A_511 = arith.constant 4 : i32
        %mul3A_512 = arith.muli %scan3A_510, %mul3A_511 : i32
        %get3A_513 = arith.constant 0 : i32
        %get3A_514 = arith.index_cast %get3A_513 : i32 to index
        %get3A_515 = arith.index_cast %mul3A_512 : i32 to index
        %get3A_516 = arith.constant 0 : index
        %get3A_517 = tpu.vector_load %arg7[%get3A_514, %get3A_515, %get3A_516] {strides = array<i32>} : memref<8x128x32xi32, #tpu.memory_space<vmem>>, vector<16xi32>,
        %bitcast3A_518 = vector.bitcast %get3A_517 : vector<16xi32> to vector<32xbf16>
        %add3A_519 = arith.constant 1 : i32
        %add3A_520 = arith.addi %mul3A_512, %add3A_519 : i32
        %get3A_521 = arith.constant 0 : i32
        %get3A_522 = arith.index_cast %get3A_521 : i32 to index
        %get3A_523 = arith.index_cast %add3A_520 : i32 to index
        %get3A_524 = arith.constant 0 : index
        %get3A_525 = tpu.vector_load %arg7[%get3A_522, %get3A_523, %get3A_524] {strides = array<i32>} : memref<8x128x32xi32, #tpu.memory_space<vmem>>, vector<16xi32>,
        %bitcast3A_526 = vector.bitcast %get3A_525 : vector<16xi32> to vector<32xbf16>
        %add3A_527 = arith.addf %bitcast3A_518, %bitcast3A_526 : vector<32xbf16>
        %add3A_528 = arith.constant 2 : i32
        %add3A_529 = arith.addi %mul3A_512, %add3A_528 : i32
        %get3A_530 = arith.constant 0 : i32
        %get3A_531 = arith.index_cast %get3A_530 : i32 to index
        %get3A_532 = arith.index_cast %add3A_529 : i32 to index
        %get3A_533 = arith.constant 0 : index
        %get3A_534 = tpu.vector_load %arg7[%get3A_531, %get3A_532, %get3A_533] {strides = array<i32>} : memref<8x128x32xi32, #tpu.memory_space<vmem>>, vector<16xi32>,
        %bitcast3A_535 = vector.bitcast %get3A_534 : vector<16xi32> to vector<32xbf16>
        %add3A_536 = arith.addf %add3A_527, %bitcast3A_535 : vector<32xbf16>
        %add3A_537 = arith.constant 3 : i32
        %add3A_538 = arith.addi %mul3A_512, %add3A_537 : i32
        %get3A_539 = arith.constant 0 : i32
        %get3A_540 = arith.index_cast %get3A_539 : i32 to index
        %get3A_541 = arith.index_cast %add3A_538 : i32 to index
        %get3A_542 = arith.constant 0 : index
        %get3A_543 = tpu.vector_load %arg7[%get3A_540, %get3A_541, %get3A_542] {strides = array<i32>} : memref<8x128x32xi32, #tpu.memory_space<vmem>>, vector<16xi32>,
        %bitcast3A_544 = vector.bitcast %get3A_543 : vector<16xi32> to vector<32xbf16>
        %add3A_545 = arith.addf %add3A_536, %bitcast3A_544 : vector<32xbf16>
        %unpack3A_546 = tpu.unpack_subelements %add3A_545, 0 {pack_format = #tpu.pack_format<interleaved>} : vector<32xbf16> -> vector<16xf32>
        %unpack3A_547 = tpu.unpack_subelements %add3A_545, 1 {pack_format = #tpu.pack_format<interleaved>} : vector<32xbf16> -> vector<16xf32>
        %add3A_548 = arith.addf %add3A_470, %unpack3A_546 : vector<16xf32>
        %add3A_549 = arith.addf %add3A_471, %unpack3A_547 : vector<16xf32>
        %get3A_550 = arith.constant 0 : i32
        %get3A_551 = arith.index_cast %get3A_550 : i32 to index
        %get3A_552 = arith.index_cast %mul3A_512 : i32 to index
        %get3A_553 = arith.constant 16 : index
        %get3A_554 = tpu.vector_load %arg7[%get3A_551, %get3A_552, %get3A_553] {strides = array<i32>} : memref<8x128x32xi32, #tpu.memory_space<vmem>>, vector<16xi32>,
        %bitcast3A_555 = vector.bitcast %get3A_554 : vector<16xi32> to vector<32xbf16>
        %add3A_556 = arith.constant 1 : i32
        %add3A_557 = arith.addi %mul3A_512, %add3A_556 : i32
        %get3A_558 = arith.constant 0 : i32
        %get3A_559 = arith.index_cast %get3A_558 : i32 to index
        %get3A_560 = arith.index_cast %add3A_557 : i32 to index
        %get3A_561 = arith.constant 16 : index
        %get3A_562 = tpu.vector_load %arg7[%get3A_559, %get3A_560, %get3A_561] {strides = array<i32>} : memref<8x128x32xi32, #tpu.memory_space<vmem>>, vector<16xi32>,
        %bitcast3A_563 = vector.bitcast %get3A_562 : vector<16xi32> to vector<32xbf16>
        %add3A_564 = arith.addf %bitcast3A_555, %bitcast3A_563 : vector<32xbf16>
        %add3A_565 = arith.constant 2 : i32
        %add3A_566 = arith.addi %mul3A_512, %add3A_565 : i32
        %get3A_567 = arith.constant 0 : i32
        %get3A_568 = arith.index_cast %get3A_567 : i32 to index
        %get3A_569 = arith.index_cast %add3A_566 : i32 to index
        %get3A_570 = arith.constant 16 : index
        %get3A_571 = tpu.vector_load %arg7[%get3A_568, %get3A_569, %get3A_570] {strides = array<i32>} : memref<8x128x32xi32, #tpu.memory_space<vmem>>, vector<16xi32>,
        %bitcast3A_572 = vector.bitcast %get3A_571 : vector<16xi32> to vector<32xbf16>
        %add3A_573 = arith.addf %add3A_564, %bitcast3A_572 : vector<32xbf16>
        %add3A_574 = arith.constant 3 : i32
        %add3A_575 = arith.addi %mul3A_512, %add3A_574 : i32
        %get3A_576 = arith.constant 0 : i32
        %get3A_577 = arith.index_cast %get3A_576 : i32 to index
        %get3A_578 = arith.index_cast %add3A_575 : i32 to index
        %get3A_579 = arith.constant 16 : index
        %get3A_580 = tpu.vector_load %arg7[%get3A_577, %get3A_578, %get3A_579] {strides = array<i32>} : memref<8x128x32xi32, #tpu.memory_space<vmem>>, vector<16xi32>,
        %bitcast3A_581 = vector.bitcast %get3A_580 : vector<16xi32> to vector<32xbf16>
        %add3A_582 = arith.addf %add3A_573, %bitcast3A_581 : vector<32xbf16>
        %unpack3A_583 = tpu.unpack_subelements %add3A_582, 0 {pack_format = #tpu.pack_format<interleaved>} : vector<32xbf16> -> vector<16xf32>
        %unpack3A_584 = tpu.unpack_subelements %add3A_582, 1 {pack_format = #tpu.pack_format<interleaved>} : vector<32xbf16> -> vector<16xf32>
        %add3A_585 = arith.addf %add3A_507, %unpack3A_583 : vector<16xf32>
        %add3A_586 = arith.addf %add3A_508, %unpack3A_584 : vector<16xf32>
        %scan3A_587 = arith.constant 2 : i32
        %scan3A_588 = arith.addi %scan3A_430, %scan3A_587 : i32
        %mul3A_589 = arith.constant 4 : i32
        %mul3A_590 = arith.muli %scan3A_588, %mul3A_589 : i32
        %get3A_591 = arith.constant 0 : i32
        %get3A_592 = arith.index_cast %get3A_591 : i32 to index
        %get3A_593 = arith.index_cast %mul3A_590 : i32 to index
        %get3A_594 = arith.constant 0 : index
        %get3A_595 = tpu.vector_load %arg7[%get3A_592, %get3A_593, %get3A_594] {strides = array<i32>} : memref<8x128x32xi32, #tpu.memory_space<vmem>>, vector<16xi32>,
        %bitcast3A_596 = vector.bitcast %get3A_595 : vector<16xi32> to vector<32xbf16>
        %add3A_597 = arith.constant 1 : i32
        %add3A_598 = arith.addi %mul3A_590, %add3A_597 : i32
        %get3A_599 = arith.constant 0 : i32
        %get3A_600 = arith.index_cast %get3A_599 : i32 to index
        %get3A_601 = arith.index_cast %add3A_598 : i32 to index
        %get3A_602 = arith.constant 0 : index
        %get3A_603 = tpu.vector_load %arg7[%get3A_600, %get3A_601, %get3A_602] {strides = array<i32>} : memref<8x128x32xi32, #tpu.memory_space<vmem>>, vector<16xi32>,
        %bitcast3A_604 = vector.bitcast %get3A_603 : vector<16xi32> to vector<32xbf16>
        %add3A_605 = arith.addf %bitcast3A_596, %bitcast3A_604 : vector<32xbf16>
        %add3A_606 = arith.constant 2 : i32
        %add3A_607 = arith.addi %mul3A_590, %add3A_606 : i32
        %get3A_608 = arith.constant 0 : i32
        %get3A_609 = arith.index_cast %get3A_608 : i32 to index
        %get3A_610 = arith.index_cast %add3A_607 : i32 to index
        %get3A_611 = arith.constant 0 : index
        %get3A_612 = tpu.vector_load %arg7[%get3A_609, %get3A_610, %get3A_611] {strides = array<i32>} : memref<8x128x32xi32, #tpu.memory_space<vmem>>, vector<16xi32>,
        %bitcast3A_613 = vector.bitcast %get3A_612 : vector<16xi32> to vector<32xbf16>
        %add3A_614 = arith.addf %add3A_605, %bitcast3A_613 : vector<32xbf16>
        %add3A_615 = arith.constant 3 : i32
        %add3A_616 = arith.addi %mul3A_590, %add3A_615 : i32
        %get3A_617 = arith.constant 0 : i32
        %get3A_618 = arith.index_cast %get3A_617 : i32 to index
        %get3A_619 = arith.index_cast %add3A_616 : i32 to index
        %get3A_620 = arith.constant 0 : index
        %get3A_621 = tpu.vector_load %arg7[%get3A_618, %get3A_619, %get3A_620] {strides = array<i32>} : memref<8x128x32xi32, #tpu.memory_space<vmem>>, vector<16xi32>,
        %bitcast3A_622 = vector.bitcast %get3A_621 : vector<16xi32> to vector<32xbf16>
        %add3A_623 = arith.addf %add3A_614, %bitcast3A_622 : vector<32xbf16>
        %unpack3A_624 = tpu.unpack_subelements %add3A_623, 0 {pack_format = #tpu.pack_format<interleaved>} : vector<32xbf16> -> vector<16xf32>
        %unpack3A_625 = tpu.unpack_subelements %add3A_623, 1 {pack_format = #tpu.pack_format<interleaved>} : vector<32xbf16> -> vector<16xf32>
        %add3A_626 = arith.addf %add3A_548, %unpack3A_624 : vector<16xf32>
        %add3A_627 = arith.addf %add3A_549, %unpack3A_625 : vector<16xf32>
        %get3A_628 = arith.constant 0 : i32
        %get3A_629 = arith.index_cast %get3A_628 : i32 to index
        %get3A_630 = arith.index_cast %mul3A_590 : i32 to index
        %get3A_631 = arith.constant 16 : index
        %get3A_632 = tpu.vector_load %arg7[%get3A_629, %get3A_630, %get3A_631] {strides = array<i32>} : memref<8x128x32xi32, #tpu.memory_space<vmem>>, vector<16xi32>,
        %bitcast3A_633 = vector.bitcast %get3A_632 : vector<16xi32> to vector<32xbf16>
        %add3A_634 = arith.constant 1 : i32
        %add3A_635 = arith.addi %mul3A_590, %add3A_634 : i32
        %get3A_636 = arith.constant 0 : i32
        %get3A_637 = arith.index_cast %get3A_636 : i32 to index
        %get3A_638 = arith.index_cast %add3A_635 : i32 to index
        %get3A_639 = arith.constant 16 : index
        %get3A_640 = tpu.vector_load %arg7[%get3A_637, %get3A_638, %get3A_639] {strides = array<i32>} : memref<8x128x32xi32, #tpu.memory_space<vmem>>, vector<16xi32>,
        %bitcast3A_641 = vector.bitcast %get3A_640 : vector<16xi32> to vector<32xbf16>
        %add3A_642 = arith.addf %bitcast3A_633, %bitcast3A_641 : vector<32xbf16>
        %add3A_643 = arith.constant 2 : i32
        %add3A_644 = arith.addi %mul3A_590, %add3A_643 : i32
        %get3A_645 = arith.constant 0 : i32
        %get3A_646 = arith.index_cast %get3A_645 : i32 to index
        %get3A_647 = arith.index_cast %add3A_644 : i32 to index
        %get3A_648 = arith.constant 16 : index
        %get3A_649 = tpu.vector_load %arg7[%get3A_646, %get3A_647, %get3A_648] {strides = array<i32>} : memref<8x128x32xi32, #tpu.memory_space<vmem>>, vector<16xi32>,
        %bitcast3A_650 = vector.bitcast %get3A_649 : vector<16xi32> to vector<32xbf16>
        %add3A_651 = arith.addf %add3A_642, %bitcast3A_650 : vector<32xbf16>
        %add3A_652 = arith.constant 3 : i32
        %add3A_653 = arith.addi %mul3A_590, %add3A_652 : i32
        %get3A_654 = arith.constant 0 : i32
        %get3A_655 = arith.index_cast %get3A_654 : i32 to index
        %get3A_656 = arith.index_cast %add3A_653 : i32 to index
        %get3A_657 = arith.constant 16 : index
        %get3A_658 = tpu.vector_load %arg7[%get3A_655, %get3A_656, %get3A_657] {strides = array<i32>} : memref<8x128x32xi32, #tpu.memory_space<vmem>>, vector<16xi32>,
        %bitcast3A_659 = vector.bitcast %get3A_658 : vector<16xi32> to vector<32xbf16>
        %add3A_660 = arith.addf %add3A_651, %bitcast3A_659 : vector<32xbf16>
        %unpack3A_661 = tpu.unpack_subelements %add3A_660, 0 {pack_format = #tpu.pack_format<interleaved>} : vector<32xbf16> -> vector<16xf32>
        %unpack3A_662 = tpu.unpack_subelements %add3A_660, 1 {pack_format = #tpu.pack_format<interleaved>} : vector<32xbf16> -> vector<16xf32>
        %add3A_663 = arith.addf %add3A_585, %unpack3A_661 : vector<16xf32>
        %add3A_664 = arith.addf %add3A_586, %unpack3A_662 : vector<16xf32>
        %scan3A_665 = arith.constant 3 : i32
        %scan3A_666 = arith.addi %scan3A_430, %scan3A_665 : i32
        %mul3A_667 = arith.constant 4 : i32
        %mul3A_668 = arith.muli %scan3A_666, %mul3A_667 : i32
        %get3A_669 = arith.constant 0 : i32
        %get3A_670 = arith.index_cast %get3A_669 : i32 to index
        %get3A_671 = arith.index_cast %mul3A_668 : i32 to index
        %get3A_672 = arith.constant 0 : index
        %get3A_673 = tpu.vector_load %arg7[%get3A_670, %get3A_671, %get3A_672] {strides = array<i32>} : memref<8x128x32xi32, #tpu.memory_space<vmem>>, vector<16xi32>,
        %bitcast3A_674 = vector.bitcast %get3A_673 : vector<16xi32> to vector<32xbf16>
        %add3A_675 = arith.constant 1 : i32
        %add3A_676 = arith.addi %mul3A_668, %add3A_675 : i32
        %get3A_677 = arith.constant 0 : i32
        %get3A_678 = arith.index_cast %get3A_677 : i32 to index
        %get3A_679 = arith.index_cast %add3A_676 : i32 to index
        %get3A_680 = arith.constant 0 : index
        %get3A_681 = tpu.vector_load %arg7[%get3A_678, %get3A_679, %get3A_680] {strides = array<i32>} : memref<8x128x32xi32, #tpu.memory_space<vmem>>, vector<16xi32>,
        %bitcast3A_682 = vector.bitcast %get3A_681 : vector<16xi32> to vector<32xbf16>
        %add3A_683 = arith.addf %bitcast3A_674, %bitcast3A_682 : vector<32xbf16>
        %add3A_684 = arith.constant 2 : i32
        %add3A_685 = arith.addi %mul3A_668, %add3A_684 : i32
        %get3A_686 = arith.constant 0 : i32
        %get3A_687 = arith.index_cast %get3A_686 : i32 to index
        %get3A_688 = arith.index_cast %add3A_685 : i32 to index
        %get3A_689 = arith.constant 0 : index
        %get3A_690 = tpu.vector_load %arg7[%get3A_687, %get3A_688, %get3A_689] {strides = array<i32>} : memref<8x128x32xi32, #tpu.memory_space<vmem>>, vector<16xi32>,
        %bitcast3A_691 = vector.bitcast %get3A_690 : vector<16xi32> to vector<32xbf16>
        %add3A_692 = arith.addf %add3A_683, %bitcast3A_691 : vector<32xbf16>
        %add3A_693 = arith.constant 3 : i32
        %add3A_694 = arith.addi %mul3A_668, %add3A_693 : i32
        %get3A_695 = arith.constant 0 : i32
        %get3A_696 = arith.index_cast %get3A_695 : i32 to index
        %get3A_697 = arith.index_cast %add3A_694 : i32 to index
        %get3A_698 = arith.constant 0 : index
        %get3A_699 = tpu.vector_load %arg7[%get3A_696, %get3A_697, %get3A_698] {strides = array<i32>} : memref<8x128x32xi32, #tpu.memory_space<vmem>>, vector<16xi32>,
        %bitcast3A_700 = vector.bitcast %get3A_699 : vector<16xi32> to vector<32xbf16>
        %add3A_701 = arith.addf %add3A_692, %bitcast3A_700 : vector<32xbf16>
        %unpack3A_702 = tpu.unpack_subelements %add3A_701, 0 {pack_format = #tpu.pack_format<interleaved>} : vector<32xbf16> -> vector<16xf32>
        %unpack3A_703 = tpu.unpack_subelements %add3A_701, 1 {pack_format = #tpu.pack_format<interleaved>} : vector<32xbf16> -> vector<16xf32>
        %add3A_704 = arith.addf %add3A_626, %unpack3A_702 : vector<16xf32>
        %add3A_705 = arith.addf %add3A_627, %unpack3A_703 : vector<16xf32>
        %get3A_706 = arith.constant 0 : i32
        %get3A_707 = arith.index_cast %get3A_706 : i32 to index
        %get3A_708 = arith.index_cast %mul3A_668 : i32 to index
        %get3A_709 = arith.constant 16 : index
        %get3A_710 = tpu.vector_load %arg7[%get3A_707, %get3A_708, %get3A_709] {strides = array<i32>} : memref<8x128x32xi32, #tpu.memory_space<vmem>>, vector<16xi32>,
        %bitcast3A_711 = vector.bitcast %get3A_710 : vector<16xi32> to vector<32xbf16>
        %add3A_712 = arith.constant 1 : i32
        %add3A_713 = arith.addi %mul3A_668, %add3A_712 : i32
        %get3A_714 = arith.constant 0 : i32
        %get3A_715 = arith.index_cast %get3A_714 : i32 to index
        %get3A_716 = arith.index_cast %add3A_713 : i32 to index
        %get3A_717 = arith.constant 16 : index
        %get3A_718 = tpu.vector_load %arg7[%get3A_715, %get3A_716, %get3A_717] {strides = array<i32>} : memref<8x128x32xi32, #tpu.memory_space<vmem>>, vector<16xi32>,
        %bitcast3A_719 = vector.bitcast %get3A_718 : vector<16xi32> to vector<32xbf16>
        %add3A_720 = arith.addf %bitcast3A_711, %bitcast3A_719 : vector<32xbf16>
        %add3A_721 = arith.constant 2 : i32
        %add3A_722 = arith.addi %mul3A_668, %add3A_721 : i32
        %get3A_723 = arith.constant 0 : i32
        %get3A_724 = arith.index_cast %get3A_723 : i32 to index
        %get3A_725 = arith.index_cast %add3A_722 : i32 to index
        %get3A_726 = arith.constant 16 : index
        %get3A_727 = tpu.vector_load %arg7[%get3A_724, %get3A_725, %get3A_726] {strides = array<i32>} : memref<8x128x32xi32, #tpu.memory_space<vmem>>, vector<16xi32>,
        %bitcast3A_728 = vector.bitcast %get3A_727 : vector<16xi32> to vector<32xbf16>
        %add3A_729 = arith.addf %add3A_720, %bitcast3A_728 : vector<32xbf16>
        %add3A_730 = arith.constant 3 : i32
        %add3A_731 = arith.addi %mul3A_668, %add3A_730 : i32
        %get3A_732 = arith.constant 0 : i32
        %get3A_733 = arith.index_cast %get3A_732 : i32 to index
        %get3A_734 = arith.index_cast %add3A_731 : i32 to index
        %get3A_735 = arith.constant 16 : index
        %get3A_736 = tpu.vector_load %arg7[%get3A_733, %get3A_734, %get3A_735] {strides = array<i32>} : memref<8x128x32xi32, #tpu.memory_space<vmem>>, vector<16xi32>,
        %bitcast3A_737 = vector.bitcast %get3A_736 : vector<16xi32> to vector<32xbf16>
        %add3A_738 = arith.addf %add3A_729, %bitcast3A_737 : vector<32xbf16>
        %unpack3A_739 = tpu.unpack_subelements %add3A_738, 0 {pack_format = #tpu.pack_format<interleaved>} : vector<32xbf16> -> vector<16xf32>
        %unpack3A_740 = tpu.unpack_subelements %add3A_738, 1 {pack_format = #tpu.pack_format<interleaved>} : vector<32xbf16> -> vector<16xf32>
        %add3A_741 = arith.addf %add3A_663, %unpack3A_739 : vector<16xf32>
        %add3A_742 = arith.addf %add3A_664, %unpack3A_740 : vector<16xf32>
        scf.yield %add3A_704, %add3A_705, %add3A_741, %add3A_742 : vector<16xf32>, vector<16xf32>, vector<16xf32>, vector<16xf32>
      }
      %scan3A_146 = arith.constant 32 : i32
      %add3A_147 = arith.constant 1 : i32
      %add3A_148 = arith.addi %scan3A_114, %add3A_147 : i32
      %lt3A = arith.constant 16 : i32
      %lt3A_149 = arith.cmpi slt, %add3A_148, %lt3A : i32
      %convert_element_type3A = arith.extui %lt3A_149 : i1 to i32
      %cond3A = arith.constant 0 : i32
      %cond3A_150 = arith.cmpi ne, %convert_element_type3A, %cond3A : i32
      scf.if %cond3A_150 {
        %add3A_430 = arith.constant 8 : i32
        %add3A_431 = arith.addi %add3A_130, %add3A_430 : i32
        %dma_start3A_432 = arith.constant 0 : i32
        %dma_start3A_433 = arith.constant 0 : i32
        %dma_start3A_434 = arith.constant 0 : i32
        %dma_start3A_435 = tpu.memref_slice %arg7[%dma_start3A_432, %dma_start3A_433, %dma_start3A_434] : memref<8x128x32xi32, #tpu.memory_space<vmem>> -> memref<1x128x32xi32, #tpu.memory_space<vmem>>
        %dma_start3A_436 = tpu.memref_squeeze %dma_start3A_435 : memref<1x128x32xi32, #tpu.memory_space<vmem>> -> memref<128x32xi32, #tpu.memory_space<vmem>>
        %dma_start3A_437 = arith.constant 0 : i32
        %dma_start3A_438 = tpu.memref_slice %arg6[%add3A_431, %dma_start3A_437] : memref<128x128xi32, #tpu.memory_space<vmem>> -> memref<1x128xi32, #tpu.memory_space<vmem>>
        %dma_start3A_439 = tpu.memref_squeeze %dma_start3A_438 : memref<1x128xi32, #tpu.memory_space<vmem>> -> memref<128xi32, #tpu.memory_space<vmem>>
        %dma_start3A_440 = arith.constant 0 : i32
        %dma_start3A_441 = arith.constant 0 : i32
        %dma_start3A_442 = tpu.memref_slice %arg3[%dma_start3A_440, %dma_start3A_441] : memref<30720x32xi32, #tpu.memory_space<hbm>> -> memref<30720x32xi32, #tpu.memory_space<hbm>>
        tpu.enqueue_indirect_dma source(%dma_start3A_442 : memref<30720x32xi32, #tpu.memory_space<hbm>>) target(%dma_start3A_436 : memref<128x32xi32, #tpu.memory_space<vmem>>) offsets(%dma_start3A_439 : memref<128xi32, #tpu.memory_space<vmem>>) semaphore(%arg10 : memref<!tpu.dma_semaphore, #tpu.memory_space<semaphore_mem>>)
      } else {
      }
      %mul3A_151 = arith.constant 4 : i32
      %mul3A_152 = arith.muli %add3A_119, %mul3A_151 : i32
      %add3A_153 = arith.constant 1 : i32
      %add3A_154 = arith.addi %mul3A_152, %add3A_153 : i32
      %dma_wait3A_155 = arith.constant 1 : i32
      %dma_wait3A_156 = arith.constant 0 : i32
      %dma_wait3A_157 = arith.constant 0 : i32
      %dma_wait3A_158 = tpu.memref_slice %arg7[%dma_wait3A_155, %dma_wait3A_156, %dma_wait3A_157] : memref<8x128x32xi32, #tpu.memory_space<vmem>> -> memref<1x128x32xi32, #tpu.memory_space<vmem>>
      %dma_wait3A_159 = tpu.memref_squeeze %dma_wait3A_158 : memref<1x128x32xi32, #tpu.memory_space<vmem>> -> memref<128x32xi32, #tpu.memory_space<vmem>>
      %dma_wait3A_160 = arith.constant 0 : i32
      %dma_wait3A_161 = tpu.memref_slice %arg6[%add3A_154, %dma_wait3A_160] : memref<128x128xi32, #tpu.memory_space<vmem>> -> memref<1x128xi32, #tpu.memory_space<vmem>>
      %dma_wait3A_162 = tpu.memref_squeeze %dma_wait3A_161 : memref<1x128xi32, #tpu.memory_space<vmem>> -> memref<128xi32, #tpu.memory_space<vmem>>
      %dma_wait3A_163 = arith.constant 0 : i32
      %dma_wait3A_164 = arith.constant 0 : i32
      %dma_wait3A_165 = tpu.memref_slice %arg3[%dma_wait3A_163, %dma_wait3A_164] : memref<30720x32xi32, #tpu.memory_space<hbm>> -> memref<30720x32xi32, #tpu.memory_space<hbm>>
      tpu.wait_indirect_dma semaphore(%arg11 : memref<!tpu.dma_semaphore, #tpu.memory_space<semaphore_mem>>) src(%dma_wait3A_165 : memref<30720x32xi32, #tpu.memory_space<hbm>>) dst(%dma_wait3A_159 : memref<128x32xi32, #tpu.memory_space<vmem>>)
      %scan3A_166 = arith.constant 0 : i32
      %scan3A_167 = arith.constant 32 : i32
      %scan3A_168 = arith.addi %scan3A_166, %scan3A_167 : i32
      %scan3A_169 = arith.constant 4 : i32
      %scan3A_170:4 = scf.for %scan3A_430 = %scan3A_166 to %scan3A_168 step %scan3A_169 iter_args(%scan3A_431 = %scan3A_145#0, %scan3A_432 = %scan3A_145#1, %scan3A_433 = %scan3A_145#2, %scan3A_434 = %scan3A_145#3) -> (vector<16xf32>, vector<16xf32>, vector<16xf32>, vector<16xf32>)  : i32 {
        %mul3A_435 = arith.constant 4 : i32
        %mul3A_436 = arith.muli %scan3A_430, %mul3A_435 : i32
        %get3A_437 = arith.constant 1 : i32
        %get3A_438 = arith.index_cast %get3A_437 : i32 to index
        %get3A_439 = arith.index_cast %mul3A_436 : i32 to index
        %get3A_440 = arith.constant 0 : index
        %get3A_441 = tpu.vector_load %arg7[%get3A_438, %get3A_439, %get3A_440] {strides = array<i32>} : memref<8x128x32xi32, #tpu.memory_space<vmem>>, vector<16xi32>,
        %bitcast3A = vector.bitcast %get3A_441 : vector<16xi32> to vector<32xbf16>
        %add3A_442 = arith.constant 1 : i32
        %add3A_443 = arith.addi %mul3A_436, %add3A_442 : i32
        %get3A_444 = arith.constant 1 : i32
        %get3A_445 = arith.index_cast %get3A_444 : i32 to index
        %get3A_446 = arith.index_cast %add3A_443 : i32 to index
        %get3A_447 = arith.constant 0 : index
        %get3A_448 = tpu.vector_load %arg7[%get3A_445, %get3A_446, %get3A_447] {strides = array<i32>} : memref<8x128x32xi32, #tpu.memory_space<vmem>>, vector<16xi32>,
        %bitcast3A_449 = vector.bitcast %get3A_448 : vector<16xi32> to vector<32xbf16>
        %add3A_450 = arith.addf %bitcast3A, %bitcast3A_449 : vector<32xbf16>
        %add3A_451 = arith.constant 2 : i32
        %add3A_452 = arith.addi %mul3A_436, %add3A_451 : i32
        %get3A_453 = arith.constant 1 : i32
        %get3A_454 = arith.index_cast %get3A_453 : i32 to index
        %get3A_455 = arith.index_cast %add3A_452 : i32 to index
        %get3A_456 = arith.constant 0 : index
        %get3A_457 = tpu.vector_load %arg7[%get3A_454, %get3A_455, %get3A_456] {strides = array<i32>} : memref<8x128x32xi32, #tpu.memory_space<vmem>>, vector<16xi32>,
        %bitcast3A_458 = vector.bitcast %get3A_457 : vector<16xi32> to vector<32xbf16>
        %add3A_459 = arith.addf %add3A_450, %bitcast3A_458 : vector<32xbf16>
        %add3A_460 = arith.constant 3 : i32
        %add3A_461 = arith.addi %mul3A_436, %add3A_460 : i32
        %get3A_462 = arith.constant 1 : i32
        %get3A_463 = arith.index_cast %get3A_462 : i32 to index
        %get3A_464 = arith.index_cast %add3A_461 : i32 to index
        %get3A_465 = arith.constant 0 : index
        %get3A_466 = tpu.vector_load %arg7[%get3A_463, %get3A_464, %get3A_465] {strides = array<i32>} : memref<8x128x32xi32, #tpu.memory_space<vmem>>, vector<16xi32>,
        %bitcast3A_467 = vector.bitcast %get3A_466 : vector<16xi32> to vector<32xbf16>
        %add3A_468 = arith.addf %add3A_459, %bitcast3A_467 : vector<32xbf16>
        %unpack3A = tpu.unpack_subelements %add3A_468, 0 {pack_format = #tpu.pack_format<interleaved>} : vector<32xbf16> -> vector<16xf32>
        %unpack3A_469 = tpu.unpack_subelements %add3A_468, 1 {pack_format = #tpu.pack_format<interleaved>} : vector<32xbf16> -> vector<16xf32>
        %add3A_470 = arith.addf %scan3A_431, %unpack3A : vector<16xf32>
        %add3A_471 = arith.addf %scan3A_432, %unpack3A_469 : vector<16xf32>
        %get3A_472 = arith.constant 1 : i32
        %get3A_473 = arith.index_cast %get3A_472 : i32 to index
        %get3A_474 = arith.index_cast %mul3A_436 : i32 to index
        %get3A_475 = arith.constant 16 : index
        %get3A_476 = tpu.vector_load %arg7[%get3A_473, %get3A_474, %get3A_475] {strides = array<i32>} : memref<8x128x32xi32, #tpu.memory_space<vmem>>, vector<16xi32>,
        %bitcast3A_477 = vector.bitcast %get3A_476 : vector<16xi32> to vector<32xbf16>
        %add3A_478 = arith.constant 1 : i32
        %add3A_479 = arith.addi %mul3A_436, %add3A_478 : i32
        %get3A_480 = arith.constant 1 : i32
        %get3A_481 = arith.index_cast %get3A_480 : i32 to index
        %get3A_482 = arith.index_cast %add3A_479 : i32 to index
        %get3A_483 = arith.constant 16 : index
        %get3A_484 = tpu.vector_load %arg7[%get3A_481, %get3A_482, %get3A_483] {strides = array<i32>} : memref<8x128x32xi32, #tpu.memory_space<vmem>>, vector<16xi32>,
        %bitcast3A_485 = vector.bitcast %get3A_484 : vector<16xi32> to vector<32xbf16>
        %add3A_486 = arith.addf %bitcast3A_477, %bitcast3A_485 : vector<32xbf16>
        %add3A_487 = arith.constant 2 : i32
        %add3A_488 = arith.addi %mul3A_436, %add3A_487 : i32
        %get3A_489 = arith.constant 1 : i32
        %get3A_490 = arith.index_cast %get3A_489 : i32 to index
        %get3A_491 = arith.index_cast %add3A_488 : i32 to index
        %get3A_492 = arith.constant 16 : index
        %get3A_493 = tpu.vector_load %arg7[%get3A_490, %get3A_491, %get3A_492] {strides = array<i32>} : memref<8x128x32xi32, #tpu.memory_space<vmem>>, vector<16xi32>,
        %bitcast3A_494 = vector.bitcast %get3A_493 : vector<16xi32> to vector<32xbf16>
        %add3A_495 = arith.addf %add3A_486, %bitcast3A_494 : vector<32xbf16>
        %add3A_496 = arith.constant 3 : i32
        %add3A_497 = arith.addi %mul3A_436, %add3A_496 : i32
        %get3A_498 = arith.constant 1 : i32
        %get3A_499 = arith.index_cast %get3A_498 : i32 to index
        %get3A_500 = arith.index_cast %add3A_497 : i32 to index
        %get3A_501 = arith.constant 16 : index
        %get3A_502 = tpu.vector_load %arg7[%get3A_499, %get3A_500, %get3A_501] {strides = array<i32>} : memref<8x128x32xi32, #tpu.memory_space<vmem>>, vector<16xi32>,
        %bitcast3A_503 = vector.bitcast %get3A_502 : vector<16xi32> to vector<32xbf16>
        %add3A_504 = arith.addf %add3A_495, %bitcast3A_503 : vector<32xbf16>
        %unpack3A_505 = tpu.unpack_subelements %add3A_504, 0 {pack_format = #tpu.pack_format<interleaved>} : vector<32xbf16> -> vector<16xf32>
        %unpack3A_506 = tpu.unpack_subelements %add3A_504, 1 {pack_format = #tpu.pack_format<interleaved>} : vector<32xbf16> -> vector<16xf32>
        %add3A_507 = arith.addf %scan3A_433, %unpack3A_505 : vector<16xf32>
        %add3A_508 = arith.addf %scan3A_434, %unpack3A_506 : vector<16xf32>
        %scan3A_509 = arith.constant 1 : i32
        %scan3A_510 = arith.addi %scan3A_430, %scan3A_509 : i32
        %mul3A_511 = arith.constant 4 : i32
        %mul3A_512 = arith.muli %scan3A_510, %mul3A_511 : i32
        %get3A_513 = arith.constant 1 : i32
        %get3A_514 = arith.index_cast %get3A_513 : i32 to index
        %get3A_515 = arith.index_cast %mul3A_512 : i32 to index
        %get3A_516 = arith.constant 0 : index
        %get3A_517 = tpu.vector_load %arg7[%get3A_514, %get3A_515, %get3A_516] {strides = array<i32>} : memref<8x128x32xi32, #tpu.memory_space<vmem>>, vector<16xi32>,
        %bitcast3A_518 = vector.bitcast %get3A_517 : vector<16xi32> to vector<32xbf16>
        %add3A_519 = arith.constant 1 : i32
        %add3A_520 = arith.addi %mul3A_512, %add3A_519 : i32
        %get3A_521 = arith.constant 1 : i32
        %get3A_522 = arith.index_cast %get3A_521 : i32 to index
        %get3A_523 = arith.index_cast %add3A_520 : i32 to index
        %get3A_524 = arith.constant 0 : index
        %get3A_525 = tpu.vector_load %arg7[%get3A_522, %get3A_523, %get3A_524] {strides = array<i32>} : memref<8x128x32xi32, #tpu.memory_space<vmem>>, vector<16xi32>,
        %bitcast3A_526 = vector.bitcast %get3A_525 : vector<16xi32> to vector<32xbf16>
        %add3A_527 = arith.addf %bitcast3A_518, %bitcast3A_526 : vector<32xbf16>
        %add3A_528 = arith.constant 2 : i32
        %add3A_529 = arith.addi %mul3A_512, %add3A_528 : i32
        %get3A_530 = arith.constant 1 : i32
        %get3A_531 = arith.index_cast %get3A_530 : i32 to index
        %get3A_532 = arith.index_cast %add3A_529 : i32 to index
        %get3A_533 = arith.constant 0 : index
        %get3A_534 = tpu.vector_load %arg7[%get3A_531, %get3A_532, %get3A_533] {strides = array<i32>} : memref<8x128x32xi32, #tpu.memory_space<vmem>>, vector<16xi32>,
        %bitcast3A_535 = vector.bitcast %get3A_534 : vector<16xi32> to vector<32xbf16>
        %add3A_536 = arith.addf %add3A_527, %bitcast3A_535 : vector<32xbf16>
        %add3A_537 = arith.constant 3 : i32
        %add3A_538 = arith.addi %mul3A_512, %add3A_537 : i32
        %get3A_539 = arith.constant 1 : i32
        %get3A_540 = arith.index_cast %get3A_539 : i32 to index
        %get3A_541 = arith.index_cast %add3A_538 : i32 to index
        %get3A_542 = arith.constant 0 : index
        %get3A_543 = tpu.vector_load %arg7[%get3A_540, %get3A_541, %get3A_542] {strides = array<i32>} : memref<8x128x32xi32, #tpu.memory_space<vmem>>, vector<16xi32>,
        %bitcast3A_544 = vector.bitcast %get3A_543 : vector<16xi32> to vector<32xbf16>
        %add3A_545 = arith.addf %add3A_536, %bitcast3A_544 : vector<32xbf16>
        %unpack3A_546 = tpu.unpack_subelements %add3A_545, 0 {pack_format = #tpu.pack_format<interleaved>} : vector<32xbf16> -> vector<16xf32>
        %unpack3A_547 = tpu.unpack_subelements %add3A_545, 1 {pack_format = #tpu.pack_format<interleaved>} : vector<32xbf16> -> vector<16xf32>
        %add3A_548 = arith.addf %add3A_470, %unpack3A_546 : vector<16xf32>
        %add3A_549 = arith.addf %add3A_471, %unpack3A_547 : vector<16xf32>
        %get3A_550 = arith.constant 1 : i32
        %get3A_551 = arith.index_cast %get3A_550 : i32 to index
        %get3A_552 = arith.index_cast %mul3A_512 : i32 to index
        %get3A_553 = arith.constant 16 : index
        %get3A_554 = tpu.vector_load %arg7[%get3A_551, %get3A_552, %get3A_553] {strides = array<i32>} : memref<8x128x32xi32, #tpu.memory_space<vmem>>, vector<16xi32>,
        %bitcast3A_555 = vector.bitcast %get3A_554 : vector<16xi32> to vector<32xbf16>
        %add3A_556 = arith.constant 1 : i32
        %add3A_557 = arith.addi %mul3A_512, %add3A_556 : i32
        %get3A_558 = arith.constant 1 : i32
        %get3A_559 = arith.index_cast %get3A_558 : i32 to index
        %get3A_560 = arith.index_cast %add3A_557 : i32 to index
        %get3A_561 = arith.constant 16 : index
        %get3A_562 = tpu.vector_load %arg7[%get3A_559, %get3A_560, %get3A_561] {strides = array<i32>} : memref<8x128x32xi32, #tpu.memory_space<vmem>>, vector<16xi32>,
        %bitcast3A_563 = vector.bitcast %get3A_562 : vector<16xi32> to vector<32xbf16>
        %add3A_564 = arith.addf %bitcast3A_555, %bitcast3A_563 : vector<32xbf16>
        %add3A_565 = arith.constant 2 : i32
        %add3A_566 = arith.addi %mul3A_512, %add3A_565 : i32
        %get3A_567 = arith.constant 1 : i32
        %get3A_568 = arith.index_cast %get3A_567 : i32 to index
        %get3A_569 = arith.index_cast %add3A_566 : i32 to index
        %get3A_570 = arith.constant 16 : index
        %get3A_571 = tpu.vector_load %arg7[%get3A_568, %get3A_569, %get3A_570] {strides = array<i32>} : memref<8x128x32xi32, #tpu.memory_space<vmem>>, vector<16xi32>,
        %bitcast3A_572 = vector.bitcast %get3A_571 : vector<16xi32> to vector<32xbf16>
        %add3A_573 = arith.addf %add3A_564, %bitcast3A_572 : vector<32xbf16>
        %add3A_574 = arith.constant 3 : i32
        %add3A_575 = arith.addi %mul3A_512, %add3A_574 : i32
        %get3A_576 = arith.constant 1 : i32
        %get3A_577 = arith.index_cast %get3A_576 : i32 to index
        %get3A_578 = arith.index_cast %add3A_575 : i32 to index
        %get3A_579 = arith.constant 16 : index
        %get3A_580 = tpu.vector_load %arg7[%get3A_577, %get3A_578, %get3A_579] {strides = array<i32>} : memref<8x128x32xi32, #tpu.memory_space<vmem>>, vector<16xi32>,
        %bitcast3A_581 = vector.bitcast %get3A_580 : vector<16xi32> to vector<32xbf16>
        %add3A_582 = arith.addf %add3A_573, %bitcast3A_581 : vector<32xbf16>
        %unpack3A_583 = tpu.unpack_subelements %add3A_582, 0 {pack_format = #tpu.pack_format<interleaved>} : vector<32xbf16> -> vector<16xf32>
        %unpack3A_584 = tpu.unpack_subelements %add3A_582, 1 {pack_format = #tpu.pack_format<interleaved>} : vector<32xbf16> -> vector<16xf32>
        %add3A_585 = arith.addf %add3A_507, %unpack3A_583 : vector<16xf32>
        %add3A_586 = arith.addf %add3A_508, %unpack3A_584 : vector<16xf32>
        %scan3A_587 = arith.constant 2 : i32
        %scan3A_588 = arith.addi %scan3A_430, %scan3A_587 : i32
        %mul3A_589 = arith.constant 4 : i32
        %mul3A_590 = arith.muli %scan3A_588, %mul3A_589 : i32
        %get3A_591 = arith.constant 1 : i32
        %get3A_592 = arith.index_cast %get3A_591 : i32 to index
        %get3A_593 = arith.index_cast %mul3A_590 : i32 to index
        %get3A_594 = arith.constant 0 : index
        %get3A_595 = tpu.vector_load %arg7[%get3A_592, %get3A_593, %get3A_594] {strides = array<i32>} : memref<8x128x32xi32, #tpu.memory_space<vmem>>, vector<16xi32>,
        %bitcast3A_596 = vector.bitcast %get3A_595 : vector<16xi32> to vector<32xbf16>
        %add3A_597 = arith.constant 1 : i32
        %add3A_598 = arith.addi %mul3A_590, %add3A_597 : i32
        %get3A_599 = arith.constant 1 : i32
        %get3A_600 = arith.index_cast %get3A_599 : i32 to index
        %get3A_601 = arith.index_cast %add3A_598 : i32 to index
        %get3A_602 = arith.constant 0 : index
        %get3A_603 = tpu.vector_load %arg7[%get3A_600, %get3A_601, %get3A_602] {strides = array<i32>} : memref<8x128x32xi32, #tpu.memory_space<vmem>>, vector<16xi32>,
        %bitcast3A_604 = vector.bitcast %get3A_603 : vector<16xi32> to vector<32xbf16>
        %add3A_605 = arith.addf %bitcast3A_596, %bitcast3A_604 : vector<32xbf16>
        %add3A_606 = arith.constant 2 : i32
        %add3A_607 = arith.addi %mul3A_590, %add3A_606 : i32
        %get3A_608 = arith.constant 1 : i32
        %get3A_609 = arith.index_cast %get3A_608 : i32 to index
        %get3A_610 = arith.index_cast %add3A_607 : i32 to index
        %get3A_611 = arith.constant 0 : index
        %get3A_612 = tpu.vector_load %arg7[%get3A_609, %get3A_610, %get3A_611] {strides = array<i32>} : memref<8x128x32xi32, #tpu.memory_space<vmem>>, vector<16xi32>,
        %bitcast3A_613 = vector.bitcast %get3A_612 : vector<16xi32> to vector<32xbf16>
        %add3A_614 = arith.addf %add3A_605, %bitcast3A_613 : vector<32xbf16>
        %add3A_615 = arith.constant 3 : i32
        %add3A_616 = arith.addi %mul3A_590, %add3A_615 : i32
        %get3A_617 = arith.constant 1 : i32
        %get3A_618 = arith.index_cast %get3A_617 : i32 to index
        %get3A_619 = arith.index_cast %add3A_616 : i32 to index
        %get3A_620 = arith.constant 0 : index
        %get3A_621 = tpu.vector_load %arg7[%get3A_618, %get3A_619, %get3A_620] {strides = array<i32>} : memref<8x128x32xi32, #tpu.memory_space<vmem>>, vector<16xi32>,
        %bitcast3A_622 = vector.bitcast %get3A_621 : vector<16xi32> to vector<32xbf16>
        %add3A_623 = arith.addf %add3A_614, %bitcast3A_622 : vector<32xbf16>
        %unpack3A_624 = tpu.unpack_subelements %add3A_623, 0 {pack_format = #tpu.pack_format<interleaved>} : vector<32xbf16> -> vector<16xf32>
        %unpack3A_625 = tpu.unpack_subelements %add3A_623, 1 {pack_format = #tpu.pack_format<interleaved>} : vector<32xbf16> -> vector<16xf32>
        %add3A_626 = arith.addf %add3A_548, %unpack3A_624 : vector<16xf32>
        %add3A_627 = arith.addf %add3A_549, %unpack3A_625 : vector<16xf32>
        %get3A_628 = arith.constant 1 : i32
        %get3A_629 = arith.index_cast %get3A_628 : i32 to index
        %get3A_630 = arith.index_cast %mul3A_590 : i32 to index
        %get3A_631 = arith.constant 16 : index
        %get3A_632 = tpu.vector_load %arg7[%get3A_629, %get3A_630, %get3A_631] {strides = array<i32>} : memref<8x128x32xi32, #tpu.memory_space<vmem>>, vector<16xi32>,
        %bitcast3A_633 = vector.bitcast %get3A_632 : vector<16xi32> to vector<32xbf16>
        %add3A_634 = arith.constant 1 : i32
        %add3A_635 = arith.addi %mul3A_590, %add3A_634 : i32
        %get3A_636 = arith.constant 1 : i32
        %get3A_637 = arith.index_cast %get3A_636 : i32 to index
        %get3A_638 = arith.index_cast %add3A_635 : i32 to index
        %get3A_639 = arith.constant 16 : index
        %get3A_640 = tpu.vector_load %arg7[%get3A_637, %get3A_638, %get3A_639] {strides = array<i32>} : memref<8x128x32xi32, #tpu.memory_space<vmem>>, vector<16xi32>,
        %bitcast3A_641 = vector.bitcast %get3A_640 : vector<16xi32> to vector<32xbf16>
        %add3A_642 = arith.addf %bitcast3A_633, %bitcast3A_641 : vector<32xbf16>
        %add3A_643 = arith.constant 2 : i32
        %add3A_644 = arith.addi %mul3A_590, %add3A_643 : i32
        %get3A_645 = arith.constant 1 : i32
        %get3A_646 = arith.index_cast %get3A_645 : i32 to index
        %get3A_647 = arith.index_cast %add3A_644 : i32 to index
        %get3A_648 = arith.constant 16 : index
        %get3A_649 = tpu.vector_load %arg7[%get3A_646, %get3A_647, %get3A_648] {strides = array<i32>} : memref<8x128x32xi32, #tpu.memory_space<vmem>>, vector<16xi32>,
        %bitcast3A_650 = vector.bitcast %get3A_649 : vector<16xi32> to vector<32xbf16>
        %add3A_651 = arith.addf %add3A_642, %bitcast3A_650 : vector<32xbf16>
        %add3A_652 = arith.constant 3 : i32
        %add3A_653 = arith.addi %mul3A_590, %add3A_652 : i32
        %get3A_654 = arith.constant 1 : i32
        %get3A_655 = arith.index_cast %get3A_654 : i32 to index
        %get3A_656 = arith.index_cast %add3A_653 : i32 to index
        %get3A_657 = arith.constant 16 : index
        %get3A_658 = tpu.vector_load %arg7[%get3A_655, %get3A_656, %get3A_657] {strides = array<i32>} : memref<8x128x32xi32, #tpu.memory_space<vmem>>, vector<16xi32>,
        %bitcast3A_659 = vector.bitcast %get3A_658 : vector<16xi32> to vector<32xbf16>
        %add3A_660 = arith.addf %add3A_651, %bitcast3A_659 : vector<32xbf16>
        %unpack3A_661 = tpu.unpack_subelements %add3A_660, 0 {pack_format = #tpu.pack_format<interleaved>} : vector<32xbf16> -> vector<16xf32>
        %unpack3A_662 = tpu.unpack_subelements %add3A_660, 1 {pack_format = #tpu.pack_format<interleaved>} : vector<32xbf16> -> vector<16xf32>
        %add3A_663 = arith.addf %add3A_585, %unpack3A_661 : vector<16xf32>
        %add3A_664 = arith.addf %add3A_586, %unpack3A_662 : vector<16xf32>
        %scan3A_665 = arith.constant 3 : i32
        %scan3A_666 = arith.addi %scan3A_430, %scan3A_665 : i32
        %mul3A_667 = arith.constant 4 : i32
        %mul3A_668 = arith.muli %scan3A_666, %mul3A_667 : i32
        %get3A_669 = arith.constant 1 : i32
        %get3A_670 = arith.index_cast %get3A_669 : i32 to index
        %get3A_671 = arith.index_cast %mul3A_668 : i32 to index
        %get3A_672 = arith.constant 0 : index
        %get3A_673 = tpu.vector_load %arg7[%get3A_670, %get3A_671, %get3A_672] {strides = array<i32>} : memref<8x128x32xi32, #tpu.memory_space<vmem>>, vector<16xi32>,
        %bitcast3A_674 = vector.bitcast %get3A_673 : vector<16xi32> to vector<32xbf16>
        %add3A_675 = arith.constant 1 : i32
        %add3A_676 = arith.addi %mul3A_668, %add3A_675 : i32
        %get3A_677 = arith.constant 1 : i32
        %get3A_678 = arith.index_cast %get3A_677 : i32 to index
        %get3A_679 = arith.index_cast %add3A_676 : i32 to index
        %get3A_680 = arith.constant 0 : index
        %get3A_681 = tpu.vector_load %arg7[%get3A_678, %get3A_679, %get3A_680] {strides = array<i32>} : memref<8x128x32xi32, #tpu.memory_space<vmem>>, vector<16xi32>,
        %bitcast3A_682 = vector.bitcast %get3A_681 : vector<16xi32> to vector<32xbf16>
        %add3A_683 = arith.addf %bitcast3A_674, %bitcast3A_682 : vector<32xbf16>
        %add3A_684 = arith.constant 2 : i32
        %add3A_685 = arith.addi %mul3A_668, %add3A_684 : i32
        %get3A_686 = arith.constant 1 : i32
        %get3A_687 = arith.index_cast %get3A_686 : i32 to index
        %get3A_688 = arith.index_cast %add3A_685 : i32 to index
        %get3A_689 = arith.constant 0 : index
        %get3A_690 = tpu.vector_load %arg7[%get3A_687, %get3A_688, %get3A_689] {strides = array<i32>} : memref<8x128x32xi32, #tpu.memory_space<vmem>>, vector<16xi32>,
        %bitcast3A_691 = vector.bitcast %get3A_690 : vector<16xi32> to vector<32xbf16>
        %add3A_692 = arith.addf %add3A_683, %bitcast3A_691 : vector<32xbf16>
        %add3A_693 = arith.constant 3 : i32
        %add3A_694 = arith.addi %mul3A_668, %add3A_693 : i32
        %get3A_695 = arith.constant 1 : i32
        %get3A_696 = arith.index_cast %get3A_695 : i32 to index
        %get3A_697 = arith.index_cast %add3A_694 : i32 to index
        %get3A_698 = arith.constant 0 : index
        %get3A_699 = tpu.vector_load %arg7[%get3A_696, %get3A_697, %get3A_698] {strides = array<i32>} : memref<8x128x32xi32, #tpu.memory_space<vmem>>, vector<16xi32>,
        %bitcast3A_700 = vector.bitcast %get3A_699 : vector<16xi32> to vector<32xbf16>
        %add3A_701 = arith.addf %add3A_692, %bitcast3A_700 : vector<32xbf16>
        %unpack3A_702 = tpu.unpack_subelements %add3A_701, 0 {pack_format = #tpu.pack_format<interleaved>} : vector<32xbf16> -> vector<16xf32>
        %unpack3A_703 = tpu.unpack_subelements %add3A_701, 1 {pack_format = #tpu.pack_format<interleaved>} : vector<32xbf16> -> vector<16xf32>
        %add3A_704 = arith.addf %add3A_626, %unpack3A_702 : vector<16xf32>
        %add3A_705 = arith.addf %add3A_627, %unpack3A_703 : vector<16xf32>
        %get3A_706 = arith.constant 1 : i32
        %get3A_707 = arith.index_cast %get3A_706 : i32 to index
        %get3A_708 = arith.index_cast %mul3A_668 : i32 to index
        %get3A_709 = arith.constant 16 : index
        %get3A_710 = tpu.vector_load %arg7[%get3A_707, %get3A_708, %get3A_709] {strides = array<i32>} : memref<8x128x32xi32, #tpu.memory_space<vmem>>, vector<16xi32>,
        %bitcast3A_711 = vector.bitcast %get3A_710 : vector<16xi32> to vector<32xbf16>
        %add3A_712 = arith.constant 1 : i32
        %add3A_713 = arith.addi %mul3A_668, %add3A_712 : i32
        %get3A_714 = arith.constant 1 : i32
        %get3A_715 = arith.index_cast %get3A_714 : i32 to index
        %get3A_716 = arith.index_cast %add3A_713 : i32 to index
        %get3A_717 = arith.constant 16 : index
        %get3A_718 = tpu.vector_load %arg7[%get3A_715, %get3A_716, %get3A_717] {strides = array<i32>} : memref<8x128x32xi32, #tpu.memory_space<vmem>>, vector<16xi32>,
        %bitcast3A_719 = vector.bitcast %get3A_718 : vector<16xi32> to vector<32xbf16>
        %add3A_720 = arith.addf %bitcast3A_711, %bitcast3A_719 : vector<32xbf16>
        %add3A_721 = arith.constant 2 : i32
        %add3A_722 = arith.addi %mul3A_668, %add3A_721 : i32
        %get3A_723 = arith.constant 1 : i32
        %get3A_724 = arith.index_cast %get3A_723 : i32 to index
        %get3A_725 = arith.index_cast %add3A_722 : i32 to index
        %get3A_726 = arith.constant 16 : index
        %get3A_727 = tpu.vector_load %arg7[%get3A_724, %get3A_725, %get3A_726] {strides = array<i32>} : memref<8x128x32xi32, #tpu.memory_space<vmem>>, vector<16xi32>,
        %bitcast3A_728 = vector.bitcast %get3A_727 : vector<16xi32> to vector<32xbf16>
        %add3A_729 = arith.addf %add3A_720, %bitcast3A_728 : vector<32xbf16>
        %add3A_730 = arith.constant 3 : i32
        %add3A_731 = arith.addi %mul3A_668, %add3A_730 : i32
        %get3A_732 = arith.constant 1 : i32
        %get3A_733 = arith.index_cast %get3A_732 : i32 to index
        %get3A_734 = arith.index_cast %add3A_731 : i32 to index
        %get3A_735 = arith.constant 16 : index
        %get3A_736 = tpu.vector_load %arg7[%get3A_733, %get3A_734, %get3A_735] {strides = array<i32>} : memref<8x128x32xi32, #tpu.memory_space<vmem>>, vector<16xi32>,
        %bitcast3A_737 = vector.bitcast %get3A_736 : vector<16xi32> to vector<32xbf16>
        %add3A_738 = arith.addf %add3A_729, %bitcast3A_737 : vector<32xbf16>
        %unpack3A_739 = tpu.unpack_subelements %add3A_738, 0 {pack_format = #tpu.pack_format<interleaved>} : vector<32xbf16> -> vector<16xf32>
        %unpack3A_740 = tpu.unpack_subelements %add3A_738, 1 {pack_format = #tpu.pack_format<interleaved>} : vector<32xbf16> -> vector<16xf32>
        %add3A_741 = arith.addf %add3A_663, %unpack3A_739 : vector<16xf32>
        %add3A_742 = arith.addf %add3A_664, %unpack3A_740 : vector<16xf32>
        scf.yield %add3A_704, %add3A_705, %add3A_741, %add3A_742 : vector<16xf32>, vector<16xf32>, vector<16xf32>, vector<16xf32>
      }
      %scan3A_171 = arith.constant 32 : i32
      %add3A_172 = arith.constant 1 : i32
      %add3A_173 = arith.addi %scan3A_114, %add3A_172 : i32
      %lt3A_174 = arith.constant 16 : i32
      %lt3A_175 = arith.cmpi slt, %add3A_173, %lt3A_174 : i32
      %convert_element_type3A_176 = arith.extui %lt3A_175 : i1 to i32
      %cond3A_177 = arith.constant 0 : i32
      %cond3A_178 = arith.cmpi ne, %convert_element_type3A_176, %cond3A_177 : i32
      scf.if %cond3A_178 {
        %add3A_430 = arith.constant 8 : i32
        %add3A_431 = arith.addi %add3A_154, %add3A_430 : i32
        %dma_start3A_432 = arith.constant 1 : i32
        %dma_start3A_433 = arith.constant 0 : i32
        %dma_start3A_434 = arith.constant 0 : i32
        %dma_start3A_435 = tpu.memref_slice %arg7[%dma_start3A_432, %dma_start3A_433, %dma_start3A_434] : memref<8x128x32xi32, #tpu.memory_space<vmem>> -> memref<1x128x32xi32, #tpu.memory_space<vmem>>
        %dma_start3A_436 = tpu.memref_squeeze %dma_start3A_435 : memref<1x128x32xi32, #tpu.memory_space<vmem>> -> memref<128x32xi32, #tpu.memory_space<vmem>>
        %dma_start3A_437 = arith.constant 0 : i32
        %dma_start3A_438 = tpu.memref_slice %arg6[%add3A_431, %dma_start3A_437] : memref<128x128xi32, #tpu.memory_space<vmem>> -> memref<1x128xi32, #tpu.memory_space<vmem>>
        %dma_start3A_439 = tpu.memref_squeeze %dma_start3A_438 : memref<1x128xi32, #tpu.memory_space<vmem>> -> memref<128xi32, #tpu.memory_space<vmem>>
        %dma_start3A_440 = arith.constant 0 : i32
        %dma_start3A_441 = arith.constant 0 : i32
        %dma_start3A_442 = tpu.memref_slice %arg3[%dma_start3A_440, %dma_start3A_441] : memref<30720x32xi32, #tpu.memory_space<hbm>> -> memref<30720x32xi32, #tpu.memory_space<hbm>>
        tpu.enqueue_indirect_dma source(%dma_start3A_442 : memref<30720x32xi32, #tpu.memory_space<hbm>>) target(%dma_start3A_436 : memref<128x32xi32, #tpu.memory_space<vmem>>) offsets(%dma_start3A_439 : memref<128xi32, #tpu.memory_space<vmem>>) semaphore(%arg11 : memref<!tpu.dma_semaphore, #tpu.memory_space<semaphore_mem>>)
      } else {
      }
      %mul3A_179 = arith.constant 4 : i32
      %mul3A_180 = arith.muli %add3A_119, %mul3A_179 : i32
      %add3A_181 = arith.constant 2 : i32
      %add3A_182 = arith.addi %mul3A_180, %add3A_181 : i32
      %dma_wait3A_183 = arith.constant 2 : i32
      %dma_wait3A_184 = arith.constant 0 : i32
      %dma_wait3A_185 = arith.constant 0 : i32
      %dma_wait3A_186 = tpu.memref_slice %arg7[%dma_wait3A_183, %dma_wait3A_184, %dma_wait3A_185] : memref<8x128x32xi32, #tpu.memory_space<vmem>> -> memref<1x128x32xi32, #tpu.memory_space<vmem>>
      %dma_wait3A_187 = tpu.memref_squeeze %dma_wait3A_186 : memref<1x128x32xi32, #tpu.memory_space<vmem>> -> memref<128x32xi32, #tpu.memory_space<vmem>>
      %dma_wait3A_188 = arith.constant 0 : i32
      %dma_wait3A_189 = tpu.memref_slice %arg6[%add3A_182, %dma_wait3A_188] : memref<128x128xi32, #tpu.memory_space<vmem>> -> memref<1x128xi32, #tpu.memory_space<vmem>>
      %dma_wait3A_190 = tpu.memref_squeeze %dma_wait3A_189 : memref<1x128xi32, #tpu.memory_space<vmem>> -> memref<128xi32, #tpu.memory_space<vmem>>
      %dma_wait3A_191 = arith.constant 0 : i32
      %dma_wait3A_192 = arith.constant 0 : i32
      %dma_wait3A_193 = tpu.memref_slice %arg3[%dma_wait3A_191, %dma_wait3A_192] : memref<30720x32xi32, #tpu.memory_space<hbm>> -> memref<30720x32xi32, #tpu.memory_space<hbm>>
      tpu.wait_indirect_dma semaphore(%arg12 : memref<!tpu.dma_semaphore, #tpu.memory_space<semaphore_mem>>) src(%dma_wait3A_193 : memref<30720x32xi32, #tpu.memory_space<hbm>>) dst(%dma_wait3A_187 : memref<128x32xi32, #tpu.memory_space<vmem>>)
      %scan3A_194 = arith.constant 0 : i32
      %scan3A_195 = arith.constant 32 : i32
      %scan3A_196 = arith.addi %scan3A_194, %scan3A_195 : i32
      %scan3A_197 = arith.constant 4 : i32
      %scan3A_198:4 = scf.for %scan3A_430 = %scan3A_194 to %scan3A_196 step %scan3A_197 iter_args(%scan3A_431 = %scan3A_170#0, %scan3A_432 = %scan3A_170#1, %scan3A_433 = %scan3A_170#2, %scan3A_434 = %scan3A_170#3) -> (vector<16xf32>, vector<16xf32>, vector<16xf32>, vector<16xf32>)  : i32 {
        %mul3A_435 = arith.constant 4 : i32
        %mul3A_436 = arith.muli %scan3A_430, %mul3A_435 : i32
        %get3A_437 = arith.constant 2 : i32
        %get3A_438 = arith.index_cast %get3A_437 : i32 to index
        %get3A_439 = arith.index_cast %mul3A_436 : i32 to index
        %get3A_440 = arith.constant 0 : index
        %get3A_441 = tpu.vector_load %arg7[%get3A_438, %get3A_439, %get3A_440] {strides = array<i32>} : memref<8x128x32xi32, #tpu.memory_space<vmem>>, vector<16xi32>,
        %bitcast3A = vector.bitcast %get3A_441 : vector<16xi32> to vector<32xbf16>
        %add3A_442 = arith.constant 1 : i32
        %add3A_443 = arith.addi %mul3A_436, %add3A_442 : i32
        %get3A_444 = arith.constant 2 : i32
        %get3A_445 = arith.index_cast %get3A_444 : i32 to index
        %get3A_446 = arith.index_cast %add3A_443 : i32 to index
        %get3A_447 = arith.constant 0 : index
        %get3A_448 = tpu.vector_load %arg7[%get3A_445, %get3A_446, %get3A_447] {strides = array<i32>} : memref<8x128x32xi32, #tpu.memory_space<vmem>>, vector<16xi32>,
        %bitcast3A_449 = vector.bitcast %get3A_448 : vector<16xi32> to vector<32xbf16>
        %add3A_450 = arith.addf %bitcast3A, %bitcast3A_449 : vector<32xbf16>
        %add3A_451 = arith.constant 2 : i32
        %add3A_452 = arith.addi %mul3A_436, %add3A_451 : i32
        %get3A_453 = arith.constant 2 : i32
        %get3A_454 = arith.index_cast %get3A_453 : i32 to index
        %get3A_455 = arith.index_cast %add3A_452 : i32 to index
        %get3A_456 = arith.constant 0 : index
        %get3A_457 = tpu.vector_load %arg7[%get3A_454, %get3A_455, %get3A_456] {strides = array<i32>} : memref<8x128x32xi32, #tpu.memory_space<vmem>>, vector<16xi32>,
        %bitcast3A_458 = vector.bitcast %get3A_457 : vector<16xi32> to vector<32xbf16>
        %add3A_459 = arith.addf %add3A_450, %bitcast3A_458 : vector<32xbf16>
        %add3A_460 = arith.constant 3 : i32
        %add3A_461 = arith.addi %mul3A_436, %add3A_460 : i32
        %get3A_462 = arith.constant 2 : i32
        %get3A_463 = arith.index_cast %get3A_462 : i32 to index
        %get3A_464 = arith.index_cast %add3A_461 : i32 to index
        %get3A_465 = arith.constant 0 : index
        %get3A_466 = tpu.vector_load %arg7[%get3A_463, %get3A_464, %get3A_465] {strides = array<i32>} : memref<8x128x32xi32, #tpu.memory_space<vmem>>, vector<16xi32>,
        %bitcast3A_467 = vector.bitcast %get3A_466 : vector<16xi32> to vector<32xbf16>
        %add3A_468 = arith.addf %add3A_459, %bitcast3A_467 : vector<32xbf16>
        %unpack3A = tpu.unpack_subelements %add3A_468, 0 {pack_format = #tpu.pack_format<interleaved>} : vector<32xbf16> -> vector<16xf32>
        %unpack3A_469 = tpu.unpack_subelements %add3A_468, 1 {pack_format = #tpu.pack_format<interleaved>} : vector<32xbf16> -> vector<16xf32>
        %add3A_470 = arith.addf %scan3A_431, %unpack3A : vector<16xf32>
        %add3A_471 = arith.addf %scan3A_432, %unpack3A_469 : vector<16xf32>
        %get3A_472 = arith.constant 2 : i32
        %get3A_473 = arith.index_cast %get3A_472 : i32 to index
        %get3A_474 = arith.index_cast %mul3A_436 : i32 to index
        %get3A_475 = arith.constant 16 : index
        %get3A_476 = tpu.vector_load %arg7[%get3A_473, %get3A_474, %get3A_475] {strides = array<i32>} : memref<8x128x32xi32, #tpu.memory_space<vmem>>, vector<16xi32>,
        %bitcast3A_477 = vector.bitcast %get3A_476 : vector<16xi32> to vector<32xbf16>
        %add3A_478 = arith.constant 1 : i32
        %add3A_479 = arith.addi %mul3A_436, %add3A_478 : i32
        %get3A_480 = arith.constant 2 : i32
        %get3A_481 = arith.index_cast %get3A_480 : i32 to index
        %get3A_482 = arith.index_cast %add3A_479 : i32 to index
        %get3A_483 = arith.constant 16 : index
        %get3A_484 = tpu.vector_load %arg7[%get3A_481, %get3A_482, %get3A_483] {strides = array<i32>} : memref<8x128x32xi32, #tpu.memory_space<vmem>>, vector<16xi32>,
        %bitcast3A_485 = vector.bitcast %get3A_484 : vector<16xi32> to vector<32xbf16>
        %add3A_486 = arith.addf %bitcast3A_477, %bitcast3A_485 : vector<32xbf16>
        %add3A_487 = arith.constant 2 : i32
        %add3A_488 = arith.addi %mul3A_436, %add3A_487 : i32
        %get3A_489 = arith.constant 2 : i32
        %get3A_490 = arith.index_cast %get3A_489 : i32 to index
        %get3A_491 = arith.index_cast %add3A_488 : i32 to index
        %get3A_492 = arith.constant 16 : index
        %get3A_493 = tpu.vector_load %arg7[%get3A_490, %get3A_491, %get3A_492] {strides = array<i32>} : memref<8x128x32xi32, #tpu.memory_space<vmem>>, vector<16xi32>,
        %bitcast3A_494 = vector.bitcast %get3A_493 : vector<16xi32> to vector<32xbf16>
        %add3A_495 = arith.addf %add3A_486, %bitcast3A_494 : vector<32xbf16>
        %add3A_496 = arith.constant 3 : i32
        %add3A_497 = arith.addi %mul3A_436, %add3A_496 : i32
        %get3A_498 = arith.constant 2 : i32
        %get3A_499 = arith.index_cast %get3A_498 : i32 to index
        %get3A_500 = arith.index_cast %add3A_497 : i32 to index
        %get3A_501 = arith.constant 16 : index
        %get3A_502 = tpu.vector_load %arg7[%get3A_499, %get3A_500, %get3A_501] {strides = array<i32>} : memref<8x128x32xi32, #tpu.memory_space<vmem>>, vector<16xi32>,
        %bitcast3A_503 = vector.bitcast %get3A_502 : vector<16xi32> to vector<32xbf16>
        %add3A_504 = arith.addf %add3A_495, %bitcast3A_503 : vector<32xbf16>
        %unpack3A_505 = tpu.unpack_subelements %add3A_504, 0 {pack_format = #tpu.pack_format<interleaved>} : vector<32xbf16> -> vector<16xf32>
        %unpack3A_506 = tpu.unpack_subelements %add3A_504, 1 {pack_format = #tpu.pack_format<interleaved>} : vector<32xbf16> -> vector<16xf32>
        %add3A_507 = arith.addf %scan3A_433, %unpack3A_505 : vector<16xf32>
        %add3A_508 = arith.addf %scan3A_434, %unpack3A_506 : vector<16xf32>
        %scan3A_509 = arith.constant 1 : i32
        %scan3A_510 = arith.addi %scan3A_430, %scan3A_509 : i32
        %mul3A_511 = arith.constant 4 : i32
        %mul3A_512 = arith.muli %scan3A_510, %mul3A_511 : i32
        %get3A_513 = arith.constant 2 : i32
        %get3A_514 = arith.index_cast %get3A_513 : i32 to index
        %get3A_515 = arith.index_cast %mul3A_512 : i32 to index
        %get3A_516 = arith.constant 0 : index
        %get3A_517 = tpu.vector_load %arg7[%get3A_514, %get3A_515, %get3A_516] {strides = array<i32>} : memref<8x128x32xi32, #tpu.memory_space<vmem>>, vector<16xi32>,
        %bitcast3A_518 = vector.bitcast %get3A_517 : vector<16xi32> to vector<32xbf16>
        %add3A_519 = arith.constant 1 : i32
        %add3A_520 = arith.addi %mul3A_512, %add3A_519 : i32
        %get3A_521 = arith.constant 2 : i32
        %get3A_522 = arith.index_cast %get3A_521 : i32 to index
        %get3A_523 = arith.index_cast %add3A_520 : i32 to index
        %get3A_524 = arith.constant 0 : index
        %get3A_525 = tpu.vector_load %arg7[%get3A_522, %get3A_523, %get3A_524] {strides = array<i32>} : memref<8x128x32xi32, #tpu.memory_space<vmem>>, vector<16xi32>,
        %bitcast3A_526 = vector.bitcast %get3A_525 : vector<16xi32> to vector<32xbf16>
        %add3A_527 = arith.addf %bitcast3A_518, %bitcast3A_526 : vector<32xbf16>
        %add3A_528 = arith.constant 2 : i32
        %add3A_529 = arith.addi %mul3A_512, %add3A_528 : i32
        %get3A_530 = arith.constant 2 : i32
        %get3A_531 = arith.index_cast %get3A_530 : i32 to index
        %get3A_532 = arith.index_cast %add3A_529 : i32 to index
        %get3A_533 = arith.constant 0 : index
        %get3A_534 = tpu.vector_load %arg7[%get3A_531, %get3A_532, %get3A_533] {strides = array<i32>} : memref<8x128x32xi32, #tpu.memory_space<vmem>>, vector<16xi32>,
        %bitcast3A_535 = vector.bitcast %get3A_534 : vector<16xi32> to vector<32xbf16>
        %add3A_536 = arith.addf %add3A_527, %bitcast3A_535 : vector<32xbf16>
        %add3A_537 = arith.constant 3 : i32
        %add3A_538 = arith.addi %mul3A_512, %add3A_537 : i32
        %get3A_539 = arith.constant 2 : i32
        %get3A_540 = arith.index_cast %get3A_539 : i32 to index
        %get3A_541 = arith.index_cast %add3A_538 : i32 to index
        %get3A_542 = arith.constant 0 : index
        %get3A_543 = tpu.vector_load %arg7[%get3A_540, %get3A_541, %get3A_542] {strides = array<i32>} : memref<8x128x32xi32, #tpu.memory_space<vmem>>, vector<16xi32>,
        %bitcast3A_544 = vector.bitcast %get3A_543 : vector<16xi32> to vector<32xbf16>
        %add3A_545 = arith.addf %add3A_536, %bitcast3A_544 : vector<32xbf16>
        %unpack3A_546 = tpu.unpack_subelements %add3A_545, 0 {pack_format = #tpu.pack_format<interleaved>} : vector<32xbf16> -> vector<16xf32>
        %unpack3A_547 = tpu.unpack_subelements %add3A_545, 1 {pack_format = #tpu.pack_format<interleaved>} : vector<32xbf16> -> vector<16xf32>
        %add3A_548 = arith.addf %add3A_470, %unpack3A_546 : vector<16xf32>
        %add3A_549 = arith.addf %add3A_471, %unpack3A_547 : vector<16xf32>
        %get3A_550 = arith.constant 2 : i32
        %get3A_551 = arith.index_cast %get3A_550 : i32 to index
        %get3A_552 = arith.index_cast %mul3A_512 : i32 to index
        %get3A_553 = arith.constant 16 : index
        %get3A_554 = tpu.vector_load %arg7[%get3A_551, %get3A_552, %get3A_553] {strides = array<i32>} : memref<8x128x32xi32, #tpu.memory_space<vmem>>, vector<16xi32>,
        %bitcast3A_555 = vector.bitcast %get3A_554 : vector<16xi32> to vector<32xbf16>
        %add3A_556 = arith.constant 1 : i32
        %add3A_557 = arith.addi %mul3A_512, %add3A_556 : i32
        %get3A_558 = arith.constant 2 : i32
        %get3A_559 = arith.index_cast %get3A_558 : i32 to index
        %get3A_560 = arith.index_cast %add3A_557 : i32 to index
        %get3A_561 = arith.constant 16 : index
        %get3A_562 = tpu.vector_load %arg7[%get3A_559, %get3A_560, %get3A_561] {strides = array<i32>} : memref<8x128x32xi32, #tpu.memory_space<vmem>>, vector<16xi32>,
        %bitcast3A_563 = vector.bitcast %get3A_562 : vector<16xi32> to vector<32xbf16>
        %add3A_564 = arith.addf %bitcast3A_555, %bitcast3A_563 : vector<32xbf16>
        %add3A_565 = arith.constant 2 : i32
        %add3A_566 = arith.addi %mul3A_512, %add3A_565 : i32
        %get3A_567 = arith.constant 2 : i32
        %get3A_568 = arith.index_cast %get3A_567 : i32 to index
        %get3A_569 = arith.index_cast %add3A_566 : i32 to index
        %get3A_570 = arith.constant 16 : index
        %get3A_571 = tpu.vector_load %arg7[%get3A_568, %get3A_569, %get3A_570] {strides = array<i32>} : memref<8x128x32xi32, #tpu.memory_space<vmem>>, vector<16xi32>,
        %bitcast3A_572 = vector.bitcast %get3A_571 : vector<16xi32> to vector<32xbf16>
        %add3A_573 = arith.addf %add3A_564, %bitcast3A_572 : vector<32xbf16>
        %add3A_574 = arith.constant 3 : i32
        %add3A_575 = arith.addi %mul3A_512, %add3A_574 : i32
        %get3A_576 = arith.constant 2 : i32
        %get3A_577 = arith.index_cast %get3A_576 : i32 to index
        %get3A_578 = arith.index_cast %add3A_575 : i32 to index
        %get3A_579 = arith.constant 16 : index
        %get3A_580 = tpu.vector_load %arg7[%get3A_577, %get3A_578, %get3A_579] {strides = array<i32>} : memref<8x128x32xi32, #tpu.memory_space<vmem>>, vector<16xi32>,
        %bitcast3A_581 = vector.bitcast %get3A_580 : vector<16xi32> to vector<32xbf16>
        %add3A_582 = arith.addf %add3A_573, %bitcast3A_581 : vector<32xbf16>
        %unpack3A_583 = tpu.unpack_subelements %add3A_582, 0 {pack_format = #tpu.pack_format<interleaved>} : vector<32xbf16> -> vector<16xf32>
        %unpack3A_584 = tpu.unpack_subelements %add3A_582, 1 {pack_format = #tpu.pack_format<interleaved>} : vector<32xbf16> -> vector<16xf32>
        %add3A_585 = arith.addf %add3A_507, %unpack3A_583 : vector<16xf32>
        %add3A_586 = arith.addf %add3A_508, %unpack3A_584 : vector<16xf32>
        %scan3A_587 = arith.constant 2 : i32
        %scan3A_588 = arith.addi %scan3A_430, %scan3A_587 : i32
        %mul3A_589 = arith.constant 4 : i32
        %mul3A_590 = arith.muli %scan3A_588, %mul3A_589 : i32
        %get3A_591 = arith.constant 2 : i32
        %get3A_592 = arith.index_cast %get3A_591 : i32 to index
        %get3A_593 = arith.index_cast %mul3A_590 : i32 to index
        %get3A_594 = arith.constant 0 : index
        %get3A_595 = tpu.vector_load %arg7[%get3A_592, %get3A_593, %get3A_594] {strides = array<i32>} : memref<8x128x32xi32, #tpu.memory_space<vmem>>, vector<16xi32>,
        %bitcast3A_596 = vector.bitcast %get3A_595 : vector<16xi32> to vector<32xbf16>
        %add3A_597 = arith.constant 1 : i32
        %add3A_598 = arith.addi %mul3A_590, %add3A_597 : i32
        %get3A_599 = arith.constant 2 : i32
        %get3A_600 = arith.index_cast %get3A_599 : i32 to index
        %get3A_601 = arith.index_cast %add3A_598 : i32 to index
        %get3A_602 = arith.constant 0 : index
        %get3A_603 = tpu.vector_load %arg7[%get3A_600, %get3A_601, %get3A_602] {strides = array<i32>} : memref<8x128x32xi32, #tpu.memory_space<vmem>>, vector<16xi32>,
        %bitcast3A_604 = vector.bitcast %get3A_603 : vector<16xi32> to vector<32xbf16>
        %add3A_605 = arith.addf %bitcast3A_596, %bitcast3A_604 : vector<32xbf16>
        %add3A_606 = arith.constant 2 : i32
        %add3A_607 = arith.addi %mul3A_590, %add3A_606 : i32
        %get3A_608 = arith.constant 2 : i32
        %get3A_609 = arith.index_cast %get3A_608 : i32 to index
        %get3A_610 = arith.index_cast %add3A_607 : i32 to index
        %get3A_611 = arith.constant 0 : index
        %get3A_612 = tpu.vector_load %arg7[%get3A_609, %get3A_610, %get3A_611] {strides = array<i32>} : memref<8x128x32xi32, #tpu.memory_space<vmem>>, vector<16xi32>,
        %bitcast3A_613 = vector.bitcast %get3A_612 : vector<16xi32> to vector<32xbf16>
        %add3A_614 = arith.addf %add3A_605, %bitcast3A_613 : vector<32xbf16>
        %add3A_615 = arith.constant 3 : i32
        %add3A_616 = arith.addi %mul3A_590, %add3A_615 : i32
        %get3A_617 = arith.constant 2 : i32
        %get3A_618 = arith.index_cast %get3A_617 : i32 to index
        %get3A_619 = arith.index_cast %add3A_616 : i32 to index
        %get3A_620 = arith.constant 0 : index
        %get3A_621 = tpu.vector_load %arg7[%get3A_618, %get3A_619, %get3A_620] {strides = array<i32>} : memref<8x128x32xi32, #tpu.memory_space<vmem>>, vector<16xi32>,
        %bitcast3A_622 = vector.bitcast %get3A_621 : vector<16xi32> to vector<32xbf16>
        %add3A_623 = arith.addf %add3A_614, %bitcast3A_622 : vector<32xbf16>
        %unpack3A_624 = tpu.unpack_subelements %add3A_623, 0 {pack_format = #tpu.pack_format<interleaved>} : vector<32xbf16> -> vector<16xf32>
        %unpack3A_625 = tpu.unpack_subelements %add3A_623, 1 {pack_format = #tpu.pack_format<interleaved>} : vector<32xbf16> -> vector<16xf32>
        %add3A_626 = arith.addf %add3A_548, %unpack3A_624 : vector<16xf32>
        %add3A_627 = arith.addf %add3A_549, %unpack3A_625 : vector<16xf32>
        %get3A_628 = arith.constant 2 : i32
        %get3A_629 = arith.index_cast %get3A_628 : i32 to index
        %get3A_630 = arith.index_cast %mul3A_590 : i32 to index
        %get3A_631 = arith.constant 16 : index
        %get3A_632 = tpu.vector_load %arg7[%get3A_629, %get3A_630, %get3A_631] {strides = array<i32>} : memref<8x128x32xi32, #tpu.memory_space<vmem>>, vector<16xi32>,
        %bitcast3A_633 = vector.bitcast %get3A_632 : vector<16xi32> to vector<32xbf16>
        %add3A_634 = arith.constant 1 : i32
        %add3A_635 = arith.addi %mul3A_590, %add3A_634 : i32
        %get3A_636 = arith.constant 2 : i32
        %get3A_637 = arith.index_cast %get3A_636 : i32 to index
        %get3A_638 = arith.index_cast %add3A_635 : i32 to index
        %get3A_639 = arith.constant 16 : index
        %get3A_640 = tpu.vector_load %arg7[%get3A_637, %get3A_638, %get3A_639] {strides = array<i32>} : memref<8x128x32xi32, #tpu.memory_space<vmem>>, vector<16xi32>,
        %bitcast3A_641 = vector.bitcast %get3A_640 : vector<16xi32> to vector<32xbf16>
        %add3A_642 = arith.addf %bitcast3A_633, %bitcast3A_641 : vector<32xbf16>
        %add3A_643 = arith.constant 2 : i32
        %add3A_644 = arith.addi %mul3A_590, %add3A_643 : i32
        %get3A_645 = arith.constant 2 : i32
        %get3A_646 = arith.index_cast %get3A_645 : i32 to index
        %get3A_647 = arith.index_cast %add3A_644 : i32 to index
        %get3A_648 = arith.constant 16 : index
        %get3A_649 = tpu.vector_load %arg7[%get3A_646, %get3A_647, %get3A_648] {strides = array<i32>} : memref<8x128x32xi32, #tpu.memory_space<vmem>>, vector<16xi32>,
        %bitcast3A_650 = vector.bitcast %get3A_649 : vector<16xi32> to vector<32xbf16>
        %add3A_651 = arith.addf %add3A_642, %bitcast3A_650 : vector<32xbf16>
        %add3A_652 = arith.constant 3 : i32
        %add3A_653 = arith.addi %mul3A_590, %add3A_652 : i32
        %get3A_654 = arith.constant 2 : i32
        %get3A_655 = arith.index_cast %get3A_654 : i32 to index
        %get3A_656 = arith.index_cast %add3A_653 : i32 to index
        %get3A_657 = arith.constant 16 : index
        %get3A_658 = tpu.vector_load %arg7[%get3A_655, %get3A_656, %get3A_657] {strides = array<i32>} : memref<8x128x32xi32, #tpu.memory_space<vmem>>, vector<16xi32>,
        %bitcast3A_659 = vector.bitcast %get3A_658 : vector<16xi32> to vector<32xbf16>
        %add3A_660 = arith.addf %add3A_651, %bitcast3A_659 : vector<32xbf16>
        %unpack3A_661 = tpu.unpack_subelements %add3A_660, 0 {pack_format = #tpu.pack_format<interleaved>} : vector<32xbf16> -> vector<16xf32>
        %unpack3A_662 = tpu.unpack_subelements %add3A_660, 1 {pack_format = #tpu.pack_format<interleaved>} : vector<32xbf16> -> vector<16xf32>
        %add3A_663 = arith.addf %add3A_585, %unpack3A_661 : vector<16xf32>
        %add3A_664 = arith.addf %add3A_586, %unpack3A_662 : vector<16xf32>
        %scan3A_665 = arith.constant 3 : i32
        %scan3A_666 = arith.addi %scan3A_430, %scan3A_665 : i32
        %mul3A_667 = arith.constant 4 : i32
        %mul3A_668 = arith.muli %scan3A_666, %mul3A_667 : i32
        %get3A_669 = arith.constant 2 : i32
        %get3A_670 = arith.index_cast %get3A_669 : i32 to index
        %get3A_671 = arith.index_cast %mul3A_668 : i32 to index
        %get3A_672 = arith.constant 0 : index
        %get3A_673 = tpu.vector_load %arg7[%get3A_670, %get3A_671, %get3A_672] {strides = array<i32>} : memref<8x128x32xi32, #tpu.memory_space<vmem>>, vector<16xi32>,
        %bitcast3A_674 = vector.bitcast %get3A_673 : vector<16xi32> to vector<32xbf16>
        %add3A_675 = arith.constant 1 : i32
        %add3A_676 = arith.addi %mul3A_668, %add3A_675 : i32
        %get3A_677 = arith.constant 2 : i32
        %get3A_678 = arith.index_cast %get3A_677 : i32 to index
        %get3A_679 = arith.index_cast %add3A_676 : i32 to index
        %get3A_680 = arith.constant 0 : index
        %get3A_681 = tpu.vector_load %arg7[%get3A_678, %get3A_679, %get3A_680] {strides = array<i32>} : memref<8x128x32xi32, #tpu.memory_space<vmem>>, vector<16xi32>,
        %bitcast3A_682 = vector.bitcast %get3A_681 : vector<16xi32> to vector<32xbf16>
        %add3A_683 = arith.addf %bitcast3A_674, %bitcast3A_682 : vector<32xbf16>
        %add3A_684 = arith.constant 2 : i32
        %add3A_685 = arith.addi %mul3A_668, %add3A_684 : i32
        %get3A_686 = arith.constant 2 : i32
        %get3A_687 = arith.index_cast %get3A_686 : i32 to index
        %get3A_688 = arith.index_cast %add3A_685 : i32 to index
        %get3A_689 = arith.constant 0 : index
        %get3A_690 = tpu.vector_load %arg7[%get3A_687, %get3A_688, %get3A_689] {strides = array<i32>} : memref<8x128x32xi32, #tpu.memory_space<vmem>>, vector<16xi32>,
        %bitcast3A_691 = vector.bitcast %get3A_690 : vector<16xi32> to vector<32xbf16>
        %add3A_692 = arith.addf %add3A_683, %bitcast3A_691 : vector<32xbf16>
        %add3A_693 = arith.constant 3 : i32
        %add3A_694 = arith.addi %mul3A_668, %add3A_693 : i32
        %get3A_695 = arith.constant 2 : i32
        %get3A_696 = arith.index_cast %get3A_695 : i32 to index
        %get3A_697 = arith.index_cast %add3A_694 : i32 to index
        %get3A_698 = arith.constant 0 : index
        %get3A_699 = tpu.vector_load %arg7[%get3A_696, %get3A_697, %get3A_698] {strides = array<i32>} : memref<8x128x32xi32, #tpu.memory_space<vmem>>, vector<16xi32>,
        %bitcast3A_700 = vector.bitcast %get3A_699 : vector<16xi32> to vector<32xbf16>
        %add3A_701 = arith.addf %add3A_692, %bitcast3A_700 : vector<32xbf16>
        %unpack3A_702 = tpu.unpack_subelements %add3A_701, 0 {pack_format = #tpu.pack_format<interleaved>} : vector<32xbf16> -> vector<16xf32>
        %unpack3A_703 = tpu.unpack_subelements %add3A_701, 1 {pack_format = #tpu.pack_format<interleaved>} : vector<32xbf16> -> vector<16xf32>
        %add3A_704 = arith.addf %add3A_626, %unpack3A_702 : vector<16xf32>
        %add3A_705 = arith.addf %add3A_627, %unpack3A_703 : vector<16xf32>
        %get3A_706 = arith.constant 2 : i32
        %get3A_707 = arith.index_cast %get3A_706 : i32 to index
        %get3A_708 = arith.index_cast %mul3A_668 : i32 to index
        %get3A_709 = arith.constant 16 : index
        %get3A_710 = tpu.vector_load %arg7[%get3A_707, %get3A_708, %get3A_709] {strides = array<i32>} : memref<8x128x32xi32, #tpu.memory_space<vmem>>, vector<16xi32>,
        %bitcast3A_711 = vector.bitcast %get3A_710 : vector<16xi32> to vector<32xbf16>
        %add3A_712 = arith.constant 1 : i32
        %add3A_713 = arith.addi %mul3A_668, %add3A_712 : i32
        %get3A_714 = arith.constant 2 : i32
        %get3A_715 = arith.index_cast %get3A_714 : i32 to index
        %get3A_716 = arith.index_cast %add3A_713 : i32 to index
        %get3A_717 = arith.constant 16 : index
        %get3A_718 = tpu.vector_load %arg7[%get3A_715, %get3A_716, %get3A_717] {strides = array<i32>} : memref<8x128x32xi32, #tpu.memory_space<vmem>>, vector<16xi32>,
        %bitcast3A_719 = vector.bitcast %get3A_718 : vector<16xi32> to vector<32xbf16>
        %add3A_720 = arith.addf %bitcast3A_711, %bitcast3A_719 : vector<32xbf16>
        %add3A_721 = arith.constant 2 : i32
        %add3A_722 = arith.addi %mul3A_668, %add3A_721 : i32
        %get3A_723 = arith.constant 2 : i32
        %get3A_724 = arith.index_cast %get3A_723 : i32 to index
        %get3A_725 = arith.index_cast %add3A_722 : i32 to index
        %get3A_726 = arith.constant 16 : index
        %get3A_727 = tpu.vector_load %arg7[%get3A_724, %get3A_725, %get3A_726] {strides = array<i32>} : memref<8x128x32xi32, #tpu.memory_space<vmem>>, vector<16xi32>,
        %bitcast3A_728 = vector.bitcast %get3A_727 : vector<16xi32> to vector<32xbf16>
        %add3A_729 = arith.addf %add3A_720, %bitcast3A_728 : vector<32xbf16>
        %add3A_730 = arith.constant 3 : i32
        %add3A_731 = arith.addi %mul3A_668, %add3A_730 : i32
        %get3A_732 = arith.constant 2 : i32
        %get3A_733 = arith.index_cast %get3A_732 : i32 to index
        %get3A_734 = arith.index_cast %add3A_731 : i32 to index
        %get3A_735 = arith.constant 16 : index
        %get3A_736 = tpu.vector_load %arg7[%get3A_733, %get3A_734, %get3A_735] {strides = array<i32>} : memref<8x128x32xi32, #tpu.memory_space<vmem>>, vector<16xi32>,
        %bitcast3A_737 = vector.bitcast %get3A_736 : vector<16xi32> to vector<32xbf16>
        %add3A_738 = arith.addf %add3A_729, %bitcast3A_737 : vector<32xbf16>
        %unpack3A_739 = tpu.unpack_subelements %add3A_738, 0 {pack_format = #tpu.pack_format<interleaved>} : vector<32xbf16> -> vector<16xf32>
        %unpack3A_740 = tpu.unpack_subelements %add3A_738, 1 {pack_format = #tpu.pack_format<interleaved>} : vector<32xbf16> -> vector<16xf32>
        %add3A_741 = arith.addf %add3A_663, %unpack3A_739 : vector<16xf32>
        %add3A_742 = arith.addf %add3A_664, %unpack3A_740 : vector<16xf32>
        scf.yield %add3A_704, %add3A_705, %add3A_741, %add3A_742 : vector<16xf32>, vector<16xf32>, vector<16xf32>, vector<16xf32>
      }
      %scan3A_199 = arith.constant 32 : i32
      %add3A_200 = arith.constant 1 : i32
      %add3A_201 = arith.addi %scan3A_114, %add3A_200 : i32
      %lt3A_202 = arith.constant 16 : i32
      %lt3A_203 = arith.cmpi slt, %add3A_201, %lt3A_202 : i32
      %convert_element_type3A_204 = arith.extui %lt3A_203 : i1 to i32
      %cond3A_205 = arith.constant 0 : i32
      %cond3A_206 = arith.cmpi ne, %convert_element_type3A_204, %cond3A_205 : i32
      scf.if %cond3A_206 {
        %add3A_430 = arith.constant 8 : i32
        %add3A_431 = arith.addi %add3A_182, %add3A_430 : i32
        %dma_start3A_432 = arith.constant 2 : i32
        %dma_start3A_433 = arith.constant 0 : i32
        %dma_start3A_434 = arith.constant 0 : i32
        %dma_start3A_435 = tpu.memref_slice %arg7[%dma_start3A_432, %dma_start3A_433, %dma_start3A_434] : memref<8x128x32xi32, #tpu.memory_space<vmem>> -> memref<1x128x32xi32, #tpu.memory_space<vmem>>
        %dma_start3A_436 = tpu.memref_squeeze %dma_start3A_435 : memref<1x128x32xi32, #tpu.memory_space<vmem>> -> memref<128x32xi32, #tpu.memory_space<vmem>>
        %dma_start3A_437 = arith.constant 0 : i32
        %dma_start3A_438 = tpu.memref_slice %arg6[%add3A_431, %dma_start3A_437] : memref<128x128xi32, #tpu.memory_space<vmem>> -> memref<1x128xi32, #tpu.memory_space<vmem>>
        %dma_start3A_439 = tpu.memref_squeeze %dma_start3A_438 : memref<1x128xi32, #tpu.memory_space<vmem>> -> memref<128xi32, #tpu.memory_space<vmem>>
        %dma_start3A_440 = arith.constant 0 : i32
        %dma_start3A_441 = arith.constant 0 : i32
        %dma_start3A_442 = tpu.memref_slice %arg3[%dma_start3A_440, %dma_start3A_441] : memref<30720x32xi32, #tpu.memory_space<hbm>> -> memref<30720x32xi32, #tpu.memory_space<hbm>>
        tpu.enqueue_indirect_dma source(%dma_start3A_442 : memref<30720x32xi32, #tpu.memory_space<hbm>>) target(%dma_start3A_436 : memref<128x32xi32, #tpu.memory_space<vmem>>) offsets(%dma_start3A_439 : memref<128xi32, #tpu.memory_space<vmem>>) semaphore(%arg12 : memref<!tpu.dma_semaphore, #tpu.memory_space<semaphore_mem>>)
      } else {
      }
      %mul3A_207 = arith.constant 4 : i32
      %mul3A_208 = arith.muli %add3A_119, %mul3A_207 : i32
      %add3A_209 = arith.constant 3 : i32
      %add3A_210 = arith.addi %mul3A_208, %add3A_209 : i32
      %dma_wait3A_211 = arith.constant 3 : i32
      %dma_wait3A_212 = arith.constant 0 : i32
      %dma_wait3A_213 = arith.constant 0 : i32
      %dma_wait3A_214 = tpu.memref_slice %arg7[%dma_wait3A_211, %dma_wait3A_212, %dma_wait3A_213] : memref<8x128x32xi32, #tpu.memory_space<vmem>> -> memref<1x128x32xi32, #tpu.memory_space<vmem>>
      %dma_wait3A_215 = tpu.memref_squeeze %dma_wait3A_214 : memref<1x128x32xi32, #tpu.memory_space<vmem>> -> memref<128x32xi32, #tpu.memory_space<vmem>>
      %dma_wait3A_216 = arith.constant 0 : i32
      %dma_wait3A_217 = tpu.memref_slice %arg6[%add3A_210, %dma_wait3A_216] : memref<128x128xi32, #tpu.memory_space<vmem>> -> memref<1x128xi32, #tpu.memory_space<vmem>>
      %dma_wait3A_218 = tpu.memref_squeeze %dma_wait3A_217 : memref<1x128xi32, #tpu.memory_space<vmem>> -> memref<128xi32, #tpu.memory_space<vmem>>
      %dma_wait3A_219 = arith.constant 0 : i32
      %dma_wait3A_220 = arith.constant 0 : i32
      %dma_wait3A_221 = tpu.memref_slice %arg3[%dma_wait3A_219, %dma_wait3A_220] : memref<30720x32xi32, #tpu.memory_space<hbm>> -> memref<30720x32xi32, #tpu.memory_space<hbm>>
      tpu.wait_indirect_dma semaphore(%arg13 : memref<!tpu.dma_semaphore, #tpu.memory_space<semaphore_mem>>) src(%dma_wait3A_221 : memref<30720x32xi32, #tpu.memory_space<hbm>>) dst(%dma_wait3A_215 : memref<128x32xi32, #tpu.memory_space<vmem>>)
      %scan3A_222 = arith.constant 0 : i32
      %scan3A_223 = arith.constant 32 : i32
      %scan3A_224 = arith.addi %scan3A_222, %scan3A_223 : i32
      %scan3A_225 = arith.constant 4 : i32
      %scan3A_226:4 = scf.for %scan3A_430 = %scan3A_222 to %scan3A_224 step %scan3A_225 iter_args(%scan3A_431 = %scan3A_198#0, %scan3A_432 = %scan3A_198#1, %scan3A_433 = %scan3A_198#2, %scan3A_434 = %scan3A_198#3) -> (vector<16xf32>, vector<16xf32>, vector<16xf32>, vector<16xf32>)  : i32 {
        %mul3A_435 = arith.constant 4 : i32
        %mul3A_436 = arith.muli %scan3A_430, %mul3A_435 : i32
        %get3A_437 = arith.constant 3 : i32
        %get3A_438 = arith.index_cast %get3A_437 : i32 to index
        %get3A_439 = arith.index_cast %mul3A_436 : i32 to index
        %get3A_440 = arith.constant 0 : index
        %get3A_441 = tpu.vector_load %arg7[%get3A_438, %get3A_439, %get3A_440] {strides = array<i32>} : memref<8x128x32xi32, #tpu.memory_space<vmem>>, vector<16xi32>,
        %bitcast3A = vector.bitcast %get3A_441 : vector<16xi32> to vector<32xbf16>
        %add3A_442 = arith.constant 1 : i32
        %add3A_443 = arith.addi %mul3A_436, %add3A_442 : i32
        %get3A_444 = arith.constant 3 : i32
        %get3A_445 = arith.index_cast %get3A_444 : i32 to index
        %get3A_446 = arith.index_cast %add3A_443 : i32 to index
        %get3A_447 = arith.constant 0 : index
        %get3A_448 = tpu.vector_load %arg7[%get3A_445, %get3A_446, %get3A_447] {strides = array<i32>} : memref<8x128x32xi32, #tpu.memory_space<vmem>>, vector<16xi32>,
        %bitcast3A_449 = vector.bitcast %get3A_448 : vector<16xi32> to vector<32xbf16>
        %add3A_450 = arith.addf %bitcast3A, %bitcast3A_449 : vector<32xbf16>
        %add3A_451 = arith.constant 2 : i32
        %add3A_452 = arith.addi %mul3A_436, %add3A_451 : i32
        %get3A_453 = arith.constant 3 : i32
        %get3A_454 = arith.index_cast %get3A_453 : i32 to index
        %get3A_455 = arith.index_cast %add3A_452 : i32 to index
        %get3A_456 = arith.constant 0 : index
        %get3A_457 = tpu.vector_load %arg7[%get3A_454, %get3A_455, %get3A_456] {strides = array<i32>} : memref<8x128x32xi32, #tpu.memory_space<vmem>>, vector<16xi32>,
        %bitcast3A_458 = vector.bitcast %get3A_457 : vector<16xi32> to vector<32xbf16>
        %add3A_459 = arith.addf %add3A_450, %bitcast3A_458 : vector<32xbf16>
        %add3A_460 = arith.constant 3 : i32
        %add3A_461 = arith.addi %mul3A_436, %add3A_460 : i32
        %get3A_462 = arith.constant 3 : i32
        %get3A_463 = arith.index_cast %get3A_462 : i32 to index
        %get3A_464 = arith.index_cast %add3A_461 : i32 to index
        %get3A_465 = arith.constant 0 : index
        %get3A_466 = tpu.vector_load %arg7[%get3A_463, %get3A_464, %get3A_465] {strides = array<i32>} : memref<8x128x32xi32, #tpu.memory_space<vmem>>, vector<16xi32>,
        %bitcast3A_467 = vector.bitcast %get3A_466 : vector<16xi32> to vector<32xbf16>
        %add3A_468 = arith.addf %add3A_459, %bitcast3A_467 : vector<32xbf16>
        %unpack3A = tpu.unpack_subelements %add3A_468, 0 {pack_format = #tpu.pack_format<interleaved>} : vector<32xbf16> -> vector<16xf32>
        %unpack3A_469 = tpu.unpack_subelements %add3A_468, 1 {pack_format = #tpu.pack_format<interleaved>} : vector<32xbf16> -> vector<16xf32>
        %add3A_470 = arith.addf %scan3A_431, %unpack3A : vector<16xf32>
        %add3A_471 = arith.addf %scan3A_432, %unpack3A_469 : vector<16xf32>
        %get3A_472 = arith.constant 3 : i32
        %get3A_473 = arith.index_cast %get3A_472 : i32 to index
        %get3A_474 = arith.index_cast %mul3A_436 : i32 to index
        %get3A_475 = arith.constant 16 : index
        %get3A_476 = tpu.vector_load %arg7[%get3A_473, %get3A_474, %get3A_475] {strides = array<i32>} : memref<8x128x32xi32, #tpu.memory_space<vmem>>, vector<16xi32>,
        %bitcast3A_477 = vector.bitcast %get3A_476 : vector<16xi32> to vector<32xbf16>
        %add3A_478 = arith.constant 1 : i32
        %add3A_479 = arith.addi %mul3A_436, %add3A_478 : i32
        %get3A_480 = arith.constant 3 : i32
        %get3A_481 = arith.index_cast %get3A_480 : i32 to index
        %get3A_482 = arith.index_cast %add3A_479 : i32 to index
        %get3A_483 = arith.constant 16 : index
        %get3A_484 = tpu.vector_load %arg7[%get3A_481, %get3A_482, %get3A_483] {strides = array<i32>} : memref<8x128x32xi32, #tpu.memory_space<vmem>>, vector<16xi32>,
        %bitcast3A_485 = vector.bitcast %get3A_484 : vector<16xi32> to vector<32xbf16>
        %add3A_486 = arith.addf %bitcast3A_477, %bitcast3A_485 : vector<32xbf16>
        %add3A_487 = arith.constant 2 : i32
        %add3A_488 = arith.addi %mul3A_436, %add3A_487 : i32
        %get3A_489 = arith.constant 3 : i32
        %get3A_490 = arith.index_cast %get3A_489 : i32 to index
        %get3A_491 = arith.index_cast %add3A_488 : i32 to index
        %get3A_492 = arith.constant 16 : index
        %get3A_493 = tpu.vector_load %arg7[%get3A_490, %get3A_491, %get3A_492] {strides = array<i32>} : memref<8x128x32xi32, #tpu.memory_space<vmem>>, vector<16xi32>,
        %bitcast3A_494 = vector.bitcast %get3A_493 : vector<16xi32> to vector<32xbf16>
        %add3A_495 = arith.addf %add3A_486, %bitcast3A_494 : vector<32xbf16>
        %add3A_496 = arith.constant 3 : i32
        %add3A_497 = arith.addi %mul3A_436, %add3A_496 : i32
        %get3A_498 = arith.constant 3 : i32
        %get3A_499 = arith.index_cast %get3A_498 : i32 to index
        %get3A_500 = arith.index_cast %add3A_497 : i32 to index
        %get3A_501 = arith.constant 16 : index
        %get3A_502 = tpu.vector_load %arg7[%get3A_499, %get3A_500, %get3A_501] {strides = array<i32>} : memref<8x128x32xi32, #tpu.memory_space<vmem>>, vector<16xi32>,
        %bitcast3A_503 = vector.bitcast %get3A_502 : vector<16xi32> to vector<32xbf16>
        %add3A_504 = arith.addf %add3A_495, %bitcast3A_503 : vector<32xbf16>
        %unpack3A_505 = tpu.unpack_subelements %add3A_504, 0 {pack_format = #tpu.pack_format<interleaved>} : vector<32xbf16> -> vector<16xf32>
        %unpack3A_506 = tpu.unpack_subelements %add3A_504, 1 {pack_format = #tpu.pack_format<interleaved>} : vector<32xbf16> -> vector<16xf32>
        %add3A_507 = arith.addf %scan3A_433, %unpack3A_505 : vector<16xf32>
        %add3A_508 = arith.addf %scan3A_434, %unpack3A_506 : vector<16xf32>
        %scan3A_509 = arith.constant 1 : i32
        %scan3A_510 = arith.addi %scan3A_430, %scan3A_509 : i32
        %mul3A_511 = arith.constant 4 : i32
        %mul3A_512 = arith.muli %scan3A_510, %mul3A_511 : i32
        %get3A_513 = arith.constant 3 : i32
        %get3A_514 = arith.index_cast %get3A_513 : i32 to index
        %get3A_515 = arith.index_cast %mul3A_512 : i32 to index
        %get3A_516 = arith.constant 0 : index
        %get3A_517 = tpu.vector_load %arg7[%get3A_514, %get3A_515, %get3A_516] {strides = array<i32>} : memref<8x128x32xi32, #tpu.memory_space<vmem>>, vector<16xi32>,
        %bitcast3A_518 = vector.bitcast %get3A_517 : vector<16xi32> to vector<32xbf16>
        %add3A_519 = arith.constant 1 : i32
        %add3A_520 = arith.addi %mul3A_512, %add3A_519 : i32
        %get3A_521 = arith.constant 3 : i32
        %get3A_522 = arith.index_cast %get3A_521 : i32 to index
        %get3A_523 = arith.index_cast %add3A_520 : i32 to index
        %get3A_524 = arith.constant 0 : index
        %get3A_525 = tpu.vector_load %arg7[%get3A_522, %get3A_523, %get3A_524] {strides = array<i32>} : memref<8x128x32xi32, #tpu.memory_space<vmem>>, vector<16xi32>,
        %bitcast3A_526 = vector.bitcast %get3A_525 : vector<16xi32> to vector<32xbf16>
        %add3A_527 = arith.addf %bitcast3A_518, %bitcast3A_526 : vector<32xbf16>
        %add3A_528 = arith.constant 2 : i32
        %add3A_529 = arith.addi %mul3A_512, %add3A_528 : i32
        %get3A_530 = arith.constant 3 : i32
        %get3A_531 = arith.index_cast %get3A_530 : i32 to index
        %get3A_532 = arith.index_cast %add3A_529 : i32 to index
        %get3A_533 = arith.constant 0 : index
        %get3A_534 = tpu.vector_load %arg7[%get3A_531, %get3A_532, %get3A_533] {strides = array<i32>} : memref<8x128x32xi32, #tpu.memory_space<vmem>>, vector<16xi32>,
        %bitcast3A_535 = vector.bitcast %get3A_534 : vector<16xi32> to vector<32xbf16>
        %add3A_536 = arith.addf %add3A_527, %bitcast3A_535 : vector<32xbf16>
        %add3A_537 = arith.constant 3 : i32
        %add3A_538 = arith.addi %mul3A_512, %add3A_537 : i32
        %get3A_539 = arith.constant 3 : i32
        %get3A_540 = arith.index_cast %get3A_539 : i32 to index
        %get3A_541 = arith.index_cast %add3A_538 : i32 to index
        %get3A_542 = arith.constant 0 : index
        %get3A_543 = tpu.vector_load %arg7[%get3A_540, %get3A_541, %get3A_542] {strides = array<i32>} : memref<8x128x32xi32, #tpu.memory_space<vmem>>, vector<16xi32>,
        %bitcast3A_544 = vector.bitcast %get3A_543 : vector<16xi32> to vector<32xbf16>
        %add3A_545 = arith.addf %add3A_536, %bitcast3A_544 : vector<32xbf16>
        %unpack3A_546 = tpu.unpack_subelements %add3A_545, 0 {pack_format = #tpu.pack_format<interleaved>} : vector<32xbf16> -> vector<16xf32>
        %unpack3A_547 = tpu.unpack_subelements %add3A_545, 1 {pack_format = #tpu.pack_format<interleaved>} : vector<32xbf16> -> vector<16xf32>
        %add3A_548 = arith.addf %add3A_470, %unpack3A_546 : vector<16xf32>
        %add3A_549 = arith.addf %add3A_471, %unpack3A_547 : vector<16xf32>
        %get3A_550 = arith.constant 3 : i32
        %get3A_551 = arith.index_cast %get3A_550 : i32 to index
        %get3A_552 = arith.index_cast %mul3A_512 : i32 to index
        %get3A_553 = arith.constant 16 : index
        %get3A_554 = tpu.vector_load %arg7[%get3A_551, %get3A_552, %get3A_553] {strides = array<i32>} : memref<8x128x32xi32, #tpu.memory_space<vmem>>, vector<16xi32>,
        %bitcast3A_555 = vector.bitcast %get3A_554 : vector<16xi32> to vector<32xbf16>
        %add3A_556 = arith.constant 1 : i32
        %add3A_557 = arith.addi %mul3A_512, %add3A_556 : i32
        %get3A_558 = arith.constant 3 : i32
        %get3A_559 = arith.index_cast %get3A_558 : i32 to index
        %get3A_560 = arith.index_cast %add3A_557 : i32 to index
        %get3A_561 = arith.constant 16 : index
        %get3A_562 = tpu.vector_load %arg7[%get3A_559, %get3A_560, %get3A_561] {strides = array<i32>} : memref<8x128x32xi32, #tpu.memory_space<vmem>>, vector<16xi32>,
        %bitcast3A_563 = vector.bitcast %get3A_562 : vector<16xi32> to vector<32xbf16>
        %add3A_564 = arith.addf %bitcast3A_555, %bitcast3A_563 : vector<32xbf16>
        %add3A_565 = arith.constant 2 : i32
        %add3A_566 = arith.addi %mul3A_512, %add3A_565 : i32
        %get3A_567 = arith.constant 3 : i32
        %get3A_568 = arith.index_cast %get3A_567 : i32 to index
        %get3A_569 = arith.index_cast %add3A_566 : i32 to index
        %get3A_570 = arith.constant 16 : index
        %get3A_571 = tpu.vector_load %arg7[%get3A_568, %get3A_569, %get3A_570] {strides = array<i32>} : memref<8x128x32xi32, #tpu.memory_space<vmem>>, vector<16xi32>,
        %bitcast3A_572 = vector.bitcast %get3A_571 : vector<16xi32> to vector<32xbf16>
        %add3A_573 = arith.addf %add3A_564, %bitcast3A_572 : vector<32xbf16>
        %add3A_574 = arith.constant 3 : i32
        %add3A_575 = arith.addi %mul3A_512, %add3A_574 : i32
        %get3A_576 = arith.constant 3 : i32
        %get3A_577 = arith.index_cast %get3A_576 : i32 to index
        %get3A_578 = arith.index_cast %add3A_575 : i32 to index
        %get3A_579 = arith.constant 16 : index
        %get3A_580 = tpu.vector_load %arg7[%get3A_577, %get3A_578, %get3A_579] {strides = array<i32>} : memref<8x128x32xi32, #tpu.memory_space<vmem>>, vector<16xi32>,
        %bitcast3A_581 = vector.bitcast %get3A_580 : vector<16xi32> to vector<32xbf16>
        %add3A_582 = arith.addf %add3A_573, %bitcast3A_581 : vector<32xbf16>
        %unpack3A_583 = tpu.unpack_subelements %add3A_582, 0 {pack_format = #tpu.pack_format<interleaved>} : vector<32xbf16> -> vector<16xf32>
        %unpack3A_584 = tpu.unpack_subelements %add3A_582, 1 {pack_format = #tpu.pack_format<interleaved>} : vector<32xbf16> -> vector<16xf32>
        %add3A_585 = arith.addf %add3A_507, %unpack3A_583 : vector<16xf32>
        %add3A_586 = arith.addf %add3A_508, %unpack3A_584 : vector<16xf32>
        %scan3A_587 = arith.constant 2 : i32
        %scan3A_588 = arith.addi %scan3A_430, %scan3A_587 : i32
        %mul3A_589 = arith.constant 4 : i32
        %mul3A_590 = arith.muli %scan3A_588, %mul3A_589 : i32
        %get3A_591 = arith.constant 3 : i32
        %get3A_592 = arith.index_cast %get3A_591 : i32 to index
        %get3A_593 = arith.index_cast %mul3A_590 : i32 to index
        %get3A_594 = arith.constant 0 : index
        %get3A_595 = tpu.vector_load %arg7[%get3A_592, %get3A_593, %get3A_594] {strides = array<i32>} : memref<8x128x32xi32, #tpu.memory_space<vmem>>, vector<16xi32>,
        %bitcast3A_596 = vector.bitcast %get3A_595 : vector<16xi32> to vector<32xbf16>
        %add3A_597 = arith.constant 1 : i32
        %add3A_598 = arith.addi %mul3A_590, %add3A_597 : i32
        %get3A_599 = arith.constant 3 : i32
        %get3A_600 = arith.index_cast %get3A_599 : i32 to index
        %get3A_601 = arith.index_cast %add3A_598 : i32 to index
        %get3A_602 = arith.constant 0 : index
        %get3A_603 = tpu.vector_load %arg7[%get3A_600, %get3A_601, %get3A_602] {strides = array<i32>} : memref<8x128x32xi32, #tpu.memory_space<vmem>>, vector<16xi32>,
        %bitcast3A_604 = vector.bitcast %get3A_603 : vector<16xi32> to vector<32xbf16>
        %add3A_605 = arith.addf %bitcast3A_596, %bitcast3A_604 : vector<32xbf16>
        %add3A_606 = arith.constant 2 : i32
        %add3A_607 = arith.addi %mul3A_590, %add3A_606 : i32
        %get3A_608 = arith.constant 3 : i32
        %get3A_609 = arith.index_cast %get3A_608 : i32 to index
        %get3A_610 = arith.index_cast %add3A_607 : i32 to index
        %get3A_611 = arith.constant 0 : index
        %get3A_612 = tpu.vector_load %arg7[%get3A_609, %get3A_610, %get3A_611] {strides = array<i32>} : memref<8x128x32xi32, #tpu.memory_space<vmem>>, vector<16xi32>,
        %bitcast3A_613 = vector.bitcast %get3A_612 : vector<16xi32> to vector<32xbf16>
        %add3A_614 = arith.addf %add3A_605, %bitcast3A_613 : vector<32xbf16>
        %add3A_615 = arith.constant 3 : i32
        %add3A_616 = arith.addi %mul3A_590, %add3A_615 : i32
        %get3A_617 = arith.constant 3 : i32
        %get3A_618 = arith.index_cast %get3A_617 : i32 to index
        %get3A_619 = arith.index_cast %add3A_616 : i32 to index
        %get3A_620 = arith.constant 0 : index
        %get3A_621 = tpu.vector_load %arg7[%get3A_618, %get3A_619, %get3A_620] {strides = array<i32>} : memref<8x128x32xi32, #tpu.memory_space<vmem>>, vector<16xi32>,
        %bitcast3A_622 = vector.bitcast %get3A_621 : vector<16xi32> to vector<32xbf16>
        %add3A_623 = arith.addf %add3A_614, %bitcast3A_622 : vector<32xbf16>
        %unpack3A_624 = tpu.unpack_subelements %add3A_623, 0 {pack_format = #tpu.pack_format<interleaved>} : vector<32xbf16> -> vector<16xf32>
        %unpack3A_625 = tpu.unpack_subelements %add3A_623, 1 {pack_format = #tpu.pack_format<interleaved>} : vector<32xbf16> -> vector<16xf32>
        %add3A_626 = arith.addf %add3A_548, %unpack3A_624 : vector<16xf32>
        %add3A_627 = arith.addf %add3A_549, %unpack3A_625 : vector<16xf32>
        %get3A_628 = arith.constant 3 : i32
        %get3A_629 = arith.index_cast %get3A_628 : i32 to index
        %get3A_630 = arith.index_cast %mul3A_590 : i32 to index
        %get3A_631 = arith.constant 16 : index
        %get3A_632 = tpu.vector_load %arg7[%get3A_629, %get3A_630, %get3A_631] {strides = array<i32>} : memref<8x128x32xi32, #tpu.memory_space<vmem>>, vector<16xi32>,
        %bitcast3A_633 = vector.bitcast %get3A_632 : vector<16xi32> to vector<32xbf16>
        %add3A_634 = arith.constant 1 : i32
        %add3A_635 = arith.addi %mul3A_590, %add3A_634 : i32
        %get3A_636 = arith.constant 3 : i32
        %get3A_637 = arith.index_cast %get3A_636 : i32 to index
        %get3A_638 = arith.index_cast %add3A_635 : i32 to index
        %get3A_639 = arith.constant 16 : index
        %get3A_640 = tpu.vector_load %arg7[%get3A_637, %get3A_638, %get3A_639] {strides = array<i32>} : memref<8x128x32xi32, #tpu.memory_space<vmem>>, vector<16xi32>,
        %bitcast3A_641 = vector.bitcast %get3A_640 : vector<16xi32> to vector<32xbf16>
        %add3A_642 = arith.addf %bitcast3A_633, %bitcast3A_641 : vector<32xbf16>
        %add3A_643 = arith.constant 2 : i32
        %add3A_644 = arith.addi %mul3A_590, %add3A_643 : i32
        %get3A_645 = arith.constant 3 : i32
        %get3A_646 = arith.index_cast %get3A_645 : i32 to index
        %get3A_647 = arith.index_cast %add3A_644 : i32 to index
        %get3A_648 = arith.constant 16 : index
        %get3A_649 = tpu.vector_load %arg7[%get3A_646, %get3A_647, %get3A_648] {strides = array<i32>} : memref<8x128x32xi32, #tpu.memory_space<vmem>>, vector<16xi32>,
        %bitcast3A_650 = vector.bitcast %get3A_649 : vector<16xi32> to vector<32xbf16>
        %add3A_651 = arith.addf %add3A_642, %bitcast3A_650 : vector<32xbf16>
        %add3A_652 = arith.constant 3 : i32
        %add3A_653 = arith.addi %mul3A_590, %add3A_652 : i32
        %get3A_654 = arith.constant 3 : i32
        %get3A_655 = arith.index_cast %get3A_654 : i32 to index
        %get3A_656 = arith.index_cast %add3A_653 : i32 to index
        %get3A_657 = arith.constant 16 : index
        %get3A_658 = tpu.vector_load %arg7[%get3A_655, %get3A_656, %get3A_657] {strides = array<i32>} : memref<8x128x32xi32, #tpu.memory_space<vmem>>, vector<16xi32>,
        %bitcast3A_659 = vector.bitcast %get3A_658 : vector<16xi32> to vector<32xbf16>
        %add3A_660 = arith.addf %add3A_651, %bitcast3A_659 : vector<32xbf16>
        %unpack3A_661 = tpu.unpack_subelements %add3A_660, 0 {pack_format = #tpu.pack_format<interleaved>} : vector<32xbf16> -> vector<16xf32>
        %unpack3A_662 = tpu.unpack_subelements %add3A_660, 1 {pack_format = #tpu.pack_format<interleaved>} : vector<32xbf16> -> vector<16xf32>
        %add3A_663 = arith.addf %add3A_585, %unpack3A_661 : vector<16xf32>
        %add3A_664 = arith.addf %add3A_586, %unpack3A_662 : vector<16xf32>
        %scan3A_665 = arith.constant 3 : i32
        %scan3A_666 = arith.addi %scan3A_430, %scan3A_665 : i32
        %mul3A_667 = arith.constant 4 : i32
        %mul3A_668 = arith.muli %scan3A_666, %mul3A_667 : i32
        %get3A_669 = arith.constant 3 : i32
        %get3A_670 = arith.index_cast %get3A_669 : i32 to index
        %get3A_671 = arith.index_cast %mul3A_668 : i32 to index
        %get3A_672 = arith.constant 0 : index
        %get3A_673 = tpu.vector_load %arg7[%get3A_670, %get3A_671, %get3A_672] {strides = array<i32>} : memref<8x128x32xi32, #tpu.memory_space<vmem>>, vector<16xi32>,
        %bitcast3A_674 = vector.bitcast %get3A_673 : vector<16xi32> to vector<32xbf16>
        %add3A_675 = arith.constant 1 : i32
        %add3A_676 = arith.addi %mul3A_668, %add3A_675 : i32
        %get3A_677 = arith.constant 3 : i32
        %get3A_678 = arith.index_cast %get3A_677 : i32 to index
        %get3A_679 = arith.index_cast %add3A_676 : i32 to index
        %get3A_680 = arith.constant 0 : index
        %get3A_681 = tpu.vector_load %arg7[%get3A_678, %get3A_679, %get3A_680] {strides = array<i32>} : memref<8x128x32xi32, #tpu.memory_space<vmem>>, vector<16xi32>,
        %bitcast3A_682 = vector.bitcast %get3A_681 : vector<16xi32> to vector<32xbf16>
        %add3A_683 = arith.addf %bitcast3A_674, %bitcast3A_682 : vector<32xbf16>
        %add3A_684 = arith.constant 2 : i32
        %add3A_685 = arith.addi %mul3A_668, %add3A_684 : i32
        %get3A_686 = arith.constant 3 : i32
        %get3A_687 = arith.index_cast %get3A_686 : i32 to index
        %get3A_688 = arith.index_cast %add3A_685 : i32 to index
        %get3A_689 = arith.constant 0 : index
        %get3A_690 = tpu.vector_load %arg7[%get3A_687, %get3A_688, %get3A_689] {strides = array<i32>} : memref<8x128x32xi32, #tpu.memory_space<vmem>>, vector<16xi32>,
        %bitcast3A_691 = vector.bitcast %get3A_690 : vector<16xi32> to vector<32xbf16>
        %add3A_692 = arith.addf %add3A_683, %bitcast3A_691 : vector<32xbf16>
        %add3A_693 = arith.constant 3 : i32
        %add3A_694 = arith.addi %mul3A_668, %add3A_693 : i32
        %get3A_695 = arith.constant 3 : i32
        %get3A_696 = arith.index_cast %get3A_695 : i32 to index
        %get3A_697 = arith.index_cast %add3A_694 : i32 to index
        %get3A_698 = arith.constant 0 : index
        %get3A_699 = tpu.vector_load %arg7[%get3A_696, %get3A_697, %get3A_698] {strides = array<i32>} : memref<8x128x32xi32, #tpu.memory_space<vmem>>, vector<16xi32>,
        %bitcast3A_700 = vector.bitcast %get3A_699 : vector<16xi32> to vector<32xbf16>
        %add3A_701 = arith.addf %add3A_692, %bitcast3A_700 : vector<32xbf16>
        %unpack3A_702 = tpu.unpack_subelements %add3A_701, 0 {pack_format = #tpu.pack_format<interleaved>} : vector<32xbf16> -> vector<16xf32>
        %unpack3A_703 = tpu.unpack_subelements %add3A_701, 1 {pack_format = #tpu.pack_format<interleaved>} : vector<32xbf16> -> vector<16xf32>
        %add3A_704 = arith.addf %add3A_626, %unpack3A_702 : vector<16xf32>
        %add3A_705 = arith.addf %add3A_627, %unpack3A_703 : vector<16xf32>
        %get3A_706 = arith.constant 3 : i32
        %get3A_707 = arith.index_cast %get3A_706 : i32 to index
        %get3A_708 = arith.index_cast %mul3A_668 : i32 to index
        %get3A_709 = arith.constant 16 : index
        %get3A_710 = tpu.vector_load %arg7[%get3A_707, %get3A_708, %get3A_709] {strides = array<i32>} : memref<8x128x32xi32, #tpu.memory_space<vmem>>, vector<16xi32>,
        %bitcast3A_711 = vector.bitcast %get3A_710 : vector<16xi32> to vector<32xbf16>
        %add3A_712 = arith.constant 1 : i32
        %add3A_713 = arith.addi %mul3A_668, %add3A_712 : i32
        %get3A_714 = arith.constant 3 : i32
        %get3A_715 = arith.index_cast %get3A_714 : i32 to index
        %get3A_716 = arith.index_cast %add3A_713 : i32 to index
        %get3A_717 = arith.constant 16 : index
        %get3A_718 = tpu.vector_load %arg7[%get3A_715, %get3A_716, %get3A_717] {strides = array<i32>} : memref<8x128x32xi32, #tpu.memory_space<vmem>>, vector<16xi32>,
        %bitcast3A_719 = vector.bitcast %get3A_718 : vector<16xi32> to vector<32xbf16>
        %add3A_720 = arith.addf %bitcast3A_711, %bitcast3A_719 : vector<32xbf16>
        %add3A_721 = arith.constant 2 : i32
        %add3A_722 = arith.addi %mul3A_668, %add3A_721 : i32
        %get3A_723 = arith.constant 3 : i32
        %get3A_724 = arith.index_cast %get3A_723 : i32 to index
        %get3A_725 = arith.index_cast %add3A_722 : i32 to index
        %get3A_726 = arith.constant 16 : index
        %get3A_727 = tpu.vector_load %arg7[%get3A_724, %get3A_725, %get3A_726] {strides = array<i32>} : memref<8x128x32xi32, #tpu.memory_space<vmem>>, vector<16xi32>,
        %bitcast3A_728 = vector.bitcast %get3A_727 : vector<16xi32> to vector<32xbf16>
        %add3A_729 = arith.addf %add3A_720, %bitcast3A_728 : vector<32xbf16>
        %add3A_730 = arith.constant 3 : i32
        %add3A_731 = arith.addi %mul3A_668, %add3A_730 : i32
        %get3A_732 = arith.constant 3 : i32
        %get3A_733 = arith.index_cast %get3A_732 : i32 to index
        %get3A_734 = arith.index_cast %add3A_731 : i32 to index
        %get3A_735 = arith.constant 16 : index
        %get3A_736 = tpu.vector_load %arg7[%get3A_733, %get3A_734, %get3A_735] {strides = array<i32>} : memref<8x128x32xi32, #tpu.memory_space<vmem>>, vector<16xi32>,
        %bitcast3A_737 = vector.bitcast %get3A_736 : vector<16xi32> to vector<32xbf16>
        %add3A_738 = arith.addf %add3A_729, %bitcast3A_737 : vector<32xbf16>
        %unpack3A_739 = tpu.unpack_subelements %add3A_738, 0 {pack_format = #tpu.pack_format<interleaved>} : vector<32xbf16> -> vector<16xf32>
        %unpack3A_740 = tpu.unpack_subelements %add3A_738, 1 {pack_format = #tpu.pack_format<interleaved>} : vector<32xbf16> -> vector<16xf32>
        %add3A_741 = arith.addf %add3A_663, %unpack3A_739 : vector<16xf32>
        %add3A_742 = arith.addf %add3A_664, %unpack3A_740 : vector<16xf32>
        scf.yield %add3A_704, %add3A_705, %add3A_741, %add3A_742 : vector<16xf32>, vector<16xf32>, vector<16xf32>, vector<16xf32>
      }
      %scan3A_227 = arith.constant 32 : i32
      %add3A_228 = arith.constant 1 : i32
      %add3A_229 = arith.addi %scan3A_114, %add3A_228 : i32
      %lt3A_230 = arith.constant 16 : i32
      %lt3A_231 = arith.cmpi slt, %add3A_229, %lt3A_230 : i32
      %convert_element_type3A_232 = arith.extui %lt3A_231 : i1 to i32
      %cond3A_233 = arith.constant 0 : i32
      %cond3A_234 = arith.cmpi ne, %convert_element_type3A_232, %cond3A_233 : i32
      scf.if %cond3A_234 {
        %add3A_430 = arith.constant 8 : i32
        %add3A_431 = arith.addi %add3A_210, %add3A_430 : i32
        %dma_start3A_432 = arith.constant 3 : i32
        %dma_start3A_433 = arith.constant 0 : i32
        %dma_start3A_434 = arith.constant 0 : i32
        %dma_start3A_435 = tpu.memref_slice %arg7[%dma_start3A_432, %dma_start3A_433, %dma_start3A_434] : memref<8x128x32xi32, #tpu.memory_space<vmem>> -> memref<1x128x32xi32, #tpu.memory_space<vmem>>
        %dma_start3A_436 = tpu.memref_squeeze %dma_start3A_435 : memref<1x128x32xi32, #tpu.memory_space<vmem>> -> memref<128x32xi32, #tpu.memory_space<vmem>>
        %dma_start3A_437 = arith.constant 0 : i32
        %dma_start3A_438 = tpu.memref_slice %arg6[%add3A_431, %dma_start3A_437] : memref<128x128xi32, #tpu.memory_space<vmem>> -> memref<1x128xi32, #tpu.memory_space<vmem>>
        %dma_start3A_439 = tpu.memref_squeeze %dma_start3A_438 : memref<1x128xi32, #tpu.memory_space<vmem>> -> memref<128xi32, #tpu.memory_space<vmem>>
        %dma_start3A_440 = arith.constant 0 : i32
        %dma_start3A_441 = arith.constant 0 : i32
        %dma_start3A_442 = tpu.memref_slice %arg3[%dma_start3A_440, %dma_start3A_441] : memref<30720x32xi32, #tpu.memory_space<hbm>> -> memref<30720x32xi32, #tpu.memory_space<hbm>>
        tpu.enqueue_indirect_dma source(%dma_start3A_442 : memref<30720x32xi32, #tpu.memory_space<hbm>>) target(%dma_start3A_436 : memref<128x32xi32, #tpu.memory_space<vmem>>) offsets(%dma_start3A_439 : memref<128xi32, #tpu.memory_space<vmem>>) semaphore(%arg13 : memref<!tpu.dma_semaphore, #tpu.memory_space<semaphore_mem>>)
      } else {
      }
      %mul3A_235 = vector.broadcast %scan3A : f32 to vector<16xf32>
      %mul3A_236 = arith.mulf %scan3A_226#0, %mul3A_235 : vector<16xf32>
      %add3A_237 = arith.addf %mul3A_236, %get3A_98 : vector<16xf32>
      %max3A = arith.constant 0.000000e+00 : f32
      %max3A_238 = vector.broadcast %max3A : f32 to vector<16xf32>
      %max3A_239 = arith.maximumf %add3A_237, %max3A_238 : vector<16xf32>
      %swap3A = arith.index_cast %add3A_119 : i32 to index
      %swap3A_240 = arith.constant 0 : index
      %swap3A_241 = tpu.vector_load %arg8[%swap3A, %swap3A_240] {strides = array<i32>} : memref<32x64xf32, #tpu.memory_space<vmem>>, vector<16xf32>,
      tpu.vector_store %arg8[%swap3A, %swap3A_240], %max3A_239 {strides = array<i32>} : memref<32x64xf32, #tpu.memory_space<vmem>>, vector<16xf32>,
      %mul3A_242 = vector.broadcast %scan3A : f32 to vector<16xf32>
      %mul3A_243 = arith.mulf %scan3A_226#1, %mul3A_242 : vector<16xf32>
      %add3A_244 = arith.addf %mul3A_243, %get3A_100 : vector<16xf32>
      %max3A_245 = arith.constant 0.000000e+00 : f32
      %max3A_246 = vector.broadcast %max3A_245 : f32 to vector<16xf32>
      %max3A_247 = arith.maximumf %add3A_244, %max3A_246 : vector<16xf32>
      %swap3A_248 = arith.index_cast %add3A_119 : i32 to index
      %swap3A_249 = arith.constant 32 : index
      %swap3A_250 = tpu.vector_load %arg8[%swap3A_248, %swap3A_249] {strides = array<i32>} : memref<32x64xf32, #tpu.memory_space<vmem>>, vector<16xf32>,
      tpu.vector_store %arg8[%swap3A_248, %swap3A_249], %max3A_247 {strides = array<i32>} : memref<32x64xf32, #tpu.memory_space<vmem>>, vector<16xf32>,
      %mul3A_251 = vector.broadcast %scan3A : f32 to vector<16xf32>
      %mul3A_252 = arith.mulf %scan3A_226#2, %mul3A_251 : vector<16xf32>
      %add3A_253 = arith.addf %mul3A_252, %get3A_102 : vector<16xf32>
      %max3A_254 = arith.constant 0.000000e+00 : f32
      %max3A_255 = vector.broadcast %max3A_254 : f32 to vector<16xf32>
      %max3A_256 = arith.maximumf %add3A_253, %max3A_255 : vector<16xf32>
      %swap3A_257 = arith.index_cast %add3A_119 : i32 to index
      %swap3A_258 = arith.constant 16 : index
      %swap3A_259 = tpu.vector_load %arg8[%swap3A_257, %swap3A_258] {strides = array<i32>} : memref<32x64xf32, #tpu.memory_space<vmem>>, vector<16xf32>,
      tpu.vector_store %arg8[%swap3A_257, %swap3A_258], %max3A_256 {strides = array<i32>} : memref<32x64xf32, #tpu.memory_space<vmem>>, vector<16xf32>,
      %mul3A_260 = vector.broadcast %scan3A : f32 to vector<16xf32>
      %mul3A_261 = arith.mulf %scan3A_226#3, %mul3A_260 : vector<16xf32>
      %add3A_262 = arith.addf %mul3A_261, %get3A_104 : vector<16xf32>
      %max3A_263 = arith.constant 0.000000e+00 : f32
      %max3A_264 = vector.broadcast %max3A_263 : f32 to vector<16xf32>
      %max3A_265 = arith.maximumf %add3A_262, %max3A_264 : vector<16xf32>
      %swap3A_266 = arith.index_cast %add3A_119 : i32 to index
      %swap3A_267 = arith.constant 48 : index
      %swap3A_268 = tpu.vector_load %arg8[%swap3A_266, %swap3A_267] {strides = array<i32>} : memref<32x64xf32, #tpu.memory_space<vmem>>, vector<16xf32>,
      tpu.vector_store %arg8[%swap3A_266, %swap3A_267], %max3A_265 {strides = array<i32>} : memref<32x64xf32, #tpu.memory_space<vmem>>, vector<16xf32>,
      %mul3A_269 = arith.constant 2 : i32
      %mul3A_270 = arith.muli %scan3A_114, %mul3A_269 : i32
      %add3A_271 = arith.constant 1 : i32
      %add3A_272 = arith.addi %mul3A_270, %add3A_271 : i32
      %broadcast_in_dim3A_273 = arith.constant 0.000000e+00 : f32
      %broadcast_in_dim3A_274 = vector.broadcast %broadcast_in_dim3A_273 : f32 to vector<16xf32>
      %broadcast_in_dim3A_275 = arith.constant 0.000000e+00 : f32
      %broadcast_in_dim3A_276 = vector.broadcast %broadcast_in_dim3A_275 : f32 to vector<16xf32>
      %broadcast_in_dim3A_277 = arith.constant 0.000000e+00 : f32
      %broadcast_in_dim3A_278 = vector.broadcast %broadcast_in_dim3A_277 : f32 to vector<16xf32>
      %broadcast_in_dim3A_279 = arith.constant 0.000000e+00 : f32
      %broadcast_in_dim3A_280 = vector.broadcast %broadcast_in_dim3A_279 : f32 to vector<16xf32>
      %mul3A_281 = arith.constant 4 : i32
      %mul3A_282 = arith.muli %add3A_272, %mul3A_281 : i32
      %add3A_283 = arith.constant 0 : i32
      %add3A_284 = arith.addi %mul3A_282, %add3A_283 : i32
      %dma_wait3A_285 = arith.constant 4 : i32
      %dma_wait3A_286 = arith.constant 0 : i32
      %dma_wait3A_287 = arith.constant 0 : i32
      %dma_wait3A_288 = tpu.memref_slice %arg7[%dma_wait3A_285, %dma_wait3A_286, %dma_wait3A_287] : memref<8x128x32xi32, #tpu.memory_space<vmem>> -> memref<1x128x32xi32, #tpu.memory_space<vmem>>
      %dma_wait3A_289 = tpu.memref_squeeze %dma_wait3A_288 : memref<1x128x32xi32, #tpu.memory_space<vmem>> -> memref<128x32xi32, #tpu.memory_space<vmem>>
      %dma_wait3A_290 = arith.constant 0 : i32
      %dma_wait3A_291 = tpu.memref_slice %arg6[%add3A_284, %dma_wait3A_290] : memref<128x128xi32, #tpu.memory_space<vmem>> -> memref<1x128xi32, #tpu.memory_space<vmem>>
      %dma_wait3A_292 = tpu.memref_squeeze %dma_wait3A_291 : memref<1x128xi32, #tpu.memory_space<vmem>> -> memref<128xi32, #tpu.memory_space<vmem>>
      %dma_wait3A_293 = arith.constant 0 : i32
      %dma_wait3A_294 = arith.constant 0 : i32
      %dma_wait3A_295 = tpu.memref_slice %arg3[%dma_wait3A_293, %dma_wait3A_294] : memref<30720x32xi32, #tpu.memory_space<hbm>> -> memref<30720x32xi32, #tpu.memory_space<hbm>>
      tpu.wait_indirect_dma semaphore(%arg14 : memref<!tpu.dma_semaphore, #tpu.memory_space<semaphore_mem>>) src(%dma_wait3A_295 : memref<30720x32xi32, #tpu.memory_space<hbm>>) dst(%dma_wait3A_289 : memref<128x32xi32, #tpu.memory_space<vmem>>)
      %scan3A_296 = arith.constant 0 : i32
      %scan3A_297 = arith.constant 32 : i32
      %scan3A_298 = arith.addi %scan3A_296, %scan3A_297 : i32
      %scan3A_299 = arith.constant 4 : i32
      %scan3A_300:4 = scf.for %scan3A_430 = %scan3A_296 to %scan3A_298 step %scan3A_299 iter_args(%scan3A_431 = %broadcast_in_dim3A_274, %scan3A_432 = %broadcast_in_dim3A_276, %scan3A_433 = %broadcast_in_dim3A_278, %scan3A_434 = %broadcast_in_dim3A_280) -> (vector<16xf32>, vector<16xf32>, vector<16xf32>, vector<16xf32>)  : i32 {
        %mul3A_435 = arith.constant 4 : i32
        %mul3A_436 = arith.muli %scan3A_430, %mul3A_435 : i32
        %get3A_437 = arith.constant 4 : i32
        %get3A_438 = arith.index_cast %get3A_437 : i32 to index
        %get3A_439 = arith.index_cast %mul3A_436 : i32 to index
        %get3A_440 = arith.constant 0 : index
        %get3A_441 = tpu.vector_load %arg7[%get3A_438, %get3A_439, %get3A_440] {strides = array<i32>} : memref<8x128x32xi32, #tpu.memory_space<vmem>>, vector<16xi32>,
        %bitcast3A = vector.bitcast %get3A_441 : vector<16xi32> to vector<32xbf16>
        %add3A_442 = arith.constant 1 : i32
        %add3A_443 = arith.addi %mul3A_436, %add3A_442 : i32
        %get3A_444 = arith.constant 4 : i32
        %get3A_445 = arith.index_cast %get3A_444 : i32 to index
        %get3A_446 = arith.index_cast %add3A_443 : i32 to index
        %get3A_447 = arith.constant 0 : index
        %get3A_448 = tpu.vector_load %arg7[%get3A_445, %get3A_446, %get3A_447] {strides = array<i32>} : memref<8x128x32xi32, #tpu.memory_space<vmem>>, vector<16xi32>,
        %bitcast3A_449 = vector.bitcast %get3A_448 : vector<16xi32> to vector<32xbf16>
        %add3A_450 = arith.addf %bitcast3A, %bitcast3A_449 : vector<32xbf16>
        %add3A_451 = arith.constant 2 : i32
        %add3A_452 = arith.addi %mul3A_436, %add3A_451 : i32
        %get3A_453 = arith.constant 4 : i32
        %get3A_454 = arith.index_cast %get3A_453 : i32 to index
        %get3A_455 = arith.index_cast %add3A_452 : i32 to index
        %get3A_456 = arith.constant 0 : index
        %get3A_457 = tpu.vector_load %arg7[%get3A_454, %get3A_455, %get3A_456] {strides = array<i32>} : memref<8x128x32xi32, #tpu.memory_space<vmem>>, vector<16xi32>,
        %bitcast3A_458 = vector.bitcast %get3A_457 : vector<16xi32> to vector<32xbf16>
        %add3A_459 = arith.addf %add3A_450, %bitcast3A_458 : vector<32xbf16>
        %add3A_460 = arith.constant 3 : i32
        %add3A_461 = arith.addi %mul3A_436, %add3A_460 : i32
        %get3A_462 = arith.constant 4 : i32
        %get3A_463 = arith.index_cast %get3A_462 : i32 to index
        %get3A_464 = arith.index_cast %add3A_461 : i32 to index
        %get3A_465 = arith.constant 0 : index
        %get3A_466 = tpu.vector_load %arg7[%get3A_463, %get3A_464, %get3A_465] {strides = array<i32>} : memref<8x128x32xi32, #tpu.memory_space<vmem>>, vector<16xi32>,
        %bitcast3A_467 = vector.bitcast %get3A_466 : vector<16xi32> to vector<32xbf16>
        %add3A_468 = arith.addf %add3A_459, %bitcast3A_467 : vector<32xbf16>
        %unpack3A = tpu.unpack_subelements %add3A_468, 0 {pack_format = #tpu.pack_format<interleaved>} : vector<32xbf16> -> vector<16xf32>
        %unpack3A_469 = tpu.unpack_subelements %add3A_468, 1 {pack_format = #tpu.pack_format<interleaved>} : vector<32xbf16> -> vector<16xf32>
        %add3A_470 = arith.addf %scan3A_431, %unpack3A : vector<16xf32>
        %add3A_471 = arith.addf %scan3A_432, %unpack3A_469 : vector<16xf32>
        %get3A_472 = arith.constant 4 : i32
        %get3A_473 = arith.index_cast %get3A_472 : i32 to index
        %get3A_474 = arith.index_cast %mul3A_436 : i32 to index
        %get3A_475 = arith.constant 16 : index
        %get3A_476 = tpu.vector_load %arg7[%get3A_473, %get3A_474, %get3A_475] {strides = array<i32>} : memref<8x128x32xi32, #tpu.memory_space<vmem>>, vector<16xi32>,
        %bitcast3A_477 = vector.bitcast %get3A_476 : vector<16xi32> to vector<32xbf16>
        %add3A_478 = arith.constant 1 : i32
        %add3A_479 = arith.addi %mul3A_436, %add3A_478 : i32
        %get3A_480 = arith.constant 4 : i32
        %get3A_481 = arith.index_cast %get3A_480 : i32 to index
        %get3A_482 = arith.index_cast %add3A_479 : i32 to index
        %get3A_483 = arith.constant 16 : index
        %get3A_484 = tpu.vector_load %arg7[%get3A_481, %get3A_482, %get3A_483] {strides = array<i32>} : memref<8x128x32xi32, #tpu.memory_space<vmem>>, vector<16xi32>,
        %bitcast3A_485 = vector.bitcast %get3A_484 : vector<16xi32> to vector<32xbf16>
        %add3A_486 = arith.addf %bitcast3A_477, %bitcast3A_485 : vector<32xbf16>
        %add3A_487 = arith.constant 2 : i32
        %add3A_488 = arith.addi %mul3A_436, %add3A_487 : i32
        %get3A_489 = arith.constant 4 : i32
        %get3A_490 = arith.index_cast %get3A_489 : i32 to index
        %get3A_491 = arith.index_cast %add3A_488 : i32 to index
        %get3A_492 = arith.constant 16 : index
        %get3A_493 = tpu.vector_load %arg7[%get3A_490, %get3A_491, %get3A_492] {strides = array<i32>} : memref<8x128x32xi32, #tpu.memory_space<vmem>>, vector<16xi32>,
        %bitcast3A_494 = vector.bitcast %get3A_493 : vector<16xi32> to vector<32xbf16>
        %add3A_495 = arith.addf %add3A_486, %bitcast3A_494 : vector<32xbf16>
        %add3A_496 = arith.constant 3 : i32
        %add3A_497 = arith.addi %mul3A_436, %add3A_496 : i32
        %get3A_498 = arith.constant 4 : i32
        %get3A_499 = arith.index_cast %get3A_498 : i32 to index
        %get3A_500 = arith.index_cast %add3A_497 : i32 to index
        %get3A_501 = arith.constant 16 : index
        %get3A_502 = tpu.vector_load %arg7[%get3A_499, %get3A_500, %get3A_501] {strides = array<i32>} : memref<8x128x32xi32, #tpu.memory_space<vmem>>, vector<16xi32>,
        %bitcast3A_503 = vector.bitcast %get3A_502 : vector<16xi32> to vector<32xbf16>
        %add3A_504 = arith.addf %add3A_495, %bitcast3A_503 : vector<32xbf16>
        %unpack3A_505 = tpu.unpack_subelements %add3A_504, 0 {pack_format = #tpu.pack_format<interleaved>} : vector<32xbf16> -> vector<16xf32>
        %unpack3A_506 = tpu.unpack_subelements %add3A_504, 1 {pack_format = #tpu.pack_format<interleaved>} : vector<32xbf16> -> vector<16xf32>
        %add3A_507 = arith.addf %scan3A_433, %unpack3A_505 : vector<16xf32>
        %add3A_508 = arith.addf %scan3A_434, %unpack3A_506 : vector<16xf32>
        %scan3A_509 = arith.constant 1 : i32
        %scan3A_510 = arith.addi %scan3A_430, %scan3A_509 : i32
        %mul3A_511 = arith.constant 4 : i32
        %mul3A_512 = arith.muli %scan3A_510, %mul3A_511 : i32
        %get3A_513 = arith.constant 4 : i32
        %get3A_514 = arith.index_cast %get3A_513 : i32 to index
        %get3A_515 = arith.index_cast %mul3A_512 : i32 to index
        %get3A_516 = arith.constant 0 : index
        %get3A_517 = tpu.vector_load %arg7[%get3A_514, %get3A_515, %get3A_516] {strides = array<i32>} : memref<8x128x32xi32, #tpu.memory_space<vmem>>, vector<16xi32>,
        %bitcast3A_518 = vector.bitcast %get3A_517 : vector<16xi32> to vector<32xbf16>
        %add3A_519 = arith.constant 1 : i32
        %add3A_520 = arith.addi %mul3A_512, %add3A_519 : i32
        %get3A_521 = arith.constant 4 : i32
        %get3A_522 = arith.index_cast %get3A_521 : i32 to index
        %get3A_523 = arith.index_cast %add3A_520 : i32 to index
        %get3A_524 = arith.constant 0 : index
        %get3A_525 = tpu.vector_load %arg7[%get3A_522, %get3A_523, %get3A_524] {strides = array<i32>} : memref<8x128x32xi32, #tpu.memory_space<vmem>>, vector<16xi32>,
        %bitcast3A_526 = vector.bitcast %get3A_525 : vector<16xi32> to vector<32xbf16>
        %add3A_527 = arith.addf %bitcast3A_518, %bitcast3A_526 : vector<32xbf16>
        %add3A_528 = arith.constant 2 : i32
        %add3A_529 = arith.addi %mul3A_512, %add3A_528 : i32
        %get3A_530 = arith.constant 4 : i32
        %get3A_531 = arith.index_cast %get3A_530 : i32 to index
        %get3A_532 = arith.index_cast %add3A_529 : i32 to index
        %get3A_533 = arith.constant 0 : index
        %get3A_534 = tpu.vector_load %arg7[%get3A_531, %get3A_532, %get3A_533] {strides = array<i32>} : memref<8x128x32xi32, #tpu.memory_space<vmem>>, vector<16xi32>,
        %bitcast3A_535 = vector.bitcast %get3A_534 : vector<16xi32> to vector<32xbf16>
        %add3A_536 = arith.addf %add3A_527, %bitcast3A_535 : vector<32xbf16>
        %add3A_537 = arith.constant 3 : i32
        %add3A_538 = arith.addi %mul3A_512, %add3A_537 : i32
        %get3A_539 = arith.constant 4 : i32
        %get3A_540 = arith.index_cast %get3A_539 : i32 to index
        %get3A_541 = arith.index_cast %add3A_538 : i32 to index
        %get3A_542 = arith.constant 0 : index
        %get3A_543 = tpu.vector_load %arg7[%get3A_540, %get3A_541, %get3A_542] {strides = array<i32>} : memref<8x128x32xi32, #tpu.memory_space<vmem>>, vector<16xi32>,
        %bitcast3A_544 = vector.bitcast %get3A_543 : vector<16xi32> to vector<32xbf16>
        %add3A_545 = arith.addf %add3A_536, %bitcast3A_544 : vector<32xbf16>
        %unpack3A_546 = tpu.unpack_subelements %add3A_545, 0 {pack_format = #tpu.pack_format<interleaved>} : vector<32xbf16> -> vector<16xf32>
        %unpack3A_547 = tpu.unpack_subelements %add3A_545, 1 {pack_format = #tpu.pack_format<interleaved>} : vector<32xbf16> -> vector<16xf32>
        %add3A_548 = arith.addf %add3A_470, %unpack3A_546 : vector<16xf32>
        %add3A_549 = arith.addf %add3A_471, %unpack3A_547 : vector<16xf32>
        %get3A_550 = arith.constant 4 : i32
        %get3A_551 = arith.index_cast %get3A_550 : i32 to index
        %get3A_552 = arith.index_cast %mul3A_512 : i32 to index
        %get3A_553 = arith.constant 16 : index
        %get3A_554 = tpu.vector_load %arg7[%get3A_551, %get3A_552, %get3A_553] {strides = array<i32>} : memref<8x128x32xi32, #tpu.memory_space<vmem>>, vector<16xi32>,
        %bitcast3A_555 = vector.bitcast %get3A_554 : vector<16xi32> to vector<32xbf16>
        %add3A_556 = arith.constant 1 : i32
        %add3A_557 = arith.addi %mul3A_512, %add3A_556 : i32
        %get3A_558 = arith.constant 4 : i32
        %get3A_559 = arith.index_cast %get3A_558 : i32 to index
        %get3A_560 = arith.index_cast %add3A_557 : i32 to index
        %get3A_561 = arith.constant 16 : index
        %get3A_562 = tpu.vector_load %arg7[%get3A_559, %get3A_560, %get3A_561] {strides = array<i32>} : memref<8x128x32xi32, #tpu.memory_space<vmem>>, vector<16xi32>,
        %bitcast3A_563 = vector.bitcast %get3A_562 : vector<16xi32> to vector<32xbf16>
        %add3A_564 = arith.addf %bitcast3A_555, %bitcast3A_563 : vector<32xbf16>
        %add3A_565 = arith.constant 2 : i32
        %add3A_566 = arith.addi %mul3A_512, %add3A_565 : i32
        %get3A_567 = arith.constant 4 : i32
        %get3A_568 = arith.index_cast %get3A_567 : i32 to index
        %get3A_569 = arith.index_cast %add3A_566 : i32 to index
        %get3A_570 = arith.constant 16 : index
        %get3A_571 = tpu.vector_load %arg7[%get3A_568, %get3A_569, %get3A_570] {strides = array<i32>} : memref<8x128x32xi32, #tpu.memory_space<vmem>>, vector<16xi32>,
        %bitcast3A_572 = vector.bitcast %get3A_571 : vector<16xi32> to vector<32xbf16>
        %add3A_573 = arith.addf %add3A_564, %bitcast3A_572 : vector<32xbf16>
        %add3A_574 = arith.constant 3 : i32
        %add3A_575 = arith.addi %mul3A_512, %add3A_574 : i32
        %get3A_576 = arith.constant 4 : i32
        %get3A_577 = arith.index_cast %get3A_576 : i32 to index
        %get3A_578 = arith.index_cast %add3A_575 : i32 to index
        %get3A_579 = arith.constant 16 : index
        %get3A_580 = tpu.vector_load %arg7[%get3A_577, %get3A_578, %get3A_579] {strides = array<i32>} : memref<8x128x32xi32, #tpu.memory_space<vmem>>, vector<16xi32>,
        %bitcast3A_581 = vector.bitcast %get3A_580 : vector<16xi32> to vector<32xbf16>
        %add3A_582 = arith.addf %add3A_573, %bitcast3A_581 : vector<32xbf16>
        %unpack3A_583 = tpu.unpack_subelements %add3A_582, 0 {pack_format = #tpu.pack_format<interleaved>} : vector<32xbf16> -> vector<16xf32>
        %unpack3A_584 = tpu.unpack_subelements %add3A_582, 1 {pack_format = #tpu.pack_format<interleaved>} : vector<32xbf16> -> vector<16xf32>
        %add3A_585 = arith.addf %add3A_507, %unpack3A_583 : vector<16xf32>
        %add3A_586 = arith.addf %add3A_508, %unpack3A_584 : vector<16xf32>
        %scan3A_587 = arith.constant 2 : i32
        %scan3A_588 = arith.addi %scan3A_430, %scan3A_587 : i32
        %mul3A_589 = arith.constant 4 : i32
        %mul3A_590 = arith.muli %scan3A_588, %mul3A_589 : i32
        %get3A_591 = arith.constant 4 : i32
        %get3A_592 = arith.index_cast %get3A_591 : i32 to index
        %get3A_593 = arith.index_cast %mul3A_590 : i32 to index
        %get3A_594 = arith.constant 0 : index
        %get3A_595 = tpu.vector_load %arg7[%get3A_592, %get3A_593, %get3A_594] {strides = array<i32>} : memref<8x128x32xi32, #tpu.memory_space<vmem>>, vector<16xi32>,
        %bitcast3A_596 = vector.bitcast %get3A_595 : vector<16xi32> to vector<32xbf16>
        %add3A_597 = arith.constant 1 : i32
        %add3A_598 = arith.addi %mul3A_590, %add3A_597 : i32
        %get3A_599 = arith.constant 4 : i32
        %get3A_600 = arith.index_cast %get3A_599 : i32 to index
        %get3A_601 = arith.index_cast %add3A_598 : i32 to index
        %get3A_602 = arith.constant 0 : index
        %get3A_603 = tpu.vector_load %arg7[%get3A_600, %get3A_601, %get3A_602] {strides = array<i32>} : memref<8x128x32xi32, #tpu.memory_space<vmem>>, vector<16xi32>,
        %bitcast3A_604 = vector.bitcast %get3A_603 : vector<16xi32> to vector<32xbf16>
        %add3A_605 = arith.addf %bitcast3A_596, %bitcast3A_604 : vector<32xbf16>
        %add3A_606 = arith.constant 2 : i32
        %add3A_607 = arith.addi %mul3A_590, %add3A_606 : i32
        %get3A_608 = arith.constant 4 : i32
        %get3A_609 = arith.index_cast %get3A_608 : i32 to index
        %get3A_610 = arith.index_cast %add3A_607 : i32 to index
        %get3A_611 = arith.constant 0 : index
        %get3A_612 = tpu.vector_load %arg7[%get3A_609, %get3A_610, %get3A_611] {strides = array<i32>} : memref<8x128x32xi32, #tpu.memory_space<vmem>>, vector<16xi32>,
        %bitcast3A_613 = vector.bitcast %get3A_612 : vector<16xi32> to vector<32xbf16>
        %add3A_614 = arith.addf %add3A_605, %bitcast3A_613 : vector<32xbf16>
        %add3A_615 = arith.constant 3 : i32
        %add3A_616 = arith.addi %mul3A_590, %add3A_615 : i32
        %get3A_617 = arith.constant 4 : i32
        %get3A_618 = arith.index_cast %get3A_617 : i32 to index
        %get3A_619 = arith.index_cast %add3A_616 : i32 to index
        %get3A_620 = arith.constant 0 : index
        %get3A_621 = tpu.vector_load %arg7[%get3A_618, %get3A_619, %get3A_620] {strides = array<i32>} : memref<8x128x32xi32, #tpu.memory_space<vmem>>, vector<16xi32>,
        %bitcast3A_622 = vector.bitcast %get3A_621 : vector<16xi32> to vector<32xbf16>
        %add3A_623 = arith.addf %add3A_614, %bitcast3A_622 : vector<32xbf16>
        %unpack3A_624 = tpu.unpack_subelements %add3A_623, 0 {pack_format = #tpu.pack_format<interleaved>} : vector<32xbf16> -> vector<16xf32>
        %unpack3A_625 = tpu.unpack_subelements %add3A_623, 1 {pack_format = #tpu.pack_format<interleaved>} : vector<32xbf16> -> vector<16xf32>
        %add3A_626 = arith.addf %add3A_548, %unpack3A_624 : vector<16xf32>
        %add3A_627 = arith.addf %add3A_549, %unpack3A_625 : vector<16xf32>
        %get3A_628 = arith.constant 4 : i32
        %get3A_629 = arith.index_cast %get3A_628 : i32 to index
        %get3A_630 = arith.index_cast %mul3A_590 : i32 to index
        %get3A_631 = arith.constant 16 : index
        %get3A_632 = tpu.vector_load %arg7[%get3A_629, %get3A_630, %get3A_631] {strides = array<i32>} : memref<8x128x32xi32, #tpu.memory_space<vmem>>, vector<16xi32>,
        %bitcast3A_633 = vector.bitcast %get3A_632 : vector<16xi32> to vector<32xbf16>
        %add3A_634 = arith.constant 1 : i32
        %add3A_635 = arith.addi %mul3A_590, %add3A_634 : i32
        %get3A_636 = arith.constant 4 : i32
        %get3A_637 = arith.index_cast %get3A_636 : i32 to index
        %get3A_638 = arith.index_cast %add3A_635 : i32 to index
        %get3A_639 = arith.constant 16 : index
        %get3A_640 = tpu.vector_load %arg7[%get3A_637, %get3A_638, %get3A_639] {strides = array<i32>} : memref<8x128x32xi32, #tpu.memory_space<vmem>>, vector<16xi32>,
        %bitcast3A_641 = vector.bitcast %get3A_640 : vector<16xi32> to vector<32xbf16>
        %add3A_642 = arith.addf %bitcast3A_633, %bitcast3A_641 : vector<32xbf16>
        %add3A_643 = arith.constant 2 : i32
        %add3A_644 = arith.addi %mul3A_590, %add3A_643 : i32
        %get3A_645 = arith.constant 4 : i32
        %get3A_646 = arith.index_cast %get3A_645 : i32 to index
        %get3A_647 = arith.index_cast %add3A_644 : i32 to index
        %get3A_648 = arith.constant 16 : index
        %get3A_649 = tpu.vector_load %arg7[%get3A_646, %get3A_647, %get3A_648] {strides = array<i32>} : memref<8x128x32xi32, #tpu.memory_space<vmem>>, vector<16xi32>,
        %bitcast3A_650 = vector.bitcast %get3A_649 : vector<16xi32> to vector<32xbf16>
        %add3A_651 = arith.addf %add3A_642, %bitcast3A_650 : vector<32xbf16>
        %add3A_652 = arith.constant 3 : i32
        %add3A_653 = arith.addi %mul3A_590, %add3A_652 : i32
        %get3A_654 = arith.constant 4 : i32
        %get3A_655 = arith.index_cast %get3A_654 : i32 to index
        %get3A_656 = arith.index_cast %add3A_653 : i32 to index
        %get3A_657 = arith.constant 16 : index
        %get3A_658 = tpu.vector_load %arg7[%get3A_655, %get3A_656, %get3A_657] {strides = array<i32>} : memref<8x128x32xi32, #tpu.memory_space<vmem>>, vector<16xi32>,
        %bitcast3A_659 = vector.bitcast %get3A_658 : vector<16xi32> to vector<32xbf16>
        %add3A_660 = arith.addf %add3A_651, %bitcast3A_659 : vector<32xbf16>
        %unpack3A_661 = tpu.unpack_subelements %add3A_660, 0 {pack_format = #tpu.pack_format<interleaved>} : vector<32xbf16> -> vector<16xf32>
        %unpack3A_662 = tpu.unpack_subelements %add3A_660, 1 {pack_format = #tpu.pack_format<interleaved>} : vector<32xbf16> -> vector<16xf32>
        %add3A_663 = arith.addf %add3A_585, %unpack3A_661 : vector<16xf32>
        %add3A_664 = arith.addf %add3A_586, %unpack3A_662 : vector<16xf32>
        %scan3A_665 = arith.constant 3 : i32
        %scan3A_666 = arith.addi %scan3A_430, %scan3A_665 : i32
        %mul3A_667 = arith.constant 4 : i32
        %mul3A_668 = arith.muli %scan3A_666, %mul3A_667 : i32
        %get3A_669 = arith.constant 4 : i32
        %get3A_670 = arith.index_cast %get3A_669 : i32 to index
        %get3A_671 = arith.index_cast %mul3A_668 : i32 to index
        %get3A_672 = arith.constant 0 : index
        %get3A_673 = tpu.vector_load %arg7[%get3A_670, %get3A_671, %get3A_672] {strides = array<i32>} : memref<8x128x32xi32, #tpu.memory_space<vmem>>, vector<16xi32>,
        %bitcast3A_674 = vector.bitcast %get3A_673 : vector<16xi32> to vector<32xbf16>
        %add3A_675 = arith.constant 1 : i32
        %add3A_676 = arith.addi %mul3A_668, %add3A_675 : i32
        %get3A_677 = arith.constant 4 : i32
        %get3A_678 = arith.index_cast %get3A_677 : i32 to index
        %get3A_679 = arith.index_cast %add3A_676 : i32 to index
        %get3A_680 = arith.constant 0 : index
        %get3A_681 = tpu.vector_load %arg7[%get3A_678, %get3A_679, %get3A_680] {strides = array<i32>} : memref<8x128x32xi32, #tpu.memory_space<vmem>>, vector<16xi32>,
        %bitcast3A_682 = vector.bitcast %get3A_681 : vector<16xi32> to vector<32xbf16>
        %add3A_683 = arith.addf %bitcast3A_674, %bitcast3A_682 : vector<32xbf16>
        %add3A_684 = arith.constant 2 : i32
        %add3A_685 = arith.addi %mul3A_668, %add3A_684 : i32
        %get3A_686 = arith.constant 4 : i32
        %get3A_687 = arith.index_cast %get3A_686 : i32 to index
        %get3A_688 = arith.index_cast %add3A_685 : i32 to index
        %get3A_689 = arith.constant 0 : index
        %get3A_690 = tpu.vector_load %arg7[%get3A_687, %get3A_688, %get3A_689] {strides = array<i32>} : memref<8x128x32xi32, #tpu.memory_space<vmem>>, vector<16xi32>,
        %bitcast3A_691 = vector.bitcast %get3A_690 : vector<16xi32> to vector<32xbf16>
        %add3A_692 = arith.addf %add3A_683, %bitcast3A_691 : vector<32xbf16>
        %add3A_693 = arith.constant 3 : i32
        %add3A_694 = arith.addi %mul3A_668, %add3A_693 : i32
        %get3A_695 = arith.constant 4 : i32
        %get3A_696 = arith.index_cast %get3A_695 : i32 to index
        %get3A_697 = arith.index_cast %add3A_694 : i32 to index
        %get3A_698 = arith.constant 0 : index
        %get3A_699 = tpu.vector_load %arg7[%get3A_696, %get3A_697, %get3A_698] {strides = array<i32>} : memref<8x128x32xi32, #tpu.memory_space<vmem>>, vector<16xi32>,
        %bitcast3A_700 = vector.bitcast %get3A_699 : vector<16xi32> to vector<32xbf16>
        %add3A_701 = arith.addf %add3A_692, %bitcast3A_700 : vector<32xbf16>
        %unpack3A_702 = tpu.unpack_subelements %add3A_701, 0 {pack_format = #tpu.pack_format<interleaved>} : vector<32xbf16> -> vector<16xf32>
        %unpack3A_703 = tpu.unpack_subelements %add3A_701, 1 {pack_format = #tpu.pack_format<interleaved>} : vector<32xbf16> -> vector<16xf32>
        %add3A_704 = arith.addf %add3A_626, %unpack3A_702 : vector<16xf32>
        %add3A_705 = arith.addf %add3A_627, %unpack3A_703 : vector<16xf32>
        %get3A_706 = arith.constant 4 : i32
        %get3A_707 = arith.index_cast %get3A_706 : i32 to index
        %get3A_708 = arith.index_cast %mul3A_668 : i32 to index
        %get3A_709 = arith.constant 16 : index
        %get3A_710 = tpu.vector_load %arg7[%get3A_707, %get3A_708, %get3A_709] {strides = array<i32>} : memref<8x128x32xi32, #tpu.memory_space<vmem>>, vector<16xi32>,
        %bitcast3A_711 = vector.bitcast %get3A_710 : vector<16xi32> to vector<32xbf16>
        %add3A_712 = arith.constant 1 : i32
        %add3A_713 = arith.addi %mul3A_668, %add3A_712 : i32
        %get3A_714 = arith.constant 4 : i32
        %get3A_715 = arith.index_cast %get3A_714 : i32 to index
        %get3A_716 = arith.index_cast %add3A_713 : i32 to index
        %get3A_717 = arith.constant 16 : index
        %get3A_718 = tpu.vector_load %arg7[%get3A_715, %get3A_716, %get3A_717] {strides = array<i32>} : memref<8x128x32xi32, #tpu.memory_space<vmem>>, vector<16xi32>,
        %bitcast3A_719 = vector.bitcast %get3A_718 : vector<16xi32> to vector<32xbf16>
        %add3A_720 = arith.addf %bitcast3A_711, %bitcast3A_719 : vector<32xbf16>
        %add3A_721 = arith.constant 2 : i32
        %add3A_722 = arith.addi %mul3A_668, %add3A_721 : i32
        %get3A_723 = arith.constant 4 : i32
        %get3A_724 = arith.index_cast %get3A_723 : i32 to index
        %get3A_725 = arith.index_cast %add3A_722 : i32 to index
        %get3A_726 = arith.constant 16 : index
        %get3A_727 = tpu.vector_load %arg7[%get3A_724, %get3A_725, %get3A_726] {strides = array<i32>} : memref<8x128x32xi32, #tpu.memory_space<vmem>>, vector<16xi32>,
        %bitcast3A_728 = vector.bitcast %get3A_727 : vector<16xi32> to vector<32xbf16>
        %add3A_729 = arith.addf %add3A_720, %bitcast3A_728 : vector<32xbf16>
        %add3A_730 = arith.constant 3 : i32
        %add3A_731 = arith.addi %mul3A_668, %add3A_730 : i32
        %get3A_732 = arith.constant 4 : i32
        %get3A_733 = arith.index_cast %get3A_732 : i32 to index
        %get3A_734 = arith.index_cast %add3A_731 : i32 to index
        %get3A_735 = arith.constant 16 : index
        %get3A_736 = tpu.vector_load %arg7[%get3A_733, %get3A_734, %get3A_735] {strides = array<i32>} : memref<8x128x32xi32, #tpu.memory_space<vmem>>, vector<16xi32>,
        %bitcast3A_737 = vector.bitcast %get3A_736 : vector<16xi32> to vector<32xbf16>
        %add3A_738 = arith.addf %add3A_729, %bitcast3A_737 : vector<32xbf16>
        %unpack3A_739 = tpu.unpack_subelements %add3A_738, 0 {pack_format = #tpu.pack_format<interleaved>} : vector<32xbf16> -> vector<16xf32>
        %unpack3A_740 = tpu.unpack_subelements %add3A_738, 1 {pack_format = #tpu.pack_format<interleaved>} : vector<32xbf16> -> vector<16xf32>
        %add3A_741 = arith.addf %add3A_663, %unpack3A_739 : vector<16xf32>
        %add3A_742 = arith.addf %add3A_664, %unpack3A_740 : vector<16xf32>
        scf.yield %add3A_704, %add3A_705, %add3A_741, %add3A_742 : vector<16xf32>, vector<16xf32>, vector<16xf32>, vector<16xf32>
      }
      %scan3A_301 = arith.constant 32 : i32
      %add3A_302 = arith.constant 1 : i32
      %add3A_303 = arith.addi %scan3A_114, %add3A_302 : i32
      %lt3A_304 = arith.constant 16 : i32
      %lt3A_305 = arith.cmpi slt, %add3A_303, %lt3A_304 : i32
      %convert_element_type3A_306 = arith.extui %lt3A_305 : i1 to i32
      %cond3A_307 = arith.constant 0 : i32
      %cond3A_308 = arith.cmpi ne, %convert_element_type3A_306, %cond3A_307 : i32
      scf.if %cond3A_308 {
        %add3A_430 = arith.constant 8 : i32
        %add3A_431 = arith.addi %add3A_284, %add3A_430 : i32
        %dma_start3A_432 = arith.constant 4 : i32
        %dma_start3A_433 = arith.constant 0 : i32
        %dma_start3A_434 = arith.constant 0 : i32
        %dma_start3A_435 = tpu.memref_slice %arg7[%dma_start3A_432, %dma_start3A_433, %dma_start3A_434] : memref<8x128x32xi32, #tpu.memory_space<vmem>> -> memref<1x128x32xi32, #tpu.memory_space<vmem>>
        %dma_start3A_436 = tpu.memref_squeeze %dma_start3A_435 : memref<1x128x32xi32, #tpu.memory_space<vmem>> -> memref<128x32xi32, #tpu.memory_space<vmem>>
        %dma_start3A_437 = arith.constant 0 : i32
        %dma_start3A_438 = tpu.memref_slice %arg6[%add3A_431, %dma_start3A_437] : memref<128x128xi32, #tpu.memory_space<vmem>> -> memref<1x128xi32, #tpu.memory_space<vmem>>
        %dma_start3A_439 = tpu.memref_squeeze %dma_start3A_438 : memref<1x128xi32, #tpu.memory_space<vmem>> -> memref<128xi32, #tpu.memory_space<vmem>>
        %dma_start3A_440 = arith.constant 0 : i32
        %dma_start3A_441 = arith.constant 0 : i32
        %dma_start3A_442 = tpu.memref_slice %arg3[%dma_start3A_440, %dma_start3A_441] : memref<30720x32xi32, #tpu.memory_space<hbm>> -> memref<30720x32xi32, #tpu.memory_space<hbm>>
        tpu.enqueue_indirect_dma source(%dma_start3A_442 : memref<30720x32xi32, #tpu.memory_space<hbm>>) target(%dma_start3A_436 : memref<128x32xi32, #tpu.memory_space<vmem>>) offsets(%dma_start3A_439 : memref<128xi32, #tpu.memory_space<vmem>>) semaphore(%arg14 : memref<!tpu.dma_semaphore, #tpu.memory_space<semaphore_mem>>)
      } else {
      }
      %mul3A_309 = arith.constant 4 : i32
      %mul3A_310 = arith.muli %add3A_272, %mul3A_309 : i32
      %add3A_311 = arith.constant 1 : i32
      %add3A_312 = arith.addi %mul3A_310, %add3A_311 : i32
      %dma_wait3A_313 = arith.constant 5 : i32
      %dma_wait3A_314 = arith.constant 0 : i32
      %dma_wait3A_315 = arith.constant 0 : i32
      %dma_wait3A_316 = tpu.memref_slice %arg7[%dma_wait3A_313, %dma_wait3A_314, %dma_wait3A_315] : memref<8x128x32xi32, #tpu.memory_space<vmem>> -> memref<1x128x32xi32, #tpu.memory_space<vmem>>
      %dma_wait3A_317 = tpu.memref_squeeze %dma_wait3A_316 : memref<1x128x32xi32, #tpu.memory_space<vmem>> -> memref<128x32xi32, #tpu.memory_space<vmem>>
      %dma_wait3A_318 = arith.constant 0 : i32
      %dma_wait3A_319 = tpu.memref_slice %arg6[%add3A_312, %dma_wait3A_318] : memref<128x128xi32, #tpu.memory_space<vmem>> -> memref<1x128xi32, #tpu.memory_space<vmem>>
      %dma_wait3A_320 = tpu.memref_squeeze %dma_wait3A_319 : memref<1x128xi32, #tpu.memory_space<vmem>> -> memref<128xi32, #tpu.memory_space<vmem>>
      %dma_wait3A_321 = arith.constant 0 : i32
      %dma_wait3A_322 = arith.constant 0 : i32
      %dma_wait3A_323 = tpu.memref_slice %arg3[%dma_wait3A_321, %dma_wait3A_322] : memref<30720x32xi32, #tpu.memory_space<hbm>> -> memref<30720x32xi32, #tpu.memory_space<hbm>>
      tpu.wait_indirect_dma semaphore(%arg15 : memref<!tpu.dma_semaphore, #tpu.memory_space<semaphore_mem>>) src(%dma_wait3A_323 : memref<30720x32xi32, #tpu.memory_space<hbm>>) dst(%dma_wait3A_317 : memref<128x32xi32, #tpu.memory_space<vmem>>)
      %scan3A_324 = arith.constant 0 : i32
      %scan3A_325 = arith.constant 32 : i32
      %scan3A_326 = arith.addi %scan3A_324, %scan3A_325 : i32
      %scan3A_327 = arith.constant 4 : i32
      %scan3A_328:4 = scf.for %scan3A_430 = %scan3A_324 to %scan3A_326 step %scan3A_327 iter_args(%scan3A_431 = %scan3A_300#0, %scan3A_432 = %scan3A_300#1, %scan3A_433 = %scan3A_300#2, %scan3A_434 = %scan3A_300#3) -> (vector<16xf32>, vector<16xf32>, vector<16xf32>, vector<16xf32>)  : i32 {
        %mul3A_435 = arith.constant 4 : i32
        %mul3A_436 = arith.muli %scan3A_430, %mul3A_435 : i32
        %get3A_437 = arith.constant 5 : i32
        %get3A_438 = arith.index_cast %get3A_437 : i32 to index
        %get3A_439 = arith.index_cast %mul3A_436 : i32 to index
        %get3A_440 = arith.constant 0 : index
        %get3A_441 = tpu.vector_load %arg7[%get3A_438, %get3A_439, %get3A_440] {strides = array<i32>} : memref<8x128x32xi32, #tpu.memory_space<vmem>>, vector<16xi32>,
        %bitcast3A = vector.bitcast %get3A_441 : vector<16xi32> to vector<32xbf16>
        %add3A_442 = arith.constant 1 : i32
        %add3A_443 = arith.addi %mul3A_436, %add3A_442 : i32
        %get3A_444 = arith.constant 5 : i32
        %get3A_445 = arith.index_cast %get3A_444 : i32 to index
        %get3A_446 = arith.index_cast %add3A_443 : i32 to index
        %get3A_447 = arith.constant 0 : index
        %get3A_448 = tpu.vector_load %arg7[%get3A_445, %get3A_446, %get3A_447] {strides = array<i32>} : memref<8x128x32xi32, #tpu.memory_space<vmem>>, vector<16xi32>,
        %bitcast3A_449 = vector.bitcast %get3A_448 : vector<16xi32> to vector<32xbf16>
        %add3A_450 = arith.addf %bitcast3A, %bitcast3A_449 : vector<32xbf16>
        %add3A_451 = arith.constant 2 : i32
        %add3A_452 = arith.addi %mul3A_436, %add3A_451 : i32
        %get3A_453 = arith.constant 5 : i32
        %get3A_454 = arith.index_cast %get3A_453 : i32 to index
        %get3A_455 = arith.index_cast %add3A_452 : i32 to index
        %get3A_456 = arith.constant 0 : index
        %get3A_457 = tpu.vector_load %arg7[%get3A_454, %get3A_455, %get3A_456] {strides = array<i32>} : memref<8x128x32xi32, #tpu.memory_space<vmem>>, vector<16xi32>,
        %bitcast3A_458 = vector.bitcast %get3A_457 : vector<16xi32> to vector<32xbf16>
        %add3A_459 = arith.addf %add3A_450, %bitcast3A_458 : vector<32xbf16>
        %add3A_460 = arith.constant 3 : i32
        %add3A_461 = arith.addi %mul3A_436, %add3A_460 : i32
        %get3A_462 = arith.constant 5 : i32
        %get3A_463 = arith.index_cast %get3A_462 : i32 to index
        %get3A_464 = arith.index_cast %add3A_461 : i32 to index
        %get3A_465 = arith.constant 0 : index
        %get3A_466 = tpu.vector_load %arg7[%get3A_463, %get3A_464, %get3A_465] {strides = array<i32>} : memref<8x128x32xi32, #tpu.memory_space<vmem>>, vector<16xi32>,
        %bitcast3A_467 = vector.bitcast %get3A_466 : vector<16xi32> to vector<32xbf16>
        %add3A_468 = arith.addf %add3A_459, %bitcast3A_467 : vector<32xbf16>
        %unpack3A = tpu.unpack_subelements %add3A_468, 0 {pack_format = #tpu.pack_format<interleaved>} : vector<32xbf16> -> vector<16xf32>
        %unpack3A_469 = tpu.unpack_subelements %add3A_468, 1 {pack_format = #tpu.pack_format<interleaved>} : vector<32xbf16> -> vector<16xf32>
        %add3A_470 = arith.addf %scan3A_431, %unpack3A : vector<16xf32>
        %add3A_471 = arith.addf %scan3A_432, %unpack3A_469 : vector<16xf32>
        %get3A_472 = arith.constant 5 : i32
        %get3A_473 = arith.index_cast %get3A_472 : i32 to index
        %get3A_474 = arith.index_cast %mul3A_436 : i32 to index
        %get3A_475 = arith.constant 16 : index
        %get3A_476 = tpu.vector_load %arg7[%get3A_473, %get3A_474, %get3A_475] {strides = array<i32>} : memref<8x128x32xi32, #tpu.memory_space<vmem>>, vector<16xi32>,
        %bitcast3A_477 = vector.bitcast %get3A_476 : vector<16xi32> to vector<32xbf16>
        %add3A_478 = arith.constant 1 : i32
        %add3A_479 = arith.addi %mul3A_436, %add3A_478 : i32
        %get3A_480 = arith.constant 5 : i32
        %get3A_481 = arith.index_cast %get3A_480 : i32 to index
        %get3A_482 = arith.index_cast %add3A_479 : i32 to index
        %get3A_483 = arith.constant 16 : index
        %get3A_484 = tpu.vector_load %arg7[%get3A_481, %get3A_482, %get3A_483] {strides = array<i32>} : memref<8x128x32xi32, #tpu.memory_space<vmem>>, vector<16xi32>,
        %bitcast3A_485 = vector.bitcast %get3A_484 : vector<16xi32> to vector<32xbf16>
        %add3A_486 = arith.addf %bitcast3A_477, %bitcast3A_485 : vector<32xbf16>
        %add3A_487 = arith.constant 2 : i32
        %add3A_488 = arith.addi %mul3A_436, %add3A_487 : i32
        %get3A_489 = arith.constant 5 : i32
        %get3A_490 = arith.index_cast %get3A_489 : i32 to index
        %get3A_491 = arith.index_cast %add3A_488 : i32 to index
        %get3A_492 = arith.constant 16 : index
        %get3A_493 = tpu.vector_load %arg7[%get3A_490, %get3A_491, %get3A_492] {strides = array<i32>} : memref<8x128x32xi32, #tpu.memory_space<vmem>>, vector<16xi32>,
        %bitcast3A_494 = vector.bitcast %get3A_493 : vector<16xi32> to vector<32xbf16>
        %add3A_495 = arith.addf %add3A_486, %bitcast3A_494 : vector<32xbf16>
        %add3A_496 = arith.constant 3 : i32
        %add3A_497 = arith.addi %mul3A_436, %add3A_496 : i32
        %get3A_498 = arith.constant 5 : i32
        %get3A_499 = arith.index_cast %get3A_498 : i32 to index
        %get3A_500 = arith.index_cast %add3A_497 : i32 to index
        %get3A_501 = arith.constant 16 : index
        %get3A_502 = tpu.vector_load %arg7[%get3A_499, %get3A_500, %get3A_501] {strides = array<i32>} : memref<8x128x32xi32, #tpu.memory_space<vmem>>, vector<16xi32>,
        %bitcast3A_503 = vector.bitcast %get3A_502 : vector<16xi32> to vector<32xbf16>
        %add3A_504 = arith.addf %add3A_495, %bitcast3A_503 : vector<32xbf16>
        %unpack3A_505 = tpu.unpack_subelements %add3A_504, 0 {pack_format = #tpu.pack_format<interleaved>} : vector<32xbf16> -> vector<16xf32>
        %unpack3A_506 = tpu.unpack_subelements %add3A_504, 1 {pack_format = #tpu.pack_format<interleaved>} : vector<32xbf16> -> vector<16xf32>
        %add3A_507 = arith.addf %scan3A_433, %unpack3A_505 : vector<16xf32>
        %add3A_508 = arith.addf %scan3A_434, %unpack3A_506 : vector<16xf32>
        %scan3A_509 = arith.constant 1 : i32
        %scan3A_510 = arith.addi %scan3A_430, %scan3A_509 : i32
        %mul3A_511 = arith.constant 4 : i32
        %mul3A_512 = arith.muli %scan3A_510, %mul3A_511 : i32
        %get3A_513 = arith.constant 5 : i32
        %get3A_514 = arith.index_cast %get3A_513 : i32 to index
        %get3A_515 = arith.index_cast %mul3A_512 : i32 to index
        %get3A_516 = arith.constant 0 : index
        %get3A_517 = tpu.vector_load %arg7[%get3A_514, %get3A_515, %get3A_516] {strides = array<i32>} : memref<8x128x32xi32, #tpu.memory_space<vmem>>, vector<16xi32>,
        %bitcast3A_518 = vector.bitcast %get3A_517 : vector<16xi32> to vector<32xbf16>
        %add3A_519 = arith.constant 1 : i32
        %add3A_520 = arith.addi %mul3A_512, %add3A_519 : i32
        %get3A_521 = arith.constant 5 : i32
        %get3A_522 = arith.index_cast %get3A_521 : i32 to index
        %get3A_523 = arith.index_cast %add3A_520 : i32 to index
        %get3A_524 = arith.constant 0 : index
        %get3A_525 = tpu.vector_load %arg7[%get3A_522, %get3A_523, %get3A_524] {strides = array<i32>} : memref<8x128x32xi32, #tpu.memory_space<vmem>>, vector<16xi32>,
        %bitcast3A_526 = vector.bitcast %get3A_525 : vector<16xi32> to vector<32xbf16>
        %add3A_527 = arith.addf %bitcast3A_518, %bitcast3A_526 : vector<32xbf16>
        %add3A_528 = arith.constant 2 : i32
        %add3A_529 = arith.addi %mul3A_512, %add3A_528 : i32
        %get3A_530 = arith.constant 5 : i32
        %get3A_531 = arith.index_cast %get3A_530 : i32 to index
        %get3A_532 = arith.index_cast %add3A_529 : i32 to index
        %get3A_533 = arith.constant 0 : index
        %get3A_534 = tpu.vector_load %arg7[%get3A_531, %get3A_532, %get3A_533] {strides = array<i32>} : memref<8x128x32xi32, #tpu.memory_space<vmem>>, vector<16xi32>,
        %bitcast3A_535 = vector.bitcast %get3A_534 : vector<16xi32> to vector<32xbf16>
        %add3A_536 = arith.addf %add3A_527, %bitcast3A_535 : vector<32xbf16>
        %add3A_537 = arith.constant 3 : i32
        %add3A_538 = arith.addi %mul3A_512, %add3A_537 : i32
        %get3A_539 = arith.constant 5 : i32
        %get3A_540 = arith.index_cast %get3A_539 : i32 to index
        %get3A_541 = arith.index_cast %add3A_538 : i32 to index
        %get3A_542 = arith.constant 0 : index
        %get3A_543 = tpu.vector_load %arg7[%get3A_540, %get3A_541, %get3A_542] {strides = array<i32>} : memref<8x128x32xi32, #tpu.memory_space<vmem>>, vector<16xi32>,
        %bitcast3A_544 = vector.bitcast %get3A_543 : vector<16xi32> to vector<32xbf16>
        %add3A_545 = arith.addf %add3A_536, %bitcast3A_544 : vector<32xbf16>
        %unpack3A_546 = tpu.unpack_subelements %add3A_545, 0 {pack_format = #tpu.pack_format<interleaved>} : vector<32xbf16> -> vector<16xf32>
        %unpack3A_547 = tpu.unpack_subelements %add3A_545, 1 {pack_format = #tpu.pack_format<interleaved>} : vector<32xbf16> -> vector<16xf32>
        %add3A_548 = arith.addf %add3A_470, %unpack3A_546 : vector<16xf32>
        %add3A_549 = arith.addf %add3A_471, %unpack3A_547 : vector<16xf32>
        %get3A_550 = arith.constant 5 : i32
        %get3A_551 = arith.index_cast %get3A_550 : i32 to index
        %get3A_552 = arith.index_cast %mul3A_512 : i32 to index
        %get3A_553 = arith.constant 16 : index
        %get3A_554 = tpu.vector_load %arg7[%get3A_551, %get3A_552, %get3A_553] {strides = array<i32>} : memref<8x128x32xi32, #tpu.memory_space<vmem>>, vector<16xi32>,
        %bitcast3A_555 = vector.bitcast %get3A_554 : vector<16xi32> to vector<32xbf16>
        %add3A_556 = arith.constant 1 : i32
        %add3A_557 = arith.addi %mul3A_512, %add3A_556 : i32
        %get3A_558 = arith.constant 5 : i32
        %get3A_559 = arith.index_cast %get3A_558 : i32 to index
        %get3A_560 = arith.index_cast %add3A_557 : i32 to index
        %get3A_561 = arith.constant 16 : index
        %get3A_562 = tpu.vector_load %arg7[%get3A_559, %get3A_560, %get3A_561] {strides = array<i32>} : memref<8x128x32xi32, #tpu.memory_space<vmem>>, vector<16xi32>,
        %bitcast3A_563 = vector.bitcast %get3A_562 : vector<16xi32> to vector<32xbf16>
        %add3A_564 = arith.addf %bitcast3A_555, %bitcast3A_563 : vector<32xbf16>
        %add3A_565 = arith.constant 2 : i32
        %add3A_566 = arith.addi %mul3A_512, %add3A_565 : i32
        %get3A_567 = arith.constant 5 : i32
        %get3A_568 = arith.index_cast %get3A_567 : i32 to index
        %get3A_569 = arith.index_cast %add3A_566 : i32 to index
        %get3A_570 = arith.constant 16 : index
        %get3A_571 = tpu.vector_load %arg7[%get3A_568, %get3A_569, %get3A_570] {strides = array<i32>} : memref<8x128x32xi32, #tpu.memory_space<vmem>>, vector<16xi32>,
        %bitcast3A_572 = vector.bitcast %get3A_571 : vector<16xi32> to vector<32xbf16>
        %add3A_573 = arith.addf %add3A_564, %bitcast3A_572 : vector<32xbf16>
        %add3A_574 = arith.constant 3 : i32
        %add3A_575 = arith.addi %mul3A_512, %add3A_574 : i32
        %get3A_576 = arith.constant 5 : i32
        %get3A_577 = arith.index_cast %get3A_576 : i32 to index
        %get3A_578 = arith.index_cast %add3A_575 : i32 to index
        %get3A_579 = arith.constant 16 : index
        %get3A_580 = tpu.vector_load %arg7[%get3A_577, %get3A_578, %get3A_579] {strides = array<i32>} : memref<8x128x32xi32, #tpu.memory_space<vmem>>, vector<16xi32>,
        %bitcast3A_581 = vector.bitcast %get3A_580 : vector<16xi32> to vector<32xbf16>
        %add3A_582 = arith.addf %add3A_573, %bitcast3A_581 : vector<32xbf16>
        %unpack3A_583 = tpu.unpack_subelements %add3A_582, 0 {pack_format = #tpu.pack_format<interleaved>} : vector<32xbf16> -> vector<16xf32>
        %unpack3A_584 = tpu.unpack_subelements %add3A_582, 1 {pack_format = #tpu.pack_format<interleaved>} : vector<32xbf16> -> vector<16xf32>
        %add3A_585 = arith.addf %add3A_507, %unpack3A_583 : vector<16xf32>
        %add3A_586 = arith.addf %add3A_508, %unpack3A_584 : vector<16xf32>
        %scan3A_587 = arith.constant 2 : i32
        %scan3A_588 = arith.addi %scan3A_430, %scan3A_587 : i32
        %mul3A_589 = arith.constant 4 : i32
        %mul3A_590 = arith.muli %scan3A_588, %mul3A_589 : i32
        %get3A_591 = arith.constant 5 : i32
        %get3A_592 = arith.index_cast %get3A_591 : i32 to index
        %get3A_593 = arith.index_cast %mul3A_590 : i32 to index
        %get3A_594 = arith.constant 0 : index
        %get3A_595 = tpu.vector_load %arg7[%get3A_592, %get3A_593, %get3A_594] {strides = array<i32>} : memref<8x128x32xi32, #tpu.memory_space<vmem>>, vector<16xi32>,
        %bitcast3A_596 = vector.bitcast %get3A_595 : vector<16xi32> to vector<32xbf16>
        %add3A_597 = arith.constant 1 : i32
        %add3A_598 = arith.addi %mul3A_590, %add3A_597 : i32
        %get3A_599 = arith.constant 5 : i32
        %get3A_600 = arith.index_cast %get3A_599 : i32 to index
        %get3A_601 = arith.index_cast %add3A_598 : i32 to index
        %get3A_602 = arith.constant 0 : index
        %get3A_603 = tpu.vector_load %arg7[%get3A_600, %get3A_601, %get3A_602] {strides = array<i32>} : memref<8x128x32xi32, #tpu.memory_space<vmem>>, vector<16xi32>,
        %bitcast3A_604 = vector.bitcast %get3A_603 : vector<16xi32> to vector<32xbf16>
        %add3A_605 = arith.addf %bitcast3A_596, %bitcast3A_604 : vector<32xbf16>
        %add3A_606 = arith.constant 2 : i32
        %add3A_607 = arith.addi %mul3A_590, %add3A_606 : i32
        %get3A_608 = arith.constant 5 : i32
        %get3A_609 = arith.index_cast %get3A_608 : i32 to index
        %get3A_610 = arith.index_cast %add3A_607 : i32 to index
        %get3A_611 = arith.constant 0 : index
        %get3A_612 = tpu.vector_load %arg7[%get3A_609, %get3A_610, %get3A_611] {strides = array<i32>} : memref<8x128x32xi32, #tpu.memory_space<vmem>>, vector<16xi32>,
        %bitcast3A_613 = vector.bitcast %get3A_612 : vector<16xi32> to vector<32xbf16>
        %add3A_614 = arith.addf %add3A_605, %bitcast3A_613 : vector<32xbf16>
        %add3A_615 = arith.constant 3 : i32
        %add3A_616 = arith.addi %mul3A_590, %add3A_615 : i32
        %get3A_617 = arith.constant 5 : i32
        %get3A_618 = arith.index_cast %get3A_617 : i32 to index
        %get3A_619 = arith.index_cast %add3A_616 : i32 to index
        %get3A_620 = arith.constant 0 : index
        %get3A_621 = tpu.vector_load %arg7[%get3A_618, %get3A_619, %get3A_620] {strides = array<i32>} : memref<8x128x32xi32, #tpu.memory_space<vmem>>, vector<16xi32>,
        %bitcast3A_622 = vector.bitcast %get3A_621 : vector<16xi32> to vector<32xbf16>
        %add3A_623 = arith.addf %add3A_614, %bitcast3A_622 : vector<32xbf16>
        %unpack3A_624 = tpu.unpack_subelements %add3A_623, 0 {pack_format = #tpu.pack_format<interleaved>} : vector<32xbf16> -> vector<16xf32>
        %unpack3A_625 = tpu.unpack_subelements %add3A_623, 1 {pack_format = #tpu.pack_format<interleaved>} : vector<32xbf16> -> vector<16xf32>
        %add3A_626 = arith.addf %add3A_548, %unpack3A_624 : vector<16xf32>
        %add3A_627 = arith.addf %add3A_549, %unpack3A_625 : vector<16xf32>
        %get3A_628 = arith.constant 5 : i32
        %get3A_629 = arith.index_cast %get3A_628 : i32 to index
        %get3A_630 = arith.index_cast %mul3A_590 : i32 to index
        %get3A_631 = arith.constant 16 : index
        %get3A_632 = tpu.vector_load %arg7[%get3A_629, %get3A_630, %get3A_631] {strides = array<i32>} : memref<8x128x32xi32, #tpu.memory_space<vmem>>, vector<16xi32>,
        %bitcast3A_633 = vector.bitcast %get3A_632 : vector<16xi32> to vector<32xbf16>
        %add3A_634 = arith.constant 1 : i32
        %add3A_635 = arith.addi %mul3A_590, %add3A_634 : i32
        %get3A_636 = arith.constant 5 : i32
        %get3A_637 = arith.index_cast %get3A_636 : i32 to index
        %get3A_638 = arith.index_cast %add3A_635 : i32 to index
        %get3A_639 = arith.constant 16 : index
        %get3A_640 = tpu.vector_load %arg7[%get3A_637, %get3A_638, %get3A_639] {strides = array<i32>} : memref<8x128x32xi32, #tpu.memory_space<vmem>>, vector<16xi32>,
        %bitcast3A_641 = vector.bitcast %get3A_640 : vector<16xi32> to vector<32xbf16>
        %add3A_642 = arith.addf %bitcast3A_633, %bitcast3A_641 : vector<32xbf16>
        %add3A_643 = arith.constant 2 : i32
        %add3A_644 = arith.addi %mul3A_590, %add3A_643 : i32
        %get3A_645 = arith.constant 5 : i32
        %get3A_646 = arith.index_cast %get3A_645 : i32 to index
        %get3A_647 = arith.index_cast %add3A_644 : i32 to index
        %get3A_648 = arith.constant 16 : index
        %get3A_649 = tpu.vector_load %arg7[%get3A_646, %get3A_647, %get3A_648] {strides = array<i32>} : memref<8x128x32xi32, #tpu.memory_space<vmem>>, vector<16xi32>,
        %bitcast3A_650 = vector.bitcast %get3A_649 : vector<16xi32> to vector<32xbf16>
        %add3A_651 = arith.addf %add3A_642, %bitcast3A_650 : vector<32xbf16>
        %add3A_652 = arith.constant 3 : i32
        %add3A_653 = arith.addi %mul3A_590, %add3A_652 : i32
        %get3A_654 = arith.constant 5 : i32
        %get3A_655 = arith.index_cast %get3A_654 : i32 to index
        %get3A_656 = arith.index_cast %add3A_653 : i32 to index
        %get3A_657 = arith.constant 16 : index
        %get3A_658 = tpu.vector_load %arg7[%get3A_655, %get3A_656, %get3A_657] {strides = array<i32>} : memref<8x128x32xi32, #tpu.memory_space<vmem>>, vector<16xi32>,
        %bitcast3A_659 = vector.bitcast %get3A_658 : vector<16xi32> to vector<32xbf16>
        %add3A_660 = arith.addf %add3A_651, %bitcast3A_659 : vector<32xbf16>
        %unpack3A_661 = tpu.unpack_subelements %add3A_660, 0 {pack_format = #tpu.pack_format<interleaved>} : vector<32xbf16> -> vector<16xf32>
        %unpack3A_662 = tpu.unpack_subelements %add3A_660, 1 {pack_format = #tpu.pack_format<interleaved>} : vector<32xbf16> -> vector<16xf32>
        %add3A_663 = arith.addf %add3A_585, %unpack3A_661 : vector<16xf32>
        %add3A_664 = arith.addf %add3A_586, %unpack3A_662 : vector<16xf32>
        %scan3A_665 = arith.constant 3 : i32
        %scan3A_666 = arith.addi %scan3A_430, %scan3A_665 : i32
        %mul3A_667 = arith.constant 4 : i32
        %mul3A_668 = arith.muli %scan3A_666, %mul3A_667 : i32
        %get3A_669 = arith.constant 5 : i32
        %get3A_670 = arith.index_cast %get3A_669 : i32 to index
        %get3A_671 = arith.index_cast %mul3A_668 : i32 to index
        %get3A_672 = arith.constant 0 : index
        %get3A_673 = tpu.vector_load %arg7[%get3A_670, %get3A_671, %get3A_672] {strides = array<i32>} : memref<8x128x32xi32, #tpu.memory_space<vmem>>, vector<16xi32>,
        %bitcast3A_674 = vector.bitcast %get3A_673 : vector<16xi32> to vector<32xbf16>
        %add3A_675 = arith.constant 1 : i32
        %add3A_676 = arith.addi %mul3A_668, %add3A_675 : i32
        %get3A_677 = arith.constant 5 : i32
        %get3A_678 = arith.index_cast %get3A_677 : i32 to index
        %get3A_679 = arith.index_cast %add3A_676 : i32 to index
        %get3A_680 = arith.constant 0 : index
        %get3A_681 = tpu.vector_load %arg7[%get3A_678, %get3A_679, %get3A_680] {strides = array<i32>} : memref<8x128x32xi32, #tpu.memory_space<vmem>>, vector<16xi32>,
        %bitcast3A_682 = vector.bitcast %get3A_681 : vector<16xi32> to vector<32xbf16>
        %add3A_683 = arith.addf %bitcast3A_674, %bitcast3A_682 : vector<32xbf16>
        %add3A_684 = arith.constant 2 : i32
        %add3A_685 = arith.addi %mul3A_668, %add3A_684 : i32
        %get3A_686 = arith.constant 5 : i32
        %get3A_687 = arith.index_cast %get3A_686 : i32 to index
        %get3A_688 = arith.index_cast %add3A_685 : i32 to index
        %get3A_689 = arith.constant 0 : index
        %get3A_690 = tpu.vector_load %arg7[%get3A_687, %get3A_688, %get3A_689] {strides = array<i32>} : memref<8x128x32xi32, #tpu.memory_space<vmem>>, vector<16xi32>,
        %bitcast3A_691 = vector.bitcast %get3A_690 : vector<16xi32> to vector<32xbf16>
        %add3A_692 = arith.addf %add3A_683, %bitcast3A_691 : vector<32xbf16>
        %add3A_693 = arith.constant 3 : i32
        %add3A_694 = arith.addi %mul3A_668, %add3A_693 : i32
        %get3A_695 = arith.constant 5 : i32
        %get3A_696 = arith.index_cast %get3A_695 : i32 to index
        %get3A_697 = arith.index_cast %add3A_694 : i32 to index
        %get3A_698 = arith.constant 0 : index
        %get3A_699 = tpu.vector_load %arg7[%get3A_696, %get3A_697, %get3A_698] {strides = array<i32>} : memref<8x128x32xi32, #tpu.memory_space<vmem>>, vector<16xi32>,
        %bitcast3A_700 = vector.bitcast %get3A_699 : vector<16xi32> to vector<32xbf16>
        %add3A_701 = arith.addf %add3A_692, %bitcast3A_700 : vector<32xbf16>
        %unpack3A_702 = tpu.unpack_subelements %add3A_701, 0 {pack_format = #tpu.pack_format<interleaved>} : vector<32xbf16> -> vector<16xf32>
        %unpack3A_703 = tpu.unpack_subelements %add3A_701, 1 {pack_format = #tpu.pack_format<interleaved>} : vector<32xbf16> -> vector<16xf32>
        %add3A_704 = arith.addf %add3A_626, %unpack3A_702 : vector<16xf32>
        %add3A_705 = arith.addf %add3A_627, %unpack3A_703 : vector<16xf32>
        %get3A_706 = arith.constant 5 : i32
        %get3A_707 = arith.index_cast %get3A_706 : i32 to index
        %get3A_708 = arith.index_cast %mul3A_668 : i32 to index
        %get3A_709 = arith.constant 16 : index
        %get3A_710 = tpu.vector_load %arg7[%get3A_707, %get3A_708, %get3A_709] {strides = array<i32>} : memref<8x128x32xi32, #tpu.memory_space<vmem>>, vector<16xi32>,
        %bitcast3A_711 = vector.bitcast %get3A_710 : vector<16xi32> to vector<32xbf16>
        %add3A_712 = arith.constant 1 : i32
        %add3A_713 = arith.addi %mul3A_668, %add3A_712 : i32
        %get3A_714 = arith.constant 5 : i32
        %get3A_715 = arith.index_cast %get3A_714 : i32 to index
        %get3A_716 = arith.index_cast %add3A_713 : i32 to index
        %get3A_717 = arith.constant 16 : index
        %get3A_718 = tpu.vector_load %arg7[%get3A_715, %get3A_716, %get3A_717] {strides = array<i32>} : memref<8x128x32xi32, #tpu.memory_space<vmem>>, vector<16xi32>,
        %bitcast3A_719 = vector.bitcast %get3A_718 : vector<16xi32> to vector<32xbf16>
        %add3A_720 = arith.addf %bitcast3A_711, %bitcast3A_719 : vector<32xbf16>
        %add3A_721 = arith.constant 2 : i32
        %add3A_722 = arith.addi %mul3A_668, %add3A_721 : i32
        %get3A_723 = arith.constant 5 : i32
        %get3A_724 = arith.index_cast %get3A_723 : i32 to index
        %get3A_725 = arith.index_cast %add3A_722 : i32 to index
        %get3A_726 = arith.constant 16 : index
        %get3A_727 = tpu.vector_load %arg7[%get3A_724, %get3A_725, %get3A_726] {strides = array<i32>} : memref<8x128x32xi32, #tpu.memory_space<vmem>>, vector<16xi32>,
        %bitcast3A_728 = vector.bitcast %get3A_727 : vector<16xi32> to vector<32xbf16>
        %add3A_729 = arith.addf %add3A_720, %bitcast3A_728 : vector<32xbf16>
        %add3A_730 = arith.constant 3 : i32
        %add3A_731 = arith.addi %mul3A_668, %add3A_730 : i32
        %get3A_732 = arith.constant 5 : i32
        %get3A_733 = arith.index_cast %get3A_732 : i32 to index
        %get3A_734 = arith.index_cast %add3A_731 : i32 to index
        %get3A_735 = arith.constant 16 : index
        %get3A_736 = tpu.vector_load %arg7[%get3A_733, %get3A_734, %get3A_735] {strides = array<i32>} : memref<8x128x32xi32, #tpu.memory_space<vmem>>, vector<16xi32>,
        %bitcast3A_737 = vector.bitcast %get3A_736 : vector<16xi32> to vector<32xbf16>
        %add3A_738 = arith.addf %add3A_729, %bitcast3A_737 : vector<32xbf16>
        %unpack3A_739 = tpu.unpack_subelements %add3A_738, 0 {pack_format = #tpu.pack_format<interleaved>} : vector<32xbf16> -> vector<16xf32>
        %unpack3A_740 = tpu.unpack_subelements %add3A_738, 1 {pack_format = #tpu.pack_format<interleaved>} : vector<32xbf16> -> vector<16xf32>
        %add3A_741 = arith.addf %add3A_663, %unpack3A_739 : vector<16xf32>
        %add3A_742 = arith.addf %add3A_664, %unpack3A_740 : vector<16xf32>
        scf.yield %add3A_704, %add3A_705, %add3A_741, %add3A_742 : vector<16xf32>, vector<16xf32>, vector<16xf32>, vector<16xf32>
      }
      %scan3A_329 = arith.constant 32 : i32
      %add3A_330 = arith.constant 1 : i32
      %add3A_331 = arith.addi %scan3A_114, %add3A_330 : i32
      %lt3A_332 = arith.constant 16 : i32
      %lt3A_333 = arith.cmpi slt, %add3A_331, %lt3A_332 : i32
      %convert_element_type3A_334 = arith.extui %lt3A_333 : i1 to i32
      %cond3A_335 = arith.constant 0 : i32
      %cond3A_336 = arith.cmpi ne, %convert_element_type3A_334, %cond3A_335 : i32
      scf.if %cond3A_336 {
        %add3A_430 = arith.constant 8 : i32
        %add3A_431 = arith.addi %add3A_312, %add3A_430 : i32
        %dma_start3A_432 = arith.constant 5 : i32
        %dma_start3A_433 = arith.constant 0 : i32
        %dma_start3A_434 = arith.constant 0 : i32
        %dma_start3A_435 = tpu.memref_slice %arg7[%dma_start3A_432, %dma_start3A_433, %dma_start3A_434] : memref<8x128x32xi32, #tpu.memory_space<vmem>> -> memref<1x128x32xi32, #tpu.memory_space<vmem>>
        %dma_start3A_436 = tpu.memref_squeeze %dma_start3A_435 : memref<1x128x32xi32, #tpu.memory_space<vmem>> -> memref<128x32xi32, #tpu.memory_space<vmem>>
        %dma_start3A_437 = arith.constant 0 : i32
        %dma_start3A_438 = tpu.memref_slice %arg6[%add3A_431, %dma_start3A_437] : memref<128x128xi32, #tpu.memory_space<vmem>> -> memref<1x128xi32, #tpu.memory_space<vmem>>
        %dma_start3A_439 = tpu.memref_squeeze %dma_start3A_438 : memref<1x128xi32, #tpu.memory_space<vmem>> -> memref<128xi32, #tpu.memory_space<vmem>>
        %dma_start3A_440 = arith.constant 0 : i32
        %dma_start3A_441 = arith.constant 0 : i32
        %dma_start3A_442 = tpu.memref_slice %arg3[%dma_start3A_440, %dma_start3A_441] : memref<30720x32xi32, #tpu.memory_space<hbm>> -> memref<30720x32xi32, #tpu.memory_space<hbm>>
        tpu.enqueue_indirect_dma source(%dma_start3A_442 : memref<30720x32xi32, #tpu.memory_space<hbm>>) target(%dma_start3A_436 : memref<128x32xi32, #tpu.memory_space<vmem>>) offsets(%dma_start3A_439 : memref<128xi32, #tpu.memory_space<vmem>>) semaphore(%arg15 : memref<!tpu.dma_semaphore, #tpu.memory_space<semaphore_mem>>)
      } else {
      }
      %mul3A_337 = arith.constant 4 : i32
      %mul3A_338 = arith.muli %add3A_272, %mul3A_337 : i32
      %add3A_339 = arith.constant 2 : i32
      %add3A_340 = arith.addi %mul3A_338, %add3A_339 : i32
      %dma_wait3A_341 = arith.constant 6 : i32
      %dma_wait3A_342 = arith.constant 0 : i32
      %dma_wait3A_343 = arith.constant 0 : i32
      %dma_wait3A_344 = tpu.memref_slice %arg7[%dma_wait3A_341, %dma_wait3A_342, %dma_wait3A_343] : memref<8x128x32xi32, #tpu.memory_space<vmem>> -> memref<1x128x32xi32, #tpu.memory_space<vmem>>
      %dma_wait3A_345 = tpu.memref_squeeze %dma_wait3A_344 : memref<1x128x32xi32, #tpu.memory_space<vmem>> -> memref<128x32xi32, #tpu.memory_space<vmem>>
      %dma_wait3A_346 = arith.constant 0 : i32
      %dma_wait3A_347 = tpu.memref_slice %arg6[%add3A_340, %dma_wait3A_346] : memref<128x128xi32, #tpu.memory_space<vmem>> -> memref<1x128xi32, #tpu.memory_space<vmem>>
      %dma_wait3A_348 = tpu.memref_squeeze %dma_wait3A_347 : memref<1x128xi32, #tpu.memory_space<vmem>> -> memref<128xi32, #tpu.memory_space<vmem>>
      %dma_wait3A_349 = arith.constant 0 : i32
      %dma_wait3A_350 = arith.constant 0 : i32
      %dma_wait3A_351 = tpu.memref_slice %arg3[%dma_wait3A_349, %dma_wait3A_350] : memref<30720x32xi32, #tpu.memory_space<hbm>> -> memref<30720x32xi32, #tpu.memory_space<hbm>>
      tpu.wait_indirect_dma semaphore(%arg16 : memref<!tpu.dma_semaphore, #tpu.memory_space<semaphore_mem>>) src(%dma_wait3A_351 : memref<30720x32xi32, #tpu.memory_space<hbm>>) dst(%dma_wait3A_345 : memref<128x32xi32, #tpu.memory_space<vmem>>)
      %scan3A_352 = arith.constant 0 : i32
      %scan3A_353 = arith.constant 32 : i32
      %scan3A_354 = arith.addi %scan3A_352, %scan3A_353 : i32
      %scan3A_355 = arith.constant 4 : i32
      %scan3A_356:4 = scf.for %scan3A_430 = %scan3A_352 to %scan3A_354 step %scan3A_355 iter_args(%scan3A_431 = %scan3A_328#0, %scan3A_432 = %scan3A_328#1, %scan3A_433 = %scan3A_328#2, %scan3A_434 = %scan3A_328#3) -> (vector<16xf32>, vector<16xf32>, vector<16xf32>, vector<16xf32>)  : i32 {
        %mul3A_435 = arith.constant 4 : i32
        %mul3A_436 = arith.muli %scan3A_430, %mul3A_435 : i32
        %get3A_437 = arith.constant 6 : i32
        %get3A_438 = arith.index_cast %get3A_437 : i32 to index
        %get3A_439 = arith.index_cast %mul3A_436 : i32 to index
        %get3A_440 = arith.constant 0 : index
        %get3A_441 = tpu.vector_load %arg7[%get3A_438, %get3A_439, %get3A_440] {strides = array<i32>} : memref<8x128x32xi32, #tpu.memory_space<vmem>>, vector<16xi32>,
        %bitcast3A = vector.bitcast %get3A_441 : vector<16xi32> to vector<32xbf16>
        %add3A_442 = arith.constant 1 : i32
        %add3A_443 = arith.addi %mul3A_436, %add3A_442 : i32
        %get3A_444 = arith.constant 6 : i32
        %get3A_445 = arith.index_cast %get3A_444 : i32 to index
        %get3A_446 = arith.index_cast %add3A_443 : i32 to index
        %get3A_447 = arith.constant 0 : index
        %get3A_448 = tpu.vector_load %arg7[%get3A_445, %get3A_446, %get3A_447] {strides = array<i32>} : memref<8x128x32xi32, #tpu.memory_space<vmem>>, vector<16xi32>,
        %bitcast3A_449 = vector.bitcast %get3A_448 : vector<16xi32> to vector<32xbf16>
        %add3A_450 = arith.addf %bitcast3A, %bitcast3A_449 : vector<32xbf16>
        %add3A_451 = arith.constant 2 : i32
        %add3A_452 = arith.addi %mul3A_436, %add3A_451 : i32
        %get3A_453 = arith.constant 6 : i32
        %get3A_454 = arith.index_cast %get3A_453 : i32 to index
        %get3A_455 = arith.index_cast %add3A_452 : i32 to index
        %get3A_456 = arith.constant 0 : index
        %get3A_457 = tpu.vector_load %arg7[%get3A_454, %get3A_455, %get3A_456] {strides = array<i32>} : memref<8x128x32xi32, #tpu.memory_space<vmem>>, vector<16xi32>,
        %bitcast3A_458 = vector.bitcast %get3A_457 : vector<16xi32> to vector<32xbf16>
        %add3A_459 = arith.addf %add3A_450, %bitcast3A_458 : vector<32xbf16>
        %add3A_460 = arith.constant 3 : i32
        %add3A_461 = arith.addi %mul3A_436, %add3A_460 : i32
        %get3A_462 = arith.constant 6 : i32
        %get3A_463 = arith.index_cast %get3A_462 : i32 to index
        %get3A_464 = arith.index_cast %add3A_461 : i32 to index
        %get3A_465 = arith.constant 0 : index
        %get3A_466 = tpu.vector_load %arg7[%get3A_463, %get3A_464, %get3A_465] {strides = array<i32>} : memref<8x128x32xi32, #tpu.memory_space<vmem>>, vector<16xi32>,
        %bitcast3A_467 = vector.bitcast %get3A_466 : vector<16xi32> to vector<32xbf16>
        %add3A_468 = arith.addf %add3A_459, %bitcast3A_467 : vector<32xbf16>
        %unpack3A = tpu.unpack_subelements %add3A_468, 0 {pack_format = #tpu.pack_format<interleaved>} : vector<32xbf16> -> vector<16xf32>
        %unpack3A_469 = tpu.unpack_subelements %add3A_468, 1 {pack_format = #tpu.pack_format<interleaved>} : vector<32xbf16> -> vector<16xf32>
        %add3A_470 = arith.addf %scan3A_431, %unpack3A : vector<16xf32>
        %add3A_471 = arith.addf %scan3A_432, %unpack3A_469 : vector<16xf32>
        %get3A_472 = arith.constant 6 : i32
        %get3A_473 = arith.index_cast %get3A_472 : i32 to index
        %get3A_474 = arith.index_cast %mul3A_436 : i32 to index
        %get3A_475 = arith.constant 16 : index
        %get3A_476 = tpu.vector_load %arg7[%get3A_473, %get3A_474, %get3A_475] {strides = array<i32>} : memref<8x128x32xi32, #tpu.memory_space<vmem>>, vector<16xi32>,
        %bitcast3A_477 = vector.bitcast %get3A_476 : vector<16xi32> to vector<32xbf16>
        %add3A_478 = arith.constant 1 : i32
        %add3A_479 = arith.addi %mul3A_436, %add3A_478 : i32
        %get3A_480 = arith.constant 6 : i32
        %get3A_481 = arith.index_cast %get3A_480 : i32 to index
        %get3A_482 = arith.index_cast %add3A_479 : i32 to index
        %get3A_483 = arith.constant 16 : index
        %get3A_484 = tpu.vector_load %arg7[%get3A_481, %get3A_482, %get3A_483] {strides = array<i32>} : memref<8x128x32xi32, #tpu.memory_space<vmem>>, vector<16xi32>,
        %bitcast3A_485 = vector.bitcast %get3A_484 : vector<16xi32> to vector<32xbf16>
        %add3A_486 = arith.addf %bitcast3A_477, %bitcast3A_485 : vector<32xbf16>
        %add3A_487 = arith.constant 2 : i32
        %add3A_488 = arith.addi %mul3A_436, %add3A_487 : i32
        %get3A_489 = arith.constant 6 : i32
        %get3A_490 = arith.index_cast %get3A_489 : i32 to index
        %get3A_491 = arith.index_cast %add3A_488 : i32 to index
        %get3A_492 = arith.constant 16 : index
        %get3A_493 = tpu.vector_load %arg7[%get3A_490, %get3A_491, %get3A_492] {strides = array<i32>} : memref<8x128x32xi32, #tpu.memory_space<vmem>>, vector<16xi32>,
        %bitcast3A_494 = vector.bitcast %get3A_493 : vector<16xi32> to vector<32xbf16>
        %add3A_495 = arith.addf %add3A_486, %bitcast3A_494 : vector<32xbf16>
        %add3A_496 = arith.constant 3 : i32
        %add3A_497 = arith.addi %mul3A_436, %add3A_496 : i32
        %get3A_498 = arith.constant 6 : i32
        %get3A_499 = arith.index_cast %get3A_498 : i32 to index
        %get3A_500 = arith.index_cast %add3A_497 : i32 to index
        %get3A_501 = arith.constant 16 : index
        %get3A_502 = tpu.vector_load %arg7[%get3A_499, %get3A_500, %get3A_501] {strides = array<i32>} : memref<8x128x32xi32, #tpu.memory_space<vmem>>, vector<16xi32>,
        %bitcast3A_503 = vector.bitcast %get3A_502 : vector<16xi32> to vector<32xbf16>
        %add3A_504 = arith.addf %add3A_495, %bitcast3A_503 : vector<32xbf16>
        %unpack3A_505 = tpu.unpack_subelements %add3A_504, 0 {pack_format = #tpu.pack_format<interleaved>} : vector<32xbf16> -> vector<16xf32>
        %unpack3A_506 = tpu.unpack_subelements %add3A_504, 1 {pack_format = #tpu.pack_format<interleaved>} : vector<32xbf16> -> vector<16xf32>
        %add3A_507 = arith.addf %scan3A_433, %unpack3A_505 : vector<16xf32>
        %add3A_508 = arith.addf %scan3A_434, %unpack3A_506 : vector<16xf32>
        %scan3A_509 = arith.constant 1 : i32
        %scan3A_510 = arith.addi %scan3A_430, %scan3A_509 : i32
        %mul3A_511 = arith.constant 4 : i32
        %mul3A_512 = arith.muli %scan3A_510, %mul3A_511 : i32
        %get3A_513 = arith.constant 6 : i32
        %get3A_514 = arith.index_cast %get3A_513 : i32 to index
        %get3A_515 = arith.index_cast %mul3A_512 : i32 to index
        %get3A_516 = arith.constant 0 : index
        %get3A_517 = tpu.vector_load %arg7[%get3A_514, %get3A_515, %get3A_516] {strides = array<i32>} : memref<8x128x32xi32, #tpu.memory_space<vmem>>, vector<16xi32>,
        %bitcast3A_518 = vector.bitcast %get3A_517 : vector<16xi32> to vector<32xbf16>
        %add3A_519 = arith.constant 1 : i32
        %add3A_520 = arith.addi %mul3A_512, %add3A_519 : i32
        %get3A_521 = arith.constant 6 : i32
        %get3A_522 = arith.index_cast %get3A_521 : i32 to index
        %get3A_523 = arith.index_cast %add3A_520 : i32 to index
        %get3A_524 = arith.constant 0 : index
        %get3A_525 = tpu.vector_load %arg7[%get3A_522, %get3A_523, %get3A_524] {strides = array<i32>} : memref<8x128x32xi32, #tpu.memory_space<vmem>>, vector<16xi32>,
        %bitcast3A_526 = vector.bitcast %get3A_525 : vector<16xi32> to vector<32xbf16>
        %add3A_527 = arith.addf %bitcast3A_518, %bitcast3A_526 : vector<32xbf16>
        %add3A_528 = arith.constant 2 : i32
        %add3A_529 = arith.addi %mul3A_512, %add3A_528 : i32
        %get3A_530 = arith.constant 6 : i32
        %get3A_531 = arith.index_cast %get3A_530 : i32 to index
        %get3A_532 = arith.index_cast %add3A_529 : i32 to index
        %get3A_533 = arith.constant 0 : index
        %get3A_534 = tpu.vector_load %arg7[%get3A_531, %get3A_532, %get3A_533] {strides = array<i32>} : memref<8x128x32xi32, #tpu.memory_space<vmem>>, vector<16xi32>,
        %bitcast3A_535 = vector.bitcast %get3A_534 : vector<16xi32> to vector<32xbf16>
        %add3A_536 = arith.addf %add3A_527, %bitcast3A_535 : vector<32xbf16>
        %add3A_537 = arith.constant 3 : i32
        %add3A_538 = arith.addi %mul3A_512, %add3A_537 : i32
        %get3A_539 = arith.constant 6 : i32
        %get3A_540 = arith.index_cast %get3A_539 : i32 to index
        %get3A_541 = arith.index_cast %add3A_538 : i32 to index
        %get3A_542 = arith.constant 0 : index
        %get3A_543 = tpu.vector_load %arg7[%get3A_540, %get3A_541, %get3A_542] {strides = array<i32>} : memref<8x128x32xi32, #tpu.memory_space<vmem>>, vector<16xi32>,
        %bitcast3A_544 = vector.bitcast %get3A_543 : vector<16xi32> to vector<32xbf16>
        %add3A_545 = arith.addf %add3A_536, %bitcast3A_544 : vector<32xbf16>
        %unpack3A_546 = tpu.unpack_subelements %add3A_545, 0 {pack_format = #tpu.pack_format<interleaved>} : vector<32xbf16> -> vector<16xf32>
        %unpack3A_547 = tpu.unpack_subelements %add3A_545, 1 {pack_format = #tpu.pack_format<interleaved>} : vector<32xbf16> -> vector<16xf32>
        %add3A_548 = arith.addf %add3A_470, %unpack3A_546 : vector<16xf32>
        %add3A_549 = arith.addf %add3A_471, %unpack3A_547 : vector<16xf32>
        %get3A_550 = arith.constant 6 : i32
        %get3A_551 = arith.index_cast %get3A_550 : i32 to index
        %get3A_552 = arith.index_cast %mul3A_512 : i32 to index
        %get3A_553 = arith.constant 16 : index
        %get3A_554 = tpu.vector_load %arg7[%get3A_551, %get3A_552, %get3A_553] {strides = array<i32>} : memref<8x128x32xi32, #tpu.memory_space<vmem>>, vector<16xi32>,
        %bitcast3A_555 = vector.bitcast %get3A_554 : vector<16xi32> to vector<32xbf16>
        %add3A_556 = arith.constant 1 : i32
        %add3A_557 = arith.addi %mul3A_512, %add3A_556 : i32
        %get3A_558 = arith.constant 6 : i32
        %get3A_559 = arith.index_cast %get3A_558 : i32 to index
        %get3A_560 = arith.index_cast %add3A_557 : i32 to index
        %get3A_561 = arith.constant 16 : index
        %get3A_562 = tpu.vector_load %arg7[%get3A_559, %get3A_560, %get3A_561] {strides = array<i32>} : memref<8x128x32xi32, #tpu.memory_space<vmem>>, vector<16xi32>,
        %bitcast3A_563 = vector.bitcast %get3A_562 : vector<16xi32> to vector<32xbf16>
        %add3A_564 = arith.addf %bitcast3A_555, %bitcast3A_563 : vector<32xbf16>
        %add3A_565 = arith.constant 2 : i32
        %add3A_566 = arith.addi %mul3A_512, %add3A_565 : i32
        %get3A_567 = arith.constant 6 : i32
        %get3A_568 = arith.index_cast %get3A_567 : i32 to index
        %get3A_569 = arith.index_cast %add3A_566 : i32 to index
        %get3A_570 = arith.constant 16 : index
        %get3A_571 = tpu.vector_load %arg7[%get3A_568, %get3A_569, %get3A_570] {strides = array<i32>} : memref<8x128x32xi32, #tpu.memory_space<vmem>>, vector<16xi32>,
        %bitcast3A_572 = vector.bitcast %get3A_571 : vector<16xi32> to vector<32xbf16>
        %add3A_573 = arith.addf %add3A_564, %bitcast3A_572 : vector<32xbf16>
        %add3A_574 = arith.constant 3 : i32
        %add3A_575 = arith.addi %mul3A_512, %add3A_574 : i32
        %get3A_576 = arith.constant 6 : i32
        %get3A_577 = arith.index_cast %get3A_576 : i32 to index
        %get3A_578 = arith.index_cast %add3A_575 : i32 to index
        %get3A_579 = arith.constant 16 : index
        %get3A_580 = tpu.vector_load %arg7[%get3A_577, %get3A_578, %get3A_579] {strides = array<i32>} : memref<8x128x32xi32, #tpu.memory_space<vmem>>, vector<16xi32>,
        %bitcast3A_581 = vector.bitcast %get3A_580 : vector<16xi32> to vector<32xbf16>
        %add3A_582 = arith.addf %add3A_573, %bitcast3A_581 : vector<32xbf16>
        %unpack3A_583 = tpu.unpack_subelements %add3A_582, 0 {pack_format = #tpu.pack_format<interleaved>} : vector<32xbf16> -> vector<16xf32>
        %unpack3A_584 = tpu.unpack_subelements %add3A_582, 1 {pack_format = #tpu.pack_format<interleaved>} : vector<32xbf16> -> vector<16xf32>
        %add3A_585 = arith.addf %add3A_507, %unpack3A_583 : vector<16xf32>
        %add3A_586 = arith.addf %add3A_508, %unpack3A_584 : vector<16xf32>
        %scan3A_587 = arith.constant 2 : i32
        %scan3A_588 = arith.addi %scan3A_430, %scan3A_587 : i32
        %mul3A_589 = arith.constant 4 : i32
        %mul3A_590 = arith.muli %scan3A_588, %mul3A_589 : i32
        %get3A_591 = arith.constant 6 : i32
        %get3A_592 = arith.index_cast %get3A_591 : i32 to index
        %get3A_593 = arith.index_cast %mul3A_590 : i32 to index
        %get3A_594 = arith.constant 0 : index
        %get3A_595 = tpu.vector_load %arg7[%get3A_592, %get3A_593, %get3A_594] {strides = array<i32>} : memref<8x128x32xi32, #tpu.memory_space<vmem>>, vector<16xi32>,
        %bitcast3A_596 = vector.bitcast %get3A_595 : vector<16xi32> to vector<32xbf16>
        %add3A_597 = arith.constant 1 : i32
        %add3A_598 = arith.addi %mul3A_590, %add3A_597 : i32
        %get3A_599 = arith.constant 6 : i32
        %get3A_600 = arith.index_cast %get3A_599 : i32 to index
        %get3A_601 = arith.index_cast %add3A_598 : i32 to index
        %get3A_602 = arith.constant 0 : index
        %get3A_603 = tpu.vector_load %arg7[%get3A_600, %get3A_601, %get3A_602] {strides = array<i32>} : memref<8x128x32xi32, #tpu.memory_space<vmem>>, vector<16xi32>,
        %bitcast3A_604 = vector.bitcast %get3A_603 : vector<16xi32> to vector<32xbf16>
        %add3A_605 = arith.addf %bitcast3A_596, %bitcast3A_604 : vector<32xbf16>
        %add3A_606 = arith.constant 2 : i32
        %add3A_607 = arith.addi %mul3A_590, %add3A_606 : i32
        %get3A_608 = arith.constant 6 : i32
        %get3A_609 = arith.index_cast %get3A_608 : i32 to index
        %get3A_610 = arith.index_cast %add3A_607 : i32 to index
        %get3A_611 = arith.constant 0 : index
        %get3A_612 = tpu.vector_load %arg7[%get3A_609, %get3A_610, %get3A_611] {strides = array<i32>} : memref<8x128x32xi32, #tpu.memory_space<vmem>>, vector<16xi32>,
        %bitcast3A_613 = vector.bitcast %get3A_612 : vector<16xi32> to vector<32xbf16>
        %add3A_614 = arith.addf %add3A_605, %bitcast3A_613 : vector<32xbf16>
        %add3A_615 = arith.constant 3 : i32
        %add3A_616 = arith.addi %mul3A_590, %add3A_615 : i32
        %get3A_617 = arith.constant 6 : i32
        %get3A_618 = arith.index_cast %get3A_617 : i32 to index
        %get3A_619 = arith.index_cast %add3A_616 : i32 to index
        %get3A_620 = arith.constant 0 : index
        %get3A_621 = tpu.vector_load %arg7[%get3A_618, %get3A_619, %get3A_620] {strides = array<i32>} : memref<8x128x32xi32, #tpu.memory_space<vmem>>, vector<16xi32>,
        %bitcast3A_622 = vector.bitcast %get3A_621 : vector<16xi32> to vector<32xbf16>
        %add3A_623 = arith.addf %add3A_614, %bitcast3A_622 : vector<32xbf16>
        %unpack3A_624 = tpu.unpack_subelements %add3A_623, 0 {pack_format = #tpu.pack_format<interleaved>} : vector<32xbf16> -> vector<16xf32>
        %unpack3A_625 = tpu.unpack_subelements %add3A_623, 1 {pack_format = #tpu.pack_format<interleaved>} : vector<32xbf16> -> vector<16xf32>
        %add3A_626 = arith.addf %add3A_548, %unpack3A_624 : vector<16xf32>
        %add3A_627 = arith.addf %add3A_549, %unpack3A_625 : vector<16xf32>
        %get3A_628 = arith.constant 6 : i32
        %get3A_629 = arith.index_cast %get3A_628 : i32 to index
        %get3A_630 = arith.index_cast %mul3A_590 : i32 to index
        %get3A_631 = arith.constant 16 : index
        %get3A_632 = tpu.vector_load %arg7[%get3A_629, %get3A_630, %get3A_631] {strides = array<i32>} : memref<8x128x32xi32, #tpu.memory_space<vmem>>, vector<16xi32>,
        %bitcast3A_633 = vector.bitcast %get3A_632 : vector<16xi32> to vector<32xbf16>
        %add3A_634 = arith.constant 1 : i32
        %add3A_635 = arith.addi %mul3A_590, %add3A_634 : i32
        %get3A_636 = arith.constant 6 : i32
        %get3A_637 = arith.index_cast %get3A_636 : i32 to index
        %get3A_638 = arith.index_cast %add3A_635 : i32 to index
        %get3A_639 = arith.constant 16 : index
        %get3A_640 = tpu.vector_load %arg7[%get3A_637, %get3A_638, %get3A_639] {strides = array<i32>} : memref<8x128x32xi32, #tpu.memory_space<vmem>>, vector<16xi32>,
        %bitcast3A_641 = vector.bitcast %get3A_640 : vector<16xi32> to vector<32xbf16>
        %add3A_642 = arith.addf %bitcast3A_633, %bitcast3A_641 : vector<32xbf16>
        %add3A_643 = arith.constant 2 : i32
        %add3A_644 = arith.addi %mul3A_590, %add3A_643 : i32
        %get3A_645 = arith.constant 6 : i32
        %get3A_646 = arith.index_cast %get3A_645 : i32 to index
        %get3A_647 = arith.index_cast %add3A_644 : i32 to index
        %get3A_648 = arith.constant 16 : index
        %get3A_649 = tpu.vector_load %arg7[%get3A_646, %get3A_647, %get3A_648] {strides = array<i32>} : memref<8x128x32xi32, #tpu.memory_space<vmem>>, vector<16xi32>,
        %bitcast3A_650 = vector.bitcast %get3A_649 : vector<16xi32> to vector<32xbf16>
        %add3A_651 = arith.addf %add3A_642, %bitcast3A_650 : vector<32xbf16>
        %add3A_652 = arith.constant 3 : i32
        %add3A_653 = arith.addi %mul3A_590, %add3A_652 : i32
        %get3A_654 = arith.constant 6 : i32
        %get3A_655 = arith.index_cast %get3A_654 : i32 to index
        %get3A_656 = arith.index_cast %add3A_653 : i32 to index
        %get3A_657 = arith.constant 16 : index
        %get3A_658 = tpu.vector_load %arg7[%get3A_655, %get3A_656, %get3A_657] {strides = array<i32>} : memref<8x128x32xi32, #tpu.memory_space<vmem>>, vector<16xi32>,
        %bitcast3A_659 = vector.bitcast %get3A_658 : vector<16xi32> to vector<32xbf16>
        %add3A_660 = arith.addf %add3A_651, %bitcast3A_659 : vector<32xbf16>
        %unpack3A_661 = tpu.unpack_subelements %add3A_660, 0 {pack_format = #tpu.pack_format<interleaved>} : vector<32xbf16> -> vector<16xf32>
        %unpack3A_662 = tpu.unpack_subelements %add3A_660, 1 {pack_format = #tpu.pack_format<interleaved>} : vector<32xbf16> -> vector<16xf32>
        %add3A_663 = arith.addf %add3A_585, %unpack3A_661 : vector<16xf32>
        %add3A_664 = arith.addf %add3A_586, %unpack3A_662 : vector<16xf32>
        %scan3A_665 = arith.constant 3 : i32
        %scan3A_666 = arith.addi %scan3A_430, %scan3A_665 : i32
        %mul3A_667 = arith.constant 4 : i32
        %mul3A_668 = arith.muli %scan3A_666, %mul3A_667 : i32
        %get3A_669 = arith.constant 6 : i32
        %get3A_670 = arith.index_cast %get3A_669 : i32 to index
        %get3A_671 = arith.index_cast %mul3A_668 : i32 to index
        %get3A_672 = arith.constant 0 : index
        %get3A_673 = tpu.vector_load %arg7[%get3A_670, %get3A_671, %get3A_672] {strides = array<i32>} : memref<8x128x32xi32, #tpu.memory_space<vmem>>, vector<16xi32>,
        %bitcast3A_674 = vector.bitcast %get3A_673 : vector<16xi32> to vector<32xbf16>
        %add3A_675 = arith.constant 1 : i32
        %add3A_676 = arith.addi %mul3A_668, %add3A_675 : i32
        %get3A_677 = arith.constant 6 : i32
        %get3A_678 = arith.index_cast %get3A_677 : i32 to index
        %get3A_679 = arith.index_cast %add3A_676 : i32 to index
        %get3A_680 = arith.constant 0 : index
        %get3A_681 = tpu.vector_load %arg7[%get3A_678, %get3A_679, %get3A_680] {strides = array<i32>} : memref<8x128x32xi32, #tpu.memory_space<vmem>>, vector<16xi32>,
        %bitcast3A_682 = vector.bitcast %get3A_681 : vector<16xi32> to vector<32xbf16>
        %add3A_683 = arith.addf %bitcast3A_674, %bitcast3A_682 : vector<32xbf16>
        %add3A_684 = arith.constant 2 : i32
        %add3A_685 = arith.addi %mul3A_668, %add3A_684 : i32
        %get3A_686 = arith.constant 6 : i32
        %get3A_687 = arith.index_cast %get3A_686 : i32 to index
        %get3A_688 = arith.index_cast %add3A_685 : i32 to index
        %get3A_689 = arith.constant 0 : index
        %get3A_690 = tpu.vector_load %arg7[%get3A_687, %get3A_688, %get3A_689] {strides = array<i32>} : memref<8x128x32xi32, #tpu.memory_space<vmem>>, vector<16xi32>,
        %bitcast3A_691 = vector.bitcast %get3A_690 : vector<16xi32> to vector<32xbf16>
        %add3A_692 = arith.addf %add3A_683, %bitcast3A_691 : vector<32xbf16>
        %add3A_693 = arith.constant 3 : i32
        %add3A_694 = arith.addi %mul3A_668, %add3A_693 : i32
        %get3A_695 = arith.constant 6 : i32
        %get3A_696 = arith.index_cast %get3A_695 : i32 to index
        %get3A_697 = arith.index_cast %add3A_694 : i32 to index
        %get3A_698 = arith.constant 0 : index
        %get3A_699 = tpu.vector_load %arg7[%get3A_696, %get3A_697, %get3A_698] {strides = array<i32>} : memref<8x128x32xi32, #tpu.memory_space<vmem>>, vector<16xi32>,
        %bitcast3A_700 = vector.bitcast %get3A_699 : vector<16xi32> to vector<32xbf16>
        %add3A_701 = arith.addf %add3A_692, %bitcast3A_700 : vector<32xbf16>
        %unpack3A_702 = tpu.unpack_subelements %add3A_701, 0 {pack_format = #tpu.pack_format<interleaved>} : vector<32xbf16> -> vector<16xf32>
        %unpack3A_703 = tpu.unpack_subelements %add3A_701, 1 {pack_format = #tpu.pack_format<interleaved>} : vector<32xbf16> -> vector<16xf32>
        %add3A_704 = arith.addf %add3A_626, %unpack3A_702 : vector<16xf32>
        %add3A_705 = arith.addf %add3A_627, %unpack3A_703 : vector<16xf32>
        %get3A_706 = arith.constant 6 : i32
        %get3A_707 = arith.index_cast %get3A_706 : i32 to index
        %get3A_708 = arith.index_cast %mul3A_668 : i32 to index
        %get3A_709 = arith.constant 16 : index
        %get3A_710 = tpu.vector_load %arg7[%get3A_707, %get3A_708, %get3A_709] {strides = array<i32>} : memref<8x128x32xi32, #tpu.memory_space<vmem>>, vector<16xi32>,
        %bitcast3A_711 = vector.bitcast %get3A_710 : vector<16xi32> to vector<32xbf16>
        %add3A_712 = arith.constant 1 : i32
        %add3A_713 = arith.addi %mul3A_668, %add3A_712 : i32
        %get3A_714 = arith.constant 6 : i32
        %get3A_715 = arith.index_cast %get3A_714 : i32 to index
        %get3A_716 = arith.index_cast %add3A_713 : i32 to index
        %get3A_717 = arith.constant 16 : index
        %get3A_718 = tpu.vector_load %arg7[%get3A_715, %get3A_716, %get3A_717] {strides = array<i32>} : memref<8x128x32xi32, #tpu.memory_space<vmem>>, vector<16xi32>,
        %bitcast3A_719 = vector.bitcast %get3A_718 : vector<16xi32> to vector<32xbf16>
        %add3A_720 = arith.addf %bitcast3A_711, %bitcast3A_719 : vector<32xbf16>
        %add3A_721 = arith.constant 2 : i32
        %add3A_722 = arith.addi %mul3A_668, %add3A_721 : i32
        %get3A_723 = arith.constant 6 : i32
        %get3A_724 = arith.index_cast %get3A_723 : i32 to index
        %get3A_725 = arith.index_cast %add3A_722 : i32 to index
        %get3A_726 = arith.constant 16 : index
        %get3A_727 = tpu.vector_load %arg7[%get3A_724, %get3A_725, %get3A_726] {strides = array<i32>} : memref<8x128x32xi32, #tpu.memory_space<vmem>>, vector<16xi32>,
        %bitcast3A_728 = vector.bitcast %get3A_727 : vector<16xi32> to vector<32xbf16>
        %add3A_729 = arith.addf %add3A_720, %bitcast3A_728 : vector<32xbf16>
        %add3A_730 = arith.constant 3 : i32
        %add3A_731 = arith.addi %mul3A_668, %add3A_730 : i32
        %get3A_732 = arith.constant 6 : i32
        %get3A_733 = arith.index_cast %get3A_732 : i32 to index
        %get3A_734 = arith.index_cast %add3A_731 : i32 to index
        %get3A_735 = arith.constant 16 : index
        %get3A_736 = tpu.vector_load %arg7[%get3A_733, %get3A_734, %get3A_735] {strides = array<i32>} : memref<8x128x32xi32, #tpu.memory_space<vmem>>, vector<16xi32>,
        %bitcast3A_737 = vector.bitcast %get3A_736 : vector<16xi32> to vector<32xbf16>
        %add3A_738 = arith.addf %add3A_729, %bitcast3A_737 : vector<32xbf16>
        %unpack3A_739 = tpu.unpack_subelements %add3A_738, 0 {pack_format = #tpu.pack_format<interleaved>} : vector<32xbf16> -> vector<16xf32>
        %unpack3A_740 = tpu.unpack_subelements %add3A_738, 1 {pack_format = #tpu.pack_format<interleaved>} : vector<32xbf16> -> vector<16xf32>
        %add3A_741 = arith.addf %add3A_663, %unpack3A_739 : vector<16xf32>
        %add3A_742 = arith.addf %add3A_664, %unpack3A_740 : vector<16xf32>
        scf.yield %add3A_704, %add3A_705, %add3A_741, %add3A_742 : vector<16xf32>, vector<16xf32>, vector<16xf32>, vector<16xf32>
      }
      %scan3A_357 = arith.constant 32 : i32
      %add3A_358 = arith.constant 1 : i32
      %add3A_359 = arith.addi %scan3A_114, %add3A_358 : i32
      %lt3A_360 = arith.constant 16 : i32
      %lt3A_361 = arith.cmpi slt, %add3A_359, %lt3A_360 : i32
      %convert_element_type3A_362 = arith.extui %lt3A_361 : i1 to i32
      %cond3A_363 = arith.constant 0 : i32
      %cond3A_364 = arith.cmpi ne, %convert_element_type3A_362, %cond3A_363 : i32
      scf.if %cond3A_364 {
        %add3A_430 = arith.constant 8 : i32
        %add3A_431 = arith.addi %add3A_340, %add3A_430 : i32
        %dma_start3A_432 = arith.constant 6 : i32
        %dma_start3A_433 = arith.constant 0 : i32
        %dma_start3A_434 = arith.constant 0 : i32
        %dma_start3A_435 = tpu.memref_slice %arg7[%dma_start3A_432, %dma_start3A_433, %dma_start3A_434] : memref<8x128x32xi32, #tpu.memory_space<vmem>> -> memref<1x128x32xi32, #tpu.memory_space<vmem>>
        %dma_start3A_436 = tpu.memref_squeeze %dma_start3A_435 : memref<1x128x32xi32, #tpu.memory_space<vmem>> -> memref<128x32xi32, #tpu.memory_space<vmem>>
        %dma_start3A_437 = arith.constant 0 : i32
        %dma_start3A_438 = tpu.memref_slice %arg6[%add3A_431, %dma_start3A_437] : memref<128x128xi32, #tpu.memory_space<vmem>> -> memref<1x128xi32, #tpu.memory_space<vmem>>
        %dma_start3A_439 = tpu.memref_squeeze %dma_start3A_438 : memref<1x128xi32, #tpu.memory_space<vmem>> -> memref<128xi32, #tpu.memory_space<vmem>>
        %dma_start3A_440 = arith.constant 0 : i32
        %dma_start3A_441 = arith.constant 0 : i32
        %dma_start3A_442 = tpu.memref_slice %arg3[%dma_start3A_440, %dma_start3A_441] : memref<30720x32xi32, #tpu.memory_space<hbm>> -> memref<30720x32xi32, #tpu.memory_space<hbm>>
        tpu.enqueue_indirect_dma source(%dma_start3A_442 : memref<30720x32xi32, #tpu.memory_space<hbm>>) target(%dma_start3A_436 : memref<128x32xi32, #tpu.memory_space<vmem>>) offsets(%dma_start3A_439 : memref<128xi32, #tpu.memory_space<vmem>>) semaphore(%arg16 : memref<!tpu.dma_semaphore, #tpu.memory_space<semaphore_mem>>)
      } else {
      }
      %mul3A_365 = arith.constant 4 : i32
      %mul3A_366 = arith.muli %add3A_272, %mul3A_365 : i32
      %add3A_367 = arith.constant 3 : i32
      %add3A_368 = arith.addi %mul3A_366, %add3A_367 : i32
      %dma_wait3A_369 = arith.constant 7 : i32
      %dma_wait3A_370 = arith.constant 0 : i32
      %dma_wait3A_371 = arith.constant 0 : i32
      %dma_wait3A_372 = tpu.memref_slice %arg7[%dma_wait3A_369, %dma_wait3A_370, %dma_wait3A_371] : memref<8x128x32xi32, #tpu.memory_space<vmem>> -> memref<1x128x32xi32, #tpu.memory_space<vmem>>
      %dma_wait3A_373 = tpu.memref_squeeze %dma_wait3A_372 : memref<1x128x32xi32, #tpu.memory_space<vmem>> -> memref<128x32xi32, #tpu.memory_space<vmem>>
      %dma_wait3A_374 = arith.constant 0 : i32
      %dma_wait3A_375 = tpu.memref_slice %arg6[%add3A_368, %dma_wait3A_374] : memref<128x128xi32, #tpu.memory_space<vmem>> -> memref<1x128xi32, #tpu.memory_space<vmem>>
      %dma_wait3A_376 = tpu.memref_squeeze %dma_wait3A_375 : memref<1x128xi32, #tpu.memory_space<vmem>> -> memref<128xi32, #tpu.memory_space<vmem>>
      %dma_wait3A_377 = arith.constant 0 : i32
      %dma_wait3A_378 = arith.constant 0 : i32
      %dma_wait3A_379 = tpu.memref_slice %arg3[%dma_wait3A_377, %dma_wait3A_378] : memref<30720x32xi32, #tpu.memory_space<hbm>> -> memref<30720x32xi32, #tpu.memory_space<hbm>>
      tpu.wait_indirect_dma semaphore(%arg17 : memref<!tpu.dma_semaphore, #tpu.memory_space<semaphore_mem>>) src(%dma_wait3A_379 : memref<30720x32xi32, #tpu.memory_space<hbm>>) dst(%dma_wait3A_373 : memref<128x32xi32, #tpu.memory_space<vmem>>)
      %scan3A_380 = arith.constant 0 : i32
      %scan3A_381 = arith.constant 32 : i32
      %scan3A_382 = arith.addi %scan3A_380, %scan3A_381 : i32
      %scan3A_383 = arith.constant 4 : i32
      %scan3A_384:4 = scf.for %scan3A_430 = %scan3A_380 to %scan3A_382 step %scan3A_383 iter_args(%scan3A_431 = %scan3A_356#0, %scan3A_432 = %scan3A_356#1, %scan3A_433 = %scan3A_356#2, %scan3A_434 = %scan3A_356#3) -> (vector<16xf32>, vector<16xf32>, vector<16xf32>, vector<16xf32>)  : i32 {
        %mul3A_435 = arith.constant 4 : i32
        %mul3A_436 = arith.muli %scan3A_430, %mul3A_435 : i32
        %get3A_437 = arith.constant 7 : i32
        %get3A_438 = arith.index_cast %get3A_437 : i32 to index
        %get3A_439 = arith.index_cast %mul3A_436 : i32 to index
        %get3A_440 = arith.constant 0 : index
        %get3A_441 = tpu.vector_load %arg7[%get3A_438, %get3A_439, %get3A_440] {strides = array<i32>} : memref<8x128x32xi32, #tpu.memory_space<vmem>>, vector<16xi32>,
        %bitcast3A = vector.bitcast %get3A_441 : vector<16xi32> to vector<32xbf16>
        %add3A_442 = arith.constant 1 : i32
        %add3A_443 = arith.addi %mul3A_436, %add3A_442 : i32
        %get3A_444 = arith.constant 7 : i32
        %get3A_445 = arith.index_cast %get3A_444 : i32 to index
        %get3A_446 = arith.index_cast %add3A_443 : i32 to index
        %get3A_447 = arith.constant 0 : index
        %get3A_448 = tpu.vector_load %arg7[%get3A_445, %get3A_446, %get3A_447] {strides = array<i32>} : memref<8x128x32xi32, #tpu.memory_space<vmem>>, vector<16xi32>,
        %bitcast3A_449 = vector.bitcast %get3A_448 : vector<16xi32> to vector<32xbf16>
        %add3A_450 = arith.addf %bitcast3A, %bitcast3A_449 : vector<32xbf16>
        %add3A_451 = arith.constant 2 : i32
        %add3A_452 = arith.addi %mul3A_436, %add3A_451 : i32
        %get3A_453 = arith.constant 7 : i32
        %get3A_454 = arith.index_cast %get3A_453 : i32 to index
        %get3A_455 = arith.index_cast %add3A_452 : i32 to index
        %get3A_456 = arith.constant 0 : index
        %get3A_457 = tpu.vector_load %arg7[%get3A_454, %get3A_455, %get3A_456] {strides = array<i32>} : memref<8x128x32xi32, #tpu.memory_space<vmem>>, vector<16xi32>,
        %bitcast3A_458 = vector.bitcast %get3A_457 : vector<16xi32> to vector<32xbf16>
        %add3A_459 = arith.addf %add3A_450, %bitcast3A_458 : vector<32xbf16>
        %add3A_460 = arith.constant 3 : i32
        %add3A_461 = arith.addi %mul3A_436, %add3A_460 : i32
        %get3A_462 = arith.constant 7 : i32
        %get3A_463 = arith.index_cast %get3A_462 : i32 to index
        %get3A_464 = arith.index_cast %add3A_461 : i32 to index
        %get3A_465 = arith.constant 0 : index
        %get3A_466 = tpu.vector_load %arg7[%get3A_463, %get3A_464, %get3A_465] {strides = array<i32>} : memref<8x128x32xi32, #tpu.memory_space<vmem>>, vector<16xi32>,
        %bitcast3A_467 = vector.bitcast %get3A_466 : vector<16xi32> to vector<32xbf16>
        %add3A_468 = arith.addf %add3A_459, %bitcast3A_467 : vector<32xbf16>
        %unpack3A = tpu.unpack_subelements %add3A_468, 0 {pack_format = #tpu.pack_format<interleaved>} : vector<32xbf16> -> vector<16xf32>
        %unpack3A_469 = tpu.unpack_subelements %add3A_468, 1 {pack_format = #tpu.pack_format<interleaved>} : vector<32xbf16> -> vector<16xf32>
        %add3A_470 = arith.addf %scan3A_431, %unpack3A : vector<16xf32>
        %add3A_471 = arith.addf %scan3A_432, %unpack3A_469 : vector<16xf32>
        %get3A_472 = arith.constant 7 : i32
        %get3A_473 = arith.index_cast %get3A_472 : i32 to index
        %get3A_474 = arith.index_cast %mul3A_436 : i32 to index
        %get3A_475 = arith.constant 16 : index
        %get3A_476 = tpu.vector_load %arg7[%get3A_473, %get3A_474, %get3A_475] {strides = array<i32>} : memref<8x128x32xi32, #tpu.memory_space<vmem>>, vector<16xi32>,
        %bitcast3A_477 = vector.bitcast %get3A_476 : vector<16xi32> to vector<32xbf16>
        %add3A_478 = arith.constant 1 : i32
        %add3A_479 = arith.addi %mul3A_436, %add3A_478 : i32
        %get3A_480 = arith.constant 7 : i32
        %get3A_481 = arith.index_cast %get3A_480 : i32 to index
        %get3A_482 = arith.index_cast %add3A_479 : i32 to index
        %get3A_483 = arith.constant 16 : index
        %get3A_484 = tpu.vector_load %arg7[%get3A_481, %get3A_482, %get3A_483] {strides = array<i32>} : memref<8x128x32xi32, #tpu.memory_space<vmem>>, vector<16xi32>,
        %bitcast3A_485 = vector.bitcast %get3A_484 : vector<16xi32> to vector<32xbf16>
        %add3A_486 = arith.addf %bitcast3A_477, %bitcast3A_485 : vector<32xbf16>
        %add3A_487 = arith.constant 2 : i32
        %add3A_488 = arith.addi %mul3A_436, %add3A_487 : i32
        %get3A_489 = arith.constant 7 : i32
        %get3A_490 = arith.index_cast %get3A_489 : i32 to index
        %get3A_491 = arith.index_cast %add3A_488 : i32 to index
        %get3A_492 = arith.constant 16 : index
        %get3A_493 = tpu.vector_load %arg7[%get3A_490, %get3A_491, %get3A_492] {strides = array<i32>} : memref<8x128x32xi32, #tpu.memory_space<vmem>>, vector<16xi32>,
        %bitcast3A_494 = vector.bitcast %get3A_493 : vector<16xi32> to vector<32xbf16>
        %add3A_495 = arith.addf %add3A_486, %bitcast3A_494 : vector<32xbf16>
        %add3A_496 = arith.constant 3 : i32
        %add3A_497 = arith.addi %mul3A_436, %add3A_496 : i32
        %get3A_498 = arith.constant 7 : i32
        %get3A_499 = arith.index_cast %get3A_498 : i32 to index
        %get3A_500 = arith.index_cast %add3A_497 : i32 to index
        %get3A_501 = arith.constant 16 : index
        %get3A_502 = tpu.vector_load %arg7[%get3A_499, %get3A_500, %get3A_501] {strides = array<i32>} : memref<8x128x32xi32, #tpu.memory_space<vmem>>, vector<16xi32>,
        %bitcast3A_503 = vector.bitcast %get3A_502 : vector<16xi32> to vector<32xbf16>
        %add3A_504 = arith.addf %add3A_495, %bitcast3A_503 : vector<32xbf16>
        %unpack3A_505 = tpu.unpack_subelements %add3A_504, 0 {pack_format = #tpu.pack_format<interleaved>} : vector<32xbf16> -> vector<16xf32>
        %unpack3A_506 = tpu.unpack_subelements %add3A_504, 1 {pack_format = #tpu.pack_format<interleaved>} : vector<32xbf16> -> vector<16xf32>
        %add3A_507 = arith.addf %scan3A_433, %unpack3A_505 : vector<16xf32>
        %add3A_508 = arith.addf %scan3A_434, %unpack3A_506 : vector<16xf32>
        %scan3A_509 = arith.constant 1 : i32
        %scan3A_510 = arith.addi %scan3A_430, %scan3A_509 : i32
        %mul3A_511 = arith.constant 4 : i32
        %mul3A_512 = arith.muli %scan3A_510, %mul3A_511 : i32
        %get3A_513 = arith.constant 7 : i32
        %get3A_514 = arith.index_cast %get3A_513 : i32 to index
        %get3A_515 = arith.index_cast %mul3A_512 : i32 to index
        %get3A_516 = arith.constant 0 : index
        %get3A_517 = tpu.vector_load %arg7[%get3A_514, %get3A_515, %get3A_516] {strides = array<i32>} : memref<8x128x32xi32, #tpu.memory_space<vmem>>, vector<16xi32>,
        %bitcast3A_518 = vector.bitcast %get3A_517 : vector<16xi32> to vector<32xbf16>
        %add3A_519 = arith.constant 1 : i32
        %add3A_520 = arith.addi %mul3A_512, %add3A_519 : i32
        %get3A_521 = arith.constant 7 : i32
        %get3A_522 = arith.index_cast %get3A_521 : i32 to index
        %get3A_523 = arith.index_cast %add3A_520 : i32 to index
        %get3A_524 = arith.constant 0 : index
        %get3A_525 = tpu.vector_load %arg7[%get3A_522, %get3A_523, %get3A_524] {strides = array<i32>} : memref<8x128x32xi32, #tpu.memory_space<vmem>>, vector<16xi32>,
        %bitcast3A_526 = vector.bitcast %get3A_525 : vector<16xi32> to vector<32xbf16>
        %add3A_527 = arith.addf %bitcast3A_518, %bitcast3A_526 : vector<32xbf16>
        %add3A_528 = arith.constant 2 : i32
        %add3A_529 = arith.addi %mul3A_512, %add3A_528 : i32
        %get3A_530 = arith.constant 7 : i32
        %get3A_531 = arith.index_cast %get3A_530 : i32 to index
        %get3A_532 = arith.index_cast %add3A_529 : i32 to index
        %get3A_533 = arith.constant 0 : index
        %get3A_534 = tpu.vector_load %arg7[%get3A_531, %get3A_532, %get3A_533] {strides = array<i32>} : memref<8x128x32xi32, #tpu.memory_space<vmem>>, vector<16xi32>,
        %bitcast3A_535 = vector.bitcast %get3A_534 : vector<16xi32> to vector<32xbf16>
        %add3A_536 = arith.addf %add3A_527, %bitcast3A_535 : vector<32xbf16>
        %add3A_537 = arith.constant 3 : i32
        %add3A_538 = arith.addi %mul3A_512, %add3A_537 : i32
        %get3A_539 = arith.constant 7 : i32
        %get3A_540 = arith.index_cast %get3A_539 : i32 to index
        %get3A_541 = arith.index_cast %add3A_538 : i32 to index
        %get3A_542 = arith.constant 0 : index
        %get3A_543 = tpu.vector_load %arg7[%get3A_540, %get3A_541, %get3A_542] {strides = array<i32>} : memref<8x128x32xi32, #tpu.memory_space<vmem>>, vector<16xi32>,
        %bitcast3A_544 = vector.bitcast %get3A_543 : vector<16xi32> to vector<32xbf16>
        %add3A_545 = arith.addf %add3A_536, %bitcast3A_544 : vector<32xbf16>
        %unpack3A_546 = tpu.unpack_subelements %add3A_545, 0 {pack_format = #tpu.pack_format<interleaved>} : vector<32xbf16> -> vector<16xf32>
        %unpack3A_547 = tpu.unpack_subelements %add3A_545, 1 {pack_format = #tpu.pack_format<interleaved>} : vector<32xbf16> -> vector<16xf32>
        %add3A_548 = arith.addf %add3A_470, %unpack3A_546 : vector<16xf32>
        %add3A_549 = arith.addf %add3A_471, %unpack3A_547 : vector<16xf32>
        %get3A_550 = arith.constant 7 : i32
        %get3A_551 = arith.index_cast %get3A_550 : i32 to index
        %get3A_552 = arith.index_cast %mul3A_512 : i32 to index
        %get3A_553 = arith.constant 16 : index
        %get3A_554 = tpu.vector_load %arg7[%get3A_551, %get3A_552, %get3A_553] {strides = array<i32>} : memref<8x128x32xi32, #tpu.memory_space<vmem>>, vector<16xi32>,
        %bitcast3A_555 = vector.bitcast %get3A_554 : vector<16xi32> to vector<32xbf16>
        %add3A_556 = arith.constant 1 : i32
        %add3A_557 = arith.addi %mul3A_512, %add3A_556 : i32
        %get3A_558 = arith.constant 7 : i32
        %get3A_559 = arith.index_cast %get3A_558 : i32 to index
        %get3A_560 = arith.index_cast %add3A_557 : i32 to index
        %get3A_561 = arith.constant 16 : index
        %get3A_562 = tpu.vector_load %arg7[%get3A_559, %get3A_560, %get3A_561] {strides = array<i32>} : memref<8x128x32xi32, #tpu.memory_space<vmem>>, vector<16xi32>,
        %bitcast3A_563 = vector.bitcast %get3A_562 : vector<16xi32> to vector<32xbf16>
        %add3A_564 = arith.addf %bitcast3A_555, %bitcast3A_563 : vector<32xbf16>
        %add3A_565 = arith.constant 2 : i32
        %add3A_566 = arith.addi %mul3A_512, %add3A_565 : i32
        %get3A_567 = arith.constant 7 : i32
        %get3A_568 = arith.index_cast %get3A_567 : i32 to index
        %get3A_569 = arith.index_cast %add3A_566 : i32 to index
        %get3A_570 = arith.constant 16 : index
        %get3A_571 = tpu.vector_load %arg7[%get3A_568, %get3A_569, %get3A_570] {strides = array<i32>} : memref<8x128x32xi32, #tpu.memory_space<vmem>>, vector<16xi32>,
        %bitcast3A_572 = vector.bitcast %get3A_571 : vector<16xi32> to vector<32xbf16>
        %add3A_573 = arith.addf %add3A_564, %bitcast3A_572 : vector<32xbf16>
        %add3A_574 = arith.constant 3 : i32
        %add3A_575 = arith.addi %mul3A_512, %add3A_574 : i32
        %get3A_576 = arith.constant 7 : i32
        %get3A_577 = arith.index_cast %get3A_576 : i32 to index
        %get3A_578 = arith.index_cast %add3A_575 : i32 to index
        %get3A_579 = arith.constant 16 : index
        %get3A_580 = tpu.vector_load %arg7[%get3A_577, %get3A_578, %get3A_579] {strides = array<i32>} : memref<8x128x32xi32, #tpu.memory_space<vmem>>, vector<16xi32>,
        %bitcast3A_581 = vector.bitcast %get3A_580 : vector<16xi32> to vector<32xbf16>
        %add3A_582 = arith.addf %add3A_573, %bitcast3A_581 : vector<32xbf16>
        %unpack3A_583 = tpu.unpack_subelements %add3A_582, 0 {pack_format = #tpu.pack_format<interleaved>} : vector<32xbf16> -> vector<16xf32>
        %unpack3A_584 = tpu.unpack_subelements %add3A_582, 1 {pack_format = #tpu.pack_format<interleaved>} : vector<32xbf16> -> vector<16xf32>
        %add3A_585 = arith.addf %add3A_507, %unpack3A_583 : vector<16xf32>
        %add3A_586 = arith.addf %add3A_508, %unpack3A_584 : vector<16xf32>
        %scan3A_587 = arith.constant 2 : i32
        %scan3A_588 = arith.addi %scan3A_430, %scan3A_587 : i32
        %mul3A_589 = arith.constant 4 : i32
        %mul3A_590 = arith.muli %scan3A_588, %mul3A_589 : i32
        %get3A_591 = arith.constant 7 : i32
        %get3A_592 = arith.index_cast %get3A_591 : i32 to index
        %get3A_593 = arith.index_cast %mul3A_590 : i32 to index
        %get3A_594 = arith.constant 0 : index
        %get3A_595 = tpu.vector_load %arg7[%get3A_592, %get3A_593, %get3A_594] {strides = array<i32>} : memref<8x128x32xi32, #tpu.memory_space<vmem>>, vector<16xi32>,
        %bitcast3A_596 = vector.bitcast %get3A_595 : vector<16xi32> to vector<32xbf16>
        %add3A_597 = arith.constant 1 : i32
        %add3A_598 = arith.addi %mul3A_590, %add3A_597 : i32
        %get3A_599 = arith.constant 7 : i32
        %get3A_600 = arith.index_cast %get3A_599 : i32 to index
        %get3A_601 = arith.index_cast %add3A_598 : i32 to index
        %get3A_602 = arith.constant 0 : index
        %get3A_603 = tpu.vector_load %arg7[%get3A_600, %get3A_601, %get3A_602] {strides = array<i32>} : memref<8x128x32xi32, #tpu.memory_space<vmem>>, vector<16xi32>,
        %bitcast3A_604 = vector.bitcast %get3A_603 : vector<16xi32> to vector<32xbf16>
        %add3A_605 = arith.addf %bitcast3A_596, %bitcast3A_604 : vector<32xbf16>
        %add3A_606 = arith.constant 2 : i32
        %add3A_607 = arith.addi %mul3A_590, %add3A_606 : i32
        %get3A_608 = arith.constant 7 : i32
        %get3A_609 = arith.index_cast %get3A_608 : i32 to index
        %get3A_610 = arith.index_cast %add3A_607 : i32 to index
        %get3A_611 = arith.constant 0 : index
        %get3A_612 = tpu.vector_load %arg7[%get3A_609, %get3A_610, %get3A_611] {strides = array<i32>} : memref<8x128x32xi32, #tpu.memory_space<vmem>>, vector<16xi32>,
        %bitcast3A_613 = vector.bitcast %get3A_612 : vector<16xi32> to vector<32xbf16>
        %add3A_614 = arith.addf %add3A_605, %bitcast3A_613 : vector<32xbf16>
        %add3A_615 = arith.constant 3 : i32
        %add3A_616 = arith.addi %mul3A_590, %add3A_615 : i32
        %get3A_617 = arith.constant 7 : i32
        %get3A_618 = arith.index_cast %get3A_617 : i32 to index
        %get3A_619 = arith.index_cast %add3A_616 : i32 to index
        %get3A_620 = arith.constant 0 : index
        %get3A_621 = tpu.vector_load %arg7[%get3A_618, %get3A_619, %get3A_620] {strides = array<i32>} : memref<8x128x32xi32, #tpu.memory_space<vmem>>, vector<16xi32>,
        %bitcast3A_622 = vector.bitcast %get3A_621 : vector<16xi32> to vector<32xbf16>
        %add3A_623 = arith.addf %add3A_614, %bitcast3A_622 : vector<32xbf16>
        %unpack3A_624 = tpu.unpack_subelements %add3A_623, 0 {pack_format = #tpu.pack_format<interleaved>} : vector<32xbf16> -> vector<16xf32>
        %unpack3A_625 = tpu.unpack_subelements %add3A_623, 1 {pack_format = #tpu.pack_format<interleaved>} : vector<32xbf16> -> vector<16xf32>
        %add3A_626 = arith.addf %add3A_548, %unpack3A_624 : vector<16xf32>
        %add3A_627 = arith.addf %add3A_549, %unpack3A_625 : vector<16xf32>
        %get3A_628 = arith.constant 7 : i32
        %get3A_629 = arith.index_cast %get3A_628 : i32 to index
        %get3A_630 = arith.index_cast %mul3A_590 : i32 to index
        %get3A_631 = arith.constant 16 : index
        %get3A_632 = tpu.vector_load %arg7[%get3A_629, %get3A_630, %get3A_631] {strides = array<i32>} : memref<8x128x32xi32, #tpu.memory_space<vmem>>, vector<16xi32>,
        %bitcast3A_633 = vector.bitcast %get3A_632 : vector<16xi32> to vector<32xbf16>
        %add3A_634 = arith.constant 1 : i32
        %add3A_635 = arith.addi %mul3A_590, %add3A_634 : i32
        %get3A_636 = arith.constant 7 : i32
        %get3A_637 = arith.index_cast %get3A_636 : i32 to index
        %get3A_638 = arith.index_cast %add3A_635 : i32 to index
        %get3A_639 = arith.constant 16 : index
        %get3A_640 = tpu.vector_load %arg7[%get3A_637, %get3A_638, %get3A_639] {strides = array<i32>} : memref<8x128x32xi32, #tpu.memory_space<vmem>>, vector<16xi32>,
        %bitcast3A_641 = vector.bitcast %get3A_640 : vector<16xi32> to vector<32xbf16>
        %add3A_642 = arith.addf %bitcast3A_633, %bitcast3A_641 : vector<32xbf16>
        %add3A_643 = arith.constant 2 : i32
        %add3A_644 = arith.addi %mul3A_590, %add3A_643 : i32
        %get3A_645 = arith.constant 7 : i32
        %get3A_646 = arith.index_cast %get3A_645 : i32 to index
        %get3A_647 = arith.index_cast %add3A_644 : i32 to index
        %get3A_648 = arith.constant 16 : index
        %get3A_649 = tpu.vector_load %arg7[%get3A_646, %get3A_647, %get3A_648] {strides = array<i32>} : memref<8x128x32xi32, #tpu.memory_space<vmem>>, vector<16xi32>,
        %bitcast3A_650 = vector.bitcast %get3A_649 : vector<16xi32> to vector<32xbf16>
        %add3A_651 = arith.addf %add3A_642, %bitcast3A_650 : vector<32xbf16>
        %add3A_652 = arith.constant 3 : i32
        %add3A_653 = arith.addi %mul3A_590, %add3A_652 : i32
        %get3A_654 = arith.constant 7 : i32
        %get3A_655 = arith.index_cast %get3A_654 : i32 to index
        %get3A_656 = arith.index_cast %add3A_653 : i32 to index
        %get3A_657 = arith.constant 16 : index
        %get3A_658 = tpu.vector_load %arg7[%get3A_655, %get3A_656, %get3A_657] {strides = array<i32>} : memref<8x128x32xi32, #tpu.memory_space<vmem>>, vector<16xi32>,
        %bitcast3A_659 = vector.bitcast %get3A_658 : vector<16xi32> to vector<32xbf16>
        %add3A_660 = arith.addf %add3A_651, %bitcast3A_659 : vector<32xbf16>
        %unpack3A_661 = tpu.unpack_subelements %add3A_660, 0 {pack_format = #tpu.pack_format<interleaved>} : vector<32xbf16> -> vector<16xf32>
        %unpack3A_662 = tpu.unpack_subelements %add3A_660, 1 {pack_format = #tpu.pack_format<interleaved>} : vector<32xbf16> -> vector<16xf32>
        %add3A_663 = arith.addf %add3A_585, %unpack3A_661 : vector<16xf32>
        %add3A_664 = arith.addf %add3A_586, %unpack3A_662 : vector<16xf32>
        %scan3A_665 = arith.constant 3 : i32
        %scan3A_666 = arith.addi %scan3A_430, %scan3A_665 : i32
        %mul3A_667 = arith.constant 4 : i32
        %mul3A_668 = arith.muli %scan3A_666, %mul3A_667 : i32
        %get3A_669 = arith.constant 7 : i32
        %get3A_670 = arith.index_cast %get3A_669 : i32 to index
        %get3A_671 = arith.index_cast %mul3A_668 : i32 to index
        %get3A_672 = arith.constant 0 : index
        %get3A_673 = tpu.vector_load %arg7[%get3A_670, %get3A_671, %get3A_672] {strides = array<i32>} : memref<8x128x32xi32, #tpu.memory_space<vmem>>, vector<16xi32>,
        %bitcast3A_674 = vector.bitcast %get3A_673 : vector<16xi32> to vector<32xbf16>
        %add3A_675 = arith.constant 1 : i32
        %add3A_676 = arith.addi %mul3A_668, %add3A_675 : i32
        %get3A_677 = arith.constant 7 : i32
        %get3A_678 = arith.index_cast %get3A_677 : i32 to index
        %get3A_679 = arith.index_cast %add3A_676 : i32 to index
        %get3A_680 = arith.constant 0 : index
        %get3A_681 = tpu.vector_load %arg7[%get3A_678, %get3A_679, %get3A_680] {strides = array<i32>} : memref<8x128x32xi32, #tpu.memory_space<vmem>>, vector<16xi32>,
        %bitcast3A_682 = vector.bitcast %get3A_681 : vector<16xi32> to vector<32xbf16>
        %add3A_683 = arith.addf %bitcast3A_674, %bitcast3A_682 : vector<32xbf16>
        %add3A_684 = arith.constant 2 : i32
        %add3A_685 = arith.addi %mul3A_668, %add3A_684 : i32
        %get3A_686 = arith.constant 7 : i32
        %get3A_687 = arith.index_cast %get3A_686 : i32 to index
        %get3A_688 = arith.index_cast %add3A_685 : i32 to index
        %get3A_689 = arith.constant 0 : index
        %get3A_690 = tpu.vector_load %arg7[%get3A_687, %get3A_688, %get3A_689] {strides = array<i32>} : memref<8x128x32xi32, #tpu.memory_space<vmem>>, vector<16xi32>,
        %bitcast3A_691 = vector.bitcast %get3A_690 : vector<16xi32> to vector<32xbf16>
        %add3A_692 = arith.addf %add3A_683, %bitcast3A_691 : vector<32xbf16>
        %add3A_693 = arith.constant 3 : i32
        %add3A_694 = arith.addi %mul3A_668, %add3A_693 : i32
        %get3A_695 = arith.constant 7 : i32
        %get3A_696 = arith.index_cast %get3A_695 : i32 to index
        %get3A_697 = arith.index_cast %add3A_694 : i32 to index
        %get3A_698 = arith.constant 0 : index
        %get3A_699 = tpu.vector_load %arg7[%get3A_696, %get3A_697, %get3A_698] {strides = array<i32>} : memref<8x128x32xi32, #tpu.memory_space<vmem>>, vector<16xi32>,
        %bitcast3A_700 = vector.bitcast %get3A_699 : vector<16xi32> to vector<32xbf16>
        %add3A_701 = arith.addf %add3A_692, %bitcast3A_700 : vector<32xbf16>
        %unpack3A_702 = tpu.unpack_subelements %add3A_701, 0 {pack_format = #tpu.pack_format<interleaved>} : vector<32xbf16> -> vector<16xf32>
        %unpack3A_703 = tpu.unpack_subelements %add3A_701, 1 {pack_format = #tpu.pack_format<interleaved>} : vector<32xbf16> -> vector<16xf32>
        %add3A_704 = arith.addf %add3A_626, %unpack3A_702 : vector<16xf32>
        %add3A_705 = arith.addf %add3A_627, %unpack3A_703 : vector<16xf32>
        %get3A_706 = arith.constant 7 : i32
        %get3A_707 = arith.index_cast %get3A_706 : i32 to index
        %get3A_708 = arith.index_cast %mul3A_668 : i32 to index
        %get3A_709 = arith.constant 16 : index
        %get3A_710 = tpu.vector_load %arg7[%get3A_707, %get3A_708, %get3A_709] {strides = array<i32>} : memref<8x128x32xi32, #tpu.memory_space<vmem>>, vector<16xi32>,
        %bitcast3A_711 = vector.bitcast %get3A_710 : vector<16xi32> to vector<32xbf16>
        %add3A_712 = arith.constant 1 : i32
        %add3A_713 = arith.addi %mul3A_668, %add3A_712 : i32
        %get3A_714 = arith.constant 7 : i32
        %get3A_715 = arith.index_cast %get3A_714 : i32 to index
        %get3A_716 = arith.index_cast %add3A_713 : i32 to index
        %get3A_717 = arith.constant 16 : index
        %get3A_718 = tpu.vector_load %arg7[%get3A_715, %get3A_716, %get3A_717] {strides = array<i32>} : memref<8x128x32xi32, #tpu.memory_space<vmem>>, vector<16xi32>,
        %bitcast3A_719 = vector.bitcast %get3A_718 : vector<16xi32> to vector<32xbf16>
        %add3A_720 = arith.addf %bitcast3A_711, %bitcast3A_719 : vector<32xbf16>
        %add3A_721 = arith.constant 2 : i32
        %add3A_722 = arith.addi %mul3A_668, %add3A_721 : i32
        %get3A_723 = arith.constant 7 : i32
        %get3A_724 = arith.index_cast %get3A_723 : i32 to index
        %get3A_725 = arith.index_cast %add3A_722 : i32 to index
        %get3A_726 = arith.constant 16 : index
        %get3A_727 = tpu.vector_load %arg7[%get3A_724, %get3A_725, %get3A_726] {strides = array<i32>} : memref<8x128x32xi32, #tpu.memory_space<vmem>>, vector<16xi32>,
        %bitcast3A_728 = vector.bitcast %get3A_727 : vector<16xi32> to vector<32xbf16>
        %add3A_729 = arith.addf %add3A_720, %bitcast3A_728 : vector<32xbf16>
        %add3A_730 = arith.constant 3 : i32
        %add3A_731 = arith.addi %mul3A_668, %add3A_730 : i32
        %get3A_732 = arith.constant 7 : i32
        %get3A_733 = arith.index_cast %get3A_732 : i32 to index
        %get3A_734 = arith.index_cast %add3A_731 : i32 to index
        %get3A_735 = arith.constant 16 : index
        %get3A_736 = tpu.vector_load %arg7[%get3A_733, %get3A_734, %get3A_735] {strides = array<i32>} : memref<8x128x32xi32, #tpu.memory_space<vmem>>, vector<16xi32>,
        %bitcast3A_737 = vector.bitcast %get3A_736 : vector<16xi32> to vector<32xbf16>
        %add3A_738 = arith.addf %add3A_729, %bitcast3A_737 : vector<32xbf16>
        %unpack3A_739 = tpu.unpack_subelements %add3A_738, 0 {pack_format = #tpu.pack_format<interleaved>} : vector<32xbf16> -> vector<16xf32>
        %unpack3A_740 = tpu.unpack_subelements %add3A_738, 1 {pack_format = #tpu.pack_format<interleaved>} : vector<32xbf16> -> vector<16xf32>
        %add3A_741 = arith.addf %add3A_663, %unpack3A_739 : vector<16xf32>
        %add3A_742 = arith.addf %add3A_664, %unpack3A_740 : vector<16xf32>
        scf.yield %add3A_704, %add3A_705, %add3A_741, %add3A_742 : vector<16xf32>, vector<16xf32>, vector<16xf32>, vector<16xf32>
      }
      %scan3A_385 = arith.constant 32 : i32
      %add3A_386 = arith.constant 1 : i32
      %add3A_387 = arith.addi %scan3A_114, %add3A_386 : i32
      %lt3A_388 = arith.constant 16 : i32
      %lt3A_389 = arith.cmpi slt, %add3A_387, %lt3A_388 : i32
      %convert_element_type3A_390 = arith.extui %lt3A_389 : i1 to i32
      %cond3A_391 = arith.constant 0 : i32
      %cond3A_392 = arith.cmpi ne, %convert_element_type3A_390, %cond3A_391 : i32
      scf.if %cond3A_392 {
        %add3A_430 = arith.constant 8 : i32
        %add3A_431 = arith.addi %add3A_368, %add3A_430 : i32
        %dma_start3A_432 = arith.constant 7 : i32
        %dma_start3A_433 = arith.constant 0 : i32
        %dma_start3A_434 = arith.constant 0 : i32
        %dma_start3A_435 = tpu.memref_slice %arg7[%dma_start3A_432, %dma_start3A_433, %dma_start3A_434] : memref<8x128x32xi32, #tpu.memory_space<vmem>> -> memref<1x128x32xi32, #tpu.memory_space<vmem>>
        %dma_start3A_436 = tpu.memref_squeeze %dma_start3A_435 : memref<1x128x32xi32, #tpu.memory_space<vmem>> -> memref<128x32xi32, #tpu.memory_space<vmem>>
        %dma_start3A_437 = arith.constant 0 : i32
        %dma_start3A_438 = tpu.memref_slice %arg6[%add3A_431, %dma_start3A_437] : memref<128x128xi32, #tpu.memory_space<vmem>> -> memref<1x128xi32, #tpu.memory_space<vmem>>
        %dma_start3A_439 = tpu.memref_squeeze %dma_start3A_438 : memref<1x128xi32, #tpu.memory_space<vmem>> -> memref<128xi32, #tpu.memory_space<vmem>>
        %dma_start3A_440 = arith.constant 0 : i32
        %dma_start3A_441 = arith.constant 0 : i32
        %dma_start3A_442 = tpu.memref_slice %arg3[%dma_start3A_440, %dma_start3A_441] : memref<30720x32xi32, #tpu.memory_space<hbm>> -> memref<30720x32xi32, #tpu.memory_space<hbm>>
        tpu.enqueue_indirect_dma source(%dma_start3A_442 : memref<30720x32xi32, #tpu.memory_space<hbm>>) target(%dma_start3A_436 : memref<128x32xi32, #tpu.memory_space<vmem>>) offsets(%dma_start3A_439 : memref<128xi32, #tpu.memory_space<vmem>>) semaphore(%arg17 : memref<!tpu.dma_semaphore, #tpu.memory_space<semaphore_mem>>)
      } else {
      }
      %mul3A_393 = vector.broadcast %scan3A : f32 to vector<16xf32>
      %mul3A_394 = arith.mulf %scan3A_384#0, %mul3A_393 : vector<16xf32>
      %add3A_395 = arith.addf %mul3A_394, %get3A_98 : vector<16xf32>
      %max3A_396 = arith.constant 0.000000e+00 : f32
      %max3A_397 = vector.broadcast %max3A_396 : f32 to vector<16xf32>
      %max3A_398 = arith.maximumf %add3A_395, %max3A_397 : vector<16xf32>
      %swap3A_399 = arith.index_cast %add3A_272 : i32 to index
      %swap3A_400 = arith.constant 0 : index
      %swap3A_401 = tpu.vector_load %arg8[%swap3A_399, %swap3A_400] {strides = array<i32>} : memref<32x64xf32, #tpu.memory_space<vmem>>, vector<16xf32>,
      tpu.vector_store %arg8[%swap3A_399, %swap3A_400], %max3A_398 {strides = array<i32>} : memref<32x64xf32, #tpu.memory_space<vmem>>, vector<16xf32>,
      %mul3A_402 = vector.broadcast %scan3A : f32 to vector<16xf32>
      %mul3A_403 = arith.mulf %scan3A_384#1, %mul3A_402 : vector<16xf32>
      %add3A_404 = arith.addf %mul3A_403, %get3A_100 : vector<16xf32>
      %max3A_405 = arith.constant 0.000000e+00 : f32
      %max3A_406 = vector.broadcast %max3A_405 : f32 to vector<16xf32>
      %max3A_407 = arith.maximumf %add3A_404, %max3A_406 : vector<16xf32>
      %swap3A_408 = arith.index_cast %add3A_272 : i32 to index
      %swap3A_409 = arith.constant 32 : index
      %swap3A_410 = tpu.vector_load %arg8[%swap3A_408, %swap3A_409] {strides = array<i32>} : memref<32x64xf32, #tpu.memory_space<vmem>>, vector<16xf32>,
      tpu.vector_store %arg8[%swap3A_408, %swap3A_409], %max3A_407 {strides = array<i32>} : memref<32x64xf32, #tpu.memory_space<vmem>>, vector<16xf32>,
      %mul3A_411 = vector.broadcast %scan3A : f32 to vector<16xf32>
      %mul3A_412 = arith.mulf %scan3A_384#2, %mul3A_411 : vector<16xf32>
      %add3A_413 = arith.addf %mul3A_412, %get3A_102 : vector<16xf32>
      %max3A_414 = arith.constant 0.000000e+00 : f32
      %max3A_415 = vector.broadcast %max3A_414 : f32 to vector<16xf32>
      %max3A_416 = arith.maximumf %add3A_413, %max3A_415 : vector<16xf32>
      %swap3A_417 = arith.index_cast %add3A_272 : i32 to index
      %swap3A_418 = arith.constant 16 : index
      %swap3A_419 = tpu.vector_load %arg8[%swap3A_417, %swap3A_418] {strides = array<i32>} : memref<32x64xf32, #tpu.memory_space<vmem>>, vector<16xf32>,
      tpu.vector_store %arg8[%swap3A_417, %swap3A_418], %max3A_416 {strides = array<i32>} : memref<32x64xf32, #tpu.memory_space<vmem>>, vector<16xf32>,
      %mul3A_420 = vector.broadcast %scan3A : f32 to vector<16xf32>
      %mul3A_421 = arith.mulf %scan3A_384#3, %mul3A_420 : vector<16xf32>
      %add3A_422 = arith.addf %mul3A_421, %get3A_104 : vector<16xf32>
      %max3A_423 = arith.constant 0.000000e+00 : f32
      %max3A_424 = vector.broadcast %max3A_423 : f32 to vector<16xf32>
      %max3A_425 = arith.maximumf %add3A_422, %max3A_424 : vector<16xf32>
      %swap3A_426 = arith.index_cast %add3A_272 : i32 to index
      %swap3A_427 = arith.constant 48 : index
      %swap3A_428 = tpu.vector_load %arg8[%swap3A_426, %swap3A_427] {strides = array<i32>} : memref<32x64xf32, #tpu.memory_space<vmem>>, vector<16xf32>,
      tpu.vector_store %arg8[%swap3A_426, %swap3A_427], %max3A_425 {strides = array<i32>} : memref<32x64xf32, #tpu.memory_space<vmem>>, vector<16xf32>,
      %scan3A_429 = arith.constant 0 : i32
      scf.yield %scan3A_429 : i32
    }
    %scan3A_111 = arith.constant 16 : i32
    %mul3A_112 = arith.constant 32 : i32
    %mul3A_113 = arith.muli %add3A, %mul3A_112 : i32
    "tpu.region"() ({
      %run_scoped3A = tpu.sem_alloc : memref<!tpu.dma_semaphore, #tpu.memory_space<semaphore_mem>>
      %dma_start3A_114 = arith.constant 0 : i32
      %dma_start3A_115 = tpu.memref_slice %arg5[%mul3A_113, %dma_start3A_114] : memref<1024x64xf32, #tpu.memory_space<hbm>> -> memref<32x64xf32, #tpu.memory_space<hbm>>
      %dma_start3A_116 = arith.constant 0 : i32
      %dma_start3A_117 = tpu.memref_slice %arg5[%mul3A_113, %dma_start3A_116] : memref<1024x64xf32, #tpu.memory_space<hbm>> -> memref<32x64xf32, #tpu.memory_space<hbm>>
      tpu.enqueue_dma source(%arg8 : memref<32x64xf32, #tpu.memory_space<vmem>>) target(%dma_start3A_117 : memref<32x64xf32, #tpu.memory_space<hbm>>) target_semaphore(%run_scoped3A : memref<!tpu.dma_semaphore, #tpu.memory_space<semaphore_mem>>)
      %dma_wait3A = arith.constant 0 : i32
      %dma_wait3A_118 = tpu.memref_slice %arg5[%mul3A_113, %dma_wait3A] : memref<1024x64xf32, #tpu.memory_space<hbm>> -> memref<32x64xf32, #tpu.memory_space<hbm>>
      %dma_wait3A_119 = arith.constant 0 : i32
      %dma_wait3A_120 = tpu.memref_slice %arg5[%mul3A_113, %dma_wait3A_119] : memref<1024x64xf32, #tpu.memory_space<hbm>> -> memref<32x64xf32, #tpu.memory_space<hbm>>
      tpu.wait_dma2 semaphore(%run_scoped3A : memref<!tpu.dma_semaphore, #tpu.memory_space<semaphore_mem>>) src(%arg8 : memref<32x64xf32, #tpu.memory_space<vmem>>) dst(%dma_wait3A_120 : memref<32x64xf32, #tpu.memory_space<hbm>>)
      tpu.yield
    }) : () -> ()
    return
  }
}

module attributes {stable_mosaic.version = 14 : i64} {
  func.func @_project_kernel(%arg0: i32, %arg1: memref<2560x128xf32, #tpu.memory_space<vmem>>, %arg2: memref<2560x128xf32, #tpu.memory_space<vmem>>, %arg3: memref<2560x128xf32, #tpu.memory_space<vmem>>, %arg4: memref<2560x128xf32, #tpu.memory_space<vmem>>, %arg5: memref<128x64xf32, #tpu.memory_space<vmem>>, %arg6: memref<2560x128xi32, #tpu.memory_space<vmem>>) attributes {dimension_semantics = [#tpu.dimension_semantics<arbitrary>], iteration_bounds = array<i64: 3>, scalar_prefetch = 0 : i64, scratch_operands = 0 : i64, tpu.core_type = #tpu.core_type<tc>, window_params = [{transform_indices = @transform_0, window_bounds = array<i64: 2560, 128>}, {transform_indices = @transform_1, window_bounds = array<i64: 2560, 128>}, {transform_indices = @transform_2, window_bounds = array<i64: 2560, 128>}, {transform_indices = @transform_3, window_bounds = array<i64: 2560, 128>}, {pipeline_mode = #tpu.pipeline_mode<synchronous>, transform_indices = @transform_4, window_bounds = array<i64: 128, 64>}, {transform_indices = @transform_5, window_bounds = array<i64: 2560, 128>}]} {
    %get3A = arith.constant 0 : index
    %get3A_0 = arith.constant 0 : index
    %get3A_1 = vector.load %arg1[%get3A, %get3A_0] : memref<2560x128xf32, #tpu.memory_space<vmem>>, vector<2560x128xf32>
    %get3A_2 = arith.constant 0 : index
    %get3A_3 = arith.constant 0 : index
    %get3A_4 = vector.load %arg5[%get3A_2, %get3A_3] : memref<128x64xf32, #tpu.memory_space<vmem>>, vector<128x64xf32>
    %dot_general3A = arith.constant dense<0.000000e+00> : vector<2560x64xf32>
    %dot_general3A_5 = tpu.matmul %get3A_1, %get3A_4, %dot_general3A {dimension_numbers = #tpu.dot_dimension_numbers<[1], [0], [0], [1], [0, 0, 1, 1], [], []>, transpose_lhs_hint = false} : vector<2560x128xf32>, vector<128x64xf32>, vector<2560x64xf32> -> vector<2560x64xf32>
    %bitcast_convert_type3A = tpu.bitcast %dot_general3A_5 : vector<2560x64xf32> -> vector<2560x64xi32>
    %slice3A = vector.extract_strided_slice %bitcast_convert_type3A {offsets = [0, 0], sizes = [2560, 32], strides = [1, 1]} : vector<2560x64xi32> to vector<2560x32xi32>
    %add3A = arith.constant 32767 : i32
    %add3A_6 = vector.broadcast %add3A : i32 to vector<2560x32xi32>
    %add3A_7 = arith.addi %slice3A, %add3A_6 : vector<2560x32xi32>
    %shift_right_arithmetic3A = arith.constant 16 : i32
    %shift_right_arithmetic3A_8 = vector.broadcast %shift_right_arithmetic3A : i32 to vector<2560x32xi32>
    %shift_right_arithmetic3A_9 = arith.shrsi %slice3A, %shift_right_arithmetic3A_8 : vector<2560x32xi32>
    %and3A = arith.constant 1 : i32
    %and3A_10 = vector.broadcast %and3A : i32 to vector<2560x32xi32>
    %and3A_11 = arith.andi %shift_right_arithmetic3A_9, %and3A_10 : vector<2560x32xi32>
    %add3A_12 = arith.addi %add3A_7, %and3A_11 : vector<2560x32xi32>
    %shift_right_arithmetic3A_13 = arith.constant 16 : i32
    %shift_right_arithmetic3A_14 = vector.broadcast %shift_right_arithmetic3A_13 : i32 to vector<2560x32xi32>
    %shift_right_arithmetic3A_15 = arith.shrsi %add3A_12, %shift_right_arithmetic3A_14 : vector<2560x32xi32>
    %and3A_16 = arith.constant 65535 : i32
    %and3A_17 = vector.broadcast %and3A_16 : i32 to vector<2560x32xi32>
    %and3A_18 = arith.andi %shift_right_arithmetic3A_15, %and3A_17 : vector<2560x32xi32>
    %slice3A_19 = vector.extract_strided_slice %bitcast_convert_type3A {offsets = [0, 32], sizes = [2560, 32], strides = [1, 1]} : vector<2560x64xi32> to vector<2560x32xi32>
    %add3A_20 = arith.constant 32767 : i32
    %add3A_21 = vector.broadcast %add3A_20 : i32 to vector<2560x32xi32>
    %add3A_22 = arith.addi %slice3A_19, %add3A_21 : vector<2560x32xi32>
    %shift_right_arithmetic3A_23 = arith.constant 16 : i32
    %shift_right_arithmetic3A_24 = vector.broadcast %shift_right_arithmetic3A_23 : i32 to vector<2560x32xi32>
    %shift_right_arithmetic3A_25 = arith.shrsi %slice3A_19, %shift_right_arithmetic3A_24 : vector<2560x32xi32>
    %and3A_26 = arith.constant 1 : i32
    %and3A_27 = vector.broadcast %and3A_26 : i32 to vector<2560x32xi32>
    %and3A_28 = arith.andi %shift_right_arithmetic3A_25, %and3A_27 : vector<2560x32xi32>
    %add3A_29 = arith.addi %add3A_22, %and3A_28 : vector<2560x32xi32>
    %shift_right_arithmetic3A_30 = arith.constant 16 : i32
    %shift_right_arithmetic3A_31 = vector.broadcast %shift_right_arithmetic3A_30 : i32 to vector<2560x32xi32>
    %shift_right_arithmetic3A_32 = arith.shrsi %add3A_29, %shift_right_arithmetic3A_31 : vector<2560x32xi32>
    %and3A_33 = arith.constant 65535 : i32
    %and3A_34 = vector.broadcast %and3A_33 : i32 to vector<2560x32xi32>
    %and3A_35 = arith.andi %shift_right_arithmetic3A_32, %and3A_34 : vector<2560x32xi32>
    %shift_left3A = arith.constant 16 : i32
    %shift_left3A_36 = vector.broadcast %shift_left3A : i32 to vector<2560x32xi32>
    %shift_left3A_37 = arith.shli %and3A_35, %shift_left3A_36 : vector<2560x32xi32>
    %or3A = arith.ori %and3A_18, %shift_left3A_37 : vector<2560x32xi32>
    %swap3A = arith.constant 0 : index
    %swap3A_38 = arith.constant 0 : index
    %swap3A_39 = vector.load %arg6[%swap3A, %swap3A_38] : memref<2560x128xi32, #tpu.memory_space<vmem>>, vector<2560x32xi32>
    tpu.vector_store %arg6[%swap3A, %swap3A_38], %or3A {strides = array<i32>} : memref<2560x128xi32, #tpu.memory_space<vmem>>, vector<2560x32xi32>,
    %get3A_40 = arith.constant 0 : index
    %get3A_41 = arith.constant 0 : index
    %get3A_42 = vector.load %arg2[%get3A_40, %get3A_41] : memref<2560x128xf32, #tpu.memory_space<vmem>>, vector<2560x128xf32>
    %get3A_43 = arith.constant 0 : index
    %get3A_44 = arith.constant 0 : index
    %get3A_45 = vector.load %arg5[%get3A_43, %get3A_44] : memref<128x64xf32, #tpu.memory_space<vmem>>, vector<128x64xf32>
    %dot_general3A_46 = arith.constant dense<0.000000e+00> : vector<2560x64xf32>
    %dot_general3A_47 = tpu.matmul %get3A_42, %get3A_45, %dot_general3A_46 {dimension_numbers = #tpu.dot_dimension_numbers<[1], [0], [0], [1], [0, 0, 1, 1], [], []>, transpose_lhs_hint = false} : vector<2560x128xf32>, vector<128x64xf32>, vector<2560x64xf32> -> vector<2560x64xf32>
    %bitcast_convert_type3A_48 = tpu.bitcast %dot_general3A_47 : vector<2560x64xf32> -> vector<2560x64xi32>
    %slice3A_49 = vector.extract_strided_slice %bitcast_convert_type3A_48 {offsets = [0, 0], sizes = [2560, 32], strides = [1, 1]} : vector<2560x64xi32> to vector<2560x32xi32>
    %add3A_50 = arith.constant 32767 : i32
    %add3A_51 = vector.broadcast %add3A_50 : i32 to vector<2560x32xi32>
    %add3A_52 = arith.addi %slice3A_49, %add3A_51 : vector<2560x32xi32>
    %shift_right_arithmetic3A_53 = arith.constant 16 : i32
    %shift_right_arithmetic3A_54 = vector.broadcast %shift_right_arithmetic3A_53 : i32 to vector<2560x32xi32>
    %shift_right_arithmetic3A_55 = arith.shrsi %slice3A_49, %shift_right_arithmetic3A_54 : vector<2560x32xi32>
    %and3A_56 = arith.constant 1 : i32
    %and3A_57 = vector.broadcast %and3A_56 : i32 to vector<2560x32xi32>
    %and3A_58 = arith.andi %shift_right_arithmetic3A_55, %and3A_57 : vector<2560x32xi32>
    %add3A_59 = arith.addi %add3A_52, %and3A_58 : vector<2560x32xi32>
    %shift_right_arithmetic3A_60 = arith.constant 16 : i32
    %shift_right_arithmetic3A_61 = vector.broadcast %shift_right_arithmetic3A_60 : i32 to vector<2560x32xi32>
    %shift_right_arithmetic3A_62 = arith.shrsi %add3A_59, %shift_right_arithmetic3A_61 : vector<2560x32xi32>
    %and3A_63 = arith.constant 65535 : i32
    %and3A_64 = vector.broadcast %and3A_63 : i32 to vector<2560x32xi32>
    %and3A_65 = arith.andi %shift_right_arithmetic3A_62, %and3A_64 : vector<2560x32xi32>
    %slice3A_66 = vector.extract_strided_slice %bitcast_convert_type3A_48 {offsets = [0, 32], sizes = [2560, 32], strides = [1, 1]} : vector<2560x64xi32> to vector<2560x32xi32>
    %add3A_67 = arith.constant 32767 : i32
    %add3A_68 = vector.broadcast %add3A_67 : i32 to vector<2560x32xi32>
    %add3A_69 = arith.addi %slice3A_66, %add3A_68 : vector<2560x32xi32>
    %shift_right_arithmetic3A_70 = arith.constant 16 : i32
    %shift_right_arithmetic3A_71 = vector.broadcast %shift_right_arithmetic3A_70 : i32 to vector<2560x32xi32>
    %shift_right_arithmetic3A_72 = arith.shrsi %slice3A_66, %shift_right_arithmetic3A_71 : vector<2560x32xi32>
    %and3A_73 = arith.constant 1 : i32
    %and3A_74 = vector.broadcast %and3A_73 : i32 to vector<2560x32xi32>
    %and3A_75 = arith.andi %shift_right_arithmetic3A_72, %and3A_74 : vector<2560x32xi32>
    %add3A_76 = arith.addi %add3A_69, %and3A_75 : vector<2560x32xi32>
    %shift_right_arithmetic3A_77 = arith.constant 16 : i32
    %shift_right_arithmetic3A_78 = vector.broadcast %shift_right_arithmetic3A_77 : i32 to vector<2560x32xi32>
    %shift_right_arithmetic3A_79 = arith.shrsi %add3A_76, %shift_right_arithmetic3A_78 : vector<2560x32xi32>
    %and3A_80 = arith.constant 65535 : i32
    %and3A_81 = vector.broadcast %and3A_80 : i32 to vector<2560x32xi32>
    %and3A_82 = arith.andi %shift_right_arithmetic3A_79, %and3A_81 : vector<2560x32xi32>
    %shift_left3A_83 = arith.constant 16 : i32
    %shift_left3A_84 = vector.broadcast %shift_left3A_83 : i32 to vector<2560x32xi32>
    %shift_left3A_85 = arith.shli %and3A_82, %shift_left3A_84 : vector<2560x32xi32>
    %or3A_86 = arith.ori %and3A_65, %shift_left3A_85 : vector<2560x32xi32>
    %swap3A_87 = arith.constant 0 : index
    %swap3A_88 = arith.constant 32 : index
    %swap3A_89 = vector.load %arg6[%swap3A_87, %swap3A_88] : memref<2560x128xi32, #tpu.memory_space<vmem>>, vector<2560x32xi32>
    tpu.vector_store %arg6[%swap3A_87, %swap3A_88], %or3A_86 {strides = array<i32>} : memref<2560x128xi32, #tpu.memory_space<vmem>>, vector<2560x32xi32>,
    %get3A_90 = arith.constant 0 : index
    %get3A_91 = arith.constant 0 : index
    %get3A_92 = vector.load %arg3[%get3A_90, %get3A_91] : memref<2560x128xf32, #tpu.memory_space<vmem>>, vector<2560x128xf32>
    %get3A_93 = arith.constant 0 : index
    %get3A_94 = arith.constant 0 : index
    %get3A_95 = vector.load %arg5[%get3A_93, %get3A_94] : memref<128x64xf32, #tpu.memory_space<vmem>>, vector<128x64xf32>
    %dot_general3A_96 = arith.constant dense<0.000000e+00> : vector<2560x64xf32>
    %dot_general3A_97 = tpu.matmul %get3A_92, %get3A_95, %dot_general3A_96 {dimension_numbers = #tpu.dot_dimension_numbers<[1], [0], [0], [1], [0, 0, 1, 1], [], []>, transpose_lhs_hint = false} : vector<2560x128xf32>, vector<128x64xf32>, vector<2560x64xf32> -> vector<2560x64xf32>
    %bitcast_convert_type3A_98 = tpu.bitcast %dot_general3A_97 : vector<2560x64xf32> -> vector<2560x64xi32>
    %slice3A_99 = vector.extract_strided_slice %bitcast_convert_type3A_98 {offsets = [0, 0], sizes = [2560, 32], strides = [1, 1]} : vector<2560x64xi32> to vector<2560x32xi32>
    %add3A_100 = arith.constant 32767 : i32
    %add3A_101 = vector.broadcast %add3A_100 : i32 to vector<2560x32xi32>
    %add3A_102 = arith.addi %slice3A_99, %add3A_101 : vector<2560x32xi32>
    %shift_right_arithmetic3A_103 = arith.constant 16 : i32
    %shift_right_arithmetic3A_104 = vector.broadcast %shift_right_arithmetic3A_103 : i32 to vector<2560x32xi32>
    %shift_right_arithmetic3A_105 = arith.shrsi %slice3A_99, %shift_right_arithmetic3A_104 : vector<2560x32xi32>
    %and3A_106 = arith.constant 1 : i32
    %and3A_107 = vector.broadcast %and3A_106 : i32 to vector<2560x32xi32>
    %and3A_108 = arith.andi %shift_right_arithmetic3A_105, %and3A_107 : vector<2560x32xi32>
    %add3A_109 = arith.addi %add3A_102, %and3A_108 : vector<2560x32xi32>
    %shift_right_arithmetic3A_110 = arith.constant 16 : i32
    %shift_right_arithmetic3A_111 = vector.broadcast %shift_right_arithmetic3A_110 : i32 to vector<2560x32xi32>
    %shift_right_arithmetic3A_112 = arith.shrsi %add3A_109, %shift_right_arithmetic3A_111 : vector<2560x32xi32>
    %and3A_113 = arith.constant 65535 : i32
    %and3A_114 = vector.broadcast %and3A_113 : i32 to vector<2560x32xi32>
    %and3A_115 = arith.andi %shift_right_arithmetic3A_112, %and3A_114 : vector<2560x32xi32>
    %slice3A_116 = vector.extract_strided_slice %bitcast_convert_type3A_98 {offsets = [0, 32], sizes = [2560, 32], strides = [1, 1]} : vector<2560x64xi32> to vector<2560x32xi32>
    %add3A_117 = arith.constant 32767 : i32
    %add3A_118 = vector.broadcast %add3A_117 : i32 to vector<2560x32xi32>
    %add3A_119 = arith.addi %slice3A_116, %add3A_118 : vector<2560x32xi32>
    %shift_right_arithmetic3A_120 = arith.constant 16 : i32
    %shift_right_arithmetic3A_121 = vector.broadcast %shift_right_arithmetic3A_120 : i32 to vector<2560x32xi32>
    %shift_right_arithmetic3A_122 = arith.shrsi %slice3A_116, %shift_right_arithmetic3A_121 : vector<2560x32xi32>
    %and3A_123 = arith.constant 1 : i32
    %and3A_124 = vector.broadcast %and3A_123 : i32 to vector<2560x32xi32>
    %and3A_125 = arith.andi %shift_right_arithmetic3A_122, %and3A_124 : vector<2560x32xi32>
    %add3A_126 = arith.addi %add3A_119, %and3A_125 : vector<2560x32xi32>
    %shift_right_arithmetic3A_127 = arith.constant 16 : i32
    %shift_right_arithmetic3A_128 = vector.broadcast %shift_right_arithmetic3A_127 : i32 to vector<2560x32xi32>
    %shift_right_arithmetic3A_129 = arith.shrsi %add3A_126, %shift_right_arithmetic3A_128 : vector<2560x32xi32>
    %and3A_130 = arith.constant 65535 : i32
    %and3A_131 = vector.broadcast %and3A_130 : i32 to vector<2560x32xi32>
    %and3A_132 = arith.andi %shift_right_arithmetic3A_129, %and3A_131 : vector<2560x32xi32>
    %shift_left3A_133 = arith.constant 16 : i32
    %shift_left3A_134 = vector.broadcast %shift_left3A_133 : i32 to vector<2560x32xi32>
    %shift_left3A_135 = arith.shli %and3A_132, %shift_left3A_134 : vector<2560x32xi32>
    %or3A_136 = arith.ori %and3A_115, %shift_left3A_135 : vector<2560x32xi32>
    %swap3A_137 = arith.constant 0 : index
    %swap3A_138 = arith.constant 64 : index
    %swap3A_139 = vector.load %arg6[%swap3A_137, %swap3A_138] : memref<2560x128xi32, #tpu.memory_space<vmem>>, vector<2560x32xi32>
    tpu.vector_store %arg6[%swap3A_137, %swap3A_138], %or3A_136 {strides = array<i32>} : memref<2560x128xi32, #tpu.memory_space<vmem>>, vector<2560x32xi32>,
    %get3A_140 = arith.constant 0 : index
    %get3A_141 = arith.constant 0 : index
    %get3A_142 = vector.load %arg4[%get3A_140, %get3A_141] : memref<2560x128xf32, #tpu.memory_space<vmem>>, vector<2560x128xf32>
    %get3A_143 = arith.constant 0 : index
    %get3A_144 = arith.constant 0 : index
    %get3A_145 = vector.load %arg5[%get3A_143, %get3A_144] : memref<128x64xf32, #tpu.memory_space<vmem>>, vector<128x64xf32>
    %dot_general3A_146 = arith.constant dense<0.000000e+00> : vector<2560x64xf32>
    %dot_general3A_147 = tpu.matmul %get3A_142, %get3A_145, %dot_general3A_146 {dimension_numbers = #tpu.dot_dimension_numbers<[1], [0], [0], [1], [0, 0, 1, 1], [], []>, transpose_lhs_hint = false} : vector<2560x128xf32>, vector<128x64xf32>, vector<2560x64xf32> -> vector<2560x64xf32>
    %bitcast_convert_type3A_148 = tpu.bitcast %dot_general3A_147 : vector<2560x64xf32> -> vector<2560x64xi32>
    %slice3A_149 = vector.extract_strided_slice %bitcast_convert_type3A_148 {offsets = [0, 0], sizes = [2560, 32], strides = [1, 1]} : vector<2560x64xi32> to vector<2560x32xi32>
    %add3A_150 = arith.constant 32767 : i32
    %add3A_151 = vector.broadcast %add3A_150 : i32 to vector<2560x32xi32>
    %add3A_152 = arith.addi %slice3A_149, %add3A_151 : vector<2560x32xi32>
    %shift_right_arithmetic3A_153 = arith.constant 16 : i32
    %shift_right_arithmetic3A_154 = vector.broadcast %shift_right_arithmetic3A_153 : i32 to vector<2560x32xi32>
    %shift_right_arithmetic3A_155 = arith.shrsi %slice3A_149, %shift_right_arithmetic3A_154 : vector<2560x32xi32>
    %and3A_156 = arith.constant 1 : i32
    %and3A_157 = vector.broadcast %and3A_156 : i32 to vector<2560x32xi32>
    %and3A_158 = arith.andi %shift_right_arithmetic3A_155, %and3A_157 : vector<2560x32xi32>
    %add3A_159 = arith.addi %add3A_152, %and3A_158 : vector<2560x32xi32>
    %shift_right_arithmetic3A_160 = arith.constant 16 : i32
    %shift_right_arithmetic3A_161 = vector.broadcast %shift_right_arithmetic3A_160 : i32 to vector<2560x32xi32>
    %shift_right_arithmetic3A_162 = arith.shrsi %add3A_159, %shift_right_arithmetic3A_161 : vector<2560x32xi32>
    %and3A_163 = arith.constant 65535 : i32
    %and3A_164 = vector.broadcast %and3A_163 : i32 to vector<2560x32xi32>
    %and3A_165 = arith.andi %shift_right_arithmetic3A_162, %and3A_164 : vector<2560x32xi32>
    %slice3A_166 = vector.extract_strided_slice %bitcast_convert_type3A_148 {offsets = [0, 32], sizes = [2560, 32], strides = [1, 1]} : vector<2560x64xi32> to vector<2560x32xi32>
    %add3A_167 = arith.constant 32767 : i32
    %add3A_168 = vector.broadcast %add3A_167 : i32 to vector<2560x32xi32>
    %add3A_169 = arith.addi %slice3A_166, %add3A_168 : vector<2560x32xi32>
    %shift_right_arithmetic3A_170 = arith.constant 16 : i32
    %shift_right_arithmetic3A_171 = vector.broadcast %shift_right_arithmetic3A_170 : i32 to vector<2560x32xi32>
    %shift_right_arithmetic3A_172 = arith.shrsi %slice3A_166, %shift_right_arithmetic3A_171 : vector<2560x32xi32>
    %and3A_173 = arith.constant 1 : i32
    %and3A_174 = vector.broadcast %and3A_173 : i32 to vector<2560x32xi32>
    %and3A_175 = arith.andi %shift_right_arithmetic3A_172, %and3A_174 : vector<2560x32xi32>
    %add3A_176 = arith.addi %add3A_169, %and3A_175 : vector<2560x32xi32>
    %shift_right_arithmetic3A_177 = arith.constant 16 : i32
    %shift_right_arithmetic3A_178 = vector.broadcast %shift_right_arithmetic3A_177 : i32 to vector<2560x32xi32>
    %shift_right_arithmetic3A_179 = arith.shrsi %add3A_176, %shift_right_arithmetic3A_178 : vector<2560x32xi32>
    %and3A_180 = arith.constant 65535 : i32
    %and3A_181 = vector.broadcast %and3A_180 : i32 to vector<2560x32xi32>
    %and3A_182 = arith.andi %shift_right_arithmetic3A_179, %and3A_181 : vector<2560x32xi32>
    %shift_left3A_183 = arith.constant 16 : i32
    %shift_left3A_184 = vector.broadcast %shift_left3A_183 : i32 to vector<2560x32xi32>
    %shift_left3A_185 = arith.shli %and3A_182, %shift_left3A_184 : vector<2560x32xi32>
    %or3A_186 = arith.ori %and3A_165, %shift_left3A_185 : vector<2560x32xi32>
    %swap3A_187 = arith.constant 0 : index
    %swap3A_188 = arith.constant 96 : index
    %swap3A_189 = vector.load %arg6[%swap3A_187, %swap3A_188] : memref<2560x128xi32, #tpu.memory_space<vmem>>, vector<2560x32xi32>
    tpu.vector_store %arg6[%swap3A_187, %swap3A_188], %or3A_186 {strides = array<i32>} : memref<2560x128xi32, #tpu.memory_space<vmem>>, vector<2560x32xi32>,
    return
  }
  func.func @transform_0(%arg0: i32) -> (i32, i32) {
    %add3A = arith.constant 0 : i32
    %add3A_0 = arith.addi %arg0, %add3A : i32
    %c0_i32 = arith.constant 0 : i32
    %c0_i32_1 = arith.constant 0 : i32
    return %add3A_0, %c0_i32 : i32, i32
  }
  func.func @transform_1(%arg0: i32) -> (i32, i32) {
    %add3A = arith.constant 3 : i32
    %add3A_0 = arith.addi %arg0, %add3A : i32
    %c0_i32 = arith.constant 0 : i32
    %c0_i32_1 = arith.constant 0 : i32
    return %add3A_0, %c0_i32 : i32, i32
  }
  func.func @transform_2(%arg0: i32) -> (i32, i32) {
    %add3A = arith.constant 6 : i32
    %add3A_0 = arith.addi %arg0, %add3A : i32
    %c0_i32 = arith.constant 0 : i32
    %c0_i32_1 = arith.constant 0 : i32
    return %add3A_0, %c0_i32 : i32, i32
  }
  func.func @transform_3(%arg0: i32) -> (i32, i32) {
    %add3A = arith.constant 9 : i32
    %add3A_0 = arith.addi %arg0, %add3A : i32
    %c0_i32 = arith.constant 0 : i32
    %c0_i32_1 = arith.constant 0 : i32
    return %add3A_0, %c0_i32 : i32, i32
  }
  func.func @transform_4(%arg0: i32) -> (i32, i32) {
    %c0_i32 = arith.constant 0 : i32
    %c0_i32_0 = arith.constant 0 : i32
    %c0_i32_1 = arith.constant 0 : i32
    return %c0_i32, %c0_i32_0 : i32, i32
  }
  func.func @transform_5(%arg0: i32) -> (i32, i32) {
    %c0_i32 = arith.constant 0 : i32
    %c0_i32_0 = arith.constant 0 : i32
    return %arg0, %c0_i32 : i32, i32
  }
}

</mosaic_0001>

<sc_bundles>
// kernel: kernel.4.cloned.1.call-start
scs
__scs_entry_jumppad:
0x0: {  	(pc) =	sbr.rel $0x88, $3  }
0x1: {  	(tag) =	ssettag $0x0;
	lr =	simm.s32 $0x1  }
0x2: {  	[smem:$0x3F9D] =	sst lr;
	_ =	strace $0xD0000000  }
0x3: {  	_ = 	snop  }
0x4: {  	_ = 	snop  }
0x5: {  	_ = 	snop  }
0x6: {  	_ = 	snop  }
0x7: {  	_ = 	snop  }
__scs_overlays_trampoline_lowered:
0x8: {  	[smem:$0x3FAC] =	sst s0  }
0x9: {  	[smem:$0x3FAD] =	sst s1  }
0xa: {  	[smem:$0x3FAE] =	sst s2  }
0xb: {  	[smem:$0x3FAF] =	sst s3  }
0xc: {  	[smem:$0x3FB0] =	sst s4  }
0xd: {  	[smem:$0x3FB1] =	sst s5  }
0xe: {  	[smem:$0x3FB2] =	sst s6  }
0xf: {  	[smem:$0x3FB3] =	sst s7  }
0x10: {  	[smem:$0x3FB4] =	sst s8  }
0x11: {  	[smem:$0x3FB5] =	sst s9;
	s0 =	simm.s32 @!p0 $0x0  }
0x12: {  	s1 =	sld [smem:$0x3F9B];
	s0 =	simm.s32 @p0 $0x1  }
0x13: {  	[smem:$0x3FB6] =	sst s0;
	s0 =	simm.s32 @!p1 $0x0  }
0x14: {  	s2 =	sld [smem:$0x3F9A];
	s0 =	simm.s32 @p1 $0x1  }
0x15: {  	[smem:$0x3FB7] =	sst s0;
	s0 =	simm.s32 @!p2 $0x0  }
0x16: {  	s3 =	sld [smem:$0x3FDB];
	s0 =	simm.s32 @p2 $0x1  }
0x17: {  	s4 =	simm.s32 $0x1BF5;
	[smem:$0x3FB9] =	sst s0  }
0x18: {  	s0 =	sld [smem:$0x3F9C];
	_ =	swait.ge [sflag:s4], $0x0  }
0x19: {  	s7 =	sld [smem:$0x3F9D]  }
0x1a: {  	s8 =	sadd.s32 $0xFFFFE003, lr  }
0x1b: {  	s9 =	sadd.s32 $0xFFFFFEF7, lr;
	s5 =	simm.s32 $0xFFFFFFFF;
	p2 =	slt.u32 s8, $0xFFFFF086  }
0x1c: {  	p1 =	slt.u32 s9, $0xF7A;
	s5 =	simm.s32 @!p2 $0x0  }
0x1d: {  	s5 =	simm.s32 @p1 $0x1;
	p0 =	seq.s32 s7, s2  }
0x1e: {  	s7 =	smul.u32 @!p0 $0xF7A, s2;
	p2 =	seq.s32 @!p0 s5, $0x0  }
0x1f: {  	s9 =	smul.u32 $0xF7A, s1;
	s8 =	simm.s32 @!p0 $0x1BF5;
	p2 =	por !p2, p0  }
0x20: {  	[sflag:s8] =	ssyncset.s32 @!p0 $0xFFFFF086;
	s6 =	sadd.s32 @!p0 s3, s7;
	s7 =	simm.s32 @!p0 $0x108  }
0x21: {  	s3 =	sadd.s32 s3, s9;
	s6 =	sadd.s32 @!p0 $0x88, s6;
	s7 =	simm.s32 @p2 $0x1082  }
0x22: {  	[simem:s7], [sflag:s8] =	dma.local @!p0 [hbm:s6], $0xF7A  }
0x23: {  	s9 =	sor.u32 $0xD0000000, s2;
	s6 =	simm.s32 $0x108;
	_ =	swait.ge @!p0 [sflag:s8], $0x0  }
0x24: {  	s3 =	sadd.s32 $0x88, s3;
	s6 =	simm.s32 @!p1 $0x1082;
	[sflag:s4] =	ssyncset.s32 $0xFFFFF086  }
0x25: {  	[simem:s6], [sflag:s4] =	dma.local [hbm:s3], $0xF7A  }
0x26: {  	[smem:$0x3F9D] =	sst s1;
	(tag) =	ssettag s2;
	_ =	strace s9  }
0x27: {  	s1 =	sld [smem:$0x3FAD]  }
0x28: {  	s2 =	sld [smem:$0x3FAE]  }
0x29: {  	s4 =	sld [smem:$0x3FB0]  }
0x2a: {  	p0 =	seq.s32 s5, $0x0;
	s5 =	sld [smem:$0x3FB1]  }
0x2b: {  	s6 =	sld [smem:$0x3FB2]  }
0x2c: {  	s7 =	sld [smem:$0x3FB3]  }
0x2d: {  	s3 =	simm.s32 $0x108;
	s8 =	sld [smem:$0x3FB4]  }
0x2e: {  	s3 =	simm.s32 @!p0 $0x1082;
	s9 =	sld [smem:$0x3FB5]  }
0x2f: {  	lr =	sadd.s32 s0, s3;
	s0 =	sld [smem:$0x3FAC]  }
0x30: {  	s3 =	sld [smem:$0x3FAF]  }
0x31: {  	[smem:$0x3FB8] =	sst s10  }
0x32: {  	s10 =	sld [smem:$0x3FB6];
	_ =	sdelay $0x3  }
0x33: {  	p0 =	seq.s32 s10, $0x1;
	s10 =	sld [smem:$0x3FB8];
	_ =	sdelay $0x3  }
0x34: {  	[smem:$0x3FB8] =	sst s10  }
0x35: {  	s10 =	sld [smem:$0x3FB7];
	_ =	sdelay $0x3  }
0x36: {  	p1 =	seq.s32 s10, $0x1;
	s10 =	sld [smem:$0x3FB8];
	_ =	sdelay $0x3  }
0x37: {  	[smem:$0x3FB8] =	sst s10  }
0x38: {  	s10 =	sld [smem:$0x3FB9]  }
0x39: {  	_ = 	snop;
	(pc) =	sbr.ind lr, $3  }
0x3a: {  	_ = 	snop  }
0x3b: {  	_ = 	snop  }
0x3c: {  	p2 =	seq.s32 s10, $0x1;
	s10 =	sld [smem:$0x3FB8]  }
0x3d: {  	_ =	shalt  }
0x3e: {  	_ =	shalt  }
0x3f: {  	_ =	shalt  }
0x40: {  	_ =	shalt  }
0x41: {  	_ =	shalt  }
0x42: {  	_ =	shalt  }
0x43: {  	_ =	shalt  }
0x44: {  	_ =	shalt  }
0x45: {  	_ =	shalt  }
0x46: {  	_ =	shalt  }
0x47: {  	_ =	shalt  }
0x48: {  	_ =	shalt  }
0x49: {  	_ =	shalt  }
0x4a: {  	_ =	shalt  }
0x4b: {  	_ =	shalt  }
0x4c: {  	_ =	shalt  }
0x4d: {  	_ =	shalt  }
0x4e: {  	_ =	shalt  }
0x4f: {  	_ =	shalt  }
0x50: {  	_ =	shalt  }
0x51: {  	_ =	shalt  }
0x52: {  	_ =	shalt  }
0x53: {  	_ =	shalt  }
0x54: {  	_ =	shalt  }
0x55: {  	_ =	shalt  }
0x56: {  	_ =	shalt  }
0x57: {  	_ =	shalt  }
0x58: {  	_ =	shalt  }
0x59: {  	_ =	shalt  }
0x5a: {  	_ =	shalt  }
0x5b: {  	_ =	shalt  }
0x5c: {  	_ =	shalt  }
0x5d: {  	_ =	shalt  }
0x5e: {  	_ =	shalt  }
0x5f: {  	_ =	shalt  }
0x60: {  	_ =	shalt  }
0x61: {  	_ =	shalt  }
0x62: {  	_ =	shalt  }
0x63: {  	_ =	shalt  }
0x64: {  	_ =	shalt  }
0x65: {  	_ =	shalt  }
0x66: {  	_ =	shalt  }
0x67: {  	_ =	shalt  }
0x68: {  	_ =	shalt  }
0x69: {  	_ =	shalt  }
0x6a: {  	_ =	shalt  }
0x6b: {  	_ =	shalt  }
0x6c: {  	_ =	shalt  }
0x6d: {  	_ =	shalt  }
0x6e: {  	_ =	shalt  }
0x6f: {  	_ =	shalt  }
0x70: {  	_ =	shalt  }
0x71: {  	_ =	shalt  }
0x72: {  	_ =	shalt  }
0x73: {  	_ =	shalt  }
0x74: {  	_ =	shalt  }
0x75: {  	_ =	shalt  }
0x76: {  	_ =	shalt  }
0x77: {  	_ =	shalt  }
0x78: {  	_ =	shalt  }
0x79: {  	_ =	shalt  }
0x7a: {  	_ =	shalt  }
0x7b: {  	_ =	shalt  }
0x7c: {  	_ =	shalt  }
0x7d: {  	_ =	shalt  }
0x7e: {  	_ =	shalt  }
0x7f: {  	_ =	shalt  }
0x80: {  	_ =	shalt  }
0x81: {  	_ =	shalt  }
0x82: {  	_ =	shalt  }
0x83: {  	_ =	shalt  }
0x84: {  	_ =	shalt  }
0x85: {  	_ =	shalt  }
0x86: {  	_ =	shalt  }
0x87: {  	_ =	shalt  }
.Lfunc_end0:
.L_simem_size_0:
called_computation_lowered:
.L_overlay_start_0:
0x88: {  	s2 =	sld [smem:$0x3FD9]  }
0x89: {  	s3 =	sld [smem:$0x3FFE];
	_ =	sdelay $0x1  }
0x8a: {  	s1 =	srdreg.scid  }
0x8b: {  	s0 =	sand.u32 $0x1, s1  }
0x8c: {  	s17 =	sshll.u32 s0, $0xA;
	s2 =	sadd.s32 s3, s2  }
0x8d: {  	s2 =	sadd.s32 s2, s17  }
0x8e: {  	[smem:$0x3FC4] =	sst s2  }
0x8f: {  	_ = 	snop  }
0x90: {  	s2 =	sld [smem:$0x3FC6]  }
0x91: {  	s18 =	sld [smem:$0x3FD0];
	(tm) =	ssettm $0x1  }
0x92: {  	s4 =	sld [smem:$0x3FFB];
	_ =	sdelay $0x3  }
0x93: {  	_ =	strace s4  }
0x94: {  	s4 =	sld [smem:$0x3FFC];
	_ =	sdelay $0x3  }
0x95: {  	_ =	strace s4  }
0x96: {  	s4 =	sld [smem:$0x3FFD];
	_ =	sdelay $0x3  }
0x97: {  	_ =	strace s4  }
0x98: {  	_ =	strace $0x8FFFFFFF  }
0x99: {  	s19 =	sld [smem:$0x3FDB];
	_ =	sdelay $0x1  }
0x9a: {  	s5 =	simm.s32 $_scs_section_size  }
0x9b: {  	s6 =	simm.s32 $_size__tile_overlayer_lowered;
	s7 =	simm.s32 $_tile_overlayer_lowered  }
0x9c: {  	s22 =	simm.s32 $0x1BFF;
	s21 =	sshll.u32 s7, $0x1;
	s4 =	sadd.s32 s5, s19  }
0x9d: {  	s8 =	simm.s32 $0x0;
	s20 =	sshll.u32 s6, $0x1;
	s6 =	sadd.s32 s21, s4  }
0x9e: {  	[timem:s8], [sflag:s22] =	dma.local [hbm:s6], s20  }
0x9f: {  	_ =	swait.ge [sflag:s22], s20  }
0xa0: {  	s5 =	ssub.s32 $0x0, s20;
	[sflag:s22] =	ssyncset.done $0x0  }
0xa1: {  	[sflag:s22] =	ssyncadd.s32 s5;
	_ =	sdelay $0x1  }
0xa2: {  	s23 =	simm.s32 $0x1B8B  }
0xa3: {  	_ =	swait.ge [sflag:s23], $0x1  }
0xa4: {  	[sflag:s23] =	ssyncset.done $0x0  }
0xa5: {  	s25 =	simm.s32 $0x1B8E;
	s24 =	sld [smem:$0x3FFE];
	[sflag:s23] =	ssyncadd.s32 $0xFFFFFFFF  }
0xa6: {  	s26 =	simm.s32 $execute0_lowered;
	[smem:$0x3FD2] =	sst s25  }
0xa7: {  	s6 =	sshll.u32 s26, $0x1;
	_ =	strace $0x80000046;
	[dreg:$0x1] =	wrdreg $0xFFFFFFFF  }
0xa8: {  	s28 =	simm.s32 $_size_execute0_lowered;
	s4 =	sadd.s32 s4, s6;
	[dreg:$0x0] =	wrdreg $0x0  }
0xa9: {  	s6 =	sshll.u32 s28, $0x1;
	[dreg:$0x2] =	wrdreg s4  }
0xaa: {  	[dreg:$0x3] =	wrdreg s6  }
0xab: {  	[dreg:$0x4] =	wrdreg $0xC0  }
0xac: {  	_ =	task [dreg:s8], $0x5FFFF  }
0xad: {  	[dreg:$0x1] =	wrdreg $0xFFFFFFFF  }
0xae: {  	[dreg:$0x0] =	wrdreg $0x60  }
0xaf: {  	[dreg:$0x2] =	wrdreg s24  }
0xb0: {  	[dreg:$0x3] =	wrdreg s2  }
0xb1: {  	[dreg:$0x4] =	wrdreg s18  }
0xb2: {  	[dreg:$0x5] =	wrdreg $0x9  }
0xb3: {  	_ =	task.clear_ibuf [dreg:s8], $0x6FFFF;
	_ =	strace $0x90000046  }
0xb4: {  	s29 =	simm.s32 $0x9;
	_ =	strace $0x80000048  }
0xb5: {  	_ =	swait.ge [sflag:s29], $0x1  }
0xb6: {  	[sflag:s29] =	ssyncadd.s32 $0xFFFFFFFF  }
0xb7: {  	_ =	strace $0x90000048  }
0xb8: {  	_ =	sfence  }
0xb9: {  	s30 =	sld [smem:$0x0];
	_ =	sdelay $0x2  }
0xba: {  	s31 =	sshll.u32 s1, $0xD;
	s1 =	sshrl.u32 s1, $0x2  }
0xbb: {  	s3 =	sand.u32 $0x4000, s31;
	s1 =	sadd.s32 s1, s30  }
0xbc: {  	s0 =	sor.u32 s3, s0;
	s1 =	sshll.u32 s1, $0x11  }
0xbd: {  	s0 =	sor.u32 s1, s0  }
0xbe: {  	s0 =	sadd.s32 $0x8F2B, s0  }
0xbf: {  	[sflag:s0] =	ssyncadd.remote.s32 $0x1  }
0xc0: {  	_ =	sfence.sel $0xFFFF  }
0xc1: {  	[dreg:$0x0] =	wrdreg $0xFFFFFFFF;
	(pc) =	sbr.abs _section_cstart, $3  }
0xc2: {  	[dreg:$0x1] =	wrdreg $0xFFFFFFFF  }
0xc3: {  	_ =	task.clear_ibuf [dreg:s8], $0x2FFFF;
	_ =	strace $0x9FFFFFFF  }
0xc4: {  	(tm) =	ssettm $0x7FFFFFFF  }
0xc5: {  	_ =	shalt  }
tec
execute0_lowered:
.L_overlay_start_1:
0x0: {  	(tag) =	ssettag $0x1  }
0x1: {  	s0 =	rddreg [dreg:$0x0]  }
0x2: {  	s1 =	srdreg.scid;
	s3 =	stileid.u32  }
0x3: {  	s2 =	rddreg [dreg:$0x2];
	s9 =	simm.s32 $0x9;
	s10 =	simm.s32 $0x80  }
0x4: {  	s18 =	simm.s32 $0x8000;
	s19 =	simm.s32 $0x280;
	s20 =	simm.s32 $0x9000  }
0x5: {  	s21 =	simm.s32 $0x300;
	s22 =	simm.s32 $0xA000;
	s23 =	simm.s32 $0x380  }
0x6: {  	s24 =	simm.s32 $0xB000;
	s28 =	simm.s32 $0x3;
	s29 =	simm.s32 $0x4  }
0x7: {  	s30 =	simm.s32 $0x5;
	s31 =	simm.s32 $0x6;
	s8 =	simm.s32 $0x0  }
0x8: {  	s1 =	sand.u32 $0x1, s1;
	s4 =	sshll.u32 s3, $0x1;
	s3 =	simm.s32 $0x0  }
0x9: {  	s5 =	sor.u32 s1, s4;
	[smem:$0x7FF] =	sst s3;
	s1 =	ssub.s32 $0x2, s1  }
0xa: {  	s4 =	sshll.u32 s5, $0xB;
	_ =	strace $0x80000047;
	s7 =	sshrl.u32 s1, $0x1  }
0xb: {  	s26 =	sshll.u32 s5, $0x8;
	s6 =	sadd.s32 s4, s0;
	s4 =	sadd.s32 $0x10800, s0  }
0xc: {  	s25 =	ssub.s32 s1, s7;
	s1 =	simm.s32 $0x7;
	s0 =	simm.s32 $0x8  }
0xd: {  	s5 =	sadd.s32 $0x800, s6;
	s6 =	sadd.s32 s2, s26;
	s7 =	smax.u32 s25, $0x1  }
0xe: {  	s25 =	simm.s32 $0x1;
	s26 =	simm.s32 $0x2;
	s2 =	simm.s32 $0xC000  }
.LBB2_1:
0xf: {  	s11 =	rddreg [dreg:$0x1];
	s12 =	simm.s32 $0xC800  }
0x10: {  	[tilespmem:s12], [sflag:$0x9] =	stream.linear.gather [hbm4b:s11+s3], $0x40, $0x38;
	[tilespmem:$0xC840] =	vst v63  }
0x11: {  	_ =	swait.ge [sflag:s9], $0x40  }
0x12: {  	[sflag:s9] =	ssyncset.done $0x0  }
0x13: {  	[sflag:s9] =	ssyncadd.s32 $0xFFFFFFC0  }
0x14: {  	[tilespmem:s3], [sflag:$0x9] =	stream.linear.gather [hbm4b:s5+s3], $0x4000, $0x38;
	[tilespmem:$0xC840] =	vst v63  }
0x15: {  	_ =	swait.ge [sflag:s9], $0x4000  }
0x16: {  	[sflag:s9] =	ssyncset.done $0x0  }
0x17: {  	s17 =	simm.s32 $0x4000;
	[sflag:s9] =	ssyncadd.s32 $0xFFFFC000  }
0x18: {  	[tilespmem:s17], [sflag:$0x1] =	stream.indirect.gather [hbm4b:s4+s10], $0x20, s3, s10, $0xb8;
	[tilespmem:$0xC840] =	vst v63  }
0x19: {  	s12 =	simm.s32 $0x5000  }
0x1a: {  	[tilespmem:s12], [sflag:$0x2] =	stream.indirect.gather [hbm4b:s4+s10], $0x20, s10, s10, $0xb8;
	[tilespmem:$0xC840] =	vst v63  }
0x1b: {  	s13 =	simm.s32 $0x100;
	s14 =	simm.s32 $0x6000  }
0x1c: {  	[tilespmem:s14], [sflag:$0x3] =	stream.indirect.gather [hbm4b:s4+s10], $0x20, s13, s10, $0xb8;
	[tilespmem:$0xC840] =	vst v63  }
0x1d: {  	s15 =	simm.s32 $0x180;
	s16 =	simm.s32 $0x7000  }
0x1e: {  	[tilespmem:s16], [sflag:$0x4] =	stream.indirect.gather [hbm4b:s4+s10], $0x20, s15, s10, $0xb8;
	[tilespmem:$0xC840] =	vst v63  }
0x1f: {  	s17 =	simm.s32 $0x200  }
0x20: {  	[tilespmem:s18], [sflag:$0x5] =	stream.indirect.gather [hbm4b:s4+s10], $0x20, s17, s10, $0xb8;
	[tilespmem:$0xC840] =	vst v63  }
0x21: {  	_ = 	snop  }
0x22: {  	[tilespmem:s20], [sflag:$0x6] =	stream.indirect.gather [hbm4b:s4+s10], $0x20, s19, s10, $0xb8;
	[tilespmem:$0xC840] =	vst v63  }
0x23: {  	_ = 	snop  }
0x24: {  	[tilespmem:s22], [sflag:$0x7] =	stream.indirect.gather [hbm4b:s4+s10], $0x20, s21, s10, $0xb8;
	[tilespmem:$0xC840] =	vst v63  }
0x25: {  	_ = 	snop  }
0x26: {  	[tilespmem:s24], [sflag:$0x8] =	stream.indirect.gather [hbm4b:s4+s10], $0x20, s23, s10, $0xb8;
	[tilespmem:$0xC840] =	vst v63  }
0x27: {  	v0 =	vld [tilespmem:$0xC800]  }
0x28: {  	v1 =	vld [tilespmem:$0xC820]  }
0x29: {  	v2 =	vld [tilespmem:$0xC810]  }
0x2a: {  	s11 =	simm.s32 $0x0;
	v3 =	vld [tilespmem:$0xC830]  }
.LBB2_2:
0x2b: {  	_ =	swait.ge [sflag:s25], $0x1000  }
0x2c: {  	[sflag:s25] =	ssyncset.done $0x0  }
0x2d: {  	s13 =	simm.s32 $0x4100;
	[sflag:s25] =	ssyncadd.s32 $0xFFFFF000  }
0x2e: {  	v11 =	vld [tilespmem:s13+$0xE0]  }
0x2f: {  	v8 =	vld [tilespmem:s13+$0xF0]  }
0x30: {  	v7 =	vld [tilespmem:s13+$0x60]  }
0x31: {  	v9 =	vld [tilespmem:s13+$0x70]  }
0x32: {  	v4 =	vld [tilespmem:s13+$0xC0]  }
0x33: {  	v5 =	vld [tilespmem:s13+$0xD0]  }
0x34: {  	v6 =	vld [tilespmem:s13+$0x40]  }
0x35: {  	v10 =	vld [tilespmem:s13+$0x80]  }
0x36: {  	v12 =	vld [tilespmem:s13+$0xA0]  }
0x37: {  	v13 =	vld [tilespmem:s13+$0x90]  }
0x38: {  	v14 =	vld [tilespmem:s13+$0xB0]  }
0x39: {  	v15 =	vld [tilespmem:s13+$0x0]  }
0x3a: {  	v16 =	vld [tilespmem:s13+$0x20]  }
0x3b: {  	v17 =	vld [tilespmem:s13+$0x10]  }
0x3c: {  	v18 =	vld [tilespmem:s13+$0x30]  }
0x3d: {  	v19 =	vld [tilespmem:s13+$0xFFFFFF80]  }
0x3e: {  	v20 =	vld [tilespmem:s13+$0xFFFFFFA0]  }
0x3f: {  	v21 =	vld [tilespmem:s13+$0xFFFFFF90]  }
0x40: {  	v22 =	vld [tilespmem:s13+$0xFFFFFFB0]  }
0x41: {  	v23 =	vld [tilespmem:s13+$0xFFFFFF00]  }
0x42: {  	v24 =	vld [tilespmem:s13+$0xFFFFFF20]  }
0x43: {  	v25 =	vld [tilespmem:s13+$0xFFFFFF10]  }
0x44: {  	v26 =	vld [tilespmem:s13+$0xFFFFFF30]  }
0x45: {  	v27 =	vld [tilespmem:s13+$0x50]  }
0x46: {  	v29 =	vld [tilespmem:s13+$0xFFFFFFC0];
	v10 =	vadd.bf16 v12, v10;
	v12 =	vadd.bf16 v14, v13  }
0x47: {  	v13 =	vld [tilespmem:s13+$0xFFFFFFD0];
	v14 =	vadd.bf16 v16, v15;
	v15 =	vadd.bf16 v18, v17  }
0x48: {  	v18 =	vld [tilespmem:s13+$0xFFFFFF40];
	v30 =	vadd.bf16 v20, v19;
	v21 =	vadd.bf16 v22, v21  }
0x49: {  	v20 =	vld [tilespmem:s13+$0xFFFFFF50];
	v22 =	vadd.bf16 v24, v23;
	v23 =	vadd.bf16 v26, v25  }
0x4a: {  	v16 =	vld [tilespmem:s13+$0xFFFFFFE0];
	v24 =	vadd.bf16 v4, v10;
	v25 =	vadd.bf16 v5, v12  }
0x4b: {  	v17 =	vld [tilespmem:s13+$0xFFFFFFF0];
	v28 =	vadd.bf16 v6, v14;
	v26 =	vadd.bf16 v27, v15  }
0x4c: {  	v19 =	vld [tilespmem:s13+$0xFFFFFF60];
	v12 =	vimm.f32 $0.0e+00;
	v29 =	vadd.bf16 v29, v30;
	v15 =	vimm.f32 $0.0e+00  }
0x4d: {  	s12 =	simm.s32 $0x0;
	v14 =	vimm.f32 $0.0e+00;
	v27 =	vadd.bf16 v13, v21;
	v21 =	vld [tilespmem:s13+$0xFFFFFF70];
	s13 =	simm.s32 $0x4300;
	v13 =	vimm.f32 $0.0e+00  }
.LBB2_3:
0x4e: {  	v4 =	vld [tilespmem:s13+$0xE0];
	v5 =	vadd.bf16 v18, v22;
	v6 =	vadd.bf16 v20, v23  }
0x4f: {  	v10 =	vadd.bf16 v11, v24;
	v18 =	vadd.bf16 v8, v25;
	v8 =	vld [tilespmem:s13+$0xF0]  }
0x50: {  	v20 =	vadd.bf16 v7, v28;
	v22 =	vadd.bf16 v9, v26;
	v7 =	vld [tilespmem:s13+$0x60]  }
0x51: {  	v16 =	vadd.bf16 v16, v29;
	v17 =	vadd.bf16 v17, v27;
	v9 =	vld [tilespmem:s13+$0x70]  }
0x52: {  	v5 =	vadd.bf16 v19, v5;
	v24 =	vld [tilespmem:s13+$0xC0];
	v6 =	vadd.bf16 v21, v6  }
0x53: {  	v23 =	vunpack.i.u.bf16.f32 v10;
	v10 =	vunpack.i.l.bf16.f32 v10;
	v21 =	vunpack.i.u.bf16.f32 v20;
	v19 =	vld [tilespmem:s13+$0xD0];
	v11 =	vmovc v4  }
0x54: {  	v25 =	vunpack.i.u.bf16.f32 v16;
	v16 =	vunpack.i.l.bf16.f32 v16;
	v20 =	vunpack.i.l.bf16.f32 v20;
	v4 =	vld [tilespmem:s13+$0x40]  }
0x55: {  	v27 =	vunpack.i.u.bf16.f32 v5;
	v5 =	vunpack.i.l.bf16.f32 v5;
	v28 =	vunpack.i.u.bf16.f32 v6;
	v26 =	vld [tilespmem:s13+$0x50]  }
0x56: {  	v5 =	vadd.f32 v5, v12;
	v12 =	vadd.f32 v27, v15;
	v6 =	vunpack.i.l.bf16.f32 v6;
	v29 =	vld [tilespmem:s13+$0x80]  }
0x57: {  	v6 =	vadd.f32 v6, v14;
	v13 =	vadd.f32 v28, v13;
	v14 =	vunpack.i.u.bf16.f32 v17;
	v27 =	vld [tilespmem:s13+$0xA0]  }
0x58: {  	v15 =	vunpack.i.l.bf16.f32 v17;
	v5 =	vadd.f32 v16, v5;
	v12 =	vadd.f32 v25, v12;
	v28 =	vld [tilespmem:s13+$0x90]  }
0x59: {  	v6 =	vadd.f32 v15, v6;
	v13 =	vadd.f32 v14, v13;
	v14 =	vunpack.i.u.bf16.f32 v22;
	v16 =	vld [tilespmem:s13+$0xB0]  }
0x5a: {  	v5 =	vadd.f32 v20, v5;
	v15 =	vadd.f32 v21, v12;
	v12 =	vunpack.i.l.bf16.f32 v22;
	v17 =	vld [tilespmem:s13+$0x0]  }
0x5b: {  	v21 =	vunpack.i.u.bf16.f32 v18;
	v6 =	vadd.f32 v12, v6;
	v13 =	vadd.f32 v14, v13;
	v20 =	vld [tilespmem:s13+$0x20]  }
0x5c: {  	v12 =	vadd.f32 v10, v5;
	v15 =	vadd.f32 v23, v15;
	v5 =	vunpack.i.l.bf16.f32 v18;
	v22 =	vld [tilespmem:s13+$0x10]  }
0x5d: {  	v14 =	vadd.f32 v5, v6;
	v13 =	vadd.f32 v21, v13;
	v10 =	vld [tilespmem:s13+$0x30]  }
0x5e: {  	v5 =	vld [tilespmem:s13+$0xFFFFFF80]  }
0x5f: {  	v6 =	vld [tilespmem:s13+$0xFFFFFFA0]  }
0x60: {  	v21 =	vld [tilespmem:s13+$0xFFFFFF90]  }
0x61: {  	v23 =	vld [tilespmem:s13+$0xFFFFFFB0]  }
0x62: {  	v25 =	vld [tilespmem:s13+$0xFFFFFF00]  }
0x63: {  	v30 =	vld [tilespmem:s13+$0xFFFFFF20]  }
0x64: {  	v31 =	vld [tilespmem:s13+$0xFFFFFF10]  }
0x65: {  	v32 =	vld [tilespmem:s13+$0xFFFFFF30]  }
0x66: {  	v33 =	vld [tilespmem:s13+$0xFFFFFFC0]  }
0x67: {  	s12 =	sadd.s32 $0x4, s12;
	v27 =	vadd.bf16 v27, v29;
	v28 =	vadd.bf16 v16, v28;
	v34 =	vld [tilespmem:s13+$0xFFFFFFD0]  }
0x68: {  	p0 =	slt.u32 s12, $0x1C;
	v29 =	vadd.bf16 v20, v17;
	v10 =	vadd.bf16 v10, v22;
	v18 =	vld [tilespmem:s13+$0xFFFFFF40]  }
.Ltmp0:
0x69: {  	v5 =	vadd.bf16 v6, v5;
	v6 =	vadd.bf16 v23, v21;
	v20 =	vld [tilespmem:s13+$0xFFFFFF50];
	(pc) =	sbr.rel @p0 .LBB2_3-.Ltmp0, $4  }
0x6a: {  	v22 =	vadd.bf16 v30, v25;
	v23 =	vadd.bf16 v32, v31;
	v16 =	vld [tilespmem:s13+$0xFFFFFFE0]  }
0x6b: {  	v24 =	vadd.bf16 v24, v27;
	v25 =	vadd.bf16 v19, v28;
	v17 =	vld [tilespmem:s13+$0xFFFFFFF0]  }
0x6c: {  	v26 =	vadd.bf16 v26, v10;
	v28 =	vadd.bf16 v4, v29;
	v19 =	vld [tilespmem:s13+$0xFFFFFF60]  }
0x6d: {  	v29 =	vadd.bf16 v33, v5;
	v27 =	vadd.bf16 v34, v6;
	v21 =	vld [tilespmem:s13+$0xFFFFFF70];
	s13 =	sadd.s32 $0x200, s13  }
0x6e: {  	p0 =	seq.s32 s11, $0xF  }
0x6f: {  	s12 =	sshll.u32 @!p0 s11, $0xA  }
0x70: {  	s14 =	sand.u32 @!p0 $0x3FFFFC00, s12  }
0x71: {  	s13 =	simm.s32 @!p0 $0x80;
	s15 =	simm.s32 @!p0 $0x4000;
	s12 =	sadd.s32 @!p0 $0x400, s14  }
0x72: {  	[tilespmem:s15], [sflag:$0x1] =	stream.indirect.gather @!p0 [hbm4b:s4+s13], $0x20, s12, s13, $0xb8;
	[tilespmem:$0xC840] =	vst v63  }
0x73: {  	_ =	swait.ge [sflag:s26], $0x1000  }
0x74: {  	[sflag:s26] =	ssyncset.done $0x0  }
0x75: {  	s16 =	simm.s32 $0x51F0;
	[sflag:s26] =	ssyncadd.s32 $0xFFFFF000  }
0x76: {  	v10 =	vld [tilespmem:s16+$0xFFFFFFF0]  }
0x77: {  	v5 =	vld [tilespmem:s16+$0x0]  }
0x78: {  	v4 =	vld [tilespmem:s16+$0xFFFFFF70]  }
0x79: {  	v6 =	vld [tilespmem:s16+$0xFFFFFF80]  }
0x7a: {  	v30 =	vld [tilespmem:s16+$0xFFFFFFD0]  }
0x7b: {  	v31 =	vld [tilespmem:s16+$0xFFFFFFE0]  }
0x7c: {  	v32 =	vld [tilespmem:s16+$0xFFFFFF50]  }
0x7d: {  	v33 =	vld [tilespmem:s16+$0xFFFFFF60]  }
0x7e: {  	v34 =	vld [tilespmem:s16+$0xFFFFFF90]  }
0x7f: {  	v18 =	vadd.bf16 v18, v22;
	v20 =	vadd.bf16 v20, v23;
	v22 =	vld [tilespmem:s16+$0xFFFFFFB0]  }
0x80: {  	v11 =	vadd.bf16 v11, v24;
	v8 =	vadd.bf16 v8, v25;
	v23 =	vld [tilespmem:s16+$0xFFFFFFA0]  }
0x81: {  	v7 =	vadd.bf16 v7, v28;
	v9 =	vadd.bf16 v9, v26;
	v24 =	vld [tilespmem:s16+$0xFFFFFFC0]  }
0x82: {  	v16 =	vadd.bf16 v16, v29;
	v18 =	vadd.bf16 v19, v18;
	v19 =	vld [tilespmem:s16+$0xFFFFFF10]  }
0x83: {  	v17 =	vadd.bf16 v17, v27;
	v20 =	vadd.bf16 v21, v20;
	v21 =	vld [tilespmem:s16+$0xFFFFFF30]  }
0x84: {  	v25 =	vunpack.i.u.bf16.f32 v7;
	v26 =	vunpack.i.u.bf16.f32 v18;
	v18 =	vunpack.i.l.bf16.f32 v18;
	v27 =	vld [tilespmem:s16+$0xFFFFFF20]  }
0x85: {  	v12 =	vadd.f32 v18, v12;
	v15 =	vadd.f32 v26, v15;
	v18 =	vunpack.i.l.bf16.f32 v20;
	v26 =	vld [tilespmem:s16+$0xFFFFFF40]  }
0x86: {  	v28 =	vunpack.i.l.bf16.f32 v16;
	v20 =	vunpack.i.u.bf16.f32 v20;
	v14 =	vadd.f32 v18, v14;
	v29 =	vld [tilespmem:s16+$0xFFFFFE90]  }
0x87: {  	v16 =	vunpack.i.u.bf16.f32 v16;
	v13 =	vadd.f32 v20, v13;
	v12 =	vadd.f32 v28, v12;
	v28 =	vld [tilespmem:s16+$0xFFFFFEB0]  }
0x88: {  	v18 =	vunpack.i.u.bf16.f32 v17;
	v15 =	vadd.f32 v16, v15;
	v16 =	vunpack.i.l.bf16.f32 v17;
	v17 =	vld [tilespmem:s16+$0xFFFFFEA0]  }
0x89: {  	v7 =	vunpack.i.l.bf16.f32 v7;
	v35 =	vld [tilespmem:s16+$0xFFFFFE30];
	v14 =	vadd.f32 v16, v14;
	v13 =	vadd.f32 v18, v13  }
0x8a: {  	v20 =	vld [tilespmem:s16+$0xFFFFFE60];
	v7 =	vadd.f32 v7, v12;
	v12 =	vadd.f32 v25, v15;
	v15 =	vunpack.i.l.bf16.f32 v9  }
0x8b: {  	v16 =	vld [tilespmem:s16+$0xFFFFFEC0];
	v18 =	vunpack.i.l.bf16.f32 v11;
	v9 =	vunpack.i.u.bf16.f32 v9;
	v14 =	vadd.f32 v15, v14  }
0x8c: {  	v11 =	vunpack.i.u.bf16.f32 v11;
	v25 =	vld [tilespmem:s16+$0xFFFFFE10];
	v9 =	vadd.f32 v9, v13;
	v13 =	vadd.f32 v18, v7  }
0x8d: {  	v7 =	vld [tilespmem:s16+$0xFFFFFE20];
	v18 =	vunpack.i.u.bf16.f32 v8;
	v15 =	vadd.f32 v11, v12;
	v8 =	vunpack.i.l.bf16.f32 v8  }
0x8e: {  	v11 =	vld [tilespmem:s16+$0xFFFFFE40];
	v14 =	vadd.f32 v8, v14;
	v12 =	vadd.f32 v18, v9  }
0x8f: {  	v8 =	vld [tilespmem:s16+$0xFFFFFED0];
	v34 =	vadd.bf16 v22, v34;
	v36 =	vadd.bf16 v24, v23  }
0x90: {  	v9 =	vld [tilespmem:s16+$0xFFFFFEE0];
	v21 =	vadd.bf16 v21, v19;
	v26 =	vadd.bf16 v26, v27  }
0x91: {  	v18 =	vld [tilespmem:s16+$0xFFFFFE50];
	v28 =	vadd.bf16 v28, v29;
	v37 =	vadd.bf16 v16, v17  }
0x92: {  	v19 =	vld [tilespmem:s16+$0xFFFFFE70];
	v22 =	vadd.bf16 v35, v25;
	v24 =	vadd.bf16 v30, v34  }
0x93: {  	v17 =	vld [tilespmem:s16+$0xFFFFFEF0];
	v25 =	vadd.bf16 v31, v36;
	v27 =	vadd.bf16 v32, v21  }
0x94: {  	s13 =	sshll.u32 s11, $0x1;
	v16 =	vld [tilespmem:s16+$0xFFFFFF00];
	v26 =	vadd.bf16 v33, v26;
	v23 =	vadd.bf16 v11, v7  }
0x95: {  	s12 =	sadd.s32 $0x1, s11;
	s15 =	simm.s32 $0x0;
	v21 =	vld [tilespmem:s16+$0xFFFFFE80];
	s16 =	simm.s32 $0x53F0;
	v29 =	vadd.bf16 v8, v28;
	v28 =	vadd.bf16 v9, v37  }
.LBB2_5:
0x96: {  	v7 =	vld [tilespmem:s16+$0xFFFFFFF0];
	v8 =	vadd.bf16 v18, v22;
	v9 =	vadd.bf16 v20, v23  }
0x97: {  	v10 =	vadd.bf16 v10, v24;
	v11 =	vadd.bf16 v5, v25;
	v5 =	vld [tilespmem:s16+$0x0]  }
0x98: {  	v18 =	vadd.bf16 v4, v27;
	v20 =	vadd.bf16 v6, v26;
	v4 =	vld [tilespmem:s16+$0xFFFFFF70]  }
0x99: {  	v17 =	vadd.bf16 v17, v29;
	v16 =	vadd.bf16 v16, v28;
	v6 =	vld [tilespmem:s16+$0xFFFFFF80]  }
0x9a: {  	v8 =	vadd.bf16 v19, v8;
	v24 =	vld [tilespmem:s16+$0xFFFFFFD0];
	v9 =	vadd.bf16 v21, v9  }
0x9b: {  	v22 =	vunpack.i.u.bf16.f32 v10;
	v23 =	vunpack.i.l.bf16.f32 v10;
	v21 =	vunpack.i.u.bf16.f32 v18;
	v19 =	vld [tilespmem:s16+$0xFFFFFFE0];
	v10 =	vmovc v7  }
0x9c: {  	v25 =	vunpack.i.u.bf16.f32 v17;
	v17 =	vunpack.i.l.bf16.f32 v17;
	v18 =	vunpack.i.l.bf16.f32 v18;
	v7 =	vld [tilespmem:s16+$0xFFFFFF50]  }
0x9d: {  	v27 =	vunpack.i.u.bf16.f32 v8;
	v8 =	vunpack.i.l.bf16.f32 v8;
	v28 =	vunpack.i.u.bf16.f32 v9;
	v26 =	vld [tilespmem:s16+$0xFFFFFF60]  }
0x9e: {  	v8 =	vadd.f32 v8, v13;
	v13 =	vadd.f32 v27, v15;
	v9 =	vunpack.i.l.bf16.f32 v9;
	v29 =	vld [tilespmem:s16+$0xFFFFFF90]  }
0x9f: {  	v9 =	vadd.f32 v9, v14;
	v12 =	vadd.f32 v28, v12;
	v14 =	vunpack.i.u.bf16.f32 v16;
	v27 =	vld [tilespmem:s16+$0xFFFFFFB0]  }
0xa0: {  	v15 =	vunpack.i.l.bf16.f32 v16;
	v8 =	vadd.f32 v17, v8;
	v13 =	vadd.f32 v25, v13;
	v28 =	vld [tilespmem:s16+$0xFFFFFFA0]  }
0xa1: {  	v9 =	vadd.f32 v15, v9;
	v12 =	vadd.f32 v14, v12;
	v14 =	vunpack.i.u.bf16.f32 v20;
	v16 =	vld [tilespmem:s16+$0xFFFFFFC0]  }
0xa2: {  	v8 =	vadd.f32 v18, v8;
	v15 =	vadd.f32 v21, v13;
	v13 =	vunpack.i.l.bf16.f32 v20;
	v17 =	vld [tilespmem:s16+$0xFFFFFF10]  }
0xa3: {  	v18 =	vunpack.i.u.bf16.f32 v11;
	v9 =	vadd.f32 v13, v9;
	v12 =	vadd.f32 v14, v12;
	v20 =	vld [tilespmem:s16+$0xFFFFFF30]  }
0xa4: {  	v13 =	vadd.f32 v23, v8;
	v15 =	vadd.f32 v22, v15;
	v8 =	vunpack.i.l.bf16.f32 v11;
	v21 =	vld [tilespmem:s16+$0xFFFFFF20]  }
0xa5: {  	v14 =	vadd.f32 v8, v9;
	v12 =	vadd.f32 v18, v12;
	v11 =	vld [tilespmem:s16+$0xFFFFFF40]  }
0xa6: {  	v8 =	vld [tilespmem:s16+$0xFFFFFE90]  }
0xa7: {  	v9 =	vld [tilespmem:s16+$0xFFFFFEB0]  }
0xa8: {  	v22 =	vld [tilespmem:s16+$0xFFFFFEA0]  }
0xa9: {  	v23 =	vld [tilespmem:s16+$0xFFFFFEC0]  }
0xaa: {  	v25 =	vld [tilespmem:s16+$0xFFFFFE10]  }
0xab: {  	v30 =	vld [tilespmem:s16+$0xFFFFFE30]  }
0xac: {  	v31 =	vld [tilespmem:s16+$0xFFFFFE20]  }
0xad: {  	v32 =	vld [tilespmem:s16+$0xFFFFFE40]  }
0xae: {  	v33 =	vld [tilespmem:s16+$0xFFFFFED0]  }
0xaf: {  	s15 =	sadd.s32 $0x4, s15;
	v27 =	vadd.bf16 v27, v29;
	v28 =	vadd.bf16 v16, v28;
	v34 =	vld [tilespmem:s16+$0xFFFFFEE0]  }
0xb0: {  	p1 =	slt.u32 s15, $0x1C;
	v29 =	vadd.bf16 v20, v17;
	v11 =	vadd.bf16 v11, v21;
	v18 =	vld [tilespmem:s16+$0xFFFFFE50]  }
.Ltmp1:
0xb1: {  	v8 =	vadd.bf16 v9, v8;
	v9 =	vadd.bf16 v23, v22;
	v20 =	vld [tilespmem:s16+$0xFFFFFE60];
	(pc) =	sbr.rel @p1 .LBB2_5-.Ltmp1, $4  }
0xb2: {  	v22 =	vadd.bf16 v30, v25;
	v23 =	vadd.bf16 v32, v31;
	v17 =	vld [tilespmem:s16+$0xFFFFFEF0]  }
0xb3: {  	v24 =	vadd.bf16 v24, v27;
	v25 =	vadd.bf16 v19, v28;
	v16 =	vld [tilespmem:s16+$0xFFFFFF00]  }
0xb4: {  	v27 =	vadd.bf16 v7, v29;
	v26 =	vadd.bf16 v26, v11;
	v19 =	vld [tilespmem:s16+$0xFFFFFE70]  }
0xb5: {  	v29 =	vadd.bf16 v33, v8;
	v28 =	vadd.bf16 v34, v9;
	v21 =	vld [tilespmem:s16+$0xFFFFFE80];
	s16 =	sadd.s32 $0x200, s16  }
0xb6: {  	s15 =	sadd.s32 @!p0 $0x480, s14;
	s16 =	simm.s32 @!p0 $0x80;
	s17 =	simm.s32 @!p0 $0x5000  }
0xb7: {  	[tilespmem:s17], [sflag:$0x2] =	stream.indirect.gather @!p0 [hbm4b:s4+s16], $0x20, s15, s16, $0xb8;
	[tilespmem:$0xC840] =	vst v63  }
0xb8: {  	_ =	swait.ge [sflag:s28], $0x1000  }
0xb9: {  	[sflag:s28] =	ssyncset.done $0x0  }
0xba: {  	s17 =	simm.s32 $0x61F0;
	[sflag:s28] =	ssyncadd.s32 $0xFFFFF000  }
0xbb: {  	v11 =	vld [tilespmem:s17+$0xFFFFFFF0]  }
0xbc: {  	v8 =	vld [tilespmem:s17+$0x0]  }
0xbd: {  	v7 =	vld [tilespmem:s17+$0xFFFFFF70]  }
0xbe: {  	v9 =	vld [tilespmem:s17+$0xFFFFFF80]  }
0xbf: {  	v30 =	vld [tilespmem:s17+$0xFFFFFFD0]  }
0xc0: {  	v31 =	vld [tilespmem:s17+$0xFFFFFFE0]  }
0xc1: {  	v32 =	vld [tilespmem:s17+$0xFFFFFF50]  }
0xc2: {  	v33 =	vld [tilespmem:s17+$0xFFFFFF60]  }
0xc3: {  	v34 =	vld [tilespmem:s17+$0xFFFFFF90]  }
0xc4: {  	v18 =	vadd.bf16 v18, v22;
	v22 =	vld [tilespmem:s17+$0xFFFFFFB0]  }
0xc5: {  	v20 =	vadd.bf16 v20, v23;
	v10 =	vadd.bf16 v10, v24;
	v23 =	vld [tilespmem:s17+$0xFFFFFFA0]  }
0xc6: {  	v5 =	vadd.bf16 v5, v25;
	v4 =	vadd.bf16 v4, v27;
	v24 =	vld [tilespmem:s17+$0xFFFFFFC0]  }
0xc7: {  	v6 =	vadd.bf16 v6, v26;
	v18 =	vadd.bf16 v19, v18;
	v19 =	vld [tilespmem:s17+$0xFFFFFF10]  }
0xc8: {  	v17 =	vadd.bf16 v17, v29;
	v20 =	vadd.bf16 v21, v20;
	v21 =	vld [tilespmem:s17+$0xFFFFFF30]  }
0xc9: {  	v16 =	vadd.bf16 v16, v28;
	v26 =	vunpack.i.u.bf16.f32 v18;
	v18 =	vunpack.i.l.bf16.f32 v18;
	v27 =	vld [tilespmem:s17+$0xFFFFFF20]  }
0xca: {  	v25 =	vunpack.i.u.bf16.f32 v4;
	v28 =	vunpack.i.l.bf16.f32 v17;
	v29 =	vld [tilespmem:s17+$0xFFFFFE90];
	v13 =	vadd.f32 v18, v13  }
0xcb: {  	v35 =	vld [tilespmem:s17+$0xFFFFFE30];
	v15 =	vadd.f32 v26, v15;
	v18 =	vunpack.i.l.bf16.f32 v20;
	v20 =	vunpack.i.u.bf16.f32 v20  }
0xcc: {  	v17 =	vunpack.i.u.bf16.f32 v17;
	v26 =	vld [tilespmem:s17+$0xFFFFFF40];
	v14 =	vadd.f32 v18, v14;
	v12 =	vadd.f32 v20, v12  }
0xcd: {  	v18 =	vunpack.i.u.bf16.f32 v16;
	v16 =	vunpack.i.l.bf16.f32 v16;
	v20 =	vld [tilespmem:s17+$0xFFFFFE60];
	v13 =	vadd.f32 v28, v13  }
0xce: {  	v4 =	vunpack.i.l.bf16.f32 v4;
	v28 =	vld [tilespmem:s17+$0xFFFFFEB0];
	v15 =	vadd.f32 v17, v15;
	v14 =	vadd.f32 v16, v14  }
0xcf: {  	v17 =	vld [tilespmem:s17+$0xFFFFFEA0];
	v12 =	vadd.f32 v18, v12;
	v18 =	vunpack.i.l.bf16.f32 v10;
	v4 =	vadd.f32 v4, v13  }
0xd0: {  	v16 =	vld [tilespmem:s17+$0xFFFFFEC0];
	v15 =	vadd.f32 v25, v15;
	v13 =	vunpack.i.l.bf16.f32 v6;
	v34 =	vadd.bf16 v22, v34  }
0xd1: {  	v25 =	vld [tilespmem:s17+$0xFFFFFE10];
	v6 =	vunpack.i.u.bf16.f32 v6;
	v36 =	vadd.bf16 v24, v23;
	v14 =	vadd.f32 v13, v14  }
0xd2: {  	v10 =	vunpack.i.u.bf16.f32 v10;
	v6 =	vadd.f32 v6, v12;
	v13 =	vadd.f32 v18, v4;
	v4 =	vld [tilespmem:s17+$0xFFFFFE20]  }
0xd3: {  	v12 =	vunpack.i.u.bf16.f32 v5;
	v5 =	vunpack.i.l.bf16.f32 v5;
	v15 =	vadd.f32 v10, v15;
	v10 =	vld [tilespmem:s17+$0xFFFFFE40]  }
0xd4: {  	v21 =	vadd.bf16 v21, v19;
	v14 =	vadd.f32 v5, v14;
	v5 =	vld [tilespmem:s17+$0xFFFFFED0]  }
0xd5: {  	v26 =	vadd.bf16 v26, v27;
	v12 =	vadd.f32 v12, v6;
	v6 =	vld [tilespmem:s17+$0xFFFFFEE0]  }
0xd6: {  	v18 =	vld [tilespmem:s17+$0xFFFFFE50];
	v24 =	vadd.bf16 v30, v34;
	v27 =	vadd.bf16 v28, v29  }
0xd7: {  	v19 =	vld [tilespmem:s17+$0xFFFFFE70];
	v28 =	vadd.bf16 v32, v21;
	v26 =	vadd.bf16 v33, v26  }
0xd8: {  	v37 =	vadd.bf16 v16, v17;
	v17 =	vld [tilespmem:s17+$0xFFFFFEF0];
	v22 =	vadd.bf16 v35, v25  }
0xd9: {  	v16 =	vld [tilespmem:s17+$0xFFFFFF00];
	v25 =	vadd.bf16 v31, v36;
	v23 =	vadd.bf16 v10, v4  }
0xda: {  	s15 =	simm.s32 $0x0;
	s16 =	simm.s32 $0x63F0;
	v21 =	vld [tilespmem:s17+$0xFFFFFE80];
	v29 =	vadd.bf16 v5, v27;
	v27 =	vadd.bf16 v6, v37  }
.LBB2_7:
0xdb: {  	v4 =	vld [tilespmem:s16+$0xFFFFFFF0];
	v5 =	vadd.bf16 v18, v22;
	v6 =	vadd.bf16 v20, v23  }
0xdc: {  	v10 =	vadd.bf16 v11, v24;
	v18 =	vadd.bf16 v8, v25;
	v8 =	vld [tilespmem:s16+$0x0]  }
0xdd: {  	v20 =	vadd.bf16 v7, v28;
	v22 =	vadd.bf16 v9, v26;
	v7 =	vld [tilespmem:s16+$0xFFFFFF70]  }
0xde: {  	v17 =	vadd.bf16 v17, v29;
	v16 =	vadd.bf16 v16, v27;
	v9 =	vld [tilespmem:s16+$0xFFFFFF80]  }
0xdf: {  	v5 =	vadd.bf16 v19, v5;
	v24 =	vld [tilespmem:s16+$0xFFFFFFD0];
	v6 =	vadd.bf16 v21, v6  }
0xe0: {  	v23 =	vunpack.i.u.bf16.f32 v10;
	v10 =	vunpack.i.l.bf16.f32 v10;
	v21 =	vunpack.i.u.bf16.f32 v20;
	v19 =	vld [tilespmem:s16+$0xFFFFFFE0];
	v11 =	vmovc v4  }
0xe1: {  	v25 =	vunpack.i.u.bf16.f32 v17;
	v17 =	vunpack.i.l.bf16.f32 v17;
	v20 =	vunpack.i.l.bf16.f32 v20;
	v4 =	vld [tilespmem:s16+$0xFFFFFF50]  }
0xe2: {  	v27 =	vunpack.i.u.bf16.f32 v5;
	v5 =	vunpack.i.l.bf16.f32 v5;
	v28 =	vunpack.i.u.bf16.f32 v6;
	v26 =	vld [tilespmem:s16+$0xFFFFFF60]  }
0xe3: {  	v5 =	vadd.f32 v5, v13;
	v13 =	vadd.f32 v27, v15;
	v6 =	vunpack.i.l.bf16.f32 v6;
	v29 =	vld [tilespmem:s16+$0xFFFFFF90]  }
0xe4: {  	v6 =	vadd.f32 v6, v14;
	v12 =	vadd.f32 v28, v12;
	v14 =	vunpack.i.u.bf16.f32 v16;
	v27 =	vld [tilespmem:s16+$0xFFFFFFB0]  }
0xe5: {  	v15 =	vunpack.i.l.bf16.f32 v16;
	v5 =	vadd.f32 v17, v5;
	v13 =	vadd.f32 v25, v13;
	v28 =	vld [tilespmem:s16+$0xFFFFFFA0]  }
0xe6: {  	v6 =	vadd.f32 v15, v6;
	v12 =	vadd.f32 v14, v12;
	v14 =	vunpack.i.u.bf16.f32 v22;
	v16 =	vld [tilespmem:s16+$0xFFFFFFC0]  }
0xe7: {  	v5 =	vadd.f32 v20, v5;
	v15 =	vadd.f32 v21, v13;
	v13 =	vunpack.i.l.bf16.f32 v22;
	v17 =	vld [tilespmem:s16+$0xFFFFFF10]  }
0xe8: {  	v21 =	vunpack.i.u.bf16.f32 v18;
	v6 =	vadd.f32 v13, v6;
	v12 =	vadd.f32 v14, v12;
	v20 =	vld [tilespmem:s16+$0xFFFFFF30]  }
0xe9: {  	v13 =	vadd.f32 v10, v5;
	v15 =	vadd.f32 v23, v15;
	v5 =	vunpack.i.l.bf16.f32 v18;
	v22 =	vld [tilespmem:s16+$0xFFFFFF20]  }
0xea: {  	v14 =	vadd.f32 v5, v6;
	v12 =	vadd.f32 v21, v12;
	v10 =	vld [tilespmem:s16+$0xFFFFFF40]  }
0xeb: {  	v5 =	vld [tilespmem:s16+$0xFFFFFE90]  }
0xec: {  	v6 =	vld [tilespmem:s16+$0xFFFFFEB0]  }
0xed: {  	v21 =	vld [tilespmem:s16+$0xFFFFFEA0]  }
0xee: {  	v23 =	vld [tilespmem:s16+$0xFFFFFEC0]  }
0xef: {  	v25 =	vld [tilespmem:s16+$0xFFFFFE10]  }
0xf0: {  	v30 =	vld [tilespmem:s16+$0xFFFFFE30]  }
0xf1: {  	v31 =	vld [tilespmem:s16+$0xFFFFFE20]  }
0xf2: {  	v32 =	vld [tilespmem:s16+$0xFFFFFE40]  }
0xf3: {  	v33 =	vld [tilespmem:s16+$0xFFFFFED0]  }
0xf4: {  	s15 =	sadd.s32 $0x4, s15;
	v27 =	vadd.bf16 v27, v29;
	v28 =	vadd.bf16 v16, v28;
	v34 =	vld [tilespmem:s16+$0xFFFFFEE0]  }
0xf5: {  	p1 =	slt.u32 s15, $0x1C;
	v29 =	vadd.bf16 v20, v17;
	v10 =	vadd.bf16 v10, v22;
	v18 =	vld [tilespmem:s16+$0xFFFFFE50]  }
.Ltmp2:
0xf6: {  	v5 =	vadd.bf16 v6, v5;
	v6 =	vadd.bf16 v23, v21;
	v20 =	vld [tilespmem:s16+$0xFFFFFE60];
	(pc) =	sbr.rel @p1 .LBB2_7-.Ltmp2, $4  }
0xf7: {  	v22 =	vadd.bf16 v30, v25;
	v23 =	vadd.bf16 v32, v31;
	v17 =	vld [tilespmem:s16+$0xFFFFFEF0]  }
0xf8: {  	v24 =	vadd.bf16 v24, v27;
	v25 =	vadd.bf16 v19, v28;
	v16 =	vld [tilespmem:s16+$0xFFFFFF00]  }
0xf9: {  	v26 =	vadd.bf16 v26, v10;
	v28 =	vadd.bf16 v4, v29;
	v19 =	vld [tilespmem:s16+$0xFFFFFE70]  }
0xfa: {  	v29 =	vadd.bf16 v33, v5;
	v27 =	vadd.bf16 v34, v6;
	v21 =	vld [tilespmem:s16+$0xFFFFFE80];
	s16 =	sadd.s32 $0x200, s16  }
0xfb: {  	s15 =	sadd.s32 @!p0 $0x500, s14;
	s16 =	simm.s32 @!p0 $0x80;
	s17 =	simm.s32 @!p0 $0x6000  }
0xfc: {  	[tilespmem:s17], [sflag:$0x3] =	stream.indirect.gather @!p0 [hbm4b:s4+s16], $0x20, s15, s16, $0xb8;
	[tilespmem:$0xC840] =	vst v63  }
0xfd: {  	_ =	swait.ge [sflag:s29], $0x1000  }
0xfe: {  	[sflag:s29] =	ssyncset.done $0x0  }
0xff: {  	s17 =	simm.s32 $0x71F0;
	[sflag:s29] =	ssyncadd.s32 $0xFFFFF000  }
0x100: {  	v10 =	vld [tilespmem:s17+$0xFFFFFFF0]  }
0x101: {  	v4 =	vld [tilespmem:s17+$0x0]  }
0x102: {  	v5 =	vld [tilespmem:s17+$0xFFFFFF70]  }
0x103: {  	v6 =	vld [tilespmem:s17+$0xFFFFFF80]  }
0x104: {  	v30 =	vld [tilespmem:s17+$0xFFFFFFD0]  }
0x105: {  	v31 =	vld [tilespmem:s17+$0xFFFFFFE0]  }
0x106: {  	v32 =	vld [tilespmem:s17+$0xFFFFFF50]  }
0x107: {  	v33 =	vld [tilespmem:s17+$0xFFFFFF60]  }
0x108: {  	v34 =	vld [tilespmem:s17+$0xFFFFFF90]  }
0x109: {  	v18 =	vadd.bf16 v18, v22;
	v22 =	vld [tilespmem:s17+$0xFFFFFFB0]  }
0x10a: {  	v20 =	vadd.bf16 v20, v23;
	v23 =	vld [tilespmem:s17+$0xFFFFFFA0]  }
0x10b: {  	v11 =	vadd.bf16 v11, v24;
	v8 =	vadd.bf16 v8, v25;
	v24 =	vld [tilespmem:s17+$0xFFFFFFC0]  }
0x10c: {  	v7 =	vadd.bf16 v7, v28;
	v18 =	vadd.bf16 v19, v18;
	v19 =	vld [tilespmem:s17+$0xFFFFFF10]  }
0x10d: {  	v9 =	vadd.bf16 v9, v26;
	v20 =	vadd.bf16 v21, v20;
	v21 =	vld [tilespmem:s17+$0xFFFFFF30]  }
0x10e: {  	v17 =	vadd.bf16 v17, v29;
	v16 =	vadd.bf16 v16, v27;
	v25 =	vunpack.i.u.bf16.f32 v7;
	v27 =	vld [tilespmem:s17+$0xFFFFFF20]  }
0x10f: {  	v7 =	vunpack.i.l.bf16.f32 v7;
	v26 =	vunpack.i.u.bf16.f32 v18;
	v18 =	vunpack.i.l.bf16.f32 v18;
	v61 =	vld [tilespmem:s17+$0xFFFFFE30]  }
0x110: {  	v58 =	vunpack.i.l.bf16.f32 v17;
	v17 =	vunpack.i.u.bf16.f32 v17;
	v62 =	vld [tilespmem:s17+$0xFFFFFE20];
	v13 =	vadd.f32 v18, v13  }
0x111: {  	v35 =	vld [tilespmem:s17+$0xFFFFFED0];
	v15 =	vadd.f32 v26, v15;
	v18 =	vunpack.i.l.bf16.f32 v20;
	v20 =	vunpack.i.u.bf16.f32 v20  }
0x112: {  	v59 =	vunpack.i.u.bf16.f32 v16;
	v36 =	vld [tilespmem:s17+$0xFFFFFEE0];
	v14 =	vadd.f32 v18, v14;
	v12 =	vadd.f32 v20, v12  }
0x113: {  	v16 =	vunpack.i.l.bf16.f32 v16;
	v26 =	vld [tilespmem:s17+$0xFFFFFF40];
	v13 =	vadd.f32 v58, v13;
	v15 =	vadd.f32 v17, v15  }
0x114: {  	v60 =	vunpack.i.l.bf16.f32 v11;
	v18 =	vld [tilespmem:s17+$0xFFFFFE90];
	v14 =	vadd.f32 v16, v14;
	v12 =	vadd.f32 v59, v12  }
0x115: {  	v11 =	vunpack.i.u.bf16.f32 v11;
	v20 =	vld [tilespmem:s17+$0xFFFFFEB0];
	v7 =	vadd.f32 v7, v13;
	v13 =	vadd.f32 v25, v15  }
0x116: {  	v17 =	vld [tilespmem:s17+$0xFFFFFEA0];
	v15 =	vunpack.i.l.bf16.f32 v9;
	v22 =	vadd.bf16 v22, v34;
	v23 =	vadd.bf16 v24, v23  }
0x117: {  	v16 =	vld [tilespmem:s17+$0xFFFFFEC0];
	v9 =	vunpack.i.u.bf16.f32 v9;
	v24 =	vadd.bf16 v21, v19;
	v14 =	vadd.f32 v15, v14  }
0x118: {  	v25 =	vld [tilespmem:s17+$0xFFFFFE10];
	v12 =	vadd.f32 v9, v12;
	v15 =	vunpack.i.u.bf16.f32 v8;
	v26 =	vadd.bf16 v26, v27  }
0x119: {  	v8 =	vunpack.i.l.bf16.f32 v8;
	v7 =	vadd.f32 v60, v7;
	v9 =	vadd.f32 v11, v13;
	v13 =	vld [tilespmem:s17+$0xFFFFFE40]  }
0x11a: {  	v11 =	vadd.f32 v8, v14;
	v8 =	vadd.f32 v15, v12;
	v12 =	vld [tilespmem:s17+$0xFFFFFE50]  }
0x11b: {  	v27 =	vadd.bf16 v20, v18;
	v20 =	vadd.bf16 v30, v22;
	v15 =	vld [tilespmem:s17+$0xFFFFFE60]  }
0x11c: {  	v21 =	vadd.bf16 v31, v23;
	v23 =	vadd.bf16 v32, v24;
	v14 =	vld [tilespmem:s17+$0xFFFFFF00]  }
0x11d: {  	v22 =	vadd.bf16 v33, v26;
	v63 =	vadd.bf16 v16, v17;
	v16 =	vld [tilespmem:s17+$0xFFFFFE70]  }
0x11e: {  	v18 =	vadd.bf16 v61, v25;
	v19 =	vadd.bf16 v13, v62;
	v13 =	vld [tilespmem:s17+$0xFFFFFEF0]  }
0x11f: {  	s15 =	simm.s32 $0x0;
	s16 =	simm.s32 $0x73F0;
	v17 =	vld [tilespmem:s17+$0xFFFFFE80];
	v24 =	vadd.bf16 v35, v27;
	v25 =	vadd.bf16 v36, v63  }
.LBB2_9:
0x120: {  	v26 =	vld [tilespmem:s16+$0xFFFFFFF0];
	v12 =	vadd.bf16 v12, v18;
	v15 =	vadd.bf16 v15, v19  }
0x121: {  	v10 =	vadd.bf16 v10, v20;
	v18 =	vadd.bf16 v4, v21;
	v4 =	vld [tilespmem:s16+$0x0]  }
0x122: {  	v19 =	vadd.bf16 v5, v23;
	v20 =	vadd.bf16 v6, v22;
	v5 =	vld [tilespmem:s16+$0xFFFFFF70]  }
0x123: {  	v13 =	vadd.bf16 v13, v24;
	v14 =	vadd.bf16 v14, v25;
	v6 =	vld [tilespmem:s16+$0xFFFFFF80]  }
0x124: {  	v12 =	vadd.bf16 v16, v12;
	v21 =	vld [tilespmem:s16+$0xFFFFFFD0];
	v15 =	vadd.bf16 v17, v15  }
0x125: {  	v22 =	vunpack.i.u.bf16.f32 v10;
	v23 =	vunpack.i.l.bf16.f32 v10;
	v17 =	vunpack.i.u.bf16.f32 v19;
	v16 =	vld [tilespmem:s16+$0xFFFFFFE0];
	v10 =	vmovc v26  }
0x126: {  	v25 =	vunpack.i.u.bf16.f32 v13;
	v13 =	vunpack.i.l.bf16.f32 v13;
	v19 =	vunpack.i.l.bf16.f32 v19;
	v24 =	vld [tilespmem:s16+$0xFFFFFF50]  }
0x127: {  	v27 =	vunpack.i.u.bf16.f32 v12;
	v12 =	vunpack.i.l.bf16.f32 v12;
	v28 =	vunpack.i.u.bf16.f32 v15;
	v26 =	vld [tilespmem:s16+$0xFFFFFF60]  }
0x128: {  	v7 =	vadd.f32 v12, v7;
	v9 =	vadd.f32 v27, v9;
	v12 =	vunpack.i.l.bf16.f32 v15;
	v29 =	vld [tilespmem:s16+$0xFFFFFF90]  }
0x129: {  	v11 =	vadd.f32 v12, v11;
	v8 =	vadd.f32 v28, v8;
	v12 =	vunpack.i.u.bf16.f32 v14;
	v15 =	vld [tilespmem:s16+$0xFFFFFFB0]  }
0x12a: {  	v7 =	vadd.f32 v13, v7;
	v9 =	vadd.f32 v25, v9;
	v13 =	vunpack.i.l.bf16.f32 v14;
	v27 =	vld [tilespmem:s16+$0xFFFFFFA0]  }
0x12b: {  	v11 =	vadd.f32 v13, v11;
	v8 =	vadd.f32 v12, v8;
	v12 =	vunpack.i.u.bf16.f32 v20;
	v14 =	vld [tilespmem:s16+$0xFFFFFFC0]  }
0x12c: {  	v7 =	vadd.f32 v19, v7;
	v9 =	vadd.f32 v17, v9;
	v17 =	vunpack.i.l.bf16.f32 v20;
	v13 =	vld [tilespmem:s16+$0xFFFFFF10]  }
0x12d: {  	v11 =	vadd.f32 v17, v11;
	v8 =	vadd.f32 v12, v8;
	v12 =	vunpack.i.u.bf16.f32 v18;
	v19 =	vld [tilespmem:s16+$0xFFFFFF30]  }
0x12e: {  	v18 =	vunpack.i.l.bf16.f32 v18;
	v7 =	vadd.f32 v23, v7;
	v9 =	vadd.f32 v22, v9;
	v17 =	vld [tilespmem:s16+$0xFFFFFF20]  }
0x12f: {  	v11 =	vadd.f32 v18, v11;
	v8 =	vadd.f32 v12, v8;
	v20 =	vld [tilespmem:s16+$0xFFFFFF40]  }
0x130: {  	v18 =	vld [tilespmem:s16+$0xFFFFFE90]  }
0x131: {  	v22 =	vld [tilespmem:s16+$0xFFFFFEB0]  }
0x132: {  	v23 =	vld [tilespmem:s16+$0xFFFFFEA0]  }
0x133: {  	v25 =	vld [tilespmem:s16+$0xFFFFFEC0]  }
0x134: {  	v28 =	vld [tilespmem:s16+$0xFFFFFE10]  }
0x135: {  	v30 =	vld [tilespmem:s16+$0xFFFFFE30]  }
0x136: {  	v31 =	vld [tilespmem:s16+$0xFFFFFE20]  }
0x137: {  	v32 =	vld [tilespmem:s16+$0xFFFFFE40]  }
0x138: {  	v33 =	vld [tilespmem:s16+$0xFFFFFED0]  }
0x139: {  	s15 =	sadd.s32 $0x4, s15;
	v29 =	vadd.bf16 v15, v29;
	v27 =	vadd.bf16 v14, v27;
	v34 =	vld [tilespmem:s16+$0xFFFFFEE0]  }
0x13a: {  	p1 =	slt.u32 s15, $0x1C;
	v35 =	vadd.bf16 v19, v13;
	v17 =	vadd.bf16 v20, v17;
	v12 =	vld [tilespmem:s16+$0xFFFFFE50]  }
.Ltmp3:
0x13b: {  	v36 =	vadd.bf16 v22, v18;
	v25 =	vadd.bf16 v25, v23;
	v15 =	vld [tilespmem:s16+$0xFFFFFE60];
	(pc) =	sbr.rel @p1 .LBB2_9-.Ltmp3, $4  }
0x13c: {  	v18 =	vadd.bf16 v30, v28;
	v19 =	vadd.bf16 v32, v31;
	v13 =	vld [tilespmem:s16+$0xFFFFFEF0]  }
0x13d: {  	v20 =	vadd.bf16 v21, v29;
	v21 =	vadd.bf16 v16, v27;
	v14 =	vld [tilespmem:s16+$0xFFFFFF00]  }
0x13e: {  	v22 =	vadd.bf16 v26, v17;
	v23 =	vadd.bf16 v24, v35;
	v16 =	vld [tilespmem:s16+$0xFFFFFE70]  }
0x13f: {  	v24 =	vadd.bf16 v33, v36;
	v25 =	vadd.bf16 v34, v25;
	v17 =	vld [tilespmem:s16+$0xFFFFFE80];
	s16 =	sadd.s32 $0x200, s16  }
0x140: {  	v12 =	vadd.bf16 v12, v18  }
0x141: {  	v15 =	vadd.bf16 v15, v19;
	v10 =	vadd.bf16 v10, v20  }
0x142: {  	v4 =	vadd.bf16 v4, v21;
	v5 =	vadd.bf16 v5, v23  }
0x143: {  	v6 =	vadd.bf16 v6, v22;
	v13 =	vadd.bf16 v13, v24  }
0x144: {  	v14 =	vadd.bf16 v14, v25;
	v12 =	vadd.bf16 v16, v12  }
0x145: {  	v16 =	vunpack.i.u.bf16.f32 v5;
	v18 =	vunpack.i.u.bf16.f32 v13;
	v13 =	vunpack.i.l.bf16.f32 v13  }
0x146: {  	v5 =	vunpack.i.l.bf16.f32 v5;
	v15 =	vadd.bf16 v17, v15;
	v19 =	vunpack.i.l.bf16.f32 v12  }
0x147: {  	v17 =	vunpack.i.u.bf16.f32 v10;
	v12 =	vunpack.i.u.bf16.f32 v12;
	v7 =	vadd.f32 v19, v7  }
0x148: {  	v10 =	vunpack.i.l.bf16.f32 v10;
	v9 =	vadd.f32 v12, v9;
	v12 =	vunpack.i.l.bf16.f32 v15  }
0x149: {  	v15 =	vunpack.i.u.bf16.f32 v15;
	v11 =	vadd.f32 v12, v11;
	v7 =	vadd.f32 v13, v7  }
0x14a: {  	v8 =	vadd.f32 v15, v8;
	v12 =	vunpack.i.l.bf16.f32 v14;
	v9 =	vadd.f32 v18, v9  }
0x14b: {  	v13 =	vunpack.i.u.bf16.f32 v14;
	v11 =	vadd.f32 v12, v11;
	v5 =	vadd.f32 v5, v7  }
0x14c: {  	v7 =	vadd.f32 v13, v8;
	v8 =	vadd.f32 v16, v9;
	v9 =	vunpack.i.l.bf16.f32 v6  }
0x14d: {  	v6 =	vunpack.i.u.bf16.f32 v6;
	v9 =	vadd.f32 v9, v11;
	v5 =	vadd.f32 v10, v5  }
0x14e: {  	v6 =	vadd.f32 v6, v7;
	v7 =	vadd.f32 v17, v8;
	v8 =	vunpack.i.l.bf16.f32 v4  }
0x14f: {  	v4 =	vunpack.i.u.bf16.f32 v4;
	v8 =	vadd.f32 v8, v9;
	v5 =	vmul.f32 $1.953125000e-03, v5  }
0x150: {  	s14 =	sadd.s32 @!p0 $0x580, s14;
	v4 =	vadd.f32 v4, v6;
	v6 =	vmul.f32 $1.953125000e-03, v7  }
0x151: {  	s15 =	simm.s32 @!p0 $0x80;
	s16 =	simm.s32 @!p0 $0x7000;
	s11 =	sshll.u32 s11, $0x7;
	v7 =	vmul.f32 $1.953125000e-03, v8;
	v5 =	vadd.f32 v5, v0  }
0x152: {  	[tilespmem:s16], [sflag:$0x4] =	stream.indirect.gather @!p0 [hbm4b:s4+s15], $0x20, s14, s15, $0xb8;
	v6 =	vadd.f32 v6, v1;
	v4 =	vmul.f32 $1.953125000e-03, v4;
	[tilespmem:$0xC840] =	vst v63  }
0x153: {  	s11 =	sand.u32 $0x3FFFFF80, s11;
	v7 =	vadd.f32 v7, v2;
	v5 =	vmax.f32 v5, $0.0e+00  }
0x154: {  	v4 =	vadd.f32 v4, v3;
	[tilespmem:s11+$0xC000] =	vst v5;
	v5 =	vmax.f32 v6, $0.0e+00  }
0x155: {  	[tilespmem:s11+$0xC020] =	vst v5;
	v5 =	vmax.f32 v7, $0.0e+00  }
0x156: {  	v4 =	vmax.f32 v4, $0.0e+00;
	[tilespmem:s11+$0xC010] =	vst v5  }
0x157: {  	[tilespmem:s11+$0xC030] =	vst v4  }
0x158: {  	_ =	swait.ge [sflag:s30], $0x1000  }
0x159: {  	[sflag:s30] =	ssyncset.done $0x0  }
0x15a: {  	s17 =	simm.s32 $0x8000;
	[sflag:s30] =	ssyncadd.s32 $0xFFFFF000  }
0x15b: {  	v11 =	vld [tilespmem:s17+$0x1E0]  }
0x15c: {  	v8 =	vld [tilespmem:s17+$0x1F0]  }
0x15d: {  	v5 =	vld [tilespmem:s17+$0x160]  }
0x15e: {  	v9 =	vld [tilespmem:s17+$0x170]  }
0x15f: {  	v4 =	vld [tilespmem:s17+$0x1C0]  }
0x160: {  	v6 =	vld [tilespmem:s17+$0x1D0]  }
0x161: {  	v7 =	vld [tilespmem:s17+$0x140]  }
0x162: {  	v10 =	vld [tilespmem:s17+$0x180]  }
0x163: {  	v12 =	vld [tilespmem:s17+$0x1A0]  }
0x164: {  	v13 =	vld [tilespmem:s17+$0x190]  }
0x165: {  	v14 =	vld [tilespmem:s17+$0x1B0]  }
0x166: {  	v15 =	vld [tilespmem:s17+$0x100]  }
0x167: {  	v16 =	vld [tilespmem:s17+$0x120]  }
0x168: {  	v17 =	vld [tilespmem:s17+$0x110]  }
0x169: {  	v18 =	vld [tilespmem:s17+$0x130]  }
0x16a: {  	v19 =	vld [tilespmem:s17+$0x80]  }
0x16b: {  	v20 =	vld [tilespmem:s17+$0xA0]  }
0x16c: {  	v21 =	vld [tilespmem:s17+$0x90]  }
0x16d: {  	v22 =	vld [tilespmem:s17+$0xB0]  }
0x16e: {  	v23 =	vld [tilespmem:s17+$0x0]  }
0x16f: {  	v24 =	vld [tilespmem:s17+$0x20]  }
0x170: {  	v25 =	vld [tilespmem:s17+$0x10]  }
0x171: {  	v26 =	vld [tilespmem:s17+$0x30]  }
0x172: {  	v27 =	vld [tilespmem:s17+$0x150]  }
0x173: {  	v29 =	vld [tilespmem:s17+$0xC0];
	v10 =	vadd.bf16 v12, v10;
	v12 =	vadd.bf16 v14, v13  }
0x174: {  	v13 =	vld [tilespmem:s17+$0xD0];
	v14 =	vadd.bf16 v16, v15;
	v15 =	vadd.bf16 v18, v17  }
0x175: {  	v18 =	vld [tilespmem:s17+$0x40];
	v30 =	vadd.bf16 v20, v19;
	v21 =	vadd.bf16 v22, v21  }
0x176: {  	v20 =	vld [tilespmem:s17+$0x50];
	v22 =	vadd.bf16 v24, v23;
	v23 =	vadd.bf16 v26, v25  }
0x177: {  	v16 =	vld [tilespmem:s17+$0xE0];
	v24 =	vadd.bf16 v4, v10;
	v25 =	vadd.bf16 v6, v12  }
0x178: {  	v17 =	vld [tilespmem:s17+$0xF0];
	v28 =	vadd.bf16 v7, v14;
	v26 =	vadd.bf16 v27, v15  }
0x179: {  	v19 =	vld [tilespmem:s17+$0x60];
	v12 =	vimm.f32 $0.0e+00;
	v29 =	vadd.bf16 v29, v30;
	v15 =	vimm.f32 $0.0e+00  }
0x17a: {  	s14 =	simm.s32 $0x8200;
	s11 =	simm.s32 $0x0;
	v14 =	vimm.f32 $0.0e+00;
	v27 =	vadd.bf16 v13, v21;
	v21 =	vld [tilespmem:s17+$0x70];
	v13 =	vimm.f32 $0.0e+00  }
.LBB2_11:
0x17b: {  	v4 =	vld [tilespmem:s14+$0x1E0];
	v6 =	vadd.bf16 v18, v22;
	v7 =	vadd.bf16 v20, v23  }
0x17c: {  	v10 =	vadd.bf16 v11, v24;
	v18 =	vadd.bf16 v8, v25;
	v8 =	vld [tilespmem:s14+$0x1F0]  }
0x17d: {  	v20 =	vadd.bf16 v5, v28;
	v22 =	vadd.bf16 v9, v26;
	v5 =	vld [tilespmem:s14+$0x160]  }
0x17e: {  	v16 =	vadd.bf16 v16, v29;
	v17 =	vadd.bf16 v17, v27;
	v9 =	vld [tilespmem:s14+$0x170]  }
0x17f: {  	v6 =	vadd.bf16 v19, v6;
	v24 =	vld [tilespmem:s14+$0x1C0];
	v7 =	vadd.bf16 v21, v7  }
0x180: {  	v23 =	vunpack.i.u.bf16.f32 v10;
	v10 =	vunpack.i.l.bf16.f32 v10;
	v21 =	vunpack.i.u.bf16.f32 v20;
	v19 =	vld [tilespmem:s14+$0x1D0];
	v11 =	vmovc v4  }
0x181: {  	v25 =	vunpack.i.u.bf16.f32 v16;
	v16 =	vunpack.i.l.bf16.f32 v16;
	v20 =	vunpack.i.l.bf16.f32 v20;
	v4 =	vld [tilespmem:s14+$0x140]  }
0x182: {  	v27 =	vunpack.i.u.bf16.f32 v6;
	v6 =	vunpack.i.l.bf16.f32 v6;
	v28 =	vunpack.i.u.bf16.f32 v7;
	v26 =	vld [tilespmem:s14+$0x150]  }
0x183: {  	v6 =	vadd.f32 v6, v12;
	v12 =	vadd.f32 v27, v15;
	v7 =	vunpack.i.l.bf16.f32 v7;
	v29 =	vld [tilespmem:s14+$0x180]  }
0x184: {  	v7 =	vadd.f32 v7, v14;
	v13 =	vadd.f32 v28, v13;
	v14 =	vunpack.i.u.bf16.f32 v17;
	v27 =	vld [tilespmem:s14+$0x1A0]  }
0x185: {  	v15 =	vunpack.i.l.bf16.f32 v17;
	v6 =	vadd.f32 v16, v6;
	v12 =	vadd.f32 v25, v12;
	v28 =	vld [tilespmem:s14+$0x190]  }
0x186: {  	v7 =	vadd.f32 v15, v7;
	v13 =	vadd.f32 v14, v13;
	v14 =	vunpack.i.u.bf16.f32 v22;
	v16 =	vld [tilespmem:s14+$0x1B0]  }
0x187: {  	v6 =	vadd.f32 v20, v6;
	v15 =	vadd.f32 v21, v12;
	v12 =	vunpack.i.l.bf16.f32 v22;
	v17 =	vld [tilespmem:s14+$0x100]  }
0x188: {  	v21 =	vunpack.i.u.bf16.f32 v18;
	v7 =	vadd.f32 v12, v7;
	v13 =	vadd.f32 v14, v13;
	v20 =	vld [tilespmem:s14+$0x120]  }
0x189: {  	v12 =	vadd.f32 v10, v6;
	v15 =	vadd.f32 v23, v15;
	v6 =	vunpack.i.l.bf16.f32 v18;
	v22 =	vld [tilespmem:s14+$0x110]  }
0x18a: {  	v14 =	vadd.f32 v6, v7;
	v13 =	vadd.f32 v21, v13;
	v10 =	vld [tilespmem:s14+$0x130]  }
0x18b: {  	v6 =	vld [tilespmem:s14+$0x80]  }
0x18c: {  	v7 =	vld [tilespmem:s14+$0xA0]  }
0x18d: {  	v21 =	vld [tilespmem:s14+$0x90]  }
0x18e: {  	v23 =	vld [tilespmem:s14+$0xB0]  }
0x18f: {  	v25 =	vld [tilespmem:s14+$0x0]  }
0x190: {  	v30 =	vld [tilespmem:s14+$0x20]  }
0x191: {  	v31 =	vld [tilespmem:s14+$0x10]  }
0x192: {  	v32 =	vld [tilespmem:s14+$0x30]  }
0x193: {  	v33 =	vld [tilespmem:s14+$0xC0]  }
0x194: {  	s11 =	sadd.s32 $0x4, s11;
	v27 =	vadd.bf16 v27, v29;
	v28 =	vadd.bf16 v16, v28;
	v34 =	vld [tilespmem:s14+$0xD0]  }
0x195: {  	p1 =	slt.u32 s11, $0x1C;
	v29 =	vadd.bf16 v20, v17;
	v10 =	vadd.bf16 v10, v22;
	v18 =	vld [tilespmem:s14+$0x40]  }
.Ltmp4:
0x196: {  	v6 =	vadd.bf16 v7, v6;
	v7 =	vadd.bf16 v23, v21;
	v20 =	vld [tilespmem:s14+$0x50];
	(pc) =	sbr.rel @p1 .LBB2_11-.Ltmp4, $4  }
0x197: {  	v22 =	vadd.bf16 v30, v25;
	v23 =	vadd.bf16 v32, v31;
	v16 =	vld [tilespmem:s14+$0xE0]  }
0x198: {  	v24 =	vadd.bf16 v24, v27;
	v25 =	vadd.bf16 v19, v28;
	v17 =	vld [tilespmem:s14+$0xF0]  }
0x199: {  	v26 =	vadd.bf16 v26, v10;
	v28 =	vadd.bf16 v4, v29;
	v19 =	vld [tilespmem:s14+$0x60]  }
0x19a: {  	v29 =	vadd.bf16 v33, v6;
	v27 =	vadd.bf16 v34, v7;
	v21 =	vld [tilespmem:s14+$0x70];
	s14 =	sadd.s32 $0x200, s14  }
0x19b: {  	s11 =	sor.u32 $0x1, s13  }
0x19c: {  	s13 =	sshll.u32 @!p0 s11, $0x9  }
0x19d: {  	s13 =	sand.u32 @!p0 $0x3FFFFE00, s13  }
0x19e: {  	s15 =	simm.s32 @!p0 $0x80;
	s16 =	simm.s32 @!p0 $0x8000;
	s14 =	sadd.s32 @!p0 $0x400, s13  }
0x19f: {  	[tilespmem:s16], [sflag:$0x5] =	stream.indirect.gather @!p0 [hbm4b:s4+s15], $0x20, s14, s15, $0xb8;
	[tilespmem:$0xC840] =	vst v63  }
0x1a0: {  	_ =	swait.ge [sflag:s31], $0x1000  }
0x1a1: {  	[sflag:s31] =	ssyncset.done $0x0  }
0x1a2: {  	s17 =	simm.s32 $0x9000;
	[sflag:s31] =	ssyncadd.s32 $0xFFFFF000  }
0x1a3: {  	v10 =	vld [tilespmem:s17+$0x1E0]  }
0x1a4: {  	v6 =	vld [tilespmem:s17+$0x1F0]  }
0x1a5: {  	v4 =	vld [tilespmem:s17+$0x160]  }
0x1a6: {  	v7 =	vld [tilespmem:s17+$0x170]  }
0x1a7: {  	v30 =	vld [tilespmem:s17+$0x1C0]  }
0x1a8: {  	v31 =	vld [tilespmem:s17+$0x1D0]  }
0x1a9: {  	v32 =	vld [tilespmem:s17+$0x140]  }
0x1aa: {  	v33 =	vld [tilespmem:s17+$0x150]  }
0x1ab: {  	v34 =	vld [tilespmem:s17+$0x180]  }
0x1ac: {  	v18 =	vadd.bf16 v18, v22;
	v20 =	vadd.bf16 v20, v23;
	v22 =	vld [tilespmem:s17+$0x1A0]  }
0x1ad: {  	v11 =	vadd.bf16 v11, v24;
	v8 =	vadd.bf16 v8, v25;
	v23 =	vld [tilespmem:s17+$0x190]  }
0x1ae: {  	v5 =	vadd.bf16 v5, v28;
	v9 =	vadd.bf16 v9, v26;
	v24 =	vld [tilespmem:s17+$0x1B0]  }
0x1af: {  	v16 =	vadd.bf16 v16, v29;
	v18 =	vadd.bf16 v19, v18;
	v19 =	vld [tilespmem:s17+$0x100]  }
0x1b0: {  	v17 =	vadd.bf16 v17, v27;
	v20 =	vadd.bf16 v21, v20;
	v21 =	vld [tilespmem:s17+$0x120]  }
0x1b1: {  	v25 =	vunpack.i.u.bf16.f32 v5;
	v26 =	vunpack.i.u.bf16.f32 v18;
	v18 =	vunpack.i.l.bf16.f32 v18;
	v27 =	vld [tilespmem:s17+$0x110]  }
0x1b2: {  	v12 =	vadd.f32 v18, v12;
	v15 =	vadd.f32 v26, v15;
	v18 =	vunpack.i.l.bf16.f32 v20;
	v26 =	vld [tilespmem:s17+$0x130]  }
0x1b3: {  	v28 =	vunpack.i.l.bf16.f32 v16;
	v20 =	vunpack.i.u.bf16.f32 v20;
	v14 =	vadd.f32 v18, v14;
	v29 =	vld [tilespmem:s17+$0x80]  }
0x1b4: {  	v16 =	vunpack.i.u.bf16.f32 v16;
	v13 =	vadd.f32 v20, v13;
	v12 =	vadd.f32 v28, v12;
	v28 =	vld [tilespmem:s17+$0xA0]  }
0x1b5: {  	v18 =	vunpack.i.u.bf16.f32 v17;
	v15 =	vadd.f32 v16, v15;
	v16 =	vunpack.i.l.bf16.f32 v17;
	v17 =	vld [tilespmem:s17+$0x90]  }
0x1b6: {  	v5 =	vunpack.i.l.bf16.f32 v5;
	v35 =	vld [tilespmem:s17+$0x20];
	v14 =	vadd.f32 v16, v14;
	v13 =	vadd.f32 v18, v13  }
0x1b7: {  	v20 =	vld [tilespmem:s17+$0x50];
	v5 =	vadd.f32 v5, v12;
	v12 =	vadd.f32 v25, v15;
	v15 =	vunpack.i.l.bf16.f32 v9  }
0x1b8: {  	v16 =	vld [tilespmem:s17+$0xB0];
	v18 =	vunpack.i.l.bf16.f32 v11;
	v9 =	vunpack.i.u.bf16.f32 v9;
	v14 =	vadd.f32 v15, v14  }
0x1b9: {  	v11 =	vunpack.i.u.bf16.f32 v11;
	v25 =	vld [tilespmem:s17+$0x0];
	v9 =	vadd.f32 v9, v13;
	v13 =	vadd.f32 v18, v5  }
0x1ba: {  	v5 =	vld [tilespmem:s17+$0x10];
	v18 =	vunpack.i.u.bf16.f32 v8;
	v15 =	vadd.f32 v11, v12;
	v8 =	vunpack.i.l.bf16.f32 v8  }
0x1bb: {  	v11 =	vld [tilespmem:s17+$0x30];
	v14 =	vadd.f32 v8, v14;
	v12 =	vadd.f32 v18, v9  }
0x1bc: {  	v8 =	vld [tilespmem:s17+$0xC0];
	v34 =	vadd.bf16 v22, v34;
	v36 =	vadd.bf16 v24, v23  }
0x1bd: {  	v9 =	vld [tilespmem:s17+$0xD0];
	v21 =	vadd.bf16 v21, v19;
	v26 =	vadd.bf16 v26, v27  }
0x1be: {  	v18 =	vld [tilespmem:s17+$0x40];
	v27 =	vadd.bf16 v28, v29;
	v37 =	vadd.bf16 v16, v17  }
0x1bf: {  	v19 =	vld [tilespmem:s17+$0x60];
	v22 =	vadd.bf16 v35, v25;
	v24 =	vadd.bf16 v30, v34  }
0x1c0: {  	v17 =	vld [tilespmem:s17+$0xE0];
	v25 =	vadd.bf16 v31, v36;
	v28 =	vadd.bf16 v32, v21  }
0x1c1: {  	v16 =	vld [tilespmem:s17+$0xF0];
	v26 =	vadd.bf16 v33, v26;
	v23 =	vadd.bf16 v11, v5  }
0x1c2: {  	s14 =	simm.s32 $0x0;
	s15 =	simm.s32 $0x9200;
	v21 =	vld [tilespmem:s17+$0x70];
	v29 =	vadd.bf16 v8, v27;
	v27 =	vadd.bf16 v9, v37  }
.LBB2_13:
0x1c3: {  	v5 =	vld [tilespmem:s15+$0x1E0];
	v8 =	vadd.bf16 v18, v22;
	v9 =	vadd.bf16 v20, v23  }
0x1c4: {  	v10 =	vadd.bf16 v10, v24;
	v11 =	vadd.bf16 v6, v25;
	v6 =	vld [tilespmem:s15+$0x1F0]  }
0x1c5: {  	v18 =	vadd.bf16 v4, v28;
	v20 =	vadd.bf16 v7, v26;
	v4 =	vld [tilespmem:s15+$0x160]  }
0x1c6: {  	v17 =	vadd.bf16 v17, v29;
	v16 =	vadd.bf16 v16, v27;
	v7 =	vld [tilespmem:s15+$0x170]  }
0x1c7: {  	v8 =	vadd.bf16 v19, v8;
	v24 =	vld [tilespmem:s15+$0x1C0];
	v9 =	vadd.bf16 v21, v9  }
0x1c8: {  	v22 =	vunpack.i.u.bf16.f32 v10;
	v23 =	vunpack.i.l.bf16.f32 v10;
	v21 =	vunpack.i.u.bf16.f32 v18;
	v19 =	vld [tilespmem:s15+$0x1D0];
	v10 =	vmovc v5  }
0x1c9: {  	v25 =	vunpack.i.u.bf16.f32 v17;
	v17 =	vunpack.i.l.bf16.f32 v17;
	v18 =	vunpack.i.l.bf16.f32 v18;
	v5 =	vld [tilespmem:s15+$0x140]  }
0x1ca: {  	v27 =	vunpack.i.u.bf16.f32 v8;
	v8 =	vunpack.i.l.bf16.f32 v8;
	v28 =	vunpack.i.u.bf16.f32 v9;
	v26 =	vld [tilespmem:s15+$0x150]  }
0x1cb: {  	v8 =	vadd.f32 v8, v13;
	v13 =	vadd.f32 v27, v15;
	v9 =	vunpack.i.l.bf16.f32 v9;
	v29 =	vld [tilespmem:s15+$0x180]  }
0x1cc: {  	v9 =	vadd.f32 v9, v14;
	v12 =	vadd.f32 v28, v12;
	v14 =	vunpack.i.u.bf16.f32 v16;
	v27 =	vld [tilespmem:s15+$0x1A0]  }
0x1cd: {  	v15 =	vunpack.i.l.bf16.f32 v16;
	v8 =	vadd.f32 v17, v8;
	v13 =	vadd.f32 v25, v13;
	v28 =	vld [tilespmem:s15+$0x190]  }
0x1ce: {  	v9 =	vadd.f32 v15, v9;
	v12 =	vadd.f32 v14, v12;
	v14 =	vunpack.i.u.bf16.f32 v20;
	v16 =	vld [tilespmem:s15+$0x1B0]  }
0x1cf: {  	v8 =	vadd.f32 v18, v8;
	v15 =	vadd.f32 v21, v13;
	v13 =	vunpack.i.l.bf16.f32 v20;
	v17 =	vld [tilespmem:s15+$0x100]  }
0x1d0: {  	v18 =	vunpack.i.u.bf16.f32 v11;
	v9 =	vadd.f32 v13, v9;
	v12 =	vadd.f32 v14, v12;
	v20 =	vld [tilespmem:s15+$0x120]  }
0x1d1: {  	v13 =	vadd.f32 v23, v8;
	v15 =	vadd.f32 v22, v15;
	v8 =	vunpack.i.l.bf16.f32 v11;
	v21 =	vld [tilespmem:s15+$0x110]  }
0x1d2: {  	v14 =	vadd.f32 v8, v9;
	v12 =	vadd.f32 v18, v12;
	v11 =	vld [tilespmem:s15+$0x130]  }
0x1d3: {  	v8 =	vld [tilespmem:s15+$0x80]  }
0x1d4: {  	v9 =	vld [tilespmem:s15+$0xA0]  }
0x1d5: {  	v22 =	vld [tilespmem:s15+$0x90]  }
0x1d6: {  	v23 =	vld [tilespmem:s15+$0xB0]  }
0x1d7: {  	v25 =	vld [tilespmem:s15+$0x0]  }
0x1d8: {  	v30 =	vld [tilespmem:s15+$0x20]  }
0x1d9: {  	v31 =	vld [tilespmem:s15+$0x10]  }
0x1da: {  	v32 =	vld [tilespmem:s15+$0x30]  }
0x1db: {  	v33 =	vld [tilespmem:s15+$0xC0]  }
0x1dc: {  	s14 =	sadd.s32 $0x4, s14;
	v27 =	vadd.bf16 v27, v29;
	v28 =	vadd.bf16 v16, v28;
	v34 =	vld [tilespmem:s15+$0xD0]  }
0x1dd: {  	p1 =	slt.u32 s14, $0x1C;
	v29 =	vadd.bf16 v20, v17;
	v11 =	vadd.bf16 v11, v21;
	v18 =	vld [tilespmem:s15+$0x40]  }
.Ltmp5:
0x1de: {  	v8 =	vadd.bf16 v9, v8;
	v9 =	vadd.bf16 v23, v22;
	v20 =	vld [tilespmem:s15+$0x50];
	(pc) =	sbr.rel @p1 .LBB2_13-.Ltmp5, $4  }
0x1df: {  	v22 =	vadd.bf16 v30, v25;
	v23 =	vadd.bf16 v32, v31;
	v17 =	vld [tilespmem:s15+$0xE0]  }
0x1e0: {  	v24 =	vadd.bf16 v24, v27;
	v25 =	vadd.bf16 v19, v28;
	v16 =	vld [tilespmem:s15+$0xF0]  }
0x1e1: {  	v26 =	vadd.bf16 v26, v11;
	v28 =	vadd.bf16 v5, v29;
	v19 =	vld [tilespmem:s15+$0x60]  }
0x1e2: {  	v29 =	vadd.bf16 v33, v8;
	v27 =	vadd.bf16 v34, v9;
	v21 =	vld [tilespmem:s15+$0x70];
	s15 =	sadd.s32 $0x200, s15  }
0x1e3: {  	s14 =	sadd.s32 @!p0 $0x480, s13;
	s15 =	simm.s32 @!p0 $0x80;
	s16 =	simm.s32 @!p0 $0x9000  }
0x1e4: {  	[tilespmem:s16], [sflag:$0x6] =	stream.indirect.gather @!p0 [hbm4b:s4+s15], $0x20, s14, s15, $0xb8;
	[tilespmem:$0xC840] =	vst v63  }
0x1e5: {  	_ =	swait.ge [sflag:s1], $0x1000  }
0x1e6: {  	[sflag:s1] =	ssyncset.done $0x0  }
0x1e7: {  	s17 =	simm.s32 $0xA000;
	[sflag:s1] =	ssyncadd.s32 $0xFFFFF000  }
0x1e8: {  	v11 =	vld [tilespmem:s17+$0x1E0]  }
0x1e9: {  	v8 =	vld [tilespmem:s17+$0x1F0]  }
0x1ea: {  	v5 =	vld [tilespmem:s17+$0x160]  }
0x1eb: {  	v9 =	vld [tilespmem:s17+$0x170]  }
0x1ec: {  	v30 =	vld [tilespmem:s17+$0x1C0]  }
0x1ed: {  	v31 =	vld [tilespmem:s17+$0x1D0]  }
0x1ee: {  	v32 =	vld [tilespmem:s17+$0x140]  }
0x1ef: {  	v33 =	vld [tilespmem:s17+$0x150]  }
0x1f0: {  	v34 =	vld [tilespmem:s17+$0x180]  }
0x1f1: {  	v18 =	vadd.bf16 v18, v22;
	v22 =	vld [tilespmem:s17+$0x1A0]  }
0x1f2: {  	v20 =	vadd.bf16 v20, v23;
	v10 =	vadd.bf16 v10, v24;
	v23 =	vld [tilespmem:s17+$0x190]  }
0x1f3: {  	v6 =	vadd.bf16 v6, v25;
	v4 =	vadd.bf16 v4, v28;
	v24 =	vld [tilespmem:s17+$0x1B0]  }
0x1f4: {  	v7 =	vadd.bf16 v7, v26;
	v18 =	vadd.bf16 v19, v18;
	v19 =	vld [tilespmem:s17+$0x100]  }
0x1f5: {  	v17 =	vadd.bf16 v17, v29;
	v20 =	vadd.bf16 v21, v20;
	v21 =	vld [tilespmem:s17+$0x120]  }
0x1f6: {  	v16 =	vadd.bf16 v16, v27;
	v26 =	vunpack.i.u.bf16.f32 v18;
	v18 =	vunpack.i.l.bf16.f32 v18;
	v27 =	vld [tilespmem:s17+$0x110]  }
0x1f7: {  	v25 =	vunpack.i.u.bf16.f32 v4;
	v28 =	vunpack.i.l.bf16.f32 v17;
	v29 =	vld [tilespmem:s17+$0x80];
	v13 =	vadd.f32 v18, v13  }
0x1f8: {  	v35 =	vld [tilespmem:s17+$0x20];
	v15 =	vadd.f32 v26, v15;
	v18 =	vunpack.i.l.bf16.f32 v20;
	v20 =	vunpack.i.u.bf16.f32 v20  }
0x1f9: {  	v17 =	vunpack.i.u.bf16.f32 v17;
	v26 =	vld [tilespmem:s17+$0x130];
	v14 =	vadd.f32 v18, v14;
	v12 =	vadd.f32 v20, v12  }
0x1fa: {  	v18 =	vunpack.i.u.bf16.f32 v16;
	v16 =	vunpack.i.l.bf16.f32 v16;
	v20 =	vld [tilespmem:s17+$0x50];
	v13 =	vadd.f32 v28, v13  }
0x1fb: {  	v4 =	vunpack.i.l.bf16.f32 v4;
	v28 =	vld [tilespmem:s17+$0xA0];
	v15 =	vadd.f32 v17, v15;
	v14 =	vadd.f32 v16, v14  }
0x1fc: {  	v17 =	vld [tilespmem:s17+$0x90];
	v12 =	vadd.f32 v18, v12;
	v18 =	vunpack.i.l.bf16.f32 v10;
	v4 =	vadd.f32 v4, v13  }
0x1fd: {  	v16 =	vld [tilespmem:s17+$0xB0];
	v15 =	vadd.f32 v25, v15;
	v13 =	vunpack.i.l.bf16.f32 v7;
	v34 =	vadd.bf16 v22, v34  }
0x1fe: {  	v25 =	vld [tilespmem:s17+$0x0];
	v7 =	vunpack.i.u.bf16.f32 v7;
	v36 =	vadd.bf16 v24, v23;
	v14 =	vadd.f32 v13, v14  }
0x1ff: {  	v10 =	vunpack.i.u.bf16.f32 v10;
	v7 =	vadd.f32 v7, v12;
	v13 =	vadd.f32 v18, v4;
	v4 =	vld [tilespmem:s17+$0x10]  }
0x200: {  	v12 =	vunpack.i.u.bf16.f32 v6;
	v6 =	vunpack.i.l.bf16.f32 v6;
	v15 =	vadd.f32 v10, v15;
	v10 =	vld [tilespmem:s17+$0x30]  }
0x201: {  	v21 =	vadd.bf16 v21, v19;
	v14 =	vadd.f32 v6, v14;
	v6 =	vld [tilespmem:s17+$0xC0]  }
0x202: {  	v26 =	vadd.bf16 v26, v27;
	v12 =	vadd.f32 v12, v7;
	v7 =	vld [tilespmem:s17+$0xD0]  }
0x203: {  	v18 =	vld [tilespmem:s17+$0x40];
	v24 =	vadd.bf16 v30, v34;
	v27 =	vadd.bf16 v28, v29  }
0x204: {  	v19 =	vld [tilespmem:s17+$0x60];
	v28 =	vadd.bf16 v32, v21;
	v26 =	vadd.bf16 v33, v26  }
0x205: {  	v37 =	vadd.bf16 v16, v17;
	v17 =	vld [tilespmem:s17+$0xE0];
	v22 =	vadd.bf16 v35, v25  }
0x206: {  	v16 =	vld [tilespmem:s17+$0xF0];
	v25 =	vadd.bf16 v31, v36;
	v23 =	vadd.bf16 v10, v4  }
0x207: {  	s14 =	simm.s32 $0x0;
	s15 =	simm.s32 $0xA200;
	v21 =	vld [tilespmem:s17+$0x70];
	v29 =	vadd.bf16 v6, v27;
	v27 =	vadd.bf16 v7, v37  }
.LBB2_15:
0x208: {  	v4 =	vld [tilespmem:s15+$0x1E0];
	v6 =	vadd.bf16 v18, v22;
	v7 =	vadd.bf16 v20, v23  }
0x209: {  	v10 =	vadd.bf16 v11, v24;
	v18 =	vadd.bf16 v8, v25;
	v8 =	vld [tilespmem:s15+$0x1F0]  }
0x20a: {  	v20 =	vadd.bf16 v5, v28;
	v22 =	vadd.bf16 v9, v26;
	v5 =	vld [tilespmem:s15+$0x160]  }
0x20b: {  	v17 =	vadd.bf16 v17, v29;
	v16 =	vadd.bf16 v16, v27;
	v9 =	vld [tilespmem:s15+$0x170]  }
0x20c: {  	v6 =	vadd.bf16 v19, v6;
	v24 =	vld [tilespmem:s15+$0x1C0];
	v7 =	vadd.bf16 v21, v7  }
0x20d: {  	v23 =	vunpack.i.u.bf16.f32 v10;
	v10 =	vunpack.i.l.bf16.f32 v10;
	v21 =	vunpack.i.u.bf16.f32 v20;
	v19 =	vld [tilespmem:s15+$0x1D0];
	v11 =	vmovc v4  }
0x20e: {  	v25 =	vunpack.i.u.bf16.f32 v17;
	v17 =	vunpack.i.l.bf16.f32 v17;
	v20 =	vunpack.i.l.bf16.f32 v20;
	v4 =	vld [tilespmem:s15+$0x140]  }
0x20f: {  	v27 =	vunpack.i.u.bf16.f32 v6;
	v6 =	vunpack.i.l.bf16.f32 v6;
	v28 =	vunpack.i.u.bf16.f32 v7;
	v26 =	vld [tilespmem:s15+$0x150]  }
0x210: {  	v6 =	vadd.f32 v6, v13;
	v13 =	vadd.f32 v27, v15;
	v7 =	vunpack.i.l.bf16.f32 v7;
	v29 =	vld [tilespmem:s15+$0x180]  }
0x211: {  	v7 =	vadd.f32 v7, v14;
	v12 =	vadd.f32 v28, v12;
	v14 =	vunpack.i.u.bf16.f32 v16;
	v27 =	vld [tilespmem:s15+$0x1A0]  }
0x212: {  	v15 =	vunpack.i.l.bf16.f32 v16;
	v6 =	vadd.f32 v17, v6;
	v13 =	vadd.f32 v25, v13;
	v28 =	vld [tilespmem:s15+$0x190]  }
0x213: {  	v7 =	vadd.f32 v15, v7;
	v12 =	vadd.f32 v14, v12;
	v14 =	vunpack.i.u.bf16.f32 v22;
	v16 =	vld [tilespmem:s15+$0x1B0]  }
0x214: {  	v6 =	vadd.f32 v20, v6;
	v15 =	vadd.f32 v21, v13;
	v13 =	vunpack.i.l.bf16.f32 v22;
	v17 =	vld [tilespmem:s15+$0x100]  }
0x215: {  	v21 =	vunpack.i.u.bf16.f32 v18;
	v7 =	vadd.f32 v13, v7;
	v12 =	vadd.f32 v14, v12;
	v20 =	vld [tilespmem:s15+$0x120]  }
0x216: {  	v13 =	vadd.f32 v10, v6;
	v15 =	vadd.f32 v23, v15;
	v6 =	vunpack.i.l.bf16.f32 v18;
	v22 =	vld [tilespmem:s15+$0x110]  }
0x217: {  	v14 =	vadd.f32 v6, v7;
	v12 =	vadd.f32 v21, v12;
	v10 =	vld [tilespmem:s15+$0x130]  }
0x218: {  	v6 =	vld [tilespmem:s15+$0x80]  }
0x219: {  	v7 =	vld [tilespmem:s15+$0xA0]  }
0x21a: {  	v21 =	vld [tilespmem:s15+$0x90]  }
0x21b: {  	v23 =	vld [tilespmem:s15+$0xB0]  }
0x21c: {  	v25 =	vld [tilespmem:s15+$0x0]  }
0x21d: {  	v30 =	vld [tilespmem:s15+$0x20]  }
0x21e: {  	v31 =	vld [tilespmem:s15+$0x10]  }
0x21f: {  	v32 =	vld [tilespmem:s15+$0x30]  }
0x220: {  	v33 =	vld [tilespmem:s15+$0xC0]  }
0x221: {  	s14 =	sadd.s32 $0x4, s14;
	v27 =	vadd.bf16 v27, v29;
	v28 =	vadd.bf16 v16, v28;
	v34 =	vld [tilespmem:s15+$0xD0]  }
0x222: {  	p1 =	slt.u32 s14, $0x1C;
	v29 =	vadd.bf16 v20, v17;
	v10 =	vadd.bf16 v10, v22;
	v18 =	vld [tilespmem:s15+$0x40]  }
.Ltmp6:
0x223: {  	v6 =	vadd.bf16 v7, v6;
	v7 =	vadd.bf16 v23, v21;
	v20 =	vld [tilespmem:s15+$0x50];
	(pc) =	sbr.rel @p1 .LBB2_15-.Ltmp6, $4  }
0x224: {  	v22 =	vadd.bf16 v30, v25;
	v23 =	vadd.bf16 v32, v31;
	v17 =	vld [tilespmem:s15+$0xE0]  }
0x225: {  	v24 =	vadd.bf16 v24, v27;
	v25 =	vadd.bf16 v19, v28;
	v16 =	vld [tilespmem:s15+$0xF0]  }
0x226: {  	v26 =	vadd.bf16 v26, v10;
	v28 =	vadd.bf16 v4, v29;
	v19 =	vld [tilespmem:s15+$0x60]  }
0x227: {  	v29 =	vadd.bf16 v33, v6;
	v27 =	vadd.bf16 v34, v7;
	v21 =	vld [tilespmem:s15+$0x70];
	s15 =	sadd.s32 $0x200, s15  }
0x228: {  	s14 =	sadd.s32 @!p0 $0x500, s13;
	s15 =	simm.s32 @!p0 $0x80;
	s16 =	simm.s32 @!p0 $0xA000  }
0x229: {  	[tilespmem:s16], [sflag:$0x7] =	stream.indirect.gather @!p0 [hbm4b:s4+s15], $0x20, s14, s15, $0xb8;
	[tilespmem:$0xC840] =	vst v63  }
0x22a: {  	_ =	swait.ge [sflag:s0], $0x1000  }
0x22b: {  	[sflag:s0] =	ssyncset.done $0x0  }
0x22c: {  	s17 =	simm.s32 $0xB000;
	[sflag:s0] =	ssyncadd.s32 $0xFFFFF000  }
0x22d: {  	v10 =	vld [tilespmem:s17+$0x1E0]  }
0x22e: {  	v4 =	vld [tilespmem:s17+$0x1F0]  }
0x22f: {  	v6 =	vld [tilespmem:s17+$0x160]  }
0x230: {  	v7 =	vld [tilespmem:s17+$0x170]  }
0x231: {  	v30 =	vld [tilespmem:s17+$0x1C0]  }
0x232: {  	v31 =	vld [tilespmem:s17+$0x1D0]  }
0x233: {  	v32 =	vld [tilespmem:s17+$0x140]  }
0x234: {  	v33 =	vld [tilespmem:s17+$0x150]  }
0x235: {  	v34 =	vld [tilespmem:s17+$0x180]  }
0x236: {  	v18 =	vadd.bf16 v18, v22;
	v22 =	vld [tilespmem:s17+$0x1A0]  }
0x237: {  	v20 =	vadd.bf16 v20, v23;
	v23 =	vld [tilespmem:s17+$0x190]  }
0x238: {  	v11 =	vadd.bf16 v11, v24;
	v8 =	vadd.bf16 v8, v25;
	v24 =	vld [tilespmem:s17+$0x1B0]  }
0x239: {  	v5 =	vadd.bf16 v5, v28;
	v18 =	vadd.bf16 v19, v18;
	v19 =	vld [tilespmem:s17+$0x100]  }
0x23a: {  	v9 =	vadd.bf16 v9, v26;
	v20 =	vadd.bf16 v21, v20;
	v21 =	vld [tilespmem:s17+$0x120]  }
0x23b: {  	v17 =	vadd.bf16 v17, v29;
	v16 =	vadd.bf16 v16, v27;
	v25 =	vunpack.i.u.bf16.f32 v5;
	v27 =	vld [tilespmem:s17+$0x110]  }
0x23c: {  	v5 =	vunpack.i.l.bf16.f32 v5;
	v26 =	vunpack.i.u.bf16.f32 v18;
	v18 =	vunpack.i.l.bf16.f32 v18;
	v61 =	vld [tilespmem:s17+$0x20]  }
0x23d: {  	v58 =	vunpack.i.l.bf16.f32 v17;
	v17 =	vunpack.i.u.bf16.f32 v17;
	v62 =	vld [tilespmem:s17+$0x10];
	v13 =	vadd.f32 v18, v13  }
0x23e: {  	v35 =	vld [tilespmem:s17+$0xC0];
	v15 =	vadd.f32 v26, v15;
	v18 =	vunpack.i.l.bf16.f32 v20;
	v20 =	vunpack.i.u.bf16.f32 v20  }
0x23f: {  	v59 =	vunpack.i.u.bf16.f32 v16;
	v36 =	vld [tilespmem:s17+$0xD0];
	v14 =	vadd.f32 v18, v14;
	v12 =	vadd.f32 v20, v12  }
0x240: {  	v16 =	vunpack.i.l.bf16.f32 v16;
	v26 =	vld [tilespmem:s17+$0x130];
	v13 =	vadd.f32 v58, v13;
	v15 =	vadd.f32 v17, v15  }
0x241: {  	v60 =	vunpack.i.l.bf16.f32 v11;
	v18 =	vld [tilespmem:s17+$0x80];
	v14 =	vadd.f32 v16, v14;
	v12 =	vadd.f32 v59, v12  }
0x242: {  	v11 =	vunpack.i.u.bf16.f32 v11;
	v20 =	vld [tilespmem:s17+$0xA0];
	v5 =	vadd.f32 v5, v13;
	v13 =	vadd.f32 v25, v15  }
0x243: {  	v17 =	vld [tilespmem:s17+$0x90];
	v15 =	vunpack.i.l.bf16.f32 v9;
	v22 =	vadd.bf16 v22, v34;
	v23 =	vadd.bf16 v24, v23  }
0x244: {  	v16 =	vld [tilespmem:s17+$0xB0];
	v9 =	vunpack.i.u.bf16.f32 v9;
	v24 =	vadd.bf16 v21, v19;
	v14 =	vadd.f32 v15, v14  }
0x245: {  	v25 =	vld [tilespmem:s17+$0x0];
	v12 =	vadd.f32 v9, v12;
	v15 =	vunpack.i.u.bf16.f32 v8;
	v26 =	vadd.bf16 v26, v27  }
0x246: {  	v8 =	vunpack.i.l.bf16.f32 v8;
	v5 =	vadd.f32 v60, v5;
	v9 =	vadd.f32 v11, v13;
	v13 =	vld [tilespmem:s17+$0x30]  }
0x247: {  	v11 =	vadd.f32 v8, v14;
	v8 =	vadd.f32 v15, v12;
	v12 =	vld [tilespmem:s17+$0x40]  }
0x248: {  	v27 =	vadd.bf16 v20, v18;
	v20 =	vadd.bf16 v30, v22;
	v15 =	vld [tilespmem:s17+$0x50]  }
0x249: {  	v21 =	vadd.bf16 v31, v23;
	v23 =	vadd.bf16 v32, v24;
	v14 =	vld [tilespmem:s17+$0xF0]  }
0x24a: {  	v22 =	vadd.bf16 v33, v26;
	v63 =	vadd.bf16 v16, v17;
	v16 =	vld [tilespmem:s17+$0x60]  }
0x24b: {  	v18 =	vadd.bf16 v61, v25;
	v19 =	vadd.bf16 v13, v62;
	v13 =	vld [tilespmem:s17+$0xE0]  }
0x24c: {  	s14 =	simm.s32 $0x0;
	s15 =	simm.s32 $0xB200;
	v17 =	vld [tilespmem:s17+$0x70];
	v24 =	vadd.bf16 v35, v27;
	v25 =	vadd.bf16 v36, v63  }
.LBB2_17:
0x24d: {  	v26 =	vld [tilespmem:s15+$0x1E0];
	v12 =	vadd.bf16 v12, v18;
	v15 =	vadd.bf16 v15, v19  }
0x24e: {  	v10 =	vadd.bf16 v10, v20;
	v18 =	vadd.bf16 v4, v21;
	v4 =	vld [tilespmem:s15+$0x1F0]  }
0x24f: {  	v19 =	vadd.bf16 v6, v23;
	v20 =	vadd.bf16 v7, v22;
	v6 =	vld [tilespmem:s15+$0x160]  }
0x250: {  	v13 =	vadd.bf16 v13, v24;
	v14 =	vadd.bf16 v14, v25;
	v7 =	vld [tilespmem:s15+$0x170]  }
0x251: {  	v12 =	vadd.bf16 v16, v12;
	v21 =	vld [tilespmem:s15+$0x1C0];
	v15 =	vadd.bf16 v17, v15  }
0x252: {  	v22 =	vunpack.i.u.bf16.f32 v10;
	v23 =	vunpack.i.l.bf16.f32 v10;
	v17 =	vunpack.i.u.bf16.f32 v19;
	v16 =	vld [tilespmem:s15+$0x1D0];
	v10 =	vmovc v26  }
0x253: {  	v25 =	vunpack.i.u.bf16.f32 v13;
	v13 =	vunpack.i.l.bf16.f32 v13;
	v19 =	vunpack.i.l.bf16.f32 v19;
	v24 =	vld [tilespmem:s15+$0x140]  }
0x254: {  	v27 =	vunpack.i.u.bf16.f32 v12;
	v12 =	vunpack.i.l.bf16.f32 v12;
	v28 =	vunpack.i.u.bf16.f32 v15;
	v26 =	vld [tilespmem:s15+$0x150]  }
0x255: {  	v5 =	vadd.f32 v12, v5;
	v9 =	vadd.f32 v27, v9;
	v12 =	vunpack.i.l.bf16.f32 v15;
	v29 =	vld [tilespmem:s15+$0x180]  }
0x256: {  	v11 =	vadd.f32 v12, v11;
	v8 =	vadd.f32 v28, v8;
	v12 =	vunpack.i.u.bf16.f32 v14;
	v15 =	vld [tilespmem:s15+$0x1A0]  }
0x257: {  	v5 =	vadd.f32 v13, v5;
	v9 =	vadd.f32 v25, v9;
	v13 =	vunpack.i.l.bf16.f32 v14;
	v27 =	vld [tilespmem:s15+$0x190]  }
0x258: {  	v11 =	vadd.f32 v13, v11;
	v8 =	vadd.f32 v12, v8;
	v12 =	vunpack.i.u.bf16.f32 v20;
	v14 =	vld [tilespmem:s15+$0x1B0]  }
0x259: {  	v5 =	vadd.f32 v19, v5;
	v9 =	vadd.f32 v17, v9;
	v17 =	vunpack.i.l.bf16.f32 v20;
	v13 =	vld [tilespmem:s15+$0x100]  }
0x25a: {  	v11 =	vadd.f32 v17, v11;
	v8 =	vadd.f32 v12, v8;
	v12 =	vunpack.i.u.bf16.f32 v18;
	v19 =	vld [tilespmem:s15+$0x120]  }
0x25b: {  	v18 =	vunpack.i.l.bf16.f32 v18;
	v5 =	vadd.f32 v23, v5;
	v9 =	vadd.f32 v22, v9;
	v17 =	vld [tilespmem:s15+$0x110]  }
0x25c: {  	v11 =	vadd.f32 v18, v11;
	v8 =	vadd.f32 v12, v8;
	v20 =	vld [tilespmem:s15+$0x130]  }
0x25d: {  	v18 =	vld [tilespmem:s15+$0x80]  }
0x25e: {  	v22 =	vld [tilespmem:s15+$0xA0]  }
0x25f: {  	v23 =	vld [tilespmem:s15+$0x90]  }
0x260: {  	v25 =	vld [tilespmem:s15+$0xB0]  }
0x261: {  	v28 =	vld [tilespmem:s15+$0x0]  }
0x262: {  	v30 =	vld [tilespmem:s15+$0x20]  }
0x263: {  	v31 =	vld [tilespmem:s15+$0x10]  }
0x264: {  	v32 =	vld [tilespmem:s15+$0x30]  }
0x265: {  	v33 =	vld [tilespmem:s15+$0xC0]  }
0x266: {  	s14 =	sadd.s32 $0x4, s14;
	v29 =	vadd.bf16 v15, v29;
	v27 =	vadd.bf16 v14, v27;
	v34 =	vld [tilespmem:s15+$0xD0]  }
0x267: {  	p1 =	slt.u32 s14, $0x1C;
	v35 =	vadd.bf16 v19, v13;
	v17 =	vadd.bf16 v20, v17;
	v12 =	vld [tilespmem:s15+$0x40]  }
.Ltmp7:
0x268: {  	v36 =	vadd.bf16 v22, v18;
	v25 =	vadd.bf16 v25, v23;
	v15 =	vld [tilespmem:s15+$0x50];
	(pc) =	sbr.rel @p1 .LBB2_17-.Ltmp7, $4  }
0x269: {  	v18 =	vadd.bf16 v30, v28;
	v19 =	vadd.bf16 v32, v31;
	v13 =	vld [tilespmem:s15+$0xE0]  }
0x26a: {  	v20 =	vadd.bf16 v21, v29;
	v21 =	vadd.bf16 v16, v27;
	v14 =	vld [tilespmem:s15+$0xF0]  }
0x26b: {  	v22 =	vadd.bf16 v26, v17;
	v23 =	vadd.bf16 v24, v35;
	v16 =	vld [tilespmem:s15+$0x60]  }
0x26c: {  	v24 =	vadd.bf16 v33, v36;
	v25 =	vadd.bf16 v34, v25;
	v17 =	vld [tilespmem:s15+$0x70];
	s15 =	sadd.s32 $0x200, s15  }
0x26d: {  	v12 =	vadd.bf16 v12, v18  }
0x26e: {  	v15 =	vadd.bf16 v15, v19;
	v10 =	vadd.bf16 v10, v20  }
0x26f: {  	v4 =	vadd.bf16 v4, v21;
	v6 =	vadd.bf16 v6, v23  }
0x270: {  	v7 =	vadd.bf16 v7, v22;
	v13 =	vadd.bf16 v13, v24  }
0x271: {  	v14 =	vadd.bf16 v14, v25;
	v50 =	vunpack.i.u.bf16.f32 v6;
	v12 =	vadd.bf16 v16, v12  }
0x272: {  	v51 =	vunpack.i.u.bf16.f32 v10;
	v10 =	vunpack.i.l.bf16.f32 v10;
	v6 =	vunpack.i.l.bf16.f32 v6  }
0x273: {  	v52 =	vunpack.i.u.bf16.f32 v13;
	v15 =	vadd.bf16 v17, v15;
	v53 =	vunpack.i.l.bf16.f32 v12  }
0x274: {  	v13 =	vunpack.i.l.bf16.f32 v13;
	v12 =	vunpack.i.u.bf16.f32 v12;
	v5 =	vadd.f32 v53, v5  }
0x275: {  	v9 =	vadd.f32 v12, v9;
	v54 =	vunpack.i.l.bf16.f32 v15;
	v15 =	vunpack.i.u.bf16.f32 v15  }
0x276: {  	v59 =	vunpack.i.l.bf16.f32 v7;
	v8 =	vadd.f32 v15, v8;
	v5 =	vadd.f32 v13, v5  }
0x277: {  	v56 =	vunpack.i.u.bf16.f32 v14;
	v11 =	vadd.f32 v54, v11;
	v9 =	vadd.f32 v52, v9  }
0x278: {  	v55 =	vunpack.i.l.bf16.f32 v14;
	v57 =	vadd.f32 v56, v8;
	v5 =	vadd.f32 v6, v5  }
0x279: {  	v7 =	vunpack.i.u.bf16.f32 v7;
	v11 =	vadd.f32 v55, v11;
	v58 =	vadd.f32 v50, v9  }
0x27a: {  	v61 =	vunpack.i.l.bf16.f32 v4;
	v6 =	vadd.f32 v7, v57;
	v5 =	vadd.f32 v10, v5  }
0x27b: {  	v4 =	vunpack.i.u.bf16.f32 v4;
	v9 =	vadd.f32 v59, v11;
	v60 =	vadd.f32 v51, v58  }
0x27c: {  	v4 =	vadd.f32 v4, v6;
	v5 =	vmul.f32 $1.953125000e-03, v5  }
0x27d: {  	s13 =	sadd.s32 @!p0 $0x580, s13;
	s14 =	simm.s32 @!p0 $0x80;
	s15 =	simm.s32 @!p0 $0xB000;
	v8 =	vadd.f32 v61, v9;
	v62 =	vmul.f32 $1.953125000e-03, v60  }
0x27e: {  	[tilespmem:s15], [sflag:$0x8] =	stream.indirect.gather @!p0 [hbm4b:s4+s14], $0x20, s13, s14, $0xb8;
	v4 =	vmul.f32 $1.953125000e-03, v4;
	v5 =	vadd.f32 v5, v0;
	[tilespmem:$0xC840] =	vst v63  }
0x27f: {  	s11 =	sshll.u32 s11, $0x6;
	p0 =	sne.s32 s12, $0x10;
	v63 =	vmul.f32 $1.953125000e-03, v8;
	v6 =	vadd.f32 v62, v1  }
.Ltmp8:
0x280: {  	s11 =	sand.u32 $0x3FFFFFC0, s11;
	v4 =	vadd.f32 v4, v3;
	v5 =	vmax.f32 v5, $0.0e+00;
	(pc) =	sbr.rel @p0 .LBB2_2-.Ltmp8, $4  }
0x281: {  	v7 =	vadd.f32 v63, v2;
	[tilespmem:s11+$0xC000] =	vst v5;
	v5 =	vmax.f32 v6, $0.0e+00  }
0x282: {  	v4 =	vmax.f32 v4, $0.0e+00;
	[tilespmem:s11+$0xC020] =	vst v5  }
0x283: {  	v5 =	vmax.f32 v7, $0.0e+00;
	[tilespmem:s11+$0xC030] =	vst v4  }
0x284: {  	[tilespmem:s11+$0xC010] =	vst v5;
	s11 =	smov.u32 s12  }
0x285: {  	s8 =	sadd.s32 $0x1, s8  }
0x286: {  	p0 =	sne.s32 s8, s7  }
.Ltmp9:
0x287: {  	_ = 	snop;
	(pc) =	sbr.rel @p0 .LBB2_1-.Ltmp9, $4  }
0x288: {  	[hbm4b:s6+s3] =	stream.linear.scatter [tilespmem:s2], [sflag:$0x9], $0x800, $0x38;
	[tilespmem:$0xC840] =	vst v63  }
0x289: {  	_ =	swait.ge [sflag:s9], $0x800  }
0x28a: {  	[sflag:s9] =	ssyncset.done $0x0  }
0x28b: {  	[sflag:s9] =	ssyncadd.s32 $0xFFFFF800  }
0x28c: {  	_ =	sfence.sel $0x180000  }
0x28d: {  	[bflag:$0x0] =	sbarrier.arrive $0xFFFF  }
0x28e: {  	_ =	strace $0x90000047  }
0x28f: {  	s0 =	stileid.u32;
	[bflag:$0x2] =	sbarrier.arrive $0xFFFF  }
0x290: {  	p0 =	sne.s32 s0, $0x0;
	s0 =	rddreg [dreg:$0x3]  }
0x291: {  	s0 =	sadd.s32 @!p0 $0x100000, s0  }
0x292: {  	[sflag:s0] =	ssyncadd.tile.s32 @!p0 $0x1;
	_ =	shalt  }
.Lfunc_end2:
_tile_overlayer_lowered:
.L_overlay_start_2:
0x293: {  	(tag) =	ssettag $0x2  }
0x294: {  	s0 =	rddreg [dreg:$0x0];
	s2 =	stileid.u32  }
0x295: {  	s1 =	rddreg [dreg:$0x1];
	p0 =	sne.s32 s2, $0x0  }
0x296: {  	s3 =	rddreg [dreg:$0x2];
	[bflag:$0x3] =	sbarrier.arrive $0xFFFF;
	s2 =	simm.s32 @!p0 $0x1C09  }
0x297: {  	[timem:s3], [sflag:s2] =	dma.local @!p0 [hbm:s0], s1  }
0x298: {  	s0 =	simm.s32 @!p0 $0x9  }
0x299: {  	_ =	swait.ge @!p0 [sflag:s0], s1  }
0x29a: {  	s1 =	ssub.s32 @!p0 $0x0, s1;
	[sflag:s0] =	ssyncset.done @!p0 $0x0  }
0x29b: {  	[sflag:s0] =	ssyncadd.s32 @!p0 s1  }
0x29c: {  	[bflag:$0x3] =	sbarrier.arrive $0xFFFF  }
0x29d: {  	_ =	shalt  }

</sc_bundles>
